<compile_context>
chip_gen: v7x
topology: tpu7x:2x2x1
jax: 0.10.2.dev20260603
libtpu: 0.0.44.dev20260713+nightly
codegen_flags: <defaults>
</compile_context>

<pallas_src>
import functools

import jax
import jax.numpy as jnp
from jax import lax
from jax.experimental import pallas as pl
from jax.experimental.pallas import tpu as pltpu
from jax.experimental.pallas import tpu_sc as plsc

_PC_RANGE = [-51.2, -51.2, -5.0, 51.2, 51.2, 3.0]
_IM_H, _IM_W = 512, 1408
_EPS = 1e-05

_NQ = 40000
_NW = 32
_CH = 1280
_NQP = _NW * _CH
_NVEC = _CH // 16
_NP = 4
_NC = 6
_NROW = _NP * _NC


def _tec_body(xyz_hbm, mats_hbm, u_hbm, v_hbm, mask_hbm, cnt_hbm,
              xyz_v, mats_v, u_v, v_v, mask_v, cnt_v, in_sem):
    wid = lax.axis_index("s") * 2 + lax.axis_index("c")
    base = pl.multiple_of(wid * _CH, 128)

    handles = [pltpu.async_copy(
        xyz_hbm.at[pl.ds(r * _NQP + base, _CH)], xyz_v.at[r], in_sem)
        for r in range(12)]
    handles.append(pltpu.async_copy(mats_hbm, mats_v, in_sem))
    for h in handles:
        h.wait()

    def bf16_rne(x):
        bits = plsc.bitcast(x, jnp.int32)
        rnd = bits + jnp.int32(0x7FFF) + (jnp.right_shift(bits, 16) & 1)
        rnd = rnd & jnp.int32(-65536)
        return plsc.bitcast(rnd, jnp.float32)

    def fast_rcp(d):
        bits = plsc.bitcast(d, jnp.int32)
        r = plsc.bitcast(jnp.int32(0x7EF311C3) - bits, jnp.float32)
        r = r * (2.0 - d * r)
        r = r * (2.0 - d * r)
        return r

    _SCALES = (_PC_RANGE[3] - _PC_RANGE[0],
               _PC_RANGE[4] - _PC_RANGE[1],
               _PC_RANGE[5] - _PC_RANGE[2])
    _SHIFTS = (_PC_RANGE[0], _PC_RANGE[1], _PC_RANGE[2])

    @plsc.parallel_loop(0, _CH, step=16)
    def pre(q0):
        for comp in range(3):
            for dd in range(_NP):
                r = comp * _NP + dd
                w = xyz_v[r, pl.ds(q0, 16)] * _SCALES[comp] + _SHIFTS[comp]
                xyz_v[r, pl.ds(q0, 16)] = bf16_rne(w)

    inv_w = float(1.0 / _IM_W)
    inv_h = float(1.0 / _IM_H)

    for g in range(2):
        cams = (3 * g, 3 * g + 1, 3 * g + 2)
        coef = [[mats_v[pl.ds(((c * 3) * 4 + k) * 16, 16)] for k in range(12)]
                for c in cams]

        @plsc.parallel_loop(0, _CH, step=16, unroll=2)
        def body(q0, g=g, cams=cams, coef=coef):
            s = jnp.zeros((16,), jnp.float32)
            for d in range(_NP):
                wx = xyz_v[0 * _NP + d, pl.ds(q0, 16)]
                wy = xyz_v[1 * _NP + d, pl.ds(q0, 16)]
                wz = xyz_v[2 * _NP + d, pl.ds(q0, 16)]
                for cc in range(len(cams)):
                    A = coef[cc]
                    px = (((A[0] * wx) + (A[1] * wy)) + (A[2] * wz)) + A[3]
                    py = (((A[4] * wx) + (A[5] * wy)) + (A[6] * wz)) + A[7]
                    pz = (((A[8] * wx) + (A[9] * wy)) + (A[10] * wz)) + A[11]
                    denom = jnp.maximum(pz, _EPS)
                    rec = fast_rcp(denom)
                    u = (px * rec) * inv_w
                    v = (py * rec) * inv_h
                    m = ((pz > _EPS)
                         & (v > 0.0) & (v < 1.0)
                         & (u < 1.0) & (u > 0.0))
                    mf = jnp.where(m, 1.0, 0.0).astype(jnp.float32)
                    s = s + mf
                    row = d * _NC + cams[cc]
                    u_v[row, pl.ds(q0, 16)] = jnp.clip(u, -2.1, 2.1)
                    v_v[row, pl.ds(q0, 16)] = jnp.clip(v, -2.1, 2.1)
                    mask_v[row, pl.ds(q0, 16)] = mf
            if g == 0:
                cnt_v[pl.ds(q0, 16)] = s
            else:
                cnt_v[pl.ds(q0, 16)] = cnt_v[pl.ds(q0, 16)] + s

    pltpu.sync_copy(u_v, u_hbm.at[:, pl.ds(base, _CH)])
    pltpu.sync_copy(v_v, v_hbm.at[:, pl.ds(base, _CH)])
    pltpu.sync_copy(mask_v, mask_hbm.at[:, pl.ds(base, _CH)])
    pltpu.sync_copy(cnt_v, cnt_hbm.at[pl.ds(base, _CH)])


@functools.cache
def _get_sc_call():
    return pl.kernel(
        _tec_body,
        out_type=(
            jax.ShapeDtypeStruct((_NROW, _NQP), jnp.float32),
            jax.ShapeDtypeStruct((_NROW, _NQP), jnp.float32),
            jax.ShapeDtypeStruct((_NROW, _NQP), jnp.float32),
            jax.ShapeDtypeStruct((_NQP,), jnp.float32),
        ),
        mesh=plsc.VectorSubcoreMesh(core_axis_name="c", subcore_axis_name="s",
                                    num_cores=2, num_subcores=16),
        compiler_params=pltpu.CompilerParams(needs_layout_passes=False),
        scratch_types=[
            pltpu.VMEM((12, _CH), jnp.float32),
            pltpu.VMEM((72 * 16,), jnp.float32),
            pltpu.VMEM((_NROW, _CH), jnp.float32),
            pltpu.VMEM((_NROW, _CH), jnp.float32),
            pltpu.VMEM((_NROW, _CH), jnp.float32),
            pltpu.VMEM((_CH,), jnp.float32),
            pltpu.SemaphoreType.DMA,
        ],
    )


@jax.jit
def kernel(reference_points, ego2img):
    rp = reference_points.astype(jnp.float32)[0]
    xyz = jnp.transpose(rp, (2, 0, 1)).reshape(12, _NQ)
    xyz = jnp.pad(xyz, ((0, 0), (0, _NQP - _NQ))).reshape(-1)

    m = ego2img.astype(jnp.float32)[0, :, :3, :]
    bits = m.view(jnp.int32)
    bits = (bits + jnp.int32(0x7FFF) + (jnp.right_shift(bits, 16) & 1))
    bits = bits & jnp.int32(-65536)
    mq = bits.view(jnp.float32)
    mats = jnp.broadcast_to(mq.reshape(72, 1), (72, 16)).reshape(-1)

    u_p, v_p, mask_f, cnt = _get_sc_call()(xyz, mats)

    u4 = u_p[:, :_NQ].reshape(_NP, 1, _NC, _NQ, 1)
    v4 = v_p[:, :_NQ].reshape(_NP, 1, _NC, _NQ, 1)
    parity = lax.broadcasted_iota(jnp.int32, (_NP, 1, _NC, _NQ, 2), 4)
    rpc = jnp.where(parity == 0, u4, v4)
    bev_mask = mask_f[:, :_NQ].reshape(_NP, 1, _NC, _NQ, 1).astype(bool)
    counts = cnt[:_NQ].reshape(1, _NQ)
    return rpc, bev_mask, counts

# --- scband reference (transcript-rebuilt; emitter-appended) ---
"""Pipeline reference for scband-bev-former-view-transformer-83021717831989 (READ-ONLY COPY).

The authoritative reference and input builder live on the scoring server;
editing this copy changes nothing except your own understanding.
"""

import jax, jax.numpy as jnp
import numpy as np

PC_RANGE = [-51.2, -51.2, -5.0, 51.2, 51.2, 3.0]
IM_H, IM_W = 512, 1408


def setup_inputs(seed: int = 0) -> dict:
    key = jax.random.key(seed)
    k1, k2 = jax.random.split(key)
    # normalized 3d reference points as produced by gen_reference_points(dim='3d')
    # shape (bs, num_points_in_pillar, num_query=bev_h*bev_w, 3), values in [0,1)
    reference_points = jax.random.uniform(k1, (1, 4, 40000, 3), dtype=jnp.float32)
    # ego->image projection matrices, (bs, num_cam, 4, 4)
    ego2img = jax.random.normal(k2, (1, 6, 4, 4), dtype=jnp.float32)
    return {"reference_points": reference_points, "ego2img": ego2img}


def reference(reference_points, ego2img):
    # Faithful translation of BevFormerViewTransformer.point_sampling
    eps = 1e-05
    rp = reference_points.astype(jnp.float32)
    x = rp[..., 0:1] * (PC_RANGE[3] - PC_RANGE[0]) + PC_RANGE[0]
    y = rp[..., 1:2] * (PC_RANGE[4] - PC_RANGE[1]) + PC_RANGE[1]
    z = rp[..., 2:3] * (PC_RANGE[5] - PC_RANGE[2]) + PC_RANGE[2]
    rp = jnp.concatenate([x, y, z, jnp.ones_like(x)], axis=-1)  # (B, D, nq, 4)
    rp = jnp.transpose(rp, (1, 0, 2, 3))  # (D, B, nq, 4)
    D, B, nq = rp.shape[0], rp.shape[1], rp.shape[2]
    num_cam = ego2img.shape[1]
    rp6 = rp[:, :, None, :, :, None]  # (D, B, 1, nq, 4, 1)
    e2i = ego2img.astype(jnp.float32)[None, :, :, None, :, :]  # (1, B, cam, 1, 4, 4)
    reference_points_cam = jnp.matmul(e2i, rp6)[..., 0]  # (D, B, cam, nq, 4)
    bev_mask = reference_points_cam[..., 2:3] > eps
    denom = jnp.maximum(reference_points_cam[..., 2:3],
                        jnp.ones_like(reference_points_cam[..., 2:3]) * eps)
    rpc = reference_points_cam[..., 0:2] / denom
    rpc = rpc / jnp.array([IM_W, IM_H], dtype=rpc.dtype)
    bev_mask = (bev_mask
                & (rpc[..., 1:2] > 0.0)
                & (rpc[..., 1:2] < 1.0)
                & (rpc[..., 0:1] < 1.0)
                & (rpc[..., 0:1] > 0.0))
    rpc = jnp.clip(rpc, -2.1, 2.1)
    # bev_pillar_counts: histogram of valid camera hits per bev pillar
    bev_pillar_counts = jnp.sum(bev_mask[..., 0].astype(jnp.float32), axis=(0, 2))  # (B, nq)
    return rpc, bev_mask, bev_pillar_counts

if __name__ == "__main__":
    import jax
    _d = setup_inputs()
    print(jax.jit(kernel)(*tuple(_d.values())))

</pallas_src>

<mosaic_0001>
#map = affine_map<(d0, d1) -> (0)>
#map1 = affine_map<(d0, d1) -> (0, 0)>
module attributes {stable_mosaic.version = 14 : i64} {
  func.func @_tec_body(%arg0: i32, %arg1: i32, %arg2: memref<491520xf32, #tpu.memory_space<hbm>>, %arg3: memref<1152xf32, #tpu.memory_space<hbm>>, %arg4: memref<24x40960xf32, #tpu.memory_space<hbm>>, %arg5: memref<24x40960xf32, #tpu.memory_space<hbm>>, %arg6: memref<24x40960xf32, #tpu.memory_space<hbm>>, %arg7: memref<40960xf32, #tpu.memory_space<hbm>>, %arg8: memref<12x1280xf32, #tpu.memory_space<vmem>>, %arg9: memref<1152xf32, #tpu.memory_space<vmem>>, %arg10: memref<24x1280xf32, #tpu.memory_space<vmem>>, %arg11: memref<24x1280xf32, #tpu.memory_space<vmem>>, %arg12: memref<24x1280xf32, #tpu.memory_space<vmem>>, %arg13: memref<1280xf32, #tpu.memory_space<vmem>>, %arg14: memref<!tpu.dma_semaphore, #tpu.memory_space<semaphore_mem>>) attributes {dimension_semantics = [#tpu.dimension_semantics<core_parallel>, #tpu.dimension_semantics<subcore_parallel>], iteration_bounds = array<i64: 2, 16>, scalar_prefetch = 0 : i64, scratch_operands = 7 : i64, tpu.core_type = #tpu.core_type<sc_vector_subcore>, window_params = [{transform_indices = #map}, {transform_indices = #map}, {transform_indices = #map1}, {transform_indices = #map1}, {transform_indices = #map1}, {transform_indices = #map}]} {
    %mul3A = arith.constant 2 : i32
    %mul3A_0 = arith.muli %arg1, %mul3A : i32
    %add3A = arith.addi %mul3A_0, %arg0 : i32
    %mul3A_1 = arith.constant 1280 : i32
    %mul3A_2 = arith.muli %add3A, %mul3A_1 : i32
    %multiple_of3A = tpu.assume_multiple %mul3A_2, 128 : i32
    %add3A_3 = arith.constant 0 : i32
    %add3A_4 = arith.addi %add3A_3, %multiple_of3A : i32
    %dma_start3A = arith.constant 0 : i32
    %dma_start3A_5 = arith.constant 0 : i32
    %dma_start3A_6 = tpu.memref_slice %arg8[%dma_start3A, %dma_start3A_5] : memref<12x1280xf32, #tpu.memory_space<vmem>> -> memref<1x1280xf32, #tpu.memory_space<vmem>>
    %dma_start3A_7 = tpu.memref_squeeze %dma_start3A_6 : memref<1x1280xf32, #tpu.memory_space<vmem>> -> memref<1280xf32, #tpu.memory_space<vmem>>
    %dma_start3A_8 = tpu.memref_slice %arg2[%add3A_4] : memref<491520xf32, #tpu.memory_space<hbm>> -> memref<1280xf32, #tpu.memory_space<hbm>>
    %dma_start3A_9 = arith.constant 0 : i32
    %dma_start3A_10 = tpu.memref_slice %arg8[%dma_start3A, %dma_start3A_9] : memref<12x1280xf32, #tpu.memory_space<vmem>> -> memref<1x1280xf32, #tpu.memory_space<vmem>>
    %dma_start3A_11 = tpu.memref_squeeze %dma_start3A_10 : memref<1x1280xf32, #tpu.memory_space<vmem>> -> memref<1280xf32, #tpu.memory_space<vmem>>
    %dma_start3A_12 = tpu.memref_slice %arg2[%add3A_4] : memref<491520xf32, #tpu.memory_space<hbm>> -> memref<1280xf32, #tpu.memory_space<hbm>>
    tpu.enqueue_dma source(%dma_start3A_12 : memref<1280xf32, #tpu.memory_space<hbm>>) target(%dma_start3A_11 : memref<1280xf32, #tpu.memory_space<vmem>>) target_semaphore(%arg14 : memref<!tpu.dma_semaphore, #tpu.memory_space<semaphore_mem>>)
    %add3A_13 = arith.constant 40960 : i32
    %add3A_14 = arith.addi %add3A_13, %multiple_of3A : i32
    %dma_start3A_15 = arith.constant 1 : i32
    %dma_start3A_16 = arith.constant 0 : i32
    %dma_start3A_17 = tpu.memref_slice %arg8[%dma_start3A_15, %dma_start3A_16] : memref<12x1280xf32, #tpu.memory_space<vmem>> -> memref<1x1280xf32, #tpu.memory_space<vmem>>
    %dma_start3A_18 = tpu.memref_squeeze %dma_start3A_17 : memref<1x1280xf32, #tpu.memory_space<vmem>> -> memref<1280xf32, #tpu.memory_space<vmem>>
    %dma_start3A_19 = tpu.memref_slice %arg2[%add3A_14] : memref<491520xf32, #tpu.memory_space<hbm>> -> memref<1280xf32, #tpu.memory_space<hbm>>
    %dma_start3A_20 = arith.constant 0 : i32
    %dma_start3A_21 = tpu.memref_slice %arg8[%dma_start3A_15, %dma_start3A_20] : memref<12x1280xf32, #tpu.memory_space<vmem>> -> memref<1x1280xf32, #tpu.memory_space<vmem>>
    %dma_start3A_22 = tpu.memref_squeeze %dma_start3A_21 : memref<1x1280xf32, #tpu.memory_space<vmem>> -> memref<1280xf32, #tpu.memory_space<vmem>>
    %dma_start3A_23 = tpu.memref_slice %arg2[%add3A_14] : memref<491520xf32, #tpu.memory_space<hbm>> -> memref<1280xf32, #tpu.memory_space<hbm>>
    tpu.enqueue_dma source(%dma_start3A_23 : memref<1280xf32, #tpu.memory_space<hbm>>) target(%dma_start3A_22 : memref<1280xf32, #tpu.memory_space<vmem>>) target_semaphore(%arg14 : memref<!tpu.dma_semaphore, #tpu.memory_space<semaphore_mem>>)
    %add3A_24 = arith.constant 81920 : i32
    %add3A_25 = arith.addi %add3A_24, %multiple_of3A : i32
    %dma_start3A_26 = arith.constant 2 : i32
    %dma_start3A_27 = arith.constant 0 : i32
    %dma_start3A_28 = tpu.memref_slice %arg8[%dma_start3A_26, %dma_start3A_27] : memref<12x1280xf32, #tpu.memory_space<vmem>> -> memref<1x1280xf32, #tpu.memory_space<vmem>>
    %dma_start3A_29 = tpu.memref_squeeze %dma_start3A_28 : memref<1x1280xf32, #tpu.memory_space<vmem>> -> memref<1280xf32, #tpu.memory_space<vmem>>
    %dma_start3A_30 = tpu.memref_slice %arg2[%add3A_25] : memref<491520xf32, #tpu.memory_space<hbm>> -> memref<1280xf32, #tpu.memory_space<hbm>>
    %dma_start3A_31 = arith.constant 0 : i32
    %dma_start3A_32 = tpu.memref_slice %arg8[%dma_start3A_26, %dma_start3A_31] : memref<12x1280xf32, #tpu.memory_space<vmem>> -> memref<1x1280xf32, #tpu.memory_space<vmem>>
    %dma_start3A_33 = tpu.memref_squeeze %dma_start3A_32 : memref<1x1280xf32, #tpu.memory_space<vmem>> -> memref<1280xf32, #tpu.memory_space<vmem>>
    %dma_start3A_34 = tpu.memref_slice %arg2[%add3A_25] : memref<491520xf32, #tpu.memory_space<hbm>> -> memref<1280xf32, #tpu.memory_space<hbm>>
    tpu.enqueue_dma source(%dma_start3A_34 : memref<1280xf32, #tpu.memory_space<hbm>>) target(%dma_start3A_33 : memref<1280xf32, #tpu.memory_space<vmem>>) target_semaphore(%arg14 : memref<!tpu.dma_semaphore, #tpu.memory_space<semaphore_mem>>)
    %add3A_35 = arith.constant 122880 : i32
    %add3A_36 = arith.addi %add3A_35, %multiple_of3A : i32
    %dma_start3A_37 = arith.constant 3 : i32
    %dma_start3A_38 = arith.constant 0 : i32
    %dma_start3A_39 = tpu.memref_slice %arg8[%dma_start3A_37, %dma_start3A_38] : memref<12x1280xf32, #tpu.memory_space<vmem>> -> memref<1x1280xf32, #tpu.memory_space<vmem>>
    %dma_start3A_40 = tpu.memref_squeeze %dma_start3A_39 : memref<1x1280xf32, #tpu.memory_space<vmem>> -> memref<1280xf32, #tpu.memory_space<vmem>>
    %dma_start3A_41 = tpu.memref_slice %arg2[%add3A_36] : memref<491520xf32, #tpu.memory_space<hbm>> -> memref<1280xf32, #tpu.memory_space<hbm>>
    %dma_start3A_42 = arith.constant 0 : i32
    %dma_start3A_43 = tpu.memref_slice %arg8[%dma_start3A_37, %dma_start3A_42] : memref<12x1280xf32, #tpu.memory_space<vmem>> -> memref<1x1280xf32, #tpu.memory_space<vmem>>
    %dma_start3A_44 = tpu.memref_squeeze %dma_start3A_43 : memref<1x1280xf32, #tpu.memory_space<vmem>> -> memref<1280xf32, #tpu.memory_space<vmem>>
    %dma_start3A_45 = tpu.memref_slice %arg2[%add3A_36] : memref<491520xf32, #tpu.memory_space<hbm>> -> memref<1280xf32, #tpu.memory_space<hbm>>
    tpu.enqueue_dma source(%dma_start3A_45 : memref<1280xf32, #tpu.memory_space<hbm>>) target(%dma_start3A_44 : memref<1280xf32, #tpu.memory_space<vmem>>) target_semaphore(%arg14 : memref<!tpu.dma_semaphore, #tpu.memory_space<semaphore_mem>>)
    %add3A_46 = arith.constant 163840 : i32
    %add3A_47 = arith.addi %add3A_46, %multiple_of3A : i32
    %dma_start3A_48 = arith.constant 4 : i32
    %dma_start3A_49 = arith.constant 0 : i32
    %dma_start3A_50 = tpu.memref_slice %arg8[%dma_start3A_48, %dma_start3A_49] : memref<12x1280xf32, #tpu.memory_space<vmem>> -> memref<1x1280xf32, #tpu.memory_space<vmem>>
    %dma_start3A_51 = tpu.memref_squeeze %dma_start3A_50 : memref<1x1280xf32, #tpu.memory_space<vmem>> -> memref<1280xf32, #tpu.memory_space<vmem>>
    %dma_start3A_52 = tpu.memref_slice %arg2[%add3A_47] : memref<491520xf32, #tpu.memory_space<hbm>> -> memref<1280xf32, #tpu.memory_space<hbm>>
    %dma_start3A_53 = arith.constant 0 : i32
    %dma_start3A_54 = tpu.memref_slice %arg8[%dma_start3A_48, %dma_start3A_53] : memref<12x1280xf32, #tpu.memory_space<vmem>> -> memref<1x1280xf32, #tpu.memory_space<vmem>>
    %dma_start3A_55 = tpu.memref_squeeze %dma_start3A_54 : memref<1x1280xf32, #tpu.memory_space<vmem>> -> memref<1280xf32, #tpu.memory_space<vmem>>
    %dma_start3A_56 = tpu.memref_slice %arg2[%add3A_47] : memref<491520xf32, #tpu.memory_space<hbm>> -> memref<1280xf32, #tpu.memory_space<hbm>>
    tpu.enqueue_dma source(%dma_start3A_56 : memref<1280xf32, #tpu.memory_space<hbm>>) target(%dma_start3A_55 : memref<1280xf32, #tpu.memory_space<vmem>>) target_semaphore(%arg14 : memref<!tpu.dma_semaphore, #tpu.memory_space<semaphore_mem>>)
    %add3A_57 = arith.constant 204800 : i32
    %add3A_58 = arith.addi %add3A_57, %multiple_of3A : i32
    %dma_start3A_59 = arith.constant 5 : i32
    %dma_start3A_60 = arith.constant 0 : i32
    %dma_start3A_61 = tpu.memref_slice %arg8[%dma_start3A_59, %dma_start3A_60] : memref<12x1280xf32, #tpu.memory_space<vmem>> -> memref<1x1280xf32, #tpu.memory_space<vmem>>
    %dma_start3A_62 = tpu.memref_squeeze %dma_start3A_61 : memref<1x1280xf32, #tpu.memory_space<vmem>> -> memref<1280xf32, #tpu.memory_space<vmem>>
    %dma_start3A_63 = tpu.memref_slice %arg2[%add3A_58] : memref<491520xf32, #tpu.memory_space<hbm>> -> memref<1280xf32, #tpu.memory_space<hbm>>
    %dma_start3A_64 = arith.constant 0 : i32
    %dma_start3A_65 = tpu.memref_slice %arg8[%dma_start3A_59, %dma_start3A_64] : memref<12x1280xf32, #tpu.memory_space<vmem>> -> memref<1x1280xf32, #tpu.memory_space<vmem>>
    %dma_start3A_66 = tpu.memref_squeeze %dma_start3A_65 : memref<1x1280xf32, #tpu.memory_space<vmem>> -> memref<1280xf32, #tpu.memory_space<vmem>>
    %dma_start3A_67 = tpu.memref_slice %arg2[%add3A_58] : memref<491520xf32, #tpu.memory_space<hbm>> -> memref<1280xf32, #tpu.memory_space<hbm>>
    tpu.enqueue_dma source(%dma_start3A_67 : memref<1280xf32, #tpu.memory_space<hbm>>) target(%dma_start3A_66 : memref<1280xf32, #tpu.memory_space<vmem>>) target_semaphore(%arg14 : memref<!tpu.dma_semaphore, #tpu.memory_space<semaphore_mem>>)
    %add3A_68 = arith.constant 245760 : i32
    %add3A_69 = arith.addi %add3A_68, %multiple_of3A : i32
    %dma_start3A_70 = arith.constant 6 : i32
    %dma_start3A_71 = arith.constant 0 : i32
    %dma_start3A_72 = tpu.memref_slice %arg8[%dma_start3A_70, %dma_start3A_71] : memref<12x1280xf32, #tpu.memory_space<vmem>> -> memref<1x1280xf32, #tpu.memory_space<vmem>>
    %dma_start3A_73 = tpu.memref_squeeze %dma_start3A_72 : memref<1x1280xf32, #tpu.memory_space<vmem>> -> memref<1280xf32, #tpu.memory_space<vmem>>
    %dma_start3A_74 = tpu.memref_slice %arg2[%add3A_69] : memref<491520xf32, #tpu.memory_space<hbm>> -> memref<1280xf32, #tpu.memory_space<hbm>>
    %dma_start3A_75 = arith.constant 0 : i32
    %dma_start3A_76 = tpu.memref_slice %arg8[%dma_start3A_70, %dma_start3A_75] : memref<12x1280xf32, #tpu.memory_space<vmem>> -> memref<1x1280xf32, #tpu.memory_space<vmem>>
    %dma_start3A_77 = tpu.memref_squeeze %dma_start3A_76 : memref<1x1280xf32, #tpu.memory_space<vmem>> -> memref<1280xf32, #tpu.memory_space<vmem>>
    %dma_start3A_78 = tpu.memref_slice %arg2[%add3A_69] : memref<491520xf32, #tpu.memory_space<hbm>> -> memref<1280xf32, #tpu.memory_space<hbm>>
    tpu.enqueue_dma source(%dma_start3A_78 : memref<1280xf32, #tpu.memory_space<hbm>>) target(%dma_start3A_77 : memref<1280xf32, #tpu.memory_space<vmem>>) target_semaphore(%arg14 : memref<!tpu.dma_semaphore, #tpu.memory_space<semaphore_mem>>)
    %add3A_79 = arith.constant 286720 : i32
    %add3A_80 = arith.addi %add3A_79, %multiple_of3A : i32
    %dma_start3A_81 = arith.constant 7 : i32
    %dma_start3A_82 = arith.constant 0 : i32
    %dma_start3A_83 = tpu.memref_slice %arg8[%dma_start3A_81, %dma_start3A_82] : memref<12x1280xf32, #tpu.memory_space<vmem>> -> memref<1x1280xf32, #tpu.memory_space<vmem>>
    %dma_start3A_84 = tpu.memref_squeeze %dma_start3A_83 : memref<1x1280xf32, #tpu.memory_space<vmem>> -> memref<1280xf32, #tpu.memory_space<vmem>>
    %dma_start3A_85 = tpu.memref_slice %arg2[%add3A_80] : memref<491520xf32, #tpu.memory_space<hbm>> -> memref<1280xf32, #tpu.memory_space<hbm>>
    %dma_start3A_86 = arith.constant 0 : i32
    %dma_start3A_87 = tpu.memref_slice %arg8[%dma_start3A_81, %dma_start3A_86] : memref<12x1280xf32, #tpu.memory_space<vmem>> -> memref<1x1280xf32, #tpu.memory_space<vmem>>
    %dma_start3A_88 = tpu.memref_squeeze %dma_start3A_87 : memref<1x1280xf32, #tpu.memory_space<vmem>> -> memref<1280xf32, #tpu.memory_space<vmem>>
    %dma_start3A_89 = tpu.memref_slice %arg2[%add3A_80] : memref<491520xf32, #tpu.memory_space<hbm>> -> memref<1280xf32, #tpu.memory_space<hbm>>
    tpu.enqueue_dma source(%dma_start3A_89 : memref<1280xf32, #tpu.memory_space<hbm>>) target(%dma_start3A_88 : memref<1280xf32, #tpu.memory_space<vmem>>) target_semaphore(%arg14 : memref<!tpu.dma_semaphore, #tpu.memory_space<semaphore_mem>>)
    %add3A_90 = arith.constant 327680 : i32
    %add3A_91 = arith.addi %add3A_90, %multiple_of3A : i32
    %dma_start3A_92 = arith.constant 8 : i32
    %dma_start3A_93 = arith.constant 0 : i32
    %dma_start3A_94 = tpu.memref_slice %arg8[%dma_start3A_92, %dma_start3A_93] : memref<12x1280xf32, #tpu.memory_space<vmem>> -> memref<1x1280xf32, #tpu.memory_space<vmem>>
    %dma_start3A_95 = tpu.memref_squeeze %dma_start3A_94 : memref<1x1280xf32, #tpu.memory_space<vmem>> -> memref<1280xf32, #tpu.memory_space<vmem>>
    %dma_start3A_96 = tpu.memref_slice %arg2[%add3A_91] : memref<491520xf32, #tpu.memory_space<hbm>> -> memref<1280xf32, #tpu.memory_space<hbm>>
    %dma_start3A_97 = arith.constant 0 : i32
    %dma_start3A_98 = tpu.memref_slice %arg8[%dma_start3A_92, %dma_start3A_97] : memref<12x1280xf32, #tpu.memory_space<vmem>> -> memref<1x1280xf32, #tpu.memory_space<vmem>>
    %dma_start3A_99 = tpu.memref_squeeze %dma_start3A_98 : memref<1x1280xf32, #tpu.memory_space<vmem>> -> memref<1280xf32, #tpu.memory_space<vmem>>
    %dma_start3A_100 = tpu.memref_slice %arg2[%add3A_91] : memref<491520xf32, #tpu.memory_space<hbm>> -> memref<1280xf32, #tpu.memory_space<hbm>>
    tpu.enqueue_dma source(%dma_start3A_100 : memref<1280xf32, #tpu.memory_space<hbm>>) target(%dma_start3A_99 : memref<1280xf32, #tpu.memory_space<vmem>>) target_semaphore(%arg14 : memref<!tpu.dma_semaphore, #tpu.memory_space<semaphore_mem>>)
    %add3A_101 = arith.constant 368640 : i32
    %add3A_102 = arith.addi %add3A_101, %multiple_of3A : i32
    %dma_start3A_103 = arith.constant 9 : i32
    %dma_start3A_104 = arith.constant 0 : i32
    %dma_start3A_105 = tpu.memref_slice %arg8[%dma_start3A_103, %dma_start3A_104] : memref<12x1280xf32, #tpu.memory_space<vmem>> -> memref<1x1280xf32, #tpu.memory_space<vmem>>
    %dma_start3A_106 = tpu.memref_squeeze %dma_start3A_105 : memref<1x1280xf32, #tpu.memory_space<vmem>> -> memref<1280xf32, #tpu.memory_space<vmem>>
    %dma_start3A_107 = tpu.memref_slice %arg2[%add3A_102] : memref<491520xf32, #tpu.memory_space<hbm>> -> memref<1280xf32, #tpu.memory_space<hbm>>
    %dma_start3A_108 = arith.constant 0 : i32
    %dma_start3A_109 = tpu.memref_slice %arg8[%dma_start3A_103, %dma_start3A_108] : memref<12x1280xf32, #tpu.memory_space<vmem>> -> memref<1x1280xf32, #tpu.memory_space<vmem>>
    %dma_start3A_110 = tpu.memref_squeeze %dma_start3A_109 : memref<1x1280xf32, #tpu.memory_space<vmem>> -> memref<1280xf32, #tpu.memory_space<vmem>>
    %dma_start3A_111 = tpu.memref_slice %arg2[%add3A_102] : memref<491520xf32, #tpu.memory_space<hbm>> -> memref<1280xf32, #tpu.memory_space<hbm>>
    tpu.enqueue_dma source(%dma_start3A_111 : memref<1280xf32, #tpu.memory_space<hbm>>) target(%dma_start3A_110 : memref<1280xf32, #tpu.memory_space<vmem>>) target_semaphore(%arg14 : memref<!tpu.dma_semaphore, #tpu.memory_space<semaphore_mem>>)
    %add3A_112 = arith.constant 409600 : i32
    %add3A_113 = arith.addi %add3A_112, %multiple_of3A : i32
    %dma_start3A_114 = arith.constant 10 : i32
    %dma_start3A_115 = arith.constant 0 : i32
    %dma_start3A_116 = tpu.memref_slice %arg8[%dma_start3A_114, %dma_start3A_115] : memref<12x1280xf32, #tpu.memory_space<vmem>> -> memref<1x1280xf32, #tpu.memory_space<vmem>>
    %dma_start3A_117 = tpu.memref_squeeze %dma_start3A_116 : memref<1x1280xf32, #tpu.memory_space<vmem>> -> memref<1280xf32, #tpu.memory_space<vmem>>
    %dma_start3A_118 = tpu.memref_slice %arg2[%add3A_113] : memref<491520xf32, #tpu.memory_space<hbm>> -> memref<1280xf32, #tpu.memory_space<hbm>>
    %dma_start3A_119 = arith.constant 0 : i32
    %dma_start3A_120 = tpu.memref_slice %arg8[%dma_start3A_114, %dma_start3A_119] : memref<12x1280xf32, #tpu.memory_space<vmem>> -> memref<1x1280xf32, #tpu.memory_space<vmem>>
    %dma_start3A_121 = tpu.memref_squeeze %dma_start3A_120 : memref<1x1280xf32, #tpu.memory_space<vmem>> -> memref<1280xf32, #tpu.memory_space<vmem>>
    %dma_start3A_122 = tpu.memref_slice %arg2[%add3A_113] : memref<491520xf32, #tpu.memory_space<hbm>> -> memref<1280xf32, #tpu.memory_space<hbm>>
    tpu.enqueue_dma source(%dma_start3A_122 : memref<1280xf32, #tpu.memory_space<hbm>>) target(%dma_start3A_121 : memref<1280xf32, #tpu.memory_space<vmem>>) target_semaphore(%arg14 : memref<!tpu.dma_semaphore, #tpu.memory_space<semaphore_mem>>)
    %add3A_123 = arith.constant 450560 : i32
    %add3A_124 = arith.addi %add3A_123, %multiple_of3A : i32
    %dma_start3A_125 = arith.constant 11 : i32
    %dma_start3A_126 = arith.constant 0 : i32
    %dma_start3A_127 = tpu.memref_slice %arg8[%dma_start3A_125, %dma_start3A_126] : memref<12x1280xf32, #tpu.memory_space<vmem>> -> memref<1x1280xf32, #tpu.memory_space<vmem>>
    %dma_start3A_128 = tpu.memref_squeeze %dma_start3A_127 : memref<1x1280xf32, #tpu.memory_space<vmem>> -> memref<1280xf32, #tpu.memory_space<vmem>>
    %dma_start3A_129 = tpu.memref_slice %arg2[%add3A_124] : memref<491520xf32, #tpu.memory_space<hbm>> -> memref<1280xf32, #tpu.memory_space<hbm>>
    %dma_start3A_130 = arith.constant 0 : i32
    %dma_start3A_131 = tpu.memref_slice %arg8[%dma_start3A_125, %dma_start3A_130] : memref<12x1280xf32, #tpu.memory_space<vmem>> -> memref<1x1280xf32, #tpu.memory_space<vmem>>
    %dma_start3A_132 = tpu.memref_squeeze %dma_start3A_131 : memref<1x1280xf32, #tpu.memory_space<vmem>> -> memref<1280xf32, #tpu.memory_space<vmem>>
    %dma_start3A_133 = tpu.memref_slice %arg2[%add3A_124] : memref<491520xf32, #tpu.memory_space<hbm>> -> memref<1280xf32, #tpu.memory_space<hbm>>
    tpu.enqueue_dma source(%dma_start3A_133 : memref<1280xf32, #tpu.memory_space<hbm>>) target(%dma_start3A_132 : memref<1280xf32, #tpu.memory_space<vmem>>) target_semaphore(%arg14 : memref<!tpu.dma_semaphore, #tpu.memory_space<semaphore_mem>>)
    tpu.enqueue_dma source(%arg3 : memref<1152xf32, #tpu.memory_space<hbm>>) target(%arg9 : memref<1152xf32, #tpu.memory_space<vmem>>) target_semaphore(%arg14 : memref<!tpu.dma_semaphore, #tpu.memory_space<semaphore_mem>>)
    %dma_wait3A = arith.constant 0 : i32
    %dma_wait3A_134 = arith.constant 0 : i32
    %dma_wait3A_135 = tpu.memref_slice %arg8[%dma_wait3A, %dma_wait3A_134] : memref<12x1280xf32, #tpu.memory_space<vmem>> -> memref<1x1280xf32, #tpu.memory_space<vmem>>
    %dma_wait3A_136 = tpu.memref_squeeze %dma_wait3A_135 : memref<1x1280xf32, #tpu.memory_space<vmem>> -> memref<1280xf32, #tpu.memory_space<vmem>>
    %dma_wait3A_137 = tpu.memref_slice %arg2[%add3A_4] : memref<491520xf32, #tpu.memory_space<hbm>> -> memref<1280xf32, #tpu.memory_space<hbm>>
    %dma_wait3A_138 = arith.constant 0 : i32
    %dma_wait3A_139 = tpu.memref_slice %arg8[%dma_wait3A, %dma_wait3A_138] : memref<12x1280xf32, #tpu.memory_space<vmem>> -> memref<1x1280xf32, #tpu.memory_space<vmem>>
    %dma_wait3A_140 = tpu.memref_squeeze %dma_wait3A_139 : memref<1x1280xf32, #tpu.memory_space<vmem>> -> memref<1280xf32, #tpu.memory_space<vmem>>
    %dma_wait3A_141 = tpu.memref_slice %arg2[%add3A_4] : memref<491520xf32, #tpu.memory_space<hbm>> -> memref<1280xf32, #tpu.memory_space<hbm>>
    tpu.wait_dma2 semaphore(%arg14 : memref<!tpu.dma_semaphore, #tpu.memory_space<semaphore_mem>>) src(%dma_wait3A_141 : memref<1280xf32, #tpu.memory_space<hbm>>) dst(%dma_wait3A_140 : memref<1280xf32, #tpu.memory_space<vmem>>)
    %dma_wait3A_142 = arith.constant 1 : i32
    %dma_wait3A_143 = arith.constant 0 : i32
    %dma_wait3A_144 = tpu.memref_slice %arg8[%dma_wait3A_142, %dma_wait3A_143] : memref<12x1280xf32, #tpu.memory_space<vmem>> -> memref<1x1280xf32, #tpu.memory_space<vmem>>
    %dma_wait3A_145 = tpu.memref_squeeze %dma_wait3A_144 : memref<1x1280xf32, #tpu.memory_space<vmem>> -> memref<1280xf32, #tpu.memory_space<vmem>>
    %dma_wait3A_146 = tpu.memref_slice %arg2[%add3A_14] : memref<491520xf32, #tpu.memory_space<hbm>> -> memref<1280xf32, #tpu.memory_space<hbm>>
    %dma_wait3A_147 = arith.constant 0 : i32
    %dma_wait3A_148 = tpu.memref_slice %arg8[%dma_wait3A_142, %dma_wait3A_147] : memref<12x1280xf32, #tpu.memory_space<vmem>> -> memref<1x1280xf32, #tpu.memory_space<vmem>>
    %dma_wait3A_149 = tpu.memref_squeeze %dma_wait3A_148 : memref<1x1280xf32, #tpu.memory_space<vmem>> -> memref<1280xf32, #tpu.memory_space<vmem>>
    %dma_wait3A_150 = tpu.memref_slice %arg2[%add3A_14] : memref<491520xf32, #tpu.memory_space<hbm>> -> memref<1280xf32, #tpu.memory_space<hbm>>
    tpu.wait_dma2 semaphore(%arg14 : memref<!tpu.dma_semaphore, #tpu.memory_space<semaphore_mem>>) src(%dma_wait3A_150 : memref<1280xf32, #tpu.memory_space<hbm>>) dst(%dma_wait3A_149 : memref<1280xf32, #tpu.memory_space<vmem>>)
    %dma_wait3A_151 = arith.constant 2 : i32
    %dma_wait3A_152 = arith.constant 0 : i32
    %dma_wait3A_153 = tpu.memref_slice %arg8[%dma_wait3A_151, %dma_wait3A_152] : memref<12x1280xf32, #tpu.memory_space<vmem>> -> memref<1x1280xf32, #tpu.memory_space<vmem>>
    %dma_wait3A_154 = tpu.memref_squeeze %dma_wait3A_153 : memref<1x1280xf32, #tpu.memory_space<vmem>> -> memref<1280xf32, #tpu.memory_space<vmem>>
    %dma_wait3A_155 = tpu.memref_slice %arg2[%add3A_25] : memref<491520xf32, #tpu.memory_space<hbm>> -> memref<1280xf32, #tpu.memory_space<hbm>>
    %dma_wait3A_156 = arith.constant 0 : i32
    %dma_wait3A_157 = tpu.memref_slice %arg8[%dma_wait3A_151, %dma_wait3A_156] : memref<12x1280xf32, #tpu.memory_space<vmem>> -> memref<1x1280xf32, #tpu.memory_space<vmem>>
    %dma_wait3A_158 = tpu.memref_squeeze %dma_wait3A_157 : memref<1x1280xf32, #tpu.memory_space<vmem>> -> memref<1280xf32, #tpu.memory_space<vmem>>
    %dma_wait3A_159 = tpu.memref_slice %arg2[%add3A_25] : memref<491520xf32, #tpu.memory_space<hbm>> -> memref<1280xf32, #tpu.memory_space<hbm>>
    tpu.wait_dma2 semaphore(%arg14 : memref<!tpu.dma_semaphore, #tpu.memory_space<semaphore_mem>>) src(%dma_wait3A_159 : memref<1280xf32, #tpu.memory_space<hbm>>) dst(%dma_wait3A_158 : memref<1280xf32, #tpu.memory_space<vmem>>)
    %dma_wait3A_160 = arith.constant 3 : i32
    %dma_wait3A_161 = arith.constant 0 : i32
    %dma_wait3A_162 = tpu.memref_slice %arg8[%dma_wait3A_160, %dma_wait3A_161] : memref<12x1280xf32, #tpu.memory_space<vmem>> -> memref<1x1280xf32, #tpu.memory_space<vmem>>
    %dma_wait3A_163 = tpu.memref_squeeze %dma_wait3A_162 : memref<1x1280xf32, #tpu.memory_space<vmem>> -> memref<1280xf32, #tpu.memory_space<vmem>>
    %dma_wait3A_164 = tpu.memref_slice %arg2[%add3A_36] : memref<491520xf32, #tpu.memory_space<hbm>> -> memref<1280xf32, #tpu.memory_space<hbm>>
    %dma_wait3A_165 = arith.constant 0 : i32
    %dma_wait3A_166 = tpu.memref_slice %arg8[%dma_wait3A_160, %dma_wait3A_165] : memref<12x1280xf32, #tpu.memory_space<vmem>> -> memref<1x1280xf32, #tpu.memory_space<vmem>>
    %dma_wait3A_167 = tpu.memref_squeeze %dma_wait3A_166 : memref<1x1280xf32, #tpu.memory_space<vmem>> -> memref<1280xf32, #tpu.memory_space<vmem>>
    %dma_wait3A_168 = tpu.memref_slice %arg2[%add3A_36] : memref<491520xf32, #tpu.memory_space<hbm>> -> memref<1280xf32, #tpu.memory_space<hbm>>
    tpu.wait_dma2 semaphore(%arg14 : memref<!tpu.dma_semaphore, #tpu.memory_space<semaphore_mem>>) src(%dma_wait3A_168 : memref<1280xf32, #tpu.memory_space<hbm>>) dst(%dma_wait3A_167 : memref<1280xf32, #tpu.memory_space<vmem>>)
    %dma_wait3A_169 = arith.constant 4 : i32
    %dma_wait3A_170 = arith.constant 0 : i32
    %dma_wait3A_171 = tpu.memref_slice %arg8[%dma_wait3A_169, %dma_wait3A_170] : memref<12x1280xf32, #tpu.memory_space<vmem>> -> memref<1x1280xf32, #tpu.memory_space<vmem>>
    %dma_wait3A_172 = tpu.memref_squeeze %dma_wait3A_171 : memref<1x1280xf32, #tpu.memory_space<vmem>> -> memref<1280xf32, #tpu.memory_space<vmem>>
    %dma_wait3A_173 = tpu.memref_slice %arg2[%add3A_47] : memref<491520xf32, #tpu.memory_space<hbm>> -> memref<1280xf32, #tpu.memory_space<hbm>>
    %dma_wait3A_174 = arith.constant 0 : i32
    %dma_wait3A_175 = tpu.memref_slice %arg8[%dma_wait3A_169, %dma_wait3A_174] : memref<12x1280xf32, #tpu.memory_space<vmem>> -> memref<1x1280xf32, #tpu.memory_space<vmem>>
    %dma_wait3A_176 = tpu.memref_squeeze %dma_wait3A_175 : memref<1x1280xf32, #tpu.memory_space<vmem>> -> memref<1280xf32, #tpu.memory_space<vmem>>
    %dma_wait3A_177 = tpu.memref_slice %arg2[%add3A_47] : memref<491520xf32, #tpu.memory_space<hbm>> -> memref<1280xf32, #tpu.memory_space<hbm>>
    tpu.wait_dma2 semaphore(%arg14 : memref<!tpu.dma_semaphore, #tpu.memory_space<semaphore_mem>>) src(%dma_wait3A_177 : memref<1280xf32, #tpu.memory_space<hbm>>) dst(%dma_wait3A_176 : memref<1280xf32, #tpu.memory_space<vmem>>)
    %dma_wait3A_178 = arith.constant 5 : i32
    %dma_wait3A_179 = arith.constant 0 : i32
    %dma_wait3A_180 = tpu.memref_slice %arg8[%dma_wait3A_178, %dma_wait3A_179] : memref<12x1280xf32, #tpu.memory_space<vmem>> -> memref<1x1280xf32, #tpu.memory_space<vmem>>
    %dma_wait3A_181 = tpu.memref_squeeze %dma_wait3A_180 : memref<1x1280xf32, #tpu.memory_space<vmem>> -> memref<1280xf32, #tpu.memory_space<vmem>>
    %dma_wait3A_182 = tpu.memref_slice %arg2[%add3A_58] : memref<491520xf32, #tpu.memory_space<hbm>> -> memref<1280xf32, #tpu.memory_space<hbm>>
    %dma_wait3A_183 = arith.constant 0 : i32
    %dma_wait3A_184 = tpu.memref_slice %arg8[%dma_wait3A_178, %dma_wait3A_183] : memref<12x1280xf32, #tpu.memory_space<vmem>> -> memref<1x1280xf32, #tpu.memory_space<vmem>>
    %dma_wait3A_185 = tpu.memref_squeeze %dma_wait3A_184 : memref<1x1280xf32, #tpu.memory_space<vmem>> -> memref<1280xf32, #tpu.memory_space<vmem>>
    %dma_wait3A_186 = tpu.memref_slice %arg2[%add3A_58] : memref<491520xf32, #tpu.memory_space<hbm>> -> memref<1280xf32, #tpu.memory_space<hbm>>
    tpu.wait_dma2 semaphore(%arg14 : memref<!tpu.dma_semaphore, #tpu.memory_space<semaphore_mem>>) src(%dma_wait3A_186 : memref<1280xf32, #tpu.memory_space<hbm>>) dst(%dma_wait3A_185 : memref<1280xf32, #tpu.memory_space<vmem>>)
    %dma_wait3A_187 = arith.constant 6 : i32
    %dma_wait3A_188 = arith.constant 0 : i32
    %dma_wait3A_189 = tpu.memref_slice %arg8[%dma_wait3A_187, %dma_wait3A_188] : memref<12x1280xf32, #tpu.memory_space<vmem>> -> memref<1x1280xf32, #tpu.memory_space<vmem>>
    %dma_wait3A_190 = tpu.memref_squeeze %dma_wait3A_189 : memref<1x1280xf32, #tpu.memory_space<vmem>> -> memref<1280xf32, #tpu.memory_space<vmem>>
    %dma_wait3A_191 = tpu.memref_slice %arg2[%add3A_69] : memref<491520xf32, #tpu.memory_space<hbm>> -> memref<1280xf32, #tpu.memory_space<hbm>>
    %dma_wait3A_192 = arith.constant 0 : i32
    %dma_wait3A_193 = tpu.memref_slice %arg8[%dma_wait3A_187, %dma_wait3A_192] : memref<12x1280xf32, #tpu.memory_space<vmem>> -> memref<1x1280xf32, #tpu.memory_space<vmem>>
    %dma_wait3A_194 = tpu.memref_squeeze %dma_wait3A_193 : memref<1x1280xf32, #tpu.memory_space<vmem>> -> memref<1280xf32, #tpu.memory_space<vmem>>
    %dma_wait3A_195 = tpu.memref_slice %arg2[%add3A_69] : memref<491520xf32, #tpu.memory_space<hbm>> -> memref<1280xf32, #tpu.memory_space<hbm>>
    tpu.wait_dma2 semaphore(%arg14 : memref<!tpu.dma_semaphore, #tpu.memory_space<semaphore_mem>>) src(%dma_wait3A_195 : memref<1280xf32, #tpu.memory_space<hbm>>) dst(%dma_wait3A_194 : memref<1280xf32, #tpu.memory_space<vmem>>)
    %dma_wait3A_196 = arith.constant 7 : i32
    %dma_wait3A_197 = arith.constant 0 : i32
    %dma_wait3A_198 = tpu.memref_slice %arg8[%dma_wait3A_196, %dma_wait3A_197] : memref<12x1280xf32, #tpu.memory_space<vmem>> -> memref<1x1280xf32, #tpu.memory_space<vmem>>
    %dma_wait3A_199 = tpu.memref_squeeze %dma_wait3A_198 : memref<1x1280xf32, #tpu.memory_space<vmem>> -> memref<1280xf32, #tpu.memory_space<vmem>>
    %dma_wait3A_200 = tpu.memref_slice %arg2[%add3A_80] : memref<491520xf32, #tpu.memory_space<hbm>> -> memref<1280xf32, #tpu.memory_space<hbm>>
    %dma_wait3A_201 = arith.constant 0 : i32
    %dma_wait3A_202 = tpu.memref_slice %arg8[%dma_wait3A_196, %dma_wait3A_201] : memref<12x1280xf32, #tpu.memory_space<vmem>> -> memref<1x1280xf32, #tpu.memory_space<vmem>>
    %dma_wait3A_203 = tpu.memref_squeeze %dma_wait3A_202 : memref<1x1280xf32, #tpu.memory_space<vmem>> -> memref<1280xf32, #tpu.memory_space<vmem>>
    %dma_wait3A_204 = tpu.memref_slice %arg2[%add3A_80] : memref<491520xf32, #tpu.memory_space<hbm>> -> memref<1280xf32, #tpu.memory_space<hbm>>
    tpu.wait_dma2 semaphore(%arg14 : memref<!tpu.dma_semaphore, #tpu.memory_space<semaphore_mem>>) src(%dma_wait3A_204 : memref<1280xf32, #tpu.memory_space<hbm>>) dst(%dma_wait3A_203 : memref<1280xf32, #tpu.memory_space<vmem>>)
    %dma_wait3A_205 = arith.constant 8 : i32
    %dma_wait3A_206 = arith.constant 0 : i32
    %dma_wait3A_207 = tpu.memref_slice %arg8[%dma_wait3A_205, %dma_wait3A_206] : memref<12x1280xf32, #tpu.memory_space<vmem>> -> memref<1x1280xf32, #tpu.memory_space<vmem>>
    %dma_wait3A_208 = tpu.memref_squeeze %dma_wait3A_207 : memref<1x1280xf32, #tpu.memory_space<vmem>> -> memref<1280xf32, #tpu.memory_space<vmem>>
    %dma_wait3A_209 = tpu.memref_slice %arg2[%add3A_91] : memref<491520xf32, #tpu.memory_space<hbm>> -> memref<1280xf32, #tpu.memory_space<hbm>>
    %dma_wait3A_210 = arith.constant 0 : i32
    %dma_wait3A_211 = tpu.memref_slice %arg8[%dma_wait3A_205, %dma_wait3A_210] : memref<12x1280xf32, #tpu.memory_space<vmem>> -> memref<1x1280xf32, #tpu.memory_space<vmem>>
    %dma_wait3A_212 = tpu.memref_squeeze %dma_wait3A_211 : memref<1x1280xf32, #tpu.memory_space<vmem>> -> memref<1280xf32, #tpu.memory_space<vmem>>
    %dma_wait3A_213 = tpu.memref_slice %arg2[%add3A_91] : memref<491520xf32, #tpu.memory_space<hbm>> -> memref<1280xf32, #tpu.memory_space<hbm>>
    tpu.wait_dma2 semaphore(%arg14 : memref<!tpu.dma_semaphore, #tpu.memory_space<semaphore_mem>>) src(%dma_wait3A_213 : memref<1280xf32, #tpu.memory_space<hbm>>) dst(%dma_wait3A_212 : memref<1280xf32, #tpu.memory_space<vmem>>)
    %dma_wait3A_214 = arith.constant 9 : i32
    %dma_wait3A_215 = arith.constant 0 : i32
    %dma_wait3A_216 = tpu.memref_slice %arg8[%dma_wait3A_214, %dma_wait3A_215] : memref<12x1280xf32, #tpu.memory_space<vmem>> -> memref<1x1280xf32, #tpu.memory_space<vmem>>
    %dma_wait3A_217 = tpu.memref_squeeze %dma_wait3A_216 : memref<1x1280xf32, #tpu.memory_space<vmem>> -> memref<1280xf32, #tpu.memory_space<vmem>>
    %dma_wait3A_218 = tpu.memref_slice %arg2[%add3A_102] : memref<491520xf32, #tpu.memory_space<hbm>> -> memref<1280xf32, #tpu.memory_space<hbm>>
    %dma_wait3A_219 = arith.constant 0 : i32
    %dma_wait3A_220 = tpu.memref_slice %arg8[%dma_wait3A_214, %dma_wait3A_219] : memref<12x1280xf32, #tpu.memory_space<vmem>> -> memref<1x1280xf32, #tpu.memory_space<vmem>>
    %dma_wait3A_221 = tpu.memref_squeeze %dma_wait3A_220 : memref<1x1280xf32, #tpu.memory_space<vmem>> -> memref<1280xf32, #tpu.memory_space<vmem>>
    %dma_wait3A_222 = tpu.memref_slice %arg2[%add3A_102] : memref<491520xf32, #tpu.memory_space<hbm>> -> memref<1280xf32, #tpu.memory_space<hbm>>
    tpu.wait_dma2 semaphore(%arg14 : memref<!tpu.dma_semaphore, #tpu.memory_space<semaphore_mem>>) src(%dma_wait3A_222 : memref<1280xf32, #tpu.memory_space<hbm>>) dst(%dma_wait3A_221 : memref<1280xf32, #tpu.memory_space<vmem>>)
    %dma_wait3A_223 = arith.constant 10 : i32
    %dma_wait3A_224 = arith.constant 0 : i32
    %dma_wait3A_225 = tpu.memref_slice %arg8[%dma_wait3A_223, %dma_wait3A_224] : memref<12x1280xf32, #tpu.memory_space<vmem>> -> memref<1x1280xf32, #tpu.memory_space<vmem>>
    %dma_wait3A_226 = tpu.memref_squeeze %dma_wait3A_225 : memref<1x1280xf32, #tpu.memory_space<vmem>> -> memref<1280xf32, #tpu.memory_space<vmem>>
    %dma_wait3A_227 = tpu.memref_slice %arg2[%add3A_113] : memref<491520xf32, #tpu.memory_space<hbm>> -> memref<1280xf32, #tpu.memory_space<hbm>>
    %dma_wait3A_228 = arith.constant 0 : i32
    %dma_wait3A_229 = tpu.memref_slice %arg8[%dma_wait3A_223, %dma_wait3A_228] : memref<12x1280xf32, #tpu.memory_space<vmem>> -> memref<1x1280xf32, #tpu.memory_space<vmem>>
    %dma_wait3A_230 = tpu.memref_squeeze %dma_wait3A_229 : memref<1x1280xf32, #tpu.memory_space<vmem>> -> memref<1280xf32, #tpu.memory_space<vmem>>
    %dma_wait3A_231 = tpu.memref_slice %arg2[%add3A_113] : memref<491520xf32, #tpu.memory_space<hbm>> -> memref<1280xf32, #tpu.memory_space<hbm>>
    tpu.wait_dma2 semaphore(%arg14 : memref<!tpu.dma_semaphore, #tpu.memory_space<semaphore_mem>>) src(%dma_wait3A_231 : memref<1280xf32, #tpu.memory_space<hbm>>) dst(%dma_wait3A_230 : memref<1280xf32, #tpu.memory_space<vmem>>)
    %dma_wait3A_232 = arith.constant 11 : i32
    %dma_wait3A_233 = arith.constant 0 : i32
    %dma_wait3A_234 = tpu.memref_slice %arg8[%dma_wait3A_232, %dma_wait3A_233] : memref<12x1280xf32, #tpu.memory_space<vmem>> -> memref<1x1280xf32, #tpu.memory_space<vmem>>
    %dma_wait3A_235 = tpu.memref_squeeze %dma_wait3A_234 : memref<1x1280xf32, #tpu.memory_space<vmem>> -> memref<1280xf32, #tpu.memory_space<vmem>>
    %dma_wait3A_236 = tpu.memref_slice %arg2[%add3A_124] : memref<491520xf32, #tpu.memory_space<hbm>> -> memref<1280xf32, #tpu.memory_space<hbm>>
    %dma_wait3A_237 = arith.constant 0 : i32
    %dma_wait3A_238 = tpu.memref_slice %arg8[%dma_wait3A_232, %dma_wait3A_237] : memref<12x1280xf32, #tpu.memory_space<vmem>> -> memref<1x1280xf32, #tpu.memory_space<vmem>>
    %dma_wait3A_239 = tpu.memref_squeeze %dma_wait3A_238 : memref<1x1280xf32, #tpu.memory_space<vmem>> -> memref<1280xf32, #tpu.memory_space<vmem>>
    %dma_wait3A_240 = tpu.memref_slice %arg2[%add3A_124] : memref<491520xf32, #tpu.memory_space<hbm>> -> memref<1280xf32, #tpu.memory_space<hbm>>
    tpu.wait_dma2 semaphore(%arg14 : memref<!tpu.dma_semaphore, #tpu.memory_space<semaphore_mem>>) src(%dma_wait3A_240 : memref<1280xf32, #tpu.memory_space<hbm>>) dst(%dma_wait3A_239 : memref<1280xf32, #tpu.memory_space<vmem>>)
    tpu.wait_dma2 semaphore(%arg14 : memref<!tpu.dma_semaphore, #tpu.memory_space<semaphore_mem>>) src(%arg3 : memref<1152xf32, #tpu.memory_space<hbm>>) dst(%arg9 : memref<1152xf32, #tpu.memory_space<vmem>>)
    %parallel_loop3A = arith.constant 0 : i32
    %parallel_loop3A_241 = arith.constant 1280 : i32
    %parallel_loop3A_242 = arith.constant 16 : i32
    scf.for %parallel_loop3A_392 = %parallel_loop3A to %parallel_loop3A_241 step %parallel_loop3A_242  : i32 {
      %parallel_loop3A_393 = arith.constant 0 : i32
      %parallel_loop3A_394 = arith.index_cast %parallel_loop3A_393 : i32 to index
      %parallel_loop3A_395 = arith.index_cast %parallel_loop3A_392 : i32 to index
      %parallel_loop3A_396 = tpu.vector_load %arg8[%parallel_loop3A_394, %parallel_loop3A_395] {strides = array<i32>} : memref<12x1280xf32, #tpu.memory_space<vmem>>, vector<16xf32>,
      %parallel_loop3A_397 = arith.constant 1.024000e+02 : f32
      %parallel_loop3A_398 = vector.broadcast %parallel_loop3A_397 : f32 to vector<16xf32>
      %parallel_loop3A_399 = arith.mulf %parallel_loop3A_396, %parallel_loop3A_398 : vector<16xf32>
      %parallel_loop3A_400 = arith.constant -5.120000e+01 : f32
      %parallel_loop3A_401 = vector.broadcast %parallel_loop3A_400 : f32 to vector<16xf32>
      %parallel_loop3A_402 = arith.addf %parallel_loop3A_399, %parallel_loop3A_401 : vector<16xf32>
      %parallel_loop3A_403 = vector.bitcast %parallel_loop3A_402 : vector<16xf32> to vector<16xi32>
      %parallel_loop3A_404 = arith.constant 32767 : i32
      %parallel_loop3A_405 = vector.broadcast %parallel_loop3A_404 : i32 to vector<16xi32>
      %parallel_loop3A_406 = arith.addi %parallel_loop3A_403, %parallel_loop3A_405 : vector<16xi32>
      %parallel_loop3A_407 = arith.constant 16 : i32
      %parallel_loop3A_408 = vector.broadcast %parallel_loop3A_407 : i32 to vector<16xi32>
      %parallel_loop3A_409 = arith.shrsi %parallel_loop3A_403, %parallel_loop3A_408 : vector<16xi32>
      %parallel_loop3A_410 = arith.constant 1 : i32
      %parallel_loop3A_411 = vector.broadcast %parallel_loop3A_410 : i32 to vector<16xi32>
      %parallel_loop3A_412 = arith.andi %parallel_loop3A_409, %parallel_loop3A_411 : vector<16xi32>
      %parallel_loop3A_413 = arith.addi %parallel_loop3A_406, %parallel_loop3A_412 : vector<16xi32>
      %parallel_loop3A_414 = arith.constant -65536 : i32
      %parallel_loop3A_415 = vector.broadcast %parallel_loop3A_414 : i32 to vector<16xi32>
      %parallel_loop3A_416 = arith.andi %parallel_loop3A_413, %parallel_loop3A_415 : vector<16xi32>
      %parallel_loop3A_417 = vector.bitcast %parallel_loop3A_416 : vector<16xi32> to vector<16xf32>
      %parallel_loop3A_418 = arith.constant 0 : i32
      %parallel_loop3A_419 = arith.index_cast %parallel_loop3A_418 : i32 to index
      %parallel_loop3A_420 = arith.index_cast %parallel_loop3A_392 : i32 to index
      %parallel_loop3A_421 = tpu.vector_load %arg8[%parallel_loop3A_419, %parallel_loop3A_420] {strides = array<i32>} : memref<12x1280xf32, #tpu.memory_space<vmem>>, vector<16xf32>,
      tpu.vector_store %arg8[%parallel_loop3A_419, %parallel_loop3A_420], %parallel_loop3A_417 {strides = array<i32>} : memref<12x1280xf32, #tpu.memory_space<vmem>>, vector<16xf32>,
      %parallel_loop3A_422 = arith.constant 1 : i32
      %parallel_loop3A_423 = arith.index_cast %parallel_loop3A_422 : i32 to index
      %parallel_loop3A_424 = arith.index_cast %parallel_loop3A_392 : i32 to index
      %parallel_loop3A_425 = tpu.vector_load %arg8[%parallel_loop3A_423, %parallel_loop3A_424] {strides = array<i32>} : memref<12x1280xf32, #tpu.memory_space<vmem>>, vector<16xf32>,
      %parallel_loop3A_426 = arith.constant 1.024000e+02 : f32
      %parallel_loop3A_427 = vector.broadcast %parallel_loop3A_426 : f32 to vector<16xf32>
      %parallel_loop3A_428 = arith.mulf %parallel_loop3A_425, %parallel_loop3A_427 : vector<16xf32>
      %parallel_loop3A_429 = arith.constant -5.120000e+01 : f32
      %parallel_loop3A_430 = vector.broadcast %parallel_loop3A_429 : f32 to vector<16xf32>
      %parallel_loop3A_431 = arith.addf %parallel_loop3A_428, %parallel_loop3A_430 : vector<16xf32>
      %parallel_loop3A_432 = vector.bitcast %parallel_loop3A_431 : vector<16xf32> to vector<16xi32>
      %parallel_loop3A_433 = arith.constant 32767 : i32
      %parallel_loop3A_434 = vector.broadcast %parallel_loop3A_433 : i32 to vector<16xi32>
      %parallel_loop3A_435 = arith.addi %parallel_loop3A_432, %parallel_loop3A_434 : vector<16xi32>
      %parallel_loop3A_436 = arith.constant 16 : i32
      %parallel_loop3A_437 = vector.broadcast %parallel_loop3A_436 : i32 to vector<16xi32>
      %parallel_loop3A_438 = arith.shrsi %parallel_loop3A_432, %parallel_loop3A_437 : vector<16xi32>
      %parallel_loop3A_439 = arith.constant 1 : i32
      %parallel_loop3A_440 = vector.broadcast %parallel_loop3A_439 : i32 to vector<16xi32>
      %parallel_loop3A_441 = arith.andi %parallel_loop3A_438, %parallel_loop3A_440 : vector<16xi32>
      %parallel_loop3A_442 = arith.addi %parallel_loop3A_435, %parallel_loop3A_441 : vector<16xi32>
      %parallel_loop3A_443 = arith.constant -65536 : i32
      %parallel_loop3A_444 = vector.broadcast %parallel_loop3A_443 : i32 to vector<16xi32>
      %parallel_loop3A_445 = arith.andi %parallel_loop3A_442, %parallel_loop3A_444 : vector<16xi32>
      %parallel_loop3A_446 = vector.bitcast %parallel_loop3A_445 : vector<16xi32> to vector<16xf32>
      %parallel_loop3A_447 = arith.constant 1 : i32
      %parallel_loop3A_448 = arith.index_cast %parallel_loop3A_447 : i32 to index
      %parallel_loop3A_449 = arith.index_cast %parallel_loop3A_392 : i32 to index
      %parallel_loop3A_450 = tpu.vector_load %arg8[%parallel_loop3A_448, %parallel_loop3A_449] {strides = array<i32>} : memref<12x1280xf32, #tpu.memory_space<vmem>>, vector<16xf32>,
      tpu.vector_store %arg8[%parallel_loop3A_448, %parallel_loop3A_449], %parallel_loop3A_446 {strides = array<i32>} : memref<12x1280xf32, #tpu.memory_space<vmem>>, vector<16xf32>,
      %parallel_loop3A_451 = arith.constant 2 : i32
      %parallel_loop3A_452 = arith.index_cast %parallel_loop3A_451 : i32 to index
      %parallel_loop3A_453 = arith.index_cast %parallel_loop3A_392 : i32 to index
      %parallel_loop3A_454 = tpu.vector_load %arg8[%parallel_loop3A_452, %parallel_loop3A_453] {strides = array<i32>} : memref<12x1280xf32, #tpu.memory_space<vmem>>, vector<16xf32>,
      %parallel_loop3A_455 = arith.constant 1.024000e+02 : f32
      %parallel_loop3A_456 = vector.broadcast %parallel_loop3A_455 : f32 to vector<16xf32>
      %parallel_loop3A_457 = arith.mulf %parallel_loop3A_454, %parallel_loop3A_456 : vector<16xf32>
      %parallel_loop3A_458 = arith.constant -5.120000e+01 : f32
      %parallel_loop3A_459 = vector.broadcast %parallel_loop3A_458 : f32 to vector<16xf32>
      %parallel_loop3A_460 = arith.addf %parallel_loop3A_457, %parallel_loop3A_459 : vector<16xf32>
      %parallel_loop3A_461 = vector.bitcast %parallel_loop3A_460 : vector<16xf32> to vector<16xi32>
      %parallel_loop3A_462 = arith.constant 32767 : i32
      %parallel_loop3A_463 = vector.broadcast %parallel_loop3A_462 : i32 to vector<16xi32>
      %parallel_loop3A_464 = arith.addi %parallel_loop3A_461, %parallel_loop3A_463 : vector<16xi32>
      %parallel_loop3A_465 = arith.constant 16 : i32
      %parallel_loop3A_466 = vector.broadcast %parallel_loop3A_465 : i32 to vector<16xi32>
      %parallel_loop3A_467 = arith.shrsi %parallel_loop3A_461, %parallel_loop3A_466 : vector<16xi32>
      %parallel_loop3A_468 = arith.constant 1 : i32
      %parallel_loop3A_469 = vector.broadcast %parallel_loop3A_468 : i32 to vector<16xi32>
      %parallel_loop3A_470 = arith.andi %parallel_loop3A_467, %parallel_loop3A_469 : vector<16xi32>
      %parallel_loop3A_471 = arith.addi %parallel_loop3A_464, %parallel_loop3A_470 : vector<16xi32>
      %parallel_loop3A_472 = arith.constant -65536 : i32
      %parallel_loop3A_473 = vector.broadcast %parallel_loop3A_472 : i32 to vector<16xi32>
      %parallel_loop3A_474 = arith.andi %parallel_loop3A_471, %parallel_loop3A_473 : vector<16xi32>
      %parallel_loop3A_475 = vector.bitcast %parallel_loop3A_474 : vector<16xi32> to vector<16xf32>
      %parallel_loop3A_476 = arith.constant 2 : i32
      %parallel_loop3A_477 = arith.index_cast %parallel_loop3A_476 : i32 to index
      %parallel_loop3A_478 = arith.index_cast %parallel_loop3A_392 : i32 to index
      %parallel_loop3A_479 = tpu.vector_load %arg8[%parallel_loop3A_477, %parallel_loop3A_478] {strides = array<i32>} : memref<12x1280xf32, #tpu.memory_space<vmem>>, vector<16xf32>,
      tpu.vector_store %arg8[%parallel_loop3A_477, %parallel_loop3A_478], %parallel_loop3A_475 {strides = array<i32>} : memref<12x1280xf32, #tpu.memory_space<vmem>>, vector<16xf32>,
      %parallel_loop3A_480 = arith.constant 3 : i32
      %parallel_loop3A_481 = arith.index_cast %parallel_loop3A_480 : i32 to index
      %parallel_loop3A_482 = arith.index_cast %parallel_loop3A_392 : i32 to index
      %parallel_loop3A_483 = tpu.vector_load %arg8[%parallel_loop3A_481, %parallel_loop3A_482] {strides = array<i32>} : memref<12x1280xf32, #tpu.memory_space<vmem>>, vector<16xf32>,
      %parallel_loop3A_484 = arith.constant 1.024000e+02 : f32
      %parallel_loop3A_485 = vector.broadcast %parallel_loop3A_484 : f32 to vector<16xf32>
      %parallel_loop3A_486 = arith.mulf %parallel_loop3A_483, %parallel_loop3A_485 : vector<16xf32>
      %parallel_loop3A_487 = arith.constant -5.120000e+01 : f32
      %parallel_loop3A_488 = vector.broadcast %parallel_loop3A_487 : f32 to vector<16xf32>
      %parallel_loop3A_489 = arith.addf %parallel_loop3A_486, %parallel_loop3A_488 : vector<16xf32>
      %parallel_loop3A_490 = vector.bitcast %parallel_loop3A_489 : vector<16xf32> to vector<16xi32>
      %parallel_loop3A_491 = arith.constant 32767 : i32
      %parallel_loop3A_492 = vector.broadcast %parallel_loop3A_491 : i32 to vector<16xi32>
      %parallel_loop3A_493 = arith.addi %parallel_loop3A_490, %parallel_loop3A_492 : vector<16xi32>
      %parallel_loop3A_494 = arith.constant 16 : i32
      %parallel_loop3A_495 = vector.broadcast %parallel_loop3A_494 : i32 to vector<16xi32>
      %parallel_loop3A_496 = arith.shrsi %parallel_loop3A_490, %parallel_loop3A_495 : vector<16xi32>
      %parallel_loop3A_497 = arith.constant 1 : i32
      %parallel_loop3A_498 = vector.broadcast %parallel_loop3A_497 : i32 to vector<16xi32>
      %parallel_loop3A_499 = arith.andi %parallel_loop3A_496, %parallel_loop3A_498 : vector<16xi32>
      %parallel_loop3A_500 = arith.addi %parallel_loop3A_493, %parallel_loop3A_499 : vector<16xi32>
      %parallel_loop3A_501 = arith.constant -65536 : i32
      %parallel_loop3A_502 = vector.broadcast %parallel_loop3A_501 : i32 to vector<16xi32>
      %parallel_loop3A_503 = arith.andi %parallel_loop3A_500, %parallel_loop3A_502 : vector<16xi32>
      %parallel_loop3A_504 = vector.bitcast %parallel_loop3A_503 : vector<16xi32> to vector<16xf32>
      %parallel_loop3A_505 = arith.constant 3 : i32
      %parallel_loop3A_506 = arith.index_cast %parallel_loop3A_505 : i32 to index
      %parallel_loop3A_507 = arith.index_cast %parallel_loop3A_392 : i32 to index
      %parallel_loop3A_508 = tpu.vector_load %arg8[%parallel_loop3A_506, %parallel_loop3A_507] {strides = array<i32>} : memref<12x1280xf32, #tpu.memory_space<vmem>>, vector<16xf32>,
      tpu.vector_store %arg8[%parallel_loop3A_506, %parallel_loop3A_507], %parallel_loop3A_504 {strides = array<i32>} : memref<12x1280xf32, #tpu.memory_space<vmem>>, vector<16xf32>,
      %parallel_loop3A_509 = arith.constant 4 : i32
      %parallel_loop3A_510 = arith.index_cast %parallel_loop3A_509 : i32 to index
      %parallel_loop3A_511 = arith.index_cast %parallel_loop3A_392 : i32 to index
      %parallel_loop3A_512 = tpu.vector_load %arg8[%parallel_loop3A_510, %parallel_loop3A_511] {strides = array<i32>} : memref<12x1280xf32, #tpu.memory_space<vmem>>, vector<16xf32>,
      %parallel_loop3A_513 = arith.constant 1.024000e+02 : f32
      %parallel_loop3A_514 = vector.broadcast %parallel_loop3A_513 : f32 to vector<16xf32>
      %parallel_loop3A_515 = arith.mulf %parallel_loop3A_512, %parallel_loop3A_514 : vector<16xf32>
      %parallel_loop3A_516 = arith.constant -5.120000e+01 : f32
      %parallel_loop3A_517 = vector.broadcast %parallel_loop3A_516 : f32 to vector<16xf32>
      %parallel_loop3A_518 = arith.addf %parallel_loop3A_515, %parallel_loop3A_517 : vector<16xf32>
      %parallel_loop3A_519 = vector.bitcast %parallel_loop3A_518 : vector<16xf32> to vector<16xi32>
      %parallel_loop3A_520 = arith.constant 32767 : i32
      %parallel_loop3A_521 = vector.broadcast %parallel_loop3A_520 : i32 to vector<16xi32>
      %parallel_loop3A_522 = arith.addi %parallel_loop3A_519, %parallel_loop3A_521 : vector<16xi32>
      %parallel_loop3A_523 = arith.constant 16 : i32
      %parallel_loop3A_524 = vector.broadcast %parallel_loop3A_523 : i32 to vector<16xi32>
      %parallel_loop3A_525 = arith.shrsi %parallel_loop3A_519, %parallel_loop3A_524 : vector<16xi32>
      %parallel_loop3A_526 = arith.constant 1 : i32
      %parallel_loop3A_527 = vector.broadcast %parallel_loop3A_526 : i32 to vector<16xi32>
      %parallel_loop3A_528 = arith.andi %parallel_loop3A_525, %parallel_loop3A_527 : vector<16xi32>
      %parallel_loop3A_529 = arith.addi %parallel_loop3A_522, %parallel_loop3A_528 : vector<16xi32>
      %parallel_loop3A_530 = arith.constant -65536 : i32
      %parallel_loop3A_531 = vector.broadcast %parallel_loop3A_530 : i32 to vector<16xi32>
      %parallel_loop3A_532 = arith.andi %parallel_loop3A_529, %parallel_loop3A_531 : vector<16xi32>
      %parallel_loop3A_533 = vector.bitcast %parallel_loop3A_532 : vector<16xi32> to vector<16xf32>
      %parallel_loop3A_534 = arith.constant 4 : i32
      %parallel_loop3A_535 = arith.index_cast %parallel_loop3A_534 : i32 to index
      %parallel_loop3A_536 = arith.index_cast %parallel_loop3A_392 : i32 to index
      %parallel_loop3A_537 = tpu.vector_load %arg8[%parallel_loop3A_535, %parallel_loop3A_536] {strides = array<i32>} : memref<12x1280xf32, #tpu.memory_space<vmem>>, vector<16xf32>,
      tpu.vector_store %arg8[%parallel_loop3A_535, %parallel_loop3A_536], %parallel_loop3A_533 {strides = array<i32>} : memref<12x1280xf32, #tpu.memory_space<vmem>>, vector<16xf32>,
      %parallel_loop3A_538 = arith.constant 5 : i32
      %parallel_loop3A_539 = arith.index_cast %parallel_loop3A_538 : i32 to index
      %parallel_loop3A_540 = arith.index_cast %parallel_loop3A_392 : i32 to index
      %parallel_loop3A_541 = tpu.vector_load %arg8[%parallel_loop3A_539, %parallel_loop3A_540] {strides = array<i32>} : memref<12x1280xf32, #tpu.memory_space<vmem>>, vector<16xf32>,
      %parallel_loop3A_542 = arith.constant 1.024000e+02 : f32
      %parallel_loop3A_543 = vector.broadcast %parallel_loop3A_542 : f32 to vector<16xf32>
      %parallel_loop3A_544 = arith.mulf %parallel_loop3A_541, %parallel_loop3A_543 : vector<16xf32>
      %parallel_loop3A_545 = arith.constant -5.120000e+01 : f32
      %parallel_loop3A_546 = vector.broadcast %parallel_loop3A_545 : f32 to vector<16xf32>
      %parallel_loop3A_547 = arith.addf %parallel_loop3A_544, %parallel_loop3A_546 : vector<16xf32>
      %parallel_loop3A_548 = vector.bitcast %parallel_loop3A_547 : vector<16xf32> to vector<16xi32>
      %parallel_loop3A_549 = arith.constant 32767 : i32
      %parallel_loop3A_550 = vector.broadcast %parallel_loop3A_549 : i32 to vector<16xi32>
      %parallel_loop3A_551 = arith.addi %parallel_loop3A_548, %parallel_loop3A_550 : vector<16xi32>
      %parallel_loop3A_552 = arith.constant 16 : i32
      %parallel_loop3A_553 = vector.broadcast %parallel_loop3A_552 : i32 to vector<16xi32>
      %parallel_loop3A_554 = arith.shrsi %parallel_loop3A_548, %parallel_loop3A_553 : vector<16xi32>
      %parallel_loop3A_555 = arith.constant 1 : i32
      %parallel_loop3A_556 = vector.broadcast %parallel_loop3A_555 : i32 to vector<16xi32>
      %parallel_loop3A_557 = arith.andi %parallel_loop3A_554, %parallel_loop3A_556 : vector<16xi32>
      %parallel_loop3A_558 = arith.addi %parallel_loop3A_551, %parallel_loop3A_557 : vector<16xi32>
      %parallel_loop3A_559 = arith.constant -65536 : i32
      %parallel_loop3A_560 = vector.broadcast %parallel_loop3A_559 : i32 to vector<16xi32>
      %parallel_loop3A_561 = arith.andi %parallel_loop3A_558, %parallel_loop3A_560 : vector<16xi32>
      %parallel_loop3A_562 = vector.bitcast %parallel_loop3A_561 : vector<16xi32> to vector<16xf32>
      %parallel_loop3A_563 = arith.constant 5 : i32
      %parallel_loop3A_564 = arith.index_cast %parallel_loop3A_563 : i32 to index
      %parallel_loop3A_565 = arith.index_cast %parallel_loop3A_392 : i32 to index
      %parallel_loop3A_566 = tpu.vector_load %arg8[%parallel_loop3A_564, %parallel_loop3A_565] {strides = array<i32>} : memref<12x1280xf32, #tpu.memory_space<vmem>>, vector<16xf32>,
      tpu.vector_store %arg8[%parallel_loop3A_564, %parallel_loop3A_565], %parallel_loop3A_562 {strides = array<i32>} : memref<12x1280xf32, #tpu.memory_space<vmem>>, vector<16xf32>,
      %parallel_loop3A_567 = arith.constant 6 : i32
      %parallel_loop3A_568 = arith.index_cast %parallel_loop3A_567 : i32 to index
      %parallel_loop3A_569 = arith.index_cast %parallel_loop3A_392 : i32 to index
      %parallel_loop3A_570 = tpu.vector_load %arg8[%parallel_loop3A_568, %parallel_loop3A_569] {strides = array<i32>} : memref<12x1280xf32, #tpu.memory_space<vmem>>, vector<16xf32>,
      %parallel_loop3A_571 = arith.constant 1.024000e+02 : f32
      %parallel_loop3A_572 = vector.broadcast %parallel_loop3A_571 : f32 to vector<16xf32>
      %parallel_loop3A_573 = arith.mulf %parallel_loop3A_570, %parallel_loop3A_572 : vector<16xf32>
      %parallel_loop3A_574 = arith.constant -5.120000e+01 : f32
      %parallel_loop3A_575 = vector.broadcast %parallel_loop3A_574 : f32 to vector<16xf32>
      %parallel_loop3A_576 = arith.addf %parallel_loop3A_573, %parallel_loop3A_575 : vector<16xf32>
      %parallel_loop3A_577 = vector.bitcast %parallel_loop3A_576 : vector<16xf32> to vector<16xi32>
      %parallel_loop3A_578 = arith.constant 32767 : i32
      %parallel_loop3A_579 = vector.broadcast %parallel_loop3A_578 : i32 to vector<16xi32>
      %parallel_loop3A_580 = arith.addi %parallel_loop3A_577, %parallel_loop3A_579 : vector<16xi32>
      %parallel_loop3A_581 = arith.constant 16 : i32
      %parallel_loop3A_582 = vector.broadcast %parallel_loop3A_581 : i32 to vector<16xi32>
      %parallel_loop3A_583 = arith.shrsi %parallel_loop3A_577, %parallel_loop3A_582 : vector<16xi32>
      %parallel_loop3A_584 = arith.constant 1 : i32
      %parallel_loop3A_585 = vector.broadcast %parallel_loop3A_584 : i32 to vector<16xi32>
      %parallel_loop3A_586 = arith.andi %parallel_loop3A_583, %parallel_loop3A_585 : vector<16xi32>
      %parallel_loop3A_587 = arith.addi %parallel_loop3A_580, %parallel_loop3A_586 : vector<16xi32>
      %parallel_loop3A_588 = arith.constant -65536 : i32
      %parallel_loop3A_589 = vector.broadcast %parallel_loop3A_588 : i32 to vector<16xi32>
      %parallel_loop3A_590 = arith.andi %parallel_loop3A_587, %parallel_loop3A_589 : vector<16xi32>
      %parallel_loop3A_591 = vector.bitcast %parallel_loop3A_590 : vector<16xi32> to vector<16xf32>
      %parallel_loop3A_592 = arith.constant 6 : i32
      %parallel_loop3A_593 = arith.index_cast %parallel_loop3A_592 : i32 to index
      %parallel_loop3A_594 = arith.index_cast %parallel_loop3A_392 : i32 to index
      %parallel_loop3A_595 = tpu.vector_load %arg8[%parallel_loop3A_593, %parallel_loop3A_594] {strides = array<i32>} : memref<12x1280xf32, #tpu.memory_space<vmem>>, vector<16xf32>,
      tpu.vector_store %arg8[%parallel_loop3A_593, %parallel_loop3A_594], %parallel_loop3A_591 {strides = array<i32>} : memref<12x1280xf32, #tpu.memory_space<vmem>>, vector<16xf32>,
      %parallel_loop3A_596 = arith.constant 7 : i32
      %parallel_loop3A_597 = arith.index_cast %parallel_loop3A_596 : i32 to index
      %parallel_loop3A_598 = arith.index_cast %parallel_loop3A_392 : i32 to index
      %parallel_loop3A_599 = tpu.vector_load %arg8[%parallel_loop3A_597, %parallel_loop3A_598] {strides = array<i32>} : memref<12x1280xf32, #tpu.memory_space<vmem>>, vector<16xf32>,
      %parallel_loop3A_600 = arith.constant 1.024000e+02 : f32
      %parallel_loop3A_601 = vector.broadcast %parallel_loop3A_600 : f32 to vector<16xf32>
      %parallel_loop3A_602 = arith.mulf %parallel_loop3A_599, %parallel_loop3A_601 : vector<16xf32>
      %parallel_loop3A_603 = arith.constant -5.120000e+01 : f32
      %parallel_loop3A_604 = vector.broadcast %parallel_loop3A_603 : f32 to vector<16xf32>
      %parallel_loop3A_605 = arith.addf %parallel_loop3A_602, %parallel_loop3A_604 : vector<16xf32>
      %parallel_loop3A_606 = vector.bitcast %parallel_loop3A_605 : vector<16xf32> to vector<16xi32>
      %parallel_loop3A_607 = arith.constant 32767 : i32
      %parallel_loop3A_608 = vector.broadcast %parallel_loop3A_607 : i32 to vector<16xi32>
      %parallel_loop3A_609 = arith.addi %parallel_loop3A_606, %parallel_loop3A_608 : vector<16xi32>
      %parallel_loop3A_610 = arith.constant 16 : i32
      %parallel_loop3A_611 = vector.broadcast %parallel_loop3A_610 : i32 to vector<16xi32>
      %parallel_loop3A_612 = arith.shrsi %parallel_loop3A_606, %parallel_loop3A_611 : vector<16xi32>
      %parallel_loop3A_613 = arith.constant 1 : i32
      %parallel_loop3A_614 = vector.broadcast %parallel_loop3A_613 : i32 to vector<16xi32>
      %parallel_loop3A_615 = arith.andi %parallel_loop3A_612, %parallel_loop3A_614 : vector<16xi32>
      %parallel_loop3A_616 = arith.addi %parallel_loop3A_609, %parallel_loop3A_615 : vector<16xi32>
      %parallel_loop3A_617 = arith.constant -65536 : i32
      %parallel_loop3A_618 = vector.broadcast %parallel_loop3A_617 : i32 to vector<16xi32>
      %parallel_loop3A_619 = arith.andi %parallel_loop3A_616, %parallel_loop3A_618 : vector<16xi32>
      %parallel_loop3A_620 = vector.bitcast %parallel_loop3A_619 : vector<16xi32> to vector<16xf32>
      %parallel_loop3A_621 = arith.constant 7 : i32
      %parallel_loop3A_622 = arith.index_cast %parallel_loop3A_621 : i32 to index
      %parallel_loop3A_623 = arith.index_cast %parallel_loop3A_392 : i32 to index
      %parallel_loop3A_624 = tpu.vector_load %arg8[%parallel_loop3A_622, %parallel_loop3A_623] {strides = array<i32>} : memref<12x1280xf32, #tpu.memory_space<vmem>>, vector<16xf32>,
      tpu.vector_store %arg8[%parallel_loop3A_622, %parallel_loop3A_623], %parallel_loop3A_620 {strides = array<i32>} : memref<12x1280xf32, #tpu.memory_space<vmem>>, vector<16xf32>,
      %parallel_loop3A_625 = arith.constant 8 : i32
      %parallel_loop3A_626 = arith.index_cast %parallel_loop3A_625 : i32 to index
      %parallel_loop3A_627 = arith.index_cast %parallel_loop3A_392 : i32 to index
      %parallel_loop3A_628 = tpu.vector_load %arg8[%parallel_loop3A_626, %parallel_loop3A_627] {strides = array<i32>} : memref<12x1280xf32, #tpu.memory_space<vmem>>, vector<16xf32>,
      %parallel_loop3A_629 = arith.constant 8.000000e+00 : f32
      %parallel_loop3A_630 = vector.broadcast %parallel_loop3A_629 : f32 to vector<16xf32>
      %parallel_loop3A_631 = arith.mulf %parallel_loop3A_628, %parallel_loop3A_630 : vector<16xf32>
      %parallel_loop3A_632 = arith.constant -5.000000e+00 : f32
      %parallel_loop3A_633 = vector.broadcast %parallel_loop3A_632 : f32 to vector<16xf32>
      %parallel_loop3A_634 = arith.addf %parallel_loop3A_631, %parallel_loop3A_633 : vector<16xf32>
      %parallel_loop3A_635 = vector.bitcast %parallel_loop3A_634 : vector<16xf32> to vector<16xi32>
      %parallel_loop3A_636 = arith.constant 32767 : i32
      %parallel_loop3A_637 = vector.broadcast %parallel_loop3A_636 : i32 to vector<16xi32>
      %parallel_loop3A_638 = arith.addi %parallel_loop3A_635, %parallel_loop3A_637 : vector<16xi32>
      %parallel_loop3A_639 = arith.constant 16 : i32
      %parallel_loop3A_640 = vector.broadcast %parallel_loop3A_639 : i32 to vector<16xi32>
      %parallel_loop3A_641 = arith.shrsi %parallel_loop3A_635, %parallel_loop3A_640 : vector<16xi32>
      %parallel_loop3A_642 = arith.constant 1 : i32
      %parallel_loop3A_643 = vector.broadcast %parallel_loop3A_642 : i32 to vector<16xi32>
      %parallel_loop3A_644 = arith.andi %parallel_loop3A_641, %parallel_loop3A_643 : vector<16xi32>
      %parallel_loop3A_645 = arith.addi %parallel_loop3A_638, %parallel_loop3A_644 : vector<16xi32>
      %parallel_loop3A_646 = arith.constant -65536 : i32
      %parallel_loop3A_647 = vector.broadcast %parallel_loop3A_646 : i32 to vector<16xi32>
      %parallel_loop3A_648 = arith.andi %parallel_loop3A_645, %parallel_loop3A_647 : vector<16xi32>
      %parallel_loop3A_649 = vector.bitcast %parallel_loop3A_648 : vector<16xi32> to vector<16xf32>
      %parallel_loop3A_650 = arith.constant 8 : i32
      %parallel_loop3A_651 = arith.index_cast %parallel_loop3A_650 : i32 to index
      %parallel_loop3A_652 = arith.index_cast %parallel_loop3A_392 : i32 to index
      %parallel_loop3A_653 = tpu.vector_load %arg8[%parallel_loop3A_651, %parallel_loop3A_652] {strides = array<i32>} : memref<12x1280xf32, #tpu.memory_space<vmem>>, vector<16xf32>,
      tpu.vector_store %arg8[%parallel_loop3A_651, %parallel_loop3A_652], %parallel_loop3A_649 {strides = array<i32>} : memref<12x1280xf32, #tpu.memory_space<vmem>>, vector<16xf32>,
      %parallel_loop3A_654 = arith.constant 9 : i32
      %parallel_loop3A_655 = arith.index_cast %parallel_loop3A_654 : i32 to index
      %parallel_loop3A_656 = arith.index_cast %parallel_loop3A_392 : i32 to index
      %parallel_loop3A_657 = tpu.vector_load %arg8[%parallel_loop3A_655, %parallel_loop3A_656] {strides = array<i32>} : memref<12x1280xf32, #tpu.memory_space<vmem>>, vector<16xf32>,
      %parallel_loop3A_658 = arith.constant 8.000000e+00 : f32
      %parallel_loop3A_659 = vector.broadcast %parallel_loop3A_658 : f32 to vector<16xf32>
      %parallel_loop3A_660 = arith.mulf %parallel_loop3A_657, %parallel_loop3A_659 : vector<16xf32>
      %parallel_loop3A_661 = arith.constant -5.000000e+00 : f32
      %parallel_loop3A_662 = vector.broadcast %parallel_loop3A_661 : f32 to vector<16xf32>
      %parallel_loop3A_663 = arith.addf %parallel_loop3A_660, %parallel_loop3A_662 : vector<16xf32>
      %parallel_loop3A_664 = vector.bitcast %parallel_loop3A_663 : vector<16xf32> to vector<16xi32>
      %parallel_loop3A_665 = arith.constant 32767 : i32
      %parallel_loop3A_666 = vector.broadcast %parallel_loop3A_665 : i32 to vector<16xi32>
      %parallel_loop3A_667 = arith.addi %parallel_loop3A_664, %parallel_loop3A_666 : vector<16xi32>
      %parallel_loop3A_668 = arith.constant 16 : i32
      %parallel_loop3A_669 = vector.broadcast %parallel_loop3A_668 : i32 to vector<16xi32>
      %parallel_loop3A_670 = arith.shrsi %parallel_loop3A_664, %parallel_loop3A_669 : vector<16xi32>
      %parallel_loop3A_671 = arith.constant 1 : i32
      %parallel_loop3A_672 = vector.broadcast %parallel_loop3A_671 : i32 to vector<16xi32>
      %parallel_loop3A_673 = arith.andi %parallel_loop3A_670, %parallel_loop3A_672 : vector<16xi32>
      %parallel_loop3A_674 = arith.addi %parallel_loop3A_667, %parallel_loop3A_673 : vector<16xi32>
      %parallel_loop3A_675 = arith.constant -65536 : i32
      %parallel_loop3A_676 = vector.broadcast %parallel_loop3A_675 : i32 to vector<16xi32>
      %parallel_loop3A_677 = arith.andi %parallel_loop3A_674, %parallel_loop3A_676 : vector<16xi32>
      %parallel_loop3A_678 = vector.bitcast %parallel_loop3A_677 : vector<16xi32> to vector<16xf32>
      %parallel_loop3A_679 = arith.constant 9 : i32
      %parallel_loop3A_680 = arith.index_cast %parallel_loop3A_679 : i32 to index
      %parallel_loop3A_681 = arith.index_cast %parallel_loop3A_392 : i32 to index
      %parallel_loop3A_682 = tpu.vector_load %arg8[%parallel_loop3A_680, %parallel_loop3A_681] {strides = array<i32>} : memref<12x1280xf32, #tpu.memory_space<vmem>>, vector<16xf32>,
      tpu.vector_store %arg8[%parallel_loop3A_680, %parallel_loop3A_681], %parallel_loop3A_678 {strides = array<i32>} : memref<12x1280xf32, #tpu.memory_space<vmem>>, vector<16xf32>,
      %parallel_loop3A_683 = arith.constant 10 : i32
      %parallel_loop3A_684 = arith.index_cast %parallel_loop3A_683 : i32 to index
      %parallel_loop3A_685 = arith.index_cast %parallel_loop3A_392 : i32 to index
      %parallel_loop3A_686 = tpu.vector_load %arg8[%parallel_loop3A_684, %parallel_loop3A_685] {strides = array<i32>} : memref<12x1280xf32, #tpu.memory_space<vmem>>, vector<16xf32>,
      %parallel_loop3A_687 = arith.constant 8.000000e+00 : f32
      %parallel_loop3A_688 = vector.broadcast %parallel_loop3A_687 : f32 to vector<16xf32>
      %parallel_loop3A_689 = arith.mulf %parallel_loop3A_686, %parallel_loop3A_688 : vector<16xf32>
      %parallel_loop3A_690 = arith.constant -5.000000e+00 : f32
      %parallel_loop3A_691 = vector.broadcast %parallel_loop3A_690 : f32 to vector<16xf32>
      %parallel_loop3A_692 = arith.addf %parallel_loop3A_689, %parallel_loop3A_691 : vector<16xf32>
      %parallel_loop3A_693 = vector.bitcast %parallel_loop3A_692 : vector<16xf32> to vector<16xi32>
      %parallel_loop3A_694 = arith.constant 32767 : i32
      %parallel_loop3A_695 = vector.broadcast %parallel_loop3A_694 : i32 to vector<16xi32>
      %parallel_loop3A_696 = arith.addi %parallel_loop3A_693, %parallel_loop3A_695 : vector<16xi32>
      %parallel_loop3A_697 = arith.constant 16 : i32
      %parallel_loop3A_698 = vector.broadcast %parallel_loop3A_697 : i32 to vector<16xi32>
      %parallel_loop3A_699 = arith.shrsi %parallel_loop3A_693, %parallel_loop3A_698 : vector<16xi32>
      %parallel_loop3A_700 = arith.constant 1 : i32
      %parallel_loop3A_701 = vector.broadcast %parallel_loop3A_700 : i32 to vector<16xi32>
      %parallel_loop3A_702 = arith.andi %parallel_loop3A_699, %parallel_loop3A_701 : vector<16xi32>
      %parallel_loop3A_703 = arith.addi %parallel_loop3A_696, %parallel_loop3A_702 : vector<16xi32>
      %parallel_loop3A_704 = arith.constant -65536 : i32
      %parallel_loop3A_705 = vector.broadcast %parallel_loop3A_704 : i32 to vector<16xi32>
      %parallel_loop3A_706 = arith.andi %parallel_loop3A_703, %parallel_loop3A_705 : vector<16xi32>
      %parallel_loop3A_707 = vector.bitcast %parallel_loop3A_706 : vector<16xi32> to vector<16xf32>
      %parallel_loop3A_708 = arith.constant 10 : i32
      %parallel_loop3A_709 = arith.index_cast %parallel_loop3A_708 : i32 to index
      %parallel_loop3A_710 = arith.index_cast %parallel_loop3A_392 : i32 to index
      %parallel_loop3A_711 = tpu.vector_load %arg8[%parallel_loop3A_709, %parallel_loop3A_710] {strides = array<i32>} : memref<12x1280xf32, #tpu.memory_space<vmem>>, vector<16xf32>,
      tpu.vector_store %arg8[%parallel_loop3A_709, %parallel_loop3A_710], %parallel_loop3A_707 {strides = array<i32>} : memref<12x1280xf32, #tpu.memory_space<vmem>>, vector<16xf32>,
      %parallel_loop3A_712 = arith.constant 11 : i32
      %parallel_loop3A_713 = arith.index_cast %parallel_loop3A_712 : i32 to index
      %parallel_loop3A_714 = arith.index_cast %parallel_loop3A_392 : i32 to index
      %parallel_loop3A_715 = tpu.vector_load %arg8[%parallel_loop3A_713, %parallel_loop3A_714] {strides = array<i32>} : memref<12x1280xf32, #tpu.memory_space<vmem>>, vector<16xf32>,
      %parallel_loop3A_716 = arith.constant 8.000000e+00 : f32
      %parallel_loop3A_717 = vector.broadcast %parallel_loop3A_716 : f32 to vector<16xf32>
      %parallel_loop3A_718 = arith.mulf %parallel_loop3A_715, %parallel_loop3A_717 : vector<16xf32>
      %parallel_loop3A_719 = arith.constant -5.000000e+00 : f32
      %parallel_loop3A_720 = vector.broadcast %parallel_loop3A_719 : f32 to vector<16xf32>
      %parallel_loop3A_721 = arith.addf %parallel_loop3A_718, %parallel_loop3A_720 : vector<16xf32>
      %parallel_loop3A_722 = vector.bitcast %parallel_loop3A_721 : vector<16xf32> to vector<16xi32>
      %parallel_loop3A_723 = arith.constant 32767 : i32
      %parallel_loop3A_724 = vector.broadcast %parallel_loop3A_723 : i32 to vector<16xi32>
      %parallel_loop3A_725 = arith.addi %parallel_loop3A_722, %parallel_loop3A_724 : vector<16xi32>
      %parallel_loop3A_726 = arith.constant 16 : i32
      %parallel_loop3A_727 = vector.broadcast %parallel_loop3A_726 : i32 to vector<16xi32>
      %parallel_loop3A_728 = arith.shrsi %parallel_loop3A_722, %parallel_loop3A_727 : vector<16xi32>
      %parallel_loop3A_729 = arith.constant 1 : i32
      %parallel_loop3A_730 = vector.broadcast %parallel_loop3A_729 : i32 to vector<16xi32>
      %parallel_loop3A_731 = arith.andi %parallel_loop3A_728, %parallel_loop3A_730 : vector<16xi32>
      %parallel_loop3A_732 = arith.addi %parallel_loop3A_725, %parallel_loop3A_731 : vector<16xi32>
      %parallel_loop3A_733 = arith.constant -65536 : i32
      %parallel_loop3A_734 = vector.broadcast %parallel_loop3A_733 : i32 to vector<16xi32>
      %parallel_loop3A_735 = arith.andi %parallel_loop3A_732, %parallel_loop3A_734 : vector<16xi32>
      %parallel_loop3A_736 = vector.bitcast %parallel_loop3A_735 : vector<16xi32> to vector<16xf32>
      %parallel_loop3A_737 = arith.constant 11 : i32
      %parallel_loop3A_738 = arith.index_cast %parallel_loop3A_737 : i32 to index
      %parallel_loop3A_739 = arith.index_cast %parallel_loop3A_392 : i32 to index
      %parallel_loop3A_740 = tpu.vector_load %arg8[%parallel_loop3A_738, %parallel_loop3A_739] {strides = array<i32>} : memref<12x1280xf32, #tpu.memory_space<vmem>>, vector<16xf32>,
      tpu.vector_store %arg8[%parallel_loop3A_738, %parallel_loop3A_739], %parallel_loop3A_736 {strides = array<i32>} : memref<12x1280xf32, #tpu.memory_space<vmem>>, vector<16xf32>,
    } {sc.loop_unroll_factor = 1 : i64, sc.parallel_access}
    %get3A = arith.constant 0 : index
    %get3A_243 = tpu.vector_load %arg9[%get3A] {strides = array<i32>} : memref<1152xf32, #tpu.memory_space<vmem>>, vector<16xf32>,
    %get3A_244 = arith.constant 16 : index
    %get3A_245 = tpu.vector_load %arg9[%get3A_244] {strides = array<i32>} : memref<1152xf32, #tpu.memory_space<vmem>>, vector<16xf32>,
    %get3A_246 = arith.constant 32 : index
    %get3A_247 = tpu.vector_load %arg9[%get3A_246] {strides = array<i32>} : memref<1152xf32, #tpu.memory_space<vmem>>, vector<16xf32>,
    %get3A_248 = arith.constant 48 : index
    %get3A_249 = tpu.vector_load %arg9[%get3A_248] {strides = array<i32>} : memref<1152xf32, #tpu.memory_space<vmem>>, vector<16xf32>,
    %get3A_250 = arith.constant 64 : index
    %get3A_251 = tpu.vector_load %arg9[%get3A_250] {strides = array<i32>} : memref<1152xf32, #tpu.memory_space<vmem>>, vector<16xf32>,
    %get3A_252 = arith.constant 80 : index
    %get3A_253 = tpu.vector_load %arg9[%get3A_252] {strides = array<i32>} : memref<1152xf32, #tpu.memory_space<vmem>>, vector<16xf32>,
    %get3A_254 = arith.constant 96 : index
    %get3A_255 = tpu.vector_load %arg9[%get3A_254] {strides = array<i32>} : memref<1152xf32, #tpu.memory_space<vmem>>, vector<16xf32>,
    %get3A_256 = arith.constant 112 : index
    %get3A_257 = tpu.vector_load %arg9[%get3A_256] {strides = array<i32>} : memref<1152xf32, #tpu.memory_space<vmem>>, vector<16xf32>,
    %get3A_258 = arith.constant 128 : index
    %get3A_259 = tpu.vector_load %arg9[%get3A_258] {strides = array<i32>} : memref<1152xf32, #tpu.memory_space<vmem>>, vector<16xf32>,
    %get3A_260 = arith.constant 144 : index
    %get3A_261 = tpu.vector_load %arg9[%get3A_260] {strides = array<i32>} : memref<1152xf32, #tpu.memory_space<vmem>>, vector<16xf32>,
    %get3A_262 = arith.constant 160 : index
    %get3A_263 = tpu.vector_load %arg9[%get3A_262] {strides = array<i32>} : memref<1152xf32, #tpu.memory_space<vmem>>, vector<16xf32>,
    %get3A_264 = arith.constant 176 : index
    %get3A_265 = tpu.vector_load %arg9[%get3A_264] {strides = array<i32>} : memref<1152xf32, #tpu.memory_space<vmem>>, vector<16xf32>,
    %get3A_266 = arith.constant 192 : index
    %get3A_267 = tpu.vector_load %arg9[%get3A_266] {strides = array<i32>} : memref<1152xf32, #tpu.memory_space<vmem>>, vector<16xf32>,
    %get3A_268 = arith.constant 208 : index
    %get3A_269 = tpu.vector_load %arg9[%get3A_268] {strides = array<i32>} : memref<1152xf32, #tpu.memory_space<vmem>>, vector<16xf32>,
    %get3A_270 = arith.constant 224 : index
    %get3A_271 = tpu.vector_load %arg9[%get3A_270] {strides = array<i32>} : memref<1152xf32, #tpu.memory_space<vmem>>, vector<16xf32>,
    %get3A_272 = arith.constant 240 : index
    %get3A_273 = tpu.vector_load %arg9[%get3A_272] {strides = array<i32>} : memref<1152xf32, #tpu.memory_space<vmem>>, vector<16xf32>,
    %get3A_274 = arith.constant 256 : index
    %get3A_275 = tpu.vector_load %arg9[%get3A_274] {strides = array<i32>} : memref<1152xf32, #tpu.memory_space<vmem>>, vector<16xf32>,
    %get3A_276 = arith.constant 272 : index
    %get3A_277 = tpu.vector_load %arg9[%get3A_276] {strides = array<i32>} : memref<1152xf32, #tpu.memory_space<vmem>>, vector<16xf32>,
    %get3A_278 = arith.constant 288 : index
    %get3A_279 = tpu.vector_load %arg9[%get3A_278] {strides = array<i32>} : memref<1152xf32, #tpu.memory_space<vmem>>, vector<16xf32>,
    %get3A_280 = arith.constant 304 : index
    %get3A_281 = tpu.vector_load %arg9[%get3A_280] {strides = array<i32>} : memref<1152xf32, #tpu.memory_space<vmem>>, vector<16xf32>,
    %get3A_282 = arith.constant 320 : index
    %get3A_283 = tpu.vector_load %arg9[%get3A_282] {strides = array<i32>} : memref<1152xf32, #tpu.memory_space<vmem>>, vector<16xf32>,
    %get3A_284 = arith.constant 336 : index
    %get3A_285 = tpu.vector_load %arg9[%get3A_284] {strides = array<i32>} : memref<1152xf32, #tpu.memory_space<vmem>>, vector<16xf32>,
    %get3A_286 = arith.constant 352 : index
    %get3A_287 = tpu.vector_load %arg9[%get3A_286] {strides = array<i32>} : memref<1152xf32, #tpu.memory_space<vmem>>, vector<16xf32>,
    %get3A_288 = arith.constant 368 : index
    %get3A_289 = tpu.vector_load %arg9[%get3A_288] {strides = array<i32>} : memref<1152xf32, #tpu.memory_space<vmem>>, vector<16xf32>,
    %get3A_290 = arith.constant 384 : index
    %get3A_291 = tpu.vector_load %arg9[%get3A_290] {strides = array<i32>} : memref<1152xf32, #tpu.memory_space<vmem>>, vector<16xf32>,
    %get3A_292 = arith.constant 400 : index
    %get3A_293 = tpu.vector_load %arg9[%get3A_292] {strides = array<i32>} : memref<1152xf32, #tpu.memory_space<vmem>>, vector<16xf32>,
    %get3A_294 = arith.constant 416 : index
    %get3A_295 = tpu.vector_load %arg9[%get3A_294] {strides = array<i32>} : memref<1152xf32, #tpu.memory_space<vmem>>, vector<16xf32>,
    %get3A_296 = arith.constant 432 : index
    %get3A_297 = tpu.vector_load %arg9[%get3A_296] {strides = array<i32>} : memref<1152xf32, #tpu.memory_space<vmem>>, vector<16xf32>,
    %get3A_298 = arith.constant 448 : index
    %get3A_299 = tpu.vector_load %arg9[%get3A_298] {strides = array<i32>} : memref<1152xf32, #tpu.memory_space<vmem>>, vector<16xf32>,
    %get3A_300 = arith.constant 464 : index
    %get3A_301 = tpu.vector_load %arg9[%get3A_300] {strides = array<i32>} : memref<1152xf32, #tpu.memory_space<vmem>>, vector<16xf32>,
    %get3A_302 = arith.constant 480 : index
    %get3A_303 = tpu.vector_load %arg9[%get3A_302] {strides = array<i32>} : memref<1152xf32, #tpu.memory_space<vmem>>, vector<16xf32>,
    %get3A_304 = arith.constant 496 : index
    %get3A_305 = tpu.vector_load %arg9[%get3A_304] {strides = array<i32>} : memref<1152xf32, #tpu.memory_space<vmem>>, vector<16xf32>,
    %get3A_306 = arith.constant 512 : index
    %get3A_307 = tpu.vector_load %arg9[%get3A_306] {strides = array<i32>} : memref<1152xf32, #tpu.memory_space<vmem>>, vector<16xf32>,
    %get3A_308 = arith.constant 528 : index
    %get3A_309 = tpu.vector_load %arg9[%get3A_308] {strides = array<i32>} : memref<1152xf32, #tpu.memory_space<vmem>>, vector<16xf32>,
    %get3A_310 = arith.constant 544 : index
    %get3A_311 = tpu.vector_load %arg9[%get3A_310] {strides = array<i32>} : memref<1152xf32, #tpu.memory_space<vmem>>, vector<16xf32>,
    %get3A_312 = arith.constant 560 : index
    %get3A_313 = tpu.vector_load %arg9[%get3A_312] {strides = array<i32>} : memref<1152xf32, #tpu.memory_space<vmem>>, vector<16xf32>,
    %parallel_loop3A_314 = arith.constant 0 : i32
    %parallel_loop3A_315 = arith.constant 1280 : i32
    %parallel_loop3A_316 = arith.constant 16 : i32
    scf.for %parallel_loop3A_392 = %parallel_loop3A_314 to %parallel_loop3A_315 step %parallel_loop3A_316  : i32 {
      %parallel_loop3A_393 = arith.constant 0.000000e+00 : f32
      %parallel_loop3A_394 = vector.broadcast %parallel_loop3A_393 : f32 to vector<16xf32>
      %parallel_loop3A_395 = arith.constant 0 : i32
      %parallel_loop3A_396 = arith.index_cast %parallel_loop3A_395 : i32 to index
      %parallel_loop3A_397 = arith.index_cast %parallel_loop3A_392 : i32 to index
      %parallel_loop3A_398 = tpu.vector_load %arg8[%parallel_loop3A_396, %parallel_loop3A_397] {strides = array<i32>} : memref<12x1280xf32, #tpu.memory_space<vmem>>, vector<16xf32>,
      %parallel_loop3A_399 = arith.constant 4 : i32
      %parallel_loop3A_400 = arith.index_cast %parallel_loop3A_399 : i32 to index
      %parallel_loop3A_401 = arith.index_cast %parallel_loop3A_392 : i32 to index
      %parallel_loop3A_402 = tpu.vector_load %arg8[%parallel_loop3A_400, %parallel_loop3A_401] {strides = array<i32>} : memref<12x1280xf32, #tpu.memory_space<vmem>>, vector<16xf32>,
      %parallel_loop3A_403 = arith.constant 8 : i32
      %parallel_loop3A_404 = arith.index_cast %parallel_loop3A_403 : i32 to index
      %parallel_loop3A_405 = arith.index_cast %parallel_loop3A_392 : i32 to index
      %parallel_loop3A_406 = tpu.vector_load %arg8[%parallel_loop3A_404, %parallel_loop3A_405] {strides = array<i32>} : memref<12x1280xf32, #tpu.memory_space<vmem>>, vector<16xf32>,
      %parallel_loop3A_407 = arith.mulf %get3A_243, %parallel_loop3A_398 : vector<16xf32>
      %parallel_loop3A_408 = arith.mulf %get3A_245, %parallel_loop3A_402 : vector<16xf32>
      %parallel_loop3A_409 = arith.addf %parallel_loop3A_407, %parallel_loop3A_408 : vector<16xf32>
      %parallel_loop3A_410 = arith.mulf %get3A_247, %parallel_loop3A_406 : vector<16xf32>
      %parallel_loop3A_411 = arith.addf %parallel_loop3A_409, %parallel_loop3A_410 : vector<16xf32>
      %parallel_loop3A_412 = arith.addf %parallel_loop3A_411, %get3A_249 : vector<16xf32>
      %parallel_loop3A_413 = arith.mulf %get3A_251, %parallel_loop3A_398 : vector<16xf32>
      %parallel_loop3A_414 = arith.mulf %get3A_253, %parallel_loop3A_402 : vector<16xf32>
      %parallel_loop3A_415 = arith.addf %parallel_loop3A_413, %parallel_loop3A_414 : vector<16xf32>
      %parallel_loop3A_416 = arith.mulf %get3A_255, %parallel_loop3A_406 : vector<16xf32>
      %parallel_loop3A_417 = arith.addf %parallel_loop3A_415, %parallel_loop3A_416 : vector<16xf32>
      %parallel_loop3A_418 = arith.addf %parallel_loop3A_417, %get3A_257 : vector<16xf32>
      %parallel_loop3A_419 = arith.mulf %get3A_259, %parallel_loop3A_398 : vector<16xf32>
      %parallel_loop3A_420 = arith.mulf %get3A_261, %parallel_loop3A_402 : vector<16xf32>
      %parallel_loop3A_421 = arith.addf %parallel_loop3A_419, %parallel_loop3A_420 : vector<16xf32>
      %parallel_loop3A_422 = arith.mulf %get3A_263, %parallel_loop3A_406 : vector<16xf32>
      %parallel_loop3A_423 = arith.addf %parallel_loop3A_421, %parallel_loop3A_422 : vector<16xf32>
      %parallel_loop3A_424 = arith.addf %parallel_loop3A_423, %get3A_265 : vector<16xf32>
      %parallel_loop3A_425 = arith.constant 9.99999974E-6 : f32
      %parallel_loop3A_426 = vector.broadcast %parallel_loop3A_425 : f32 to vector<16xf32>
      %parallel_loop3A_427 = arith.maximumf %parallel_loop3A_424, %parallel_loop3A_426 : vector<16xf32>
      %parallel_loop3A_428 = vector.bitcast %parallel_loop3A_427 : vector<16xf32> to vector<16xi32>
      %parallel_loop3A_429 = arith.constant 2129859011 : i32
      %parallel_loop3A_430 = vector.broadcast %parallel_loop3A_429 : i32 to vector<16xi32>
      %parallel_loop3A_431 = arith.subi %parallel_loop3A_430, %parallel_loop3A_428 : vector<16xi32>
      %parallel_loop3A_432 = vector.bitcast %parallel_loop3A_431 : vector<16xi32> to vector<16xf32>
      %parallel_loop3A_433 = arith.mulf %parallel_loop3A_427, %parallel_loop3A_432 : vector<16xf32>
      %parallel_loop3A_434 = arith.constant 2.000000e+00 : f32
      %parallel_loop3A_435 = vector.broadcast %parallel_loop3A_434 : f32 to vector<16xf32>
      %parallel_loop3A_436 = arith.subf %parallel_loop3A_435, %parallel_loop3A_433 : vector<16xf32>
      %parallel_loop3A_437 = arith.mulf %parallel_loop3A_432, %parallel_loop3A_436 : vector<16xf32>
      %parallel_loop3A_438 = arith.mulf %parallel_loop3A_427, %parallel_loop3A_437 : vector<16xf32>
      %parallel_loop3A_439 = arith.constant 2.000000e+00 : f32
      %parallel_loop3A_440 = vector.broadcast %parallel_loop3A_439 : f32 to vector<16xf32>
      %parallel_loop3A_441 = arith.subf %parallel_loop3A_440, %parallel_loop3A_438 : vector<16xf32>
      %parallel_loop3A_442 = arith.mulf %parallel_loop3A_437, %parallel_loop3A_441 : vector<16xf32>
      %parallel_loop3A_443 = arith.mulf %parallel_loop3A_412, %parallel_loop3A_442 : vector<16xf32>
      %parallel_loop3A_444 = arith.constant 7.10227294E-4 : f32
      %parallel_loop3A_445 = vector.broadcast %parallel_loop3A_444 : f32 to vector<16xf32>
      %parallel_loop3A_446 = arith.mulf %parallel_loop3A_443, %parallel_loop3A_445 : vector<16xf32>
      %parallel_loop3A_447 = arith.mulf %parallel_loop3A_418, %parallel_loop3A_442 : vector<16xf32>
      %parallel_loop3A_448 = arith.constant 0.001953125 : f32
      %parallel_loop3A_449 = vector.broadcast %parallel_loop3A_448 : f32 to vector<16xf32>
      %parallel_loop3A_450 = arith.mulf %parallel_loop3A_447, %parallel_loop3A_449 : vector<16xf32>
      %parallel_loop3A_451 = arith.constant 9.99999974E-6 : f32
      %parallel_loop3A_452 = vector.broadcast %parallel_loop3A_451 : f32 to vector<16xf32>
      %parallel_loop3A_453 = arith.cmpf ogt, %parallel_loop3A_424, %parallel_loop3A_452 : vector<16xf32>
      %parallel_loop3A_454 = arith.constant 0.000000e+00 : f32
      %parallel_loop3A_455 = vector.broadcast %parallel_loop3A_454 : f32 to vector<16xf32>
      %parallel_loop3A_456 = arith.cmpf ogt, %parallel_loop3A_450, %parallel_loop3A_455 : vector<16xf32>
      %parallel_loop3A_457 = arith.andi %parallel_loop3A_453, %parallel_loop3A_456 : vector<16xi1>
      %parallel_loop3A_458 = arith.constant 1.000000e+00 : f32
      %parallel_loop3A_459 = vector.broadcast %parallel_loop3A_458 : f32 to vector<16xf32>
      %parallel_loop3A_460 = arith.cmpf olt, %parallel_loop3A_450, %parallel_loop3A_459 : vector<16xf32>
      %parallel_loop3A_461 = arith.andi %parallel_loop3A_457, %parallel_loop3A_460 : vector<16xi1>
      %parallel_loop3A_462 = arith.constant 1.000000e+00 : f32
      %parallel_loop3A_463 = vector.broadcast %parallel_loop3A_462 : f32 to vector<16xf32>
      %parallel_loop3A_464 = arith.cmpf olt, %parallel_loop3A_446, %parallel_loop3A_463 : vector<16xf32>
      %parallel_loop3A_465 = arith.andi %parallel_loop3A_461, %parallel_loop3A_464 : vector<16xi1>
      %parallel_loop3A_466 = arith.constant 0.000000e+00 : f32
      %parallel_loop3A_467 = vector.broadcast %parallel_loop3A_466 : f32 to vector<16xf32>
      %parallel_loop3A_468 = arith.cmpf ogt, %parallel_loop3A_446, %parallel_loop3A_467 : vector<16xf32>
      %parallel_loop3A_469 = arith.andi %parallel_loop3A_465, %parallel_loop3A_468 : vector<16xi1>
      %parallel_loop3A_470 = arith.constant 1.000000e+00 : f32
      %parallel_loop3A_471 = arith.constant 0.000000e+00 : f32
      %parallel_loop3A_472 = vector.broadcast %parallel_loop3A_470 : f32 to vector<16xf32>
      %parallel_loop3A_473 = vector.broadcast %parallel_loop3A_471 : f32 to vector<16xf32>
      %parallel_loop3A_474 = arith.select %parallel_loop3A_469, %parallel_loop3A_472, %parallel_loop3A_473 : vector<16xi1>, vector<16xf32>
      %parallel_loop3A_475 = arith.addf %parallel_loop3A_394, %parallel_loop3A_474 : vector<16xf32>
      %parallel_loop3A_476 = arith.constant -2.100000e+00 : f32
      %parallel_loop3A_477 = arith.constant 2.100000e+00 : f32
      %parallel_loop3A_478 = vector.broadcast %parallel_loop3A_476 : f32 to vector<16xf32>
      %parallel_loop3A_479 = arith.maximumf %parallel_loop3A_478, %parallel_loop3A_446 : vector<16xf32>
      %parallel_loop3A_480 = vector.broadcast %parallel_loop3A_477 : f32 to vector<16xf32>
      %parallel_loop3A_481 = arith.minimumf %parallel_loop3A_480, %parallel_loop3A_479 : vector<16xf32>
      %parallel_loop3A_482 = arith.constant 0 : i32
      %parallel_loop3A_483 = arith.index_cast %parallel_loop3A_482 : i32 to index
      %parallel_loop3A_484 = arith.index_cast %parallel_loop3A_392 : i32 to index
      %parallel_loop3A_485 = tpu.vector_load %arg10[%parallel_loop3A_483, %parallel_loop3A_484] {strides = array<i32>} : memref<24x1280xf32, #tpu.memory_space<vmem>>, vector<16xf32>,
      tpu.vector_store %arg10[%parallel_loop3A_483, %parallel_loop3A_484], %parallel_loop3A_481 {strides = array<i32>} : memref<24x1280xf32, #tpu.memory_space<vmem>>, vector<16xf32>,
      %parallel_loop3A_486 = arith.constant -2.100000e+00 : f32
      %parallel_loop3A_487 = arith.constant 2.100000e+00 : f32
      %parallel_loop3A_488 = vector.broadcast %parallel_loop3A_486 : f32 to vector<16xf32>
      %parallel_loop3A_489 = arith.maximumf %parallel_loop3A_488, %parallel_loop3A_450 : vector<16xf32>
      %parallel_loop3A_490 = vector.broadcast %parallel_loop3A_487 : f32 to vector<16xf32>
      %parallel_loop3A_491 = arith.minimumf %parallel_loop3A_490, %parallel_loop3A_489 : vector<16xf32>
      %parallel_loop3A_492 = arith.constant 0 : i32
      %parallel_loop3A_493 = arith.index_cast %parallel_loop3A_492 : i32 to index
      %parallel_loop3A_494 = arith.index_cast %parallel_loop3A_392 : i32 to index
      %parallel_loop3A_495 = tpu.vector_load %arg11[%parallel_loop3A_493, %parallel_loop3A_494] {strides = array<i32>} : memref<24x1280xf32, #tpu.memory_space<vmem>>, vector<16xf32>,
      tpu.vector_store %arg11[%parallel_loop3A_493, %parallel_loop3A_494], %parallel_loop3A_491 {strides = array<i32>} : memref<24x1280xf32, #tpu.memory_space<vmem>>, vector<16xf32>,
      %parallel_loop3A_496 = arith.constant 0 : i32
      %parallel_loop3A_497 = arith.index_cast %parallel_loop3A_496 : i32 to index
      %parallel_loop3A_498 = arith.index_cast %parallel_loop3A_392 : i32 to index
      %parallel_loop3A_499 = tpu.vector_load %arg12[%parallel_loop3A_497, %parallel_loop3A_498] {strides = array<i32>} : memref<24x1280xf32, #tpu.memory_space<vmem>>, vector<16xf32>,
      tpu.vector_store %arg12[%parallel_loop3A_497, %parallel_loop3A_498], %parallel_loop3A_474 {strides = array<i32>} : memref<24x1280xf32, #tpu.memory_space<vmem>>, vector<16xf32>,
      %parallel_loop3A_500 = arith.mulf %get3A_267, %parallel_loop3A_398 : vector<16xf32>
      %parallel_loop3A_501 = arith.mulf %get3A_269, %parallel_loop3A_402 : vector<16xf32>
      %parallel_loop3A_502 = arith.addf %parallel_loop3A_500, %parallel_loop3A_501 : vector<16xf32>
      %parallel_loop3A_503 = arith.mulf %get3A_271, %parallel_loop3A_406 : vector<16xf32>
      %parallel_loop3A_504 = arith.addf %parallel_loop3A_502, %parallel_loop3A_503 : vector<16xf32>
      %parallel_loop3A_505 = arith.addf %parallel_loop3A_504, %get3A_273 : vector<16xf32>
      %parallel_loop3A_506 = arith.mulf %get3A_275, %parallel_loop3A_398 : vector<16xf32>
      %parallel_loop3A_507 = arith.mulf %get3A_277, %parallel_loop3A_402 : vector<16xf32>
      %parallel_loop3A_508 = arith.addf %parallel_loop3A_506, %parallel_loop3A_507 : vector<16xf32>
      %parallel_loop3A_509 = arith.mulf %get3A_279, %parallel_loop3A_406 : vector<16xf32>
      %parallel_loop3A_510 = arith.addf %parallel_loop3A_508, %parallel_loop3A_509 : vector<16xf32>
      %parallel_loop3A_511 = arith.addf %parallel_loop3A_510, %get3A_281 : vector<16xf32>
      %parallel_loop3A_512 = arith.mulf %get3A_283, %parallel_loop3A_398 : vector<16xf32>
      %parallel_loop3A_513 = arith.mulf %get3A_285, %parallel_loop3A_402 : vector<16xf32>
      %parallel_loop3A_514 = arith.addf %parallel_loop3A_512, %parallel_loop3A_513 : vector<16xf32>
      %parallel_loop3A_515 = arith.mulf %get3A_287, %parallel_loop3A_406 : vector<16xf32>
      %parallel_loop3A_516 = arith.addf %parallel_loop3A_514, %parallel_loop3A_515 : vector<16xf32>
      %parallel_loop3A_517 = arith.addf %parallel_loop3A_516, %get3A_289 : vector<16xf32>
      %parallel_loop3A_518 = arith.constant 9.99999974E-6 : f32
      %parallel_loop3A_519 = vector.broadcast %parallel_loop3A_518 : f32 to vector<16xf32>
      %parallel_loop3A_520 = arith.maximumf %parallel_loop3A_517, %parallel_loop3A_519 : vector<16xf32>
      %parallel_loop3A_521 = vector.bitcast %parallel_loop3A_520 : vector<16xf32> to vector<16xi32>
      %parallel_loop3A_522 = arith.constant 2129859011 : i32
      %parallel_loop3A_523 = vector.broadcast %parallel_loop3A_522 : i32 to vector<16xi32>
      %parallel_loop3A_524 = arith.subi %parallel_loop3A_523, %parallel_loop3A_521 : vector<16xi32>
      %parallel_loop3A_525 = vector.bitcast %parallel_loop3A_524 : vector<16xi32> to vector<16xf32>
      %parallel_loop3A_526 = arith.mulf %parallel_loop3A_520, %parallel_loop3A_525 : vector<16xf32>
      %parallel_loop3A_527 = arith.constant 2.000000e+00 : f32
      %parallel_loop3A_528 = vector.broadcast %parallel_loop3A_527 : f32 to vector<16xf32>
      %parallel_loop3A_529 = arith.subf %parallel_loop3A_528, %parallel_loop3A_526 : vector<16xf32>
      %parallel_loop3A_530 = arith.mulf %parallel_loop3A_525, %parallel_loop3A_529 : vector<16xf32>
      %parallel_loop3A_531 = arith.mulf %parallel_loop3A_520, %parallel_loop3A_530 : vector<16xf32>
      %parallel_loop3A_532 = arith.constant 2.000000e+00 : f32
      %parallel_loop3A_533 = vector.broadcast %parallel_loop3A_532 : f32 to vector<16xf32>
      %parallel_loop3A_534 = arith.subf %parallel_loop3A_533, %parallel_loop3A_531 : vector<16xf32>
      %parallel_loop3A_535 = arith.mulf %parallel_loop3A_530, %parallel_loop3A_534 : vector<16xf32>
      %parallel_loop3A_536 = arith.mulf %parallel_loop3A_505, %parallel_loop3A_535 : vector<16xf32>
      %parallel_loop3A_537 = arith.constant 7.10227294E-4 : f32
      %parallel_loop3A_538 = vector.broadcast %parallel_loop3A_537 : f32 to vector<16xf32>
      %parallel_loop3A_539 = arith.mulf %parallel_loop3A_536, %parallel_loop3A_538 : vector<16xf32>
      %parallel_loop3A_540 = arith.mulf %parallel_loop3A_511, %parallel_loop3A_535 : vector<16xf32>
      %parallel_loop3A_541 = arith.constant 0.001953125 : f32
      %parallel_loop3A_542 = vector.broadcast %parallel_loop3A_541 : f32 to vector<16xf32>
      %parallel_loop3A_543 = arith.mulf %parallel_loop3A_540, %parallel_loop3A_542 : vector<16xf32>
      %parallel_loop3A_544 = arith.constant 9.99999974E-6 : f32
      %parallel_loop3A_545 = vector.broadcast %parallel_loop3A_544 : f32 to vector<16xf32>
      %parallel_loop3A_546 = arith.cmpf ogt, %parallel_loop3A_517, %parallel_loop3A_545 : vector<16xf32>
      %parallel_loop3A_547 = arith.constant 0.000000e+00 : f32
      %parallel_loop3A_548 = vector.broadcast %parallel_loop3A_547 : f32 to vector<16xf32>
      %parallel_loop3A_549 = arith.cmpf ogt, %parallel_loop3A_543, %parallel_loop3A_548 : vector<16xf32>
      %parallel_loop3A_550 = arith.andi %parallel_loop3A_546, %parallel_loop3A_549 : vector<16xi1>
      %parallel_loop3A_551 = arith.constant 1.000000e+00 : f32
      %parallel_loop3A_552 = vector.broadcast %parallel_loop3A_551 : f32 to vector<16xf32>
      %parallel_loop3A_553 = arith.cmpf olt, %parallel_loop3A_543, %parallel_loop3A_552 : vector<16xf32>
      %parallel_loop3A_554 = arith.andi %parallel_loop3A_550, %parallel_loop3A_553 : vector<16xi1>
      %parallel_loop3A_555 = arith.constant 1.000000e+00 : f32
      %parallel_loop3A_556 = vector.broadcast %parallel_loop3A_555 : f32 to vector<16xf32>
      %parallel_loop3A_557 = arith.cmpf olt, %parallel_loop3A_539, %parallel_loop3A_556 : vector<16xf32>
      %parallel_loop3A_558 = arith.andi %parallel_loop3A_554, %parallel_loop3A_557 : vector<16xi1>
      %parallel_loop3A_559 = arith.constant 0.000000e+00 : f32
      %parallel_loop3A_560 = vector.broadcast %parallel_loop3A_559 : f32 to vector<16xf32>
      %parallel_loop3A_561 = arith.cmpf ogt, %parallel_loop3A_539, %parallel_loop3A_560 : vector<16xf32>
      %parallel_loop3A_562 = arith.andi %parallel_loop3A_558, %parallel_loop3A_561 : vector<16xi1>
      %parallel_loop3A_563 = arith.constant 1.000000e+00 : f32
      %parallel_loop3A_564 = arith.constant 0.000000e+00 : f32
      %parallel_loop3A_565 = vector.broadcast %parallel_loop3A_563 : f32 to vector<16xf32>
      %parallel_loop3A_566 = vector.broadcast %parallel_loop3A_564 : f32 to vector<16xf32>
      %parallel_loop3A_567 = arith.select %parallel_loop3A_562, %parallel_loop3A_565, %parallel_loop3A_566 : vector<16xi1>, vector<16xf32>
      %parallel_loop3A_568 = arith.addf %parallel_loop3A_475, %parallel_loop3A_567 : vector<16xf32>
      %parallel_loop3A_569 = arith.constant -2.100000e+00 : f32
      %parallel_loop3A_570 = arith.constant 2.100000e+00 : f32
      %parallel_loop3A_571 = vector.broadcast %parallel_loop3A_569 : f32 to vector<16xf32>
      %parallel_loop3A_572 = arith.maximumf %parallel_loop3A_571, %parallel_loop3A_539 : vector<16xf32>
      %parallel_loop3A_573 = vector.broadcast %parallel_loop3A_570 : f32 to vector<16xf32>
      %parallel_loop3A_574 = arith.minimumf %parallel_loop3A_573, %parallel_loop3A_572 : vector<16xf32>
      %parallel_loop3A_575 = arith.constant 1 : i32
      %parallel_loop3A_576 = arith.index_cast %parallel_loop3A_575 : i32 to index
      %parallel_loop3A_577 = arith.index_cast %parallel_loop3A_392 : i32 to index
      %parallel_loop3A_578 = tpu.vector_load %arg10[%parallel_loop3A_576, %parallel_loop3A_577] {strides = array<i32>} : memref<24x1280xf32, #tpu.memory_space<vmem>>, vector<16xf32>,
      tpu.vector_store %arg10[%parallel_loop3A_576, %parallel_loop3A_577], %parallel_loop3A_574 {strides = array<i32>} : memref<24x1280xf32, #tpu.memory_space<vmem>>, vector<16xf32>,
      %parallel_loop3A_579 = arith.constant -2.100000e+00 : f32
      %parallel_loop3A_580 = arith.constant 2.100000e+00 : f32
      %parallel_loop3A_581 = vector.broadcast %parallel_loop3A_579 : f32 to vector<16xf32>
      %parallel_loop3A_582 = arith.maximumf %parallel_loop3A_581, %parallel_loop3A_543 : vector<16xf32>
      %parallel_loop3A_583 = vector.broadcast %parallel_loop3A_580 : f32 to vector<16xf32>
      %parallel_loop3A_584 = arith.minimumf %parallel_loop3A_583, %parallel_loop3A_582 : vector<16xf32>
      %parallel_loop3A_585 = arith.constant 1 : i32
      %parallel_loop3A_586 = arith.index_cast %parallel_loop3A_585 : i32 to index
      %parallel_loop3A_587 = arith.index_cast %parallel_loop3A_392 : i32 to index
      %parallel_loop3A_588 = tpu.vector_load %arg11[%parallel_loop3A_586, %parallel_loop3A_587] {strides = array<i32>} : memref<24x1280xf32, #tpu.memory_space<vmem>>, vector<16xf32>,
      tpu.vector_store %arg11[%parallel_loop3A_586, %parallel_loop3A_587], %parallel_loop3A_584 {strides = array<i32>} : memref<24x1280xf32, #tpu.memory_space<vmem>>, vector<16xf32>,
      %parallel_loop3A_589 = arith.constant 1 : i32
      %parallel_loop3A_590 = arith.index_cast %parallel_loop3A_589 : i32 to index
      %parallel_loop3A_591 = arith.index_cast %parallel_loop3A_392 : i32 to index
      %parallel_loop3A_592 = tpu.vector_load %arg12[%parallel_loop3A_590, %parallel_loop3A_591] {strides = array<i32>} : memref<24x1280xf32, #tpu.memory_space<vmem>>, vector<16xf32>,
      tpu.vector_store %arg12[%parallel_loop3A_590, %parallel_loop3A_591], %parallel_loop3A_567 {strides = array<i32>} : memref<24x1280xf32, #tpu.memory_space<vmem>>, vector<16xf32>,
      %parallel_loop3A_593 = arith.mulf %get3A_291, %parallel_loop3A_398 : vector<16xf32>
      %parallel_loop3A_594 = arith.mulf %get3A_293, %parallel_loop3A_402 : vector<16xf32>
      %parallel_loop3A_595 = arith.addf %parallel_loop3A_593, %parallel_loop3A_594 : vector<16xf32>
      %parallel_loop3A_596 = arith.mulf %get3A_295, %parallel_loop3A_406 : vector<16xf32>
      %parallel_loop3A_597 = arith.addf %parallel_loop3A_595, %parallel_loop3A_596 : vector<16xf32>
      %parallel_loop3A_598 = arith.addf %parallel_loop3A_597, %get3A_297 : vector<16xf32>
      %parallel_loop3A_599 = arith.mulf %get3A_299, %parallel_loop3A_398 : vector<16xf32>
      %parallel_loop3A_600 = arith.mulf %get3A_301, %parallel_loop3A_402 : vector<16xf32>
      %parallel_loop3A_601 = arith.addf %parallel_loop3A_599, %parallel_loop3A_600 : vector<16xf32>
      %parallel_loop3A_602 = arith.mulf %get3A_303, %parallel_loop3A_406 : vector<16xf32>
      %parallel_loop3A_603 = arith.addf %parallel_loop3A_601, %parallel_loop3A_602 : vector<16xf32>
      %parallel_loop3A_604 = arith.addf %parallel_loop3A_603, %get3A_305 : vector<16xf32>
      %parallel_loop3A_605 = arith.mulf %get3A_307, %parallel_loop3A_398 : vector<16xf32>
      %parallel_loop3A_606 = arith.mulf %get3A_309, %parallel_loop3A_402 : vector<16xf32>
      %parallel_loop3A_607 = arith.addf %parallel_loop3A_605, %parallel_loop3A_606 : vector<16xf32>
      %parallel_loop3A_608 = arith.mulf %get3A_311, %parallel_loop3A_406 : vector<16xf32>
      %parallel_loop3A_609 = arith.addf %parallel_loop3A_607, %parallel_loop3A_608 : vector<16xf32>
      %parallel_loop3A_610 = arith.addf %parallel_loop3A_609, %get3A_313 : vector<16xf32>
      %parallel_loop3A_611 = arith.constant 9.99999974E-6 : f32
      %parallel_loop3A_612 = vector.broadcast %parallel_loop3A_611 : f32 to vector<16xf32>
      %parallel_loop3A_613 = arith.maximumf %parallel_loop3A_610, %parallel_loop3A_612 : vector<16xf32>
      %parallel_loop3A_614 = vector.bitcast %parallel_loop3A_613 : vector<16xf32> to vector<16xi32>
      %parallel_loop3A_615 = arith.constant 2129859011 : i32
      %parallel_loop3A_616 = vector.broadcast %parallel_loop3A_615 : i32 to vector<16xi32>
      %parallel_loop3A_617 = arith.subi %parallel_loop3A_616, %parallel_loop3A_614 : vector<16xi32>
      %parallel_loop3A_618 = vector.bitcast %parallel_loop3A_617 : vector<16xi32> to vector<16xf32>
      %parallel_loop3A_619 = arith.mulf %parallel_loop3A_613, %parallel_loop3A_618 : vector<16xf32>
      %parallel_loop3A_620 = arith.constant 2.000000e+00 : f32
      %parallel_loop3A_621 = vector.broadcast %parallel_loop3A_620 : f32 to vector<16xf32>
      %parallel_loop3A_622 = arith.subf %parallel_loop3A_621, %parallel_loop3A_619 : vector<16xf32>
      %parallel_loop3A_623 = arith.mulf %parallel_loop3A_618, %parallel_loop3A_622 : vector<16xf32>
      %parallel_loop3A_624 = arith.mulf %parallel_loop3A_613, %parallel_loop3A_623 : vector<16xf32>
      %parallel_loop3A_625 = arith.constant 2.000000e+00 : f32
      %parallel_loop3A_626 = vector.broadcast %parallel_loop3A_625 : f32 to vector<16xf32>
      %parallel_loop3A_627 = arith.subf %parallel_loop3A_626, %parallel_loop3A_624 : vector<16xf32>
      %parallel_loop3A_628 = arith.mulf %parallel_loop3A_623, %parallel_loop3A_627 : vector<16xf32>
      %parallel_loop3A_629 = arith.mulf %parallel_loop3A_598, %parallel_loop3A_628 : vector<16xf32>
      %parallel_loop3A_630 = arith.constant 7.10227294E-4 : f32
      %parallel_loop3A_631 = vector.broadcast %parallel_loop3A_630 : f32 to vector<16xf32>
      %parallel_loop3A_632 = arith.mulf %parallel_loop3A_629, %parallel_loop3A_631 : vector<16xf32>
      %parallel_loop3A_633 = arith.mulf %parallel_loop3A_604, %parallel_loop3A_628 : vector<16xf32>
      %parallel_loop3A_634 = arith.constant 0.001953125 : f32
      %parallel_loop3A_635 = vector.broadcast %parallel_loop3A_634 : f32 to vector<16xf32>
      %parallel_loop3A_636 = arith.mulf %parallel_loop3A_633, %parallel_loop3A_635 : vector<16xf32>
      %parallel_loop3A_637 = arith.constant 9.99999974E-6 : f32
      %parallel_loop3A_638 = vector.broadcast %parallel_loop3A_637 : f32 to vector<16xf32>
      %parallel_loop3A_639 = arith.cmpf ogt, %parallel_loop3A_610, %parallel_loop3A_638 : vector<16xf32>
      %parallel_loop3A_640 = arith.constant 0.000000e+00 : f32
      %parallel_loop3A_641 = vector.broadcast %parallel_loop3A_640 : f32 to vector<16xf32>
      %parallel_loop3A_642 = arith.cmpf ogt, %parallel_loop3A_636, %parallel_loop3A_641 : vector<16xf32>
      %parallel_loop3A_643 = arith.andi %parallel_loop3A_639, %parallel_loop3A_642 : vector<16xi1>
      %parallel_loop3A_644 = arith.constant 1.000000e+00 : f32
      %parallel_loop3A_645 = vector.broadcast %parallel_loop3A_644 : f32 to vector<16xf32>
      %parallel_loop3A_646 = arith.cmpf olt, %parallel_loop3A_636, %parallel_loop3A_645 : vector<16xf32>
      %parallel_loop3A_647 = arith.andi %parallel_loop3A_643, %parallel_loop3A_646 : vector<16xi1>
      %parallel_loop3A_648 = arith.constant 1.000000e+00 : f32
      %parallel_loop3A_649 = vector.broadcast %parallel_loop3A_648 : f32 to vector<16xf32>
      %parallel_loop3A_650 = arith.cmpf olt, %parallel_loop3A_632, %parallel_loop3A_649 : vector<16xf32>
      %parallel_loop3A_651 = arith.andi %parallel_loop3A_647, %parallel_loop3A_650 : vector<16xi1>
      %parallel_loop3A_652 = arith.constant 0.000000e+00 : f32
      %parallel_loop3A_653 = vector.broadcast %parallel_loop3A_652 : f32 to vector<16xf32>
      %parallel_loop3A_654 = arith.cmpf ogt, %parallel_loop3A_632, %parallel_loop3A_653 : vector<16xf32>
      %parallel_loop3A_655 = arith.andi %parallel_loop3A_651, %parallel_loop3A_654 : vector<16xi1>
      %parallel_loop3A_656 = arith.constant 1.000000e+00 : f32
      %parallel_loop3A_657 = arith.constant 0.000000e+00 : f32
      %parallel_loop3A_658 = vector.broadcast %parallel_loop3A_656 : f32 to vector<16xf32>
      %parallel_loop3A_659 = vector.broadcast %parallel_loop3A_657 : f32 to vector<16xf32>
      %parallel_loop3A_660 = arith.select %parallel_loop3A_655, %parallel_loop3A_658, %parallel_loop3A_659 : vector<16xi1>, vector<16xf32>
      %parallel_loop3A_661 = arith.addf %parallel_loop3A_568, %parallel_loop3A_660 : vector<16xf32>
      %parallel_loop3A_662 = arith.constant -2.100000e+00 : f32
      %parallel_loop3A_663 = arith.constant 2.100000e+00 : f32
      %parallel_loop3A_664 = vector.broadcast %parallel_loop3A_662 : f32 to vector<16xf32>
      %parallel_loop3A_665 = arith.maximumf %parallel_loop3A_664, %parallel_loop3A_632 : vector<16xf32>
      %parallel_loop3A_666 = vector.broadcast %parallel_loop3A_663 : f32 to vector<16xf32>
      %parallel_loop3A_667 = arith.minimumf %parallel_loop3A_666, %parallel_loop3A_665 : vector<16xf32>
      %parallel_loop3A_668 = arith.constant 2 : i32
      %parallel_loop3A_669 = arith.index_cast %parallel_loop3A_668 : i32 to index
      %parallel_loop3A_670 = arith.index_cast %parallel_loop3A_392 : i32 to index
      %parallel_loop3A_671 = tpu.vector_load %arg10[%parallel_loop3A_669, %parallel_loop3A_670] {strides = array<i32>} : memref<24x1280xf32, #tpu.memory_space<vmem>>, vector<16xf32>,
      tpu.vector_store %arg10[%parallel_loop3A_669, %parallel_loop3A_670], %parallel_loop3A_667 {strides = array<i32>} : memref<24x1280xf32, #tpu.memory_space<vmem>>, vector<16xf32>,
      %parallel_loop3A_672 = arith.constant -2.100000e+00 : f32
      %parallel_loop3A_673 = arith.constant 2.100000e+00 : f32
      %parallel_loop3A_674 = vector.broadcast %parallel_loop3A_672 : f32 to vector<16xf32>
      %parallel_loop3A_675 = arith.maximumf %parallel_loop3A_674, %parallel_loop3A_636 : vector<16xf32>
      %parallel_loop3A_676 = vector.broadcast %parallel_loop3A_673 : f32 to vector<16xf32>
      %parallel_loop3A_677 = arith.minimumf %parallel_loop3A_676, %parallel_loop3A_675 : vector<16xf32>
      %parallel_loop3A_678 = arith.constant 2 : i32
      %parallel_loop3A_679 = arith.index_cast %parallel_loop3A_678 : i32 to index
      %parallel_loop3A_680 = arith.index_cast %parallel_loop3A_392 : i32 to index
      %parallel_loop3A_681 = tpu.vector_load %arg11[%parallel_loop3A_679, %parallel_loop3A_680] {strides = array<i32>} : memref<24x1280xf32, #tpu.memory_space<vmem>>, vector<16xf32>,
      tpu.vector_store %arg11[%parallel_loop3A_679, %parallel_loop3A_680], %parallel_loop3A_677 {strides = array<i32>} : memref<24x1280xf32, #tpu.memory_space<vmem>>, vector<16xf32>,
      %parallel_loop3A_682 = arith.constant 2 : i32
      %parallel_loop3A_683 = arith.index_cast %parallel_loop3A_682 : i32 to index
      %parallel_loop3A_684 = arith.index_cast %parallel_loop3A_392 : i32 to index
      %parallel_loop3A_685 = tpu.vector_load %arg12[%parallel_loop3A_683, %parallel_loop3A_684] {strides = array<i32>} : memref<24x1280xf32, #tpu.memory_space<vmem>>, vector<16xf32>,
      tpu.vector_store %arg12[%parallel_loop3A_683, %parallel_loop3A_684], %parallel_loop3A_660 {strides = array<i32>} : memref<24x1280xf32, #tpu.memory_space<vmem>>, vector<16xf32>,
      %parallel_loop3A_686 = arith.constant 1 : i32
      %parallel_loop3A_687 = arith.index_cast %parallel_loop3A_686 : i32 to index
      %parallel_loop3A_688 = arith.index_cast %parallel_loop3A_392 : i32 to index
      %parallel_loop3A_689 = tpu.vector_load %arg8[%parallel_loop3A_687, %parallel_loop3A_688] {strides = array<i32>} : memref<12x1280xf32, #tpu.memory_space<vmem>>, vector<16xf32>,
      %parallel_loop3A_690 = arith.constant 5 : i32
      %parallel_loop3A_691 = arith.index_cast %parallel_loop3A_690 : i32 to index
      %parallel_loop3A_692 = arith.index_cast %parallel_loop3A_392 : i32 to index
      %parallel_loop3A_693 = tpu.vector_load %arg8[%parallel_loop3A_691, %parallel_loop3A_692] {strides = array<i32>} : memref<12x1280xf32, #tpu.memory_space<vmem>>, vector<16xf32>,
      %parallel_loop3A_694 = arith.constant 9 : i32
      %parallel_loop3A_695 = arith.index_cast %parallel_loop3A_694 : i32 to index
      %parallel_loop3A_696 = arith.index_cast %parallel_loop3A_392 : i32 to index
      %parallel_loop3A_697 = tpu.vector_load %arg8[%parallel_loop3A_695, %parallel_loop3A_696] {strides = array<i32>} : memref<12x1280xf32, #tpu.memory_space<vmem>>, vector<16xf32>,
      %parallel_loop3A_698 = arith.mulf %get3A_243, %parallel_loop3A_689 : vector<16xf32>
      %parallel_loop3A_699 = arith.mulf %get3A_245, %parallel_loop3A_693 : vector<16xf32>
      %parallel_loop3A_700 = arith.addf %parallel_loop3A_698, %parallel_loop3A_699 : vector<16xf32>
      %parallel_loop3A_701 = arith.mulf %get3A_247, %parallel_loop3A_697 : vector<16xf32>
      %parallel_loop3A_702 = arith.addf %parallel_loop3A_700, %parallel_loop3A_701 : vector<16xf32>
      %parallel_loop3A_703 = arith.addf %parallel_loop3A_702, %get3A_249 : vector<16xf32>
      %parallel_loop3A_704 = arith.mulf %get3A_251, %parallel_loop3A_689 : vector<16xf32>
      %parallel_loop3A_705 = arith.mulf %get3A_253, %parallel_loop3A_693 : vector<16xf32>
      %parallel_loop3A_706 = arith.addf %parallel_loop3A_704, %parallel_loop3A_705 : vector<16xf32>
      %parallel_loop3A_707 = arith.mulf %get3A_255, %parallel_loop3A_697 : vector<16xf32>
      %parallel_loop3A_708 = arith.addf %parallel_loop3A_706, %parallel_loop3A_707 : vector<16xf32>
      %parallel_loop3A_709 = arith.addf %parallel_loop3A_708, %get3A_257 : vector<16xf32>
      %parallel_loop3A_710 = arith.mulf %get3A_259, %parallel_loop3A_689 : vector<16xf32>
      %parallel_loop3A_711 = arith.mulf %get3A_261, %parallel_loop3A_693 : vector<16xf32>
      %parallel_loop3A_712 = arith.addf %parallel_loop3A_710, %parallel_loop3A_711 : vector<16xf32>
      %parallel_loop3A_713 = arith.mulf %get3A_263, %parallel_loop3A_697 : vector<16xf32>
      %parallel_loop3A_714 = arith.addf %parallel_loop3A_712, %parallel_loop3A_713 : vector<16xf32>
      %parallel_loop3A_715 = arith.addf %parallel_loop3A_714, %get3A_265 : vector<16xf32>
      %parallel_loop3A_716 = arith.constant 9.99999974E-6 : f32
      %parallel_loop3A_717 = vector.broadcast %parallel_loop3A_716 : f32 to vector<16xf32>
      %parallel_loop3A_718 = arith.maximumf %parallel_loop3A_715, %parallel_loop3A_717 : vector<16xf32>
      %parallel_loop3A_719 = vector.bitcast %parallel_loop3A_718 : vector<16xf32> to vector<16xi32>
      %parallel_loop3A_720 = arith.constant 2129859011 : i32
      %parallel_loop3A_721 = vector.broadcast %parallel_loop3A_720 : i32 to vector<16xi32>
      %parallel_loop3A_722 = arith.subi %parallel_loop3A_721, %parallel_loop3A_719 : vector<16xi32>
      %parallel_loop3A_723 = vector.bitcast %parallel_loop3A_722 : vector<16xi32> to vector<16xf32>
      %parallel_loop3A_724 = arith.mulf %parallel_loop3A_718, %parallel_loop3A_723 : vector<16xf32>
      %parallel_loop3A_725 = arith.constant 2.000000e+00 : f32
      %parallel_loop3A_726 = vector.broadcast %parallel_loop3A_725 : f32 to vector<16xf32>
      %parallel_loop3A_727 = arith.subf %parallel_loop3A_726, %parallel_loop3A_724 : vector<16xf32>
      %parallel_loop3A_728 = arith.mulf %parallel_loop3A_723, %parallel_loop3A_727 : vector<16xf32>
      %parallel_loop3A_729 = arith.mulf %parallel_loop3A_718, %parallel_loop3A_728 : vector<16xf32>
      %parallel_loop3A_730 = arith.constant 2.000000e+00 : f32
      %parallel_loop3A_731 = vector.broadcast %parallel_loop3A_730 : f32 to vector<16xf32>
      %parallel_loop3A_732 = arith.subf %parallel_loop3A_731, %parallel_loop3A_729 : vector<16xf32>
      %parallel_loop3A_733 = arith.mulf %parallel_loop3A_728, %parallel_loop3A_732 : vector<16xf32>
      %parallel_loop3A_734 = arith.mulf %parallel_loop3A_703, %parallel_loop3A_733 : vector<16xf32>
      %parallel_loop3A_735 = arith.constant 7.10227294E-4 : f32
      %parallel_loop3A_736 = vector.broadcast %parallel_loop3A_735 : f32 to vector<16xf32>
      %parallel_loop3A_737 = arith.mulf %parallel_loop3A_734, %parallel_loop3A_736 : vector<16xf32>
      %parallel_loop3A_738 = arith.mulf %parallel_loop3A_709, %parallel_loop3A_733 : vector<16xf32>
      %parallel_loop3A_739 = arith.constant 0.001953125 : f32
      %parallel_loop3A_740 = vector.broadcast %parallel_loop3A_739 : f32 to vector<16xf32>
      %parallel_loop3A_741 = arith.mulf %parallel_loop3A_738, %parallel_loop3A_740 : vector<16xf32>
      %parallel_loop3A_742 = arith.constant 9.99999974E-6 : f32
      %parallel_loop3A_743 = vector.broadcast %parallel_loop3A_742 : f32 to vector<16xf32>
      %parallel_loop3A_744 = arith.cmpf ogt, %parallel_loop3A_715, %parallel_loop3A_743 : vector<16xf32>
      %parallel_loop3A_745 = arith.constant 0.000000e+00 : f32
      %parallel_loop3A_746 = vector.broadcast %parallel_loop3A_745 : f32 to vector<16xf32>
      %parallel_loop3A_747 = arith.cmpf ogt, %parallel_loop3A_741, %parallel_loop3A_746 : vector<16xf32>
      %parallel_loop3A_748 = arith.andi %parallel_loop3A_744, %parallel_loop3A_747 : vector<16xi1>
      %parallel_loop3A_749 = arith.constant 1.000000e+00 : f32
      %parallel_loop3A_750 = vector.broadcast %parallel_loop3A_749 : f32 to vector<16xf32>
      %parallel_loop3A_751 = arith.cmpf olt, %parallel_loop3A_741, %parallel_loop3A_750 : vector<16xf32>
      %parallel_loop3A_752 = arith.andi %parallel_loop3A_748, %parallel_loop3A_751 : vector<16xi1>
      %parallel_loop3A_753 = arith.constant 1.000000e+00 : f32
      %parallel_loop3A_754 = vector.broadcast %parallel_loop3A_753 : f32 to vector<16xf32>
      %parallel_loop3A_755 = arith.cmpf olt, %parallel_loop3A_737, %parallel_loop3A_754 : vector<16xf32>
      %parallel_loop3A_756 = arith.andi %parallel_loop3A_752, %parallel_loop3A_755 : vector<16xi1>
      %parallel_loop3A_757 = arith.constant 0.000000e+00 : f32
      %parallel_loop3A_758 = vector.broadcast %parallel_loop3A_757 : f32 to vector<16xf32>
      %parallel_loop3A_759 = arith.cmpf ogt, %parallel_loop3A_737, %parallel_loop3A_758 : vector<16xf32>
      %parallel_loop3A_760 = arith.andi %parallel_loop3A_756, %parallel_loop3A_759 : vector<16xi1>
      %parallel_loop3A_761 = arith.constant 1.000000e+00 : f32
      %parallel_loop3A_762 = arith.constant 0.000000e+00 : f32
      %parallel_loop3A_763 = vector.broadcast %parallel_loop3A_761 : f32 to vector<16xf32>
      %parallel_loop3A_764 = vector.broadcast %parallel_loop3A_762 : f32 to vector<16xf32>
      %parallel_loop3A_765 = arith.select %parallel_loop3A_760, %parallel_loop3A_763, %parallel_loop3A_764 : vector<16xi1>, vector<16xf32>
      %parallel_loop3A_766 = arith.addf %parallel_loop3A_661, %parallel_loop3A_765 : vector<16xf32>
      %parallel_loop3A_767 = arith.constant -2.100000e+00 : f32
      %parallel_loop3A_768 = arith.constant 2.100000e+00 : f32
      %parallel_loop3A_769 = vector.broadcast %parallel_loop3A_767 : f32 to vector<16xf32>
      %parallel_loop3A_770 = arith.maximumf %parallel_loop3A_769, %parallel_loop3A_737 : vector<16xf32>
      %parallel_loop3A_771 = vector.broadcast %parallel_loop3A_768 : f32 to vector<16xf32>
      %parallel_loop3A_772 = arith.minimumf %parallel_loop3A_771, %parallel_loop3A_770 : vector<16xf32>
      %parallel_loop3A_773 = arith.constant 6 : i32
      %parallel_loop3A_774 = arith.index_cast %parallel_loop3A_773 : i32 to index
      %parallel_loop3A_775 = arith.index_cast %parallel_loop3A_392 : i32 to index
      %parallel_loop3A_776 = tpu.vector_load %arg10[%parallel_loop3A_774, %parallel_loop3A_775] {strides = array<i32>} : memref<24x1280xf32, #tpu.memory_space<vmem>>, vector<16xf32>,
      tpu.vector_store %arg10[%parallel_loop3A_774, %parallel_loop3A_775], %parallel_loop3A_772 {strides = array<i32>} : memref<24x1280xf32, #tpu.memory_space<vmem>>, vector<16xf32>,
      %parallel_loop3A_777 = arith.constant -2.100000e+00 : f32
      %parallel_loop3A_778 = arith.constant 2.100000e+00 : f32
      %parallel_loop3A_779 = vector.broadcast %parallel_loop3A_777 : f32 to vector<16xf32>
      %parallel_loop3A_780 = arith.maximumf %parallel_loop3A_779, %parallel_loop3A_741 : vector<16xf32>
      %parallel_loop3A_781 = vector.broadcast %parallel_loop3A_778 : f32 to vector<16xf32>
      %parallel_loop3A_782 = arith.minimumf %parallel_loop3A_781, %parallel_loop3A_780 : vector<16xf32>
      %parallel_loop3A_783 = arith.constant 6 : i32
      %parallel_loop3A_784 = arith.index_cast %parallel_loop3A_783 : i32 to index
      %parallel_loop3A_785 = arith.index_cast %parallel_loop3A_392 : i32 to index
      %parallel_loop3A_786 = tpu.vector_load %arg11[%parallel_loop3A_784, %parallel_loop3A_785] {strides = array<i32>} : memref<24x1280xf32, #tpu.memory_space<vmem>>, vector<16xf32>,
      tpu.vector_store %arg11[%parallel_loop3A_784, %parallel_loop3A_785], %parallel_loop3A_782 {strides = array<i32>} : memref<24x1280xf32, #tpu.memory_space<vmem>>, vector<16xf32>,
      %parallel_loop3A_787 = arith.constant 6 : i32
      %parallel_loop3A_788 = arith.index_cast %parallel_loop3A_787 : i32 to index
      %parallel_loop3A_789 = arith.index_cast %parallel_loop3A_392 : i32 to index
      %parallel_loop3A_790 = tpu.vector_load %arg12[%parallel_loop3A_788, %parallel_loop3A_789] {strides = array<i32>} : memref<24x1280xf32, #tpu.memory_space<vmem>>, vector<16xf32>,
      tpu.vector_store %arg12[%parallel_loop3A_788, %parallel_loop3A_789], %parallel_loop3A_765 {strides = array<i32>} : memref<24x1280xf32, #tpu.memory_space<vmem>>, vector<16xf32>,
      %parallel_loop3A_791 = arith.mulf %get3A_267, %parallel_loop3A_689 : vector<16xf32>
      %parallel_loop3A_792 = arith.mulf %get3A_269, %parallel_loop3A_693 : vector<16xf32>
      %parallel_loop3A_793 = arith.addf %parallel_loop3A_791, %parallel_loop3A_792 : vector<16xf32>
      %parallel_loop3A_794 = arith.mulf %get3A_271, %parallel_loop3A_697 : vector<16xf32>
      %parallel_loop3A_795 = arith.addf %parallel_loop3A_793, %parallel_loop3A_794 : vector<16xf32>
      %parallel_loop3A_796 = arith.addf %parallel_loop3A_795, %get3A_273 : vector<16xf32>
      %parallel_loop3A_797 = arith.mulf %get3A_275, %parallel_loop3A_689 : vector<16xf32>
      %parallel_loop3A_798 = arith.mulf %get3A_277, %parallel_loop3A_693 : vector<16xf32>
      %parallel_loop3A_799 = arith.addf %parallel_loop3A_797, %parallel_loop3A_798 : vector<16xf32>
      %parallel_loop3A_800 = arith.mulf %get3A_279, %parallel_loop3A_697 : vector<16xf32>
      %parallel_loop3A_801 = arith.addf %parallel_loop3A_799, %parallel_loop3A_800 : vector<16xf32>
      %parallel_loop3A_802 = arith.addf %parallel_loop3A_801, %get3A_281 : vector<16xf32>
      %parallel_loop3A_803 = arith.mulf %get3A_283, %parallel_loop3A_689 : vector<16xf32>
      %parallel_loop3A_804 = arith.mulf %get3A_285, %parallel_loop3A_693 : vector<16xf32>
      %parallel_loop3A_805 = arith.addf %parallel_loop3A_803, %parallel_loop3A_804 : vector<16xf32>
      %parallel_loop3A_806 = arith.mulf %get3A_287, %parallel_loop3A_697 : vector<16xf32>
      %parallel_loop3A_807 = arith.addf %parallel_loop3A_805, %parallel_loop3A_806 : vector<16xf32>
      %parallel_loop3A_808 = arith.addf %parallel_loop3A_807, %get3A_289 : vector<16xf32>
      %parallel_loop3A_809 = arith.constant 9.99999974E-6 : f32
      %parallel_loop3A_810 = vector.broadcast %parallel_loop3A_809 : f32 to vector<16xf32>
      %parallel_loop3A_811 = arith.maximumf %parallel_loop3A_808, %parallel_loop3A_810 : vector<16xf32>
      %parallel_loop3A_812 = vector.bitcast %parallel_loop3A_811 : vector<16xf32> to vector<16xi32>
      %parallel_loop3A_813 = arith.constant 2129859011 : i32
      %parallel_loop3A_814 = vector.broadcast %parallel_loop3A_813 : i32 to vector<16xi32>
      %parallel_loop3A_815 = arith.subi %parallel_loop3A_814, %parallel_loop3A_812 : vector<16xi32>
      %parallel_loop3A_816 = vector.bitcast %parallel_loop3A_815 : vector<16xi32> to vector<16xf32>
      %parallel_loop3A_817 = arith.mulf %parallel_loop3A_811, %parallel_loop3A_816 : vector<16xf32>
      %parallel_loop3A_818 = arith.constant 2.000000e+00 : f32
      %parallel_loop3A_819 = vector.broadcast %parallel_loop3A_818 : f32 to vector<16xf32>
      %parallel_loop3A_820 = arith.subf %parallel_loop3A_819, %parallel_loop3A_817 : vector<16xf32>
      %parallel_loop3A_821 = arith.mulf %parallel_loop3A_816, %parallel_loop3A_820 : vector<16xf32>
      %parallel_loop3A_822 = arith.mulf %parallel_loop3A_811, %parallel_loop3A_821 : vector<16xf32>
      %parallel_loop3A_823 = arith.constant 2.000000e+00 : f32
      %parallel_loop3A_824 = vector.broadcast %parallel_loop3A_823 : f32 to vector<16xf32>
      %parallel_loop3A_825 = arith.subf %parallel_loop3A_824, %parallel_loop3A_822 : vector<16xf32>
      %parallel_loop3A_826 = arith.mulf %parallel_loop3A_821, %parallel_loop3A_825 : vector<16xf32>
      %parallel_loop3A_827 = arith.mulf %parallel_loop3A_796, %parallel_loop3A_826 : vector<16xf32>
      %parallel_loop3A_828 = arith.constant 7.10227294E-4 : f32
      %parallel_loop3A_829 = vector.broadcast %parallel_loop3A_828 : f32 to vector<16xf32>
      %parallel_loop3A_830 = arith.mulf %parallel_loop3A_827, %parallel_loop3A_829 : vector<16xf32>
      %parallel_loop3A_831 = arith.mulf %parallel_loop3A_802, %parallel_loop3A_826 : vector<16xf32>
      %parallel_loop3A_832 = arith.constant 0.001953125 : f32
      %parallel_loop3A_833 = vector.broadcast %parallel_loop3A_832 : f32 to vector<16xf32>
      %parallel_loop3A_834 = arith.mulf %parallel_loop3A_831, %parallel_loop3A_833 : vector<16xf32>
      %parallel_loop3A_835 = arith.constant 9.99999974E-6 : f32
      %parallel_loop3A_836 = vector.broadcast %parallel_loop3A_835 : f32 to vector<16xf32>
      %parallel_loop3A_837 = arith.cmpf ogt, %parallel_loop3A_808, %parallel_loop3A_836 : vector<16xf32>
      %parallel_loop3A_838 = arith.constant 0.000000e+00 : f32
      %parallel_loop3A_839 = vector.broadcast %parallel_loop3A_838 : f32 to vector<16xf32>
      %parallel_loop3A_840 = arith.cmpf ogt, %parallel_loop3A_834, %parallel_loop3A_839 : vector<16xf32>
      %parallel_loop3A_841 = arith.andi %parallel_loop3A_837, %parallel_loop3A_840 : vector<16xi1>
      %parallel_loop3A_842 = arith.constant 1.000000e+00 : f32
      %parallel_loop3A_843 = vector.broadcast %parallel_loop3A_842 : f32 to vector<16xf32>
      %parallel_loop3A_844 = arith.cmpf olt, %parallel_loop3A_834, %parallel_loop3A_843 : vector<16xf32>
      %parallel_loop3A_845 = arith.andi %parallel_loop3A_841, %parallel_loop3A_844 : vector<16xi1>
      %parallel_loop3A_846 = arith.constant 1.000000e+00 : f32
      %parallel_loop3A_847 = vector.broadcast %parallel_loop3A_846 : f32 to vector<16xf32>
      %parallel_loop3A_848 = arith.cmpf olt, %parallel_loop3A_830, %parallel_loop3A_847 : vector<16xf32>
      %parallel_loop3A_849 = arith.andi %parallel_loop3A_845, %parallel_loop3A_848 : vector<16xi1>
      %parallel_loop3A_850 = arith.constant 0.000000e+00 : f32
      %parallel_loop3A_851 = vector.broadcast %parallel_loop3A_850 : f32 to vector<16xf32>
      %parallel_loop3A_852 = arith.cmpf ogt, %parallel_loop3A_830, %parallel_loop3A_851 : vector<16xf32>
      %parallel_loop3A_853 = arith.andi %parallel_loop3A_849, %parallel_loop3A_852 : vector<16xi1>
      %parallel_loop3A_854 = arith.constant 1.000000e+00 : f32
      %parallel_loop3A_855 = arith.constant 0.000000e+00 : f32
      %parallel_loop3A_856 = vector.broadcast %parallel_loop3A_854 : f32 to vector<16xf32>
      %parallel_loop3A_857 = vector.broadcast %parallel_loop3A_855 : f32 to vector<16xf32>
      %parallel_loop3A_858 = arith.select %parallel_loop3A_853, %parallel_loop3A_856, %parallel_loop3A_857 : vector<16xi1>, vector<16xf32>
      %parallel_loop3A_859 = arith.addf %parallel_loop3A_766, %parallel_loop3A_858 : vector<16xf32>
      %parallel_loop3A_860 = arith.constant -2.100000e+00 : f32
      %parallel_loop3A_861 = arith.constant 2.100000e+00 : f32
      %parallel_loop3A_862 = vector.broadcast %parallel_loop3A_860 : f32 to vector<16xf32>
      %parallel_loop3A_863 = arith.maximumf %parallel_loop3A_862, %parallel_loop3A_830 : vector<16xf32>
      %parallel_loop3A_864 = vector.broadcast %parallel_loop3A_861 : f32 to vector<16xf32>
      %parallel_loop3A_865 = arith.minimumf %parallel_loop3A_864, %parallel_loop3A_863 : vector<16xf32>
      %parallel_loop3A_866 = arith.constant 7 : i32
      %parallel_loop3A_867 = arith.index_cast %parallel_loop3A_866 : i32 to index
      %parallel_loop3A_868 = arith.index_cast %parallel_loop3A_392 : i32 to index
      %parallel_loop3A_869 = tpu.vector_load %arg10[%parallel_loop3A_867, %parallel_loop3A_868] {strides = array<i32>} : memref<24x1280xf32, #tpu.memory_space<vmem>>, vector<16xf32>,
      tpu.vector_store %arg10[%parallel_loop3A_867, %parallel_loop3A_868], %parallel_loop3A_865 {strides = array<i32>} : memref<24x1280xf32, #tpu.memory_space<vmem>>, vector<16xf32>,
      %parallel_loop3A_870 = arith.constant -2.100000e+00 : f32
      %parallel_loop3A_871 = arith.constant 2.100000e+00 : f32
      %parallel_loop3A_872 = vector.broadcast %parallel_loop3A_870 : f32 to vector<16xf32>
      %parallel_loop3A_873 = arith.maximumf %parallel_loop3A_872, %parallel_loop3A_834 : vector<16xf32>
      %parallel_loop3A_874 = vector.broadcast %parallel_loop3A_871 : f32 to vector<16xf32>
      %parallel_loop3A_875 = arith.minimumf %parallel_loop3A_874, %parallel_loop3A_873 : vector<16xf32>
      %parallel_loop3A_876 = arith.constant 7 : i32
      %parallel_loop3A_877 = arith.index_cast %parallel_loop3A_876 : i32 to index
      %parallel_loop3A_878 = arith.index_cast %parallel_loop3A_392 : i32 to index
      %parallel_loop3A_879 = tpu.vector_load %arg11[%parallel_loop3A_877, %parallel_loop3A_878] {strides = array<i32>} : memref<24x1280xf32, #tpu.memory_space<vmem>>, vector<16xf32>,
      tpu.vector_store %arg11[%parallel_loop3A_877, %parallel_loop3A_878], %parallel_loop3A_875 {strides = array<i32>} : memref<24x1280xf32, #tpu.memory_space<vmem>>, vector<16xf32>,
      %parallel_loop3A_880 = arith.constant 7 : i32
      %parallel_loop3A_881 = arith.index_cast %parallel_loop3A_880 : i32 to index
      %parallel_loop3A_882 = arith.index_cast %parallel_loop3A_392 : i32 to index
      %parallel_loop3A_883 = tpu.vector_load %arg12[%parallel_loop3A_881, %parallel_loop3A_882] {strides = array<i32>} : memref<24x1280xf32, #tpu.memory_space<vmem>>, vector<16xf32>,
      tpu.vector_store %arg12[%parallel_loop3A_881, %parallel_loop3A_882], %parallel_loop3A_858 {strides = array<i32>} : memref<24x1280xf32, #tpu.memory_space<vmem>>, vector<16xf32>,
      %parallel_loop3A_884 = arith.mulf %get3A_291, %parallel_loop3A_689 : vector<16xf32>
      %parallel_loop3A_885 = arith.mulf %get3A_293, %parallel_loop3A_693 : vector<16xf32>
      %parallel_loop3A_886 = arith.addf %parallel_loop3A_884, %parallel_loop3A_885 : vector<16xf32>
      %parallel_loop3A_887 = arith.mulf %get3A_295, %parallel_loop3A_697 : vector<16xf32>
      %parallel_loop3A_888 = arith.addf %parallel_loop3A_886, %parallel_loop3A_887 : vector<16xf32>
      %parallel_loop3A_889 = arith.addf %parallel_loop3A_888, %get3A_297 : vector<16xf32>
      %parallel_loop3A_890 = arith.mulf %get3A_299, %parallel_loop3A_689 : vector<16xf32>
      %parallel_loop3A_891 = arith.mulf %get3A_301, %parallel_loop3A_693 : vector<16xf32>
      %parallel_loop3A_892 = arith.addf %parallel_loop3A_890, %parallel_loop3A_891 : vector<16xf32>
      %parallel_loop3A_893 = arith.mulf %get3A_303, %parallel_loop3A_697 : vector<16xf32>
      %parallel_loop3A_894 = arith.addf %parallel_loop3A_892, %parallel_loop3A_893 : vector<16xf32>
      %parallel_loop3A_895 = arith.addf %parallel_loop3A_894, %get3A_305 : vector<16xf32>
      %parallel_loop3A_896 = arith.mulf %get3A_307, %parallel_loop3A_689 : vector<16xf32>
      %parallel_loop3A_897 = arith.mulf %get3A_309, %parallel_loop3A_693 : vector<16xf32>
      %parallel_loop3A_898 = arith.addf %parallel_loop3A_896, %parallel_loop3A_897 : vector<16xf32>
      %parallel_loop3A_899 = arith.mulf %get3A_311, %parallel_loop3A_697 : vector<16xf32>
      %parallel_loop3A_900 = arith.addf %parallel_loop3A_898, %parallel_loop3A_899 : vector<16xf32>
      %parallel_loop3A_901 = arith.addf %parallel_loop3A_900, %get3A_313 : vector<16xf32>
      %parallel_loop3A_902 = arith.constant 9.99999974E-6 : f32
      %parallel_loop3A_903 = vector.broadcast %parallel_loop3A_902 : f32 to vector<16xf32>
      %parallel_loop3A_904 = arith.maximumf %parallel_loop3A_901, %parallel_loop3A_903 : vector<16xf32>
      %parallel_loop3A_905 = vector.bitcast %parallel_loop3A_904 : vector<16xf32> to vector<16xi32>
      %parallel_loop3A_906 = arith.constant 2129859011 : i32
      %parallel_loop3A_907 = vector.broadcast %parallel_loop3A_906 : i32 to vector<16xi32>
      %parallel_loop3A_908 = arith.subi %parallel_loop3A_907, %parallel_loop3A_905 : vector<16xi32>
      %parallel_loop3A_909 = vector.bitcast %parallel_loop3A_908 : vector<16xi32> to vector<16xf32>
      %parallel_loop3A_910 = arith.mulf %parallel_loop3A_904, %parallel_loop3A_909 : vector<16xf32>
      %parallel_loop3A_911 = arith.constant 2.000000e+00 : f32
      %parallel_loop3A_912 = vector.broadcast %parallel_loop3A_911 : f32 to vector<16xf32>
      %parallel_loop3A_913 = arith.subf %parallel_loop3A_912, %parallel_loop3A_910 : vector<16xf32>
      %parallel_loop3A_914 = arith.mulf %parallel_loop3A_909, %parallel_loop3A_913 : vector<16xf32>
      %parallel_loop3A_915 = arith.mulf %parallel_loop3A_904, %parallel_loop3A_914 : vector<16xf32>
      %parallel_loop3A_916 = arith.constant 2.000000e+00 : f32
      %parallel_loop3A_917 = vector.broadcast %parallel_loop3A_916 : f32 to vector<16xf32>
      %parallel_loop3A_918 = arith.subf %parallel_loop3A_917, %parallel_loop3A_915 : vector<16xf32>
      %parallel_loop3A_919 = arith.mulf %parallel_loop3A_914, %parallel_loop3A_918 : vector<16xf32>
      %parallel_loop3A_920 = arith.mulf %parallel_loop3A_889, %parallel_loop3A_919 : vector<16xf32>
      %parallel_loop3A_921 = arith.constant 7.10227294E-4 : f32
      %parallel_loop3A_922 = vector.broadcast %parallel_loop3A_921 : f32 to vector<16xf32>
      %parallel_loop3A_923 = arith.mulf %parallel_loop3A_920, %parallel_loop3A_922 : vector<16xf32>
      %parallel_loop3A_924 = arith.mulf %parallel_loop3A_895, %parallel_loop3A_919 : vector<16xf32>
      %parallel_loop3A_925 = arith.constant 0.001953125 : f32
      %parallel_loop3A_926 = vector.broadcast %parallel_loop3A_925 : f32 to vector<16xf32>
      %parallel_loop3A_927 = arith.mulf %parallel_loop3A_924, %parallel_loop3A_926 : vector<16xf32>
      %parallel_loop3A_928 = arith.constant 9.99999974E-6 : f32
      %parallel_loop3A_929 = vector.broadcast %parallel_loop3A_928 : f32 to vector<16xf32>
      %parallel_loop3A_930 = arith.cmpf ogt, %parallel_loop3A_901, %parallel_loop3A_929 : vector<16xf32>
      %parallel_loop3A_931 = arith.constant 0.000000e+00 : f32
      %parallel_loop3A_932 = vector.broadcast %parallel_loop3A_931 : f32 to vector<16xf32>
      %parallel_loop3A_933 = arith.cmpf ogt, %parallel_loop3A_927, %parallel_loop3A_932 : vector<16xf32>
      %parallel_loop3A_934 = arith.andi %parallel_loop3A_930, %parallel_loop3A_933 : vector<16xi1>
      %parallel_loop3A_935 = arith.constant 1.000000e+00 : f32
      %parallel_loop3A_936 = vector.broadcast %parallel_loop3A_935 : f32 to vector<16xf32>
      %parallel_loop3A_937 = arith.cmpf olt, %parallel_loop3A_927, %parallel_loop3A_936 : vector<16xf32>
      %parallel_loop3A_938 = arith.andi %parallel_loop3A_934, %parallel_loop3A_937 : vector<16xi1>
      %parallel_loop3A_939 = arith.constant 1.000000e+00 : f32
      %parallel_loop3A_940 = vector.broadcast %parallel_loop3A_939 : f32 to vector<16xf32>
      %parallel_loop3A_941 = arith.cmpf olt, %parallel_loop3A_923, %parallel_loop3A_940 : vector<16xf32>
      %parallel_loop3A_942 = arith.andi %parallel_loop3A_938, %parallel_loop3A_941 : vector<16xi1>
      %parallel_loop3A_943 = arith.constant 0.000000e+00 : f32
      %parallel_loop3A_944 = vector.broadcast %parallel_loop3A_943 : f32 to vector<16xf32>
      %parallel_loop3A_945 = arith.cmpf ogt, %parallel_loop3A_923, %parallel_loop3A_944 : vector<16xf32>
      %parallel_loop3A_946 = arith.andi %parallel_loop3A_942, %parallel_loop3A_945 : vector<16xi1>
      %parallel_loop3A_947 = arith.constant 1.000000e+00 : f32
      %parallel_loop3A_948 = arith.constant 0.000000e+00 : f32
      %parallel_loop3A_949 = vector.broadcast %parallel_loop3A_947 : f32 to vector<16xf32>
      %parallel_loop3A_950 = vector.broadcast %parallel_loop3A_948 : f32 to vector<16xf32>
      %parallel_loop3A_951 = arith.select %parallel_loop3A_946, %parallel_loop3A_949, %parallel_loop3A_950 : vector<16xi1>, vector<16xf32>
      %parallel_loop3A_952 = arith.addf %parallel_loop3A_859, %parallel_loop3A_951 : vector<16xf32>
      %parallel_loop3A_953 = arith.constant -2.100000e+00 : f32
      %parallel_loop3A_954 = arith.constant 2.100000e+00 : f32
      %parallel_loop3A_955 = vector.broadcast %parallel_loop3A_953 : f32 to vector<16xf32>
      %parallel_loop3A_956 = arith.maximumf %parallel_loop3A_955, %parallel_loop3A_923 : vector<16xf32>
      %parallel_loop3A_957 = vector.broadcast %parallel_loop3A_954 : f32 to vector<16xf32>
      %parallel_loop3A_958 = arith.minimumf %parallel_loop3A_957, %parallel_loop3A_956 : vector<16xf32>
      %parallel_loop3A_959 = arith.constant 8 : i32
      %parallel_loop3A_960 = arith.index_cast %parallel_loop3A_959 : i32 to index
      %parallel_loop3A_961 = arith.index_cast %parallel_loop3A_392 : i32 to index
      %parallel_loop3A_962 = tpu.vector_load %arg10[%parallel_loop3A_960, %parallel_loop3A_961] {strides = array<i32>} : memref<24x1280xf32, #tpu.memory_space<vmem>>, vector<16xf32>,
      tpu.vector_store %arg10[%parallel_loop3A_960, %parallel_loop3A_961], %parallel_loop3A_958 {strides = array<i32>} : memref<24x1280xf32, #tpu.memory_space<vmem>>, vector<16xf32>,
      %parallel_loop3A_963 = arith.constant -2.100000e+00 : f32
      %parallel_loop3A_964 = arith.constant 2.100000e+00 : f32
      %parallel_loop3A_965 = vector.broadcast %parallel_loop3A_963 : f32 to vector<16xf32>
      %parallel_loop3A_966 = arith.maximumf %parallel_loop3A_965, %parallel_loop3A_927 : vector<16xf32>
      %parallel_loop3A_967 = vector.broadcast %parallel_loop3A_964 : f32 to vector<16xf32>
      %parallel_loop3A_968 = arith.minimumf %parallel_loop3A_967, %parallel_loop3A_966 : vector<16xf32>
      %parallel_loop3A_969 = arith.constant 8 : i32
      %parallel_loop3A_970 = arith.index_cast %parallel_loop3A_969 : i32 to index
      %parallel_loop3A_971 = arith.index_cast %parallel_loop3A_392 : i32 to index
      %parallel_loop3A_972 = tpu.vector_load %arg11[%parallel_loop3A_970, %parallel_loop3A_971] {strides = array<i32>} : memref<24x1280xf32, #tpu.memory_space<vmem>>, vector<16xf32>,
      tpu.vector_store %arg11[%parallel_loop3A_970, %parallel_loop3A_971], %parallel_loop3A_968 {strides = array<i32>} : memref<24x1280xf32, #tpu.memory_space<vmem>>, vector<16xf32>,
      %parallel_loop3A_973 = arith.constant 8 : i32
      %parallel_loop3A_974 = arith.index_cast %parallel_loop3A_973 : i32 to index
      %parallel_loop3A_975 = arith.index_cast %parallel_loop3A_392 : i32 to index
      %parallel_loop3A_976 = tpu.vector_load %arg12[%parallel_loop3A_974, %parallel_loop3A_975] {strides = array<i32>} : memref<24x1280xf32, #tpu.memory_space<vmem>>, vector<16xf32>,
      tpu.vector_store %arg12[%parallel_loop3A_974, %parallel_loop3A_975], %parallel_loop3A_951 {strides = array<i32>} : memref<24x1280xf32, #tpu.memory_space<vmem>>, vector<16xf32>,
      %parallel_loop3A_977 = arith.constant 2 : i32
      %parallel_loop3A_978 = arith.index_cast %parallel_loop3A_977 : i32 to index
      %parallel_loop3A_979 = arith.index_cast %parallel_loop3A_392 : i32 to index
      %parallel_loop3A_980 = tpu.vector_load %arg8[%parallel_loop3A_978, %parallel_loop3A_979] {strides = array<i32>} : memref<12x1280xf32, #tpu.memory_space<vmem>>, vector<16xf32>,
      %parallel_loop3A_981 = arith.constant 6 : i32
      %parallel_loop3A_982 = arith.index_cast %parallel_loop3A_981 : i32 to index
      %parallel_loop3A_983 = arith.index_cast %parallel_loop3A_392 : i32 to index
      %parallel_loop3A_984 = tpu.vector_load %arg8[%parallel_loop3A_982, %parallel_loop3A_983] {strides = array<i32>} : memref<12x1280xf32, #tpu.memory_space<vmem>>, vector<16xf32>,
      %parallel_loop3A_985 = arith.constant 10 : i32
      %parallel_loop3A_986 = arith.index_cast %parallel_loop3A_985 : i32 to index
      %parallel_loop3A_987 = arith.index_cast %parallel_loop3A_392 : i32 to index
      %parallel_loop3A_988 = tpu.vector_load %arg8[%parallel_loop3A_986, %parallel_loop3A_987] {strides = array<i32>} : memref<12x1280xf32, #tpu.memory_space<vmem>>, vector<16xf32>,
      %parallel_loop3A_989 = arith.mulf %get3A_243, %parallel_loop3A_980 : vector<16xf32>
      %parallel_loop3A_990 = arith.mulf %get3A_245, %parallel_loop3A_984 : vector<16xf32>
      %parallel_loop3A_991 = arith.addf %parallel_loop3A_989, %parallel_loop3A_990 : vector<16xf32>
      %parallel_loop3A_992 = arith.mulf %get3A_247, %parallel_loop3A_988 : vector<16xf32>
      %parallel_loop3A_993 = arith.addf %parallel_loop3A_991, %parallel_loop3A_992 : vector<16xf32>
      %parallel_loop3A_994 = arith.addf %parallel_loop3A_993, %get3A_249 : vector<16xf32>
      %parallel_loop3A_995 = arith.mulf %get3A_251, %parallel_loop3A_980 : vector<16xf32>
      %parallel_loop3A_996 = arith.mulf %get3A_253, %parallel_loop3A_984 : vector<16xf32>
      %parallel_loop3A_997 = arith.addf %parallel_loop3A_995, %parallel_loop3A_996 : vector<16xf32>
      %parallel_loop3A_998 = arith.mulf %get3A_255, %parallel_loop3A_988 : vector<16xf32>
      %parallel_loop3A_999 = arith.addf %parallel_loop3A_997, %parallel_loop3A_998 : vector<16xf32>
      %parallel_loop3A_1000 = arith.addf %parallel_loop3A_999, %get3A_257 : vector<16xf32>
      %parallel_loop3A_1001 = arith.mulf %get3A_259, %parallel_loop3A_980 : vector<16xf32>
      %parallel_loop3A_1002 = arith.mulf %get3A_261, %parallel_loop3A_984 : vector<16xf32>
      %parallel_loop3A_1003 = arith.addf %parallel_loop3A_1001, %parallel_loop3A_1002 : vector<16xf32>
      %parallel_loop3A_1004 = arith.mulf %get3A_263, %parallel_loop3A_988 : vector<16xf32>
      %parallel_loop3A_1005 = arith.addf %parallel_loop3A_1003, %parallel_loop3A_1004 : vector<16xf32>
      %parallel_loop3A_1006 = arith.addf %parallel_loop3A_1005, %get3A_265 : vector<16xf32>
      %parallel_loop3A_1007 = arith.constant 9.99999974E-6 : f32
      %parallel_loop3A_1008 = vector.broadcast %parallel_loop3A_1007 : f32 to vector<16xf32>
      %parallel_loop3A_1009 = arith.maximumf %parallel_loop3A_1006, %parallel_loop3A_1008 : vector<16xf32>
      %parallel_loop3A_1010 = vector.bitcast %parallel_loop3A_1009 : vector<16xf32> to vector<16xi32>
      %parallel_loop3A_1011 = arith.constant 2129859011 : i32
      %parallel_loop3A_1012 = vector.broadcast %parallel_loop3A_1011 : i32 to vector<16xi32>
      %parallel_loop3A_1013 = arith.subi %parallel_loop3A_1012, %parallel_loop3A_1010 : vector<16xi32>
      %parallel_loop3A_1014 = vector.bitcast %parallel_loop3A_1013 : vector<16xi32> to vector<16xf32>
      %parallel_loop3A_1015 = arith.mulf %parallel_loop3A_1009, %parallel_loop3A_1014 : vector<16xf32>
      %parallel_loop3A_1016 = arith.constant 2.000000e+00 : f32
      %parallel_loop3A_1017 = vector.broadcast %parallel_loop3A_1016 : f32 to vector<16xf32>
      %parallel_loop3A_1018 = arith.subf %parallel_loop3A_1017, %parallel_loop3A_1015 : vector<16xf32>
      %parallel_loop3A_1019 = arith.mulf %parallel_loop3A_1014, %parallel_loop3A_1018 : vector<16xf32>
      %parallel_loop3A_1020 = arith.mulf %parallel_loop3A_1009, %parallel_loop3A_1019 : vector<16xf32>
      %parallel_loop3A_1021 = arith.constant 2.000000e+00 : f32
      %parallel_loop3A_1022 = vector.broadcast %parallel_loop3A_1021 : f32 to vector<16xf32>
      %parallel_loop3A_1023 = arith.subf %parallel_loop3A_1022, %parallel_loop3A_1020 : vector<16xf32>
      %parallel_loop3A_1024 = arith.mulf %parallel_loop3A_1019, %parallel_loop3A_1023 : vector<16xf32>
      %parallel_loop3A_1025 = arith.mulf %parallel_loop3A_994, %parallel_loop3A_1024 : vector<16xf32>
      %parallel_loop3A_1026 = arith.constant 7.10227294E-4 : f32
      %parallel_loop3A_1027 = vector.broadcast %parallel_loop3A_1026 : f32 to vector<16xf32>
      %parallel_loop3A_1028 = arith.mulf %parallel_loop3A_1025, %parallel_loop3A_1027 : vector<16xf32>
      %parallel_loop3A_1029 = arith.mulf %parallel_loop3A_1000, %parallel_loop3A_1024 : vector<16xf32>
      %parallel_loop3A_1030 = arith.constant 0.001953125 : f32
      %parallel_loop3A_1031 = vector.broadcast %parallel_loop3A_1030 : f32 to vector<16xf32>
      %parallel_loop3A_1032 = arith.mulf %parallel_loop3A_1029, %parallel_loop3A_1031 : vector<16xf32>
      %parallel_loop3A_1033 = arith.constant 9.99999974E-6 : f32
      %parallel_loop3A_1034 = vector.broadcast %parallel_loop3A_1033 : f32 to vector<16xf32>
      %parallel_loop3A_1035 = arith.cmpf ogt, %parallel_loop3A_1006, %parallel_loop3A_1034 : vector<16xf32>
      %parallel_loop3A_1036 = arith.constant 0.000000e+00 : f32
      %parallel_loop3A_1037 = vector.broadcast %parallel_loop3A_1036 : f32 to vector<16xf32>
      %parallel_loop3A_1038 = arith.cmpf ogt, %parallel_loop3A_1032, %parallel_loop3A_1037 : vector<16xf32>
      %parallel_loop3A_1039 = arith.andi %parallel_loop3A_1035, %parallel_loop3A_1038 : vector<16xi1>
      %parallel_loop3A_1040 = arith.constant 1.000000e+00 : f32
      %parallel_loop3A_1041 = vector.broadcast %parallel_loop3A_1040 : f32 to vector<16xf32>
      %parallel_loop3A_1042 = arith.cmpf olt, %parallel_loop3A_1032, %parallel_loop3A_1041 : vector<16xf32>
      %parallel_loop3A_1043 = arith.andi %parallel_loop3A_1039, %parallel_loop3A_1042 : vector<16xi1>
      %parallel_loop3A_1044 = arith.constant 1.000000e+00 : f32
      %parallel_loop3A_1045 = vector.broadcast %parallel_loop3A_1044 : f32 to vector<16xf32>
      %parallel_loop3A_1046 = arith.cmpf olt, %parallel_loop3A_1028, %parallel_loop3A_1045 : vector<16xf32>
      %parallel_loop3A_1047 = arith.andi %parallel_loop3A_1043, %parallel_loop3A_1046 : vector<16xi1>
      %parallel_loop3A_1048 = arith.constant 0.000000e+00 : f32
      %parallel_loop3A_1049 = vector.broadcast %parallel_loop3A_1048 : f32 to vector<16xf32>
      %parallel_loop3A_1050 = arith.cmpf ogt, %parallel_loop3A_1028, %parallel_loop3A_1049 : vector<16xf32>
      %parallel_loop3A_1051 = arith.andi %parallel_loop3A_1047, %parallel_loop3A_1050 : vector<16xi1>
      %parallel_loop3A_1052 = arith.constant 1.000000e+00 : f32
      %parallel_loop3A_1053 = arith.constant 0.000000e+00 : f32
      %parallel_loop3A_1054 = vector.broadcast %parallel_loop3A_1052 : f32 to vector<16xf32>
      %parallel_loop3A_1055 = vector.broadcast %parallel_loop3A_1053 : f32 to vector<16xf32>
      %parallel_loop3A_1056 = arith.select %parallel_loop3A_1051, %parallel_loop3A_1054, %parallel_loop3A_1055 : vector<16xi1>, vector<16xf32>
      %parallel_loop3A_1057 = arith.addf %parallel_loop3A_952, %parallel_loop3A_1056 : vector<16xf32>
      %parallel_loop3A_1058 = arith.constant -2.100000e+00 : f32
      %parallel_loop3A_1059 = arith.constant 2.100000e+00 : f32
      %parallel_loop3A_1060 = vector.broadcast %parallel_loop3A_1058 : f32 to vector<16xf32>
      %parallel_loop3A_1061 = arith.maximumf %parallel_loop3A_1060, %parallel_loop3A_1028 : vector<16xf32>
      %parallel_loop3A_1062 = vector.broadcast %parallel_loop3A_1059 : f32 to vector<16xf32>
      %parallel_loop3A_1063 = arith.minimumf %parallel_loop3A_1062, %parallel_loop3A_1061 : vector<16xf32>
      %parallel_loop3A_1064 = arith.constant 12 : i32
      %parallel_loop3A_1065 = arith.index_cast %parallel_loop3A_1064 : i32 to index
      %parallel_loop3A_1066 = arith.index_cast %parallel_loop3A_392 : i32 to index
      %parallel_loop3A_1067 = tpu.vector_load %arg10[%parallel_loop3A_1065, %parallel_loop3A_1066] {strides = array<i32>} : memref<24x1280xf32, #tpu.memory_space<vmem>>, vector<16xf32>,
      tpu.vector_store %arg10[%parallel_loop3A_1065, %parallel_loop3A_1066], %parallel_loop3A_1063 {strides = array<i32>} : memref<24x1280xf32, #tpu.memory_space<vmem>>, vector<16xf32>,
      %parallel_loop3A_1068 = arith.constant -2.100000e+00 : f32
      %parallel_loop3A_1069 = arith.constant 2.100000e+00 : f32
      %parallel_loop3A_1070 = vector.broadcast %parallel_loop3A_1068 : f32 to vector<16xf32>
      %parallel_loop3A_1071 = arith.maximumf %parallel_loop3A_1070, %parallel_loop3A_1032 : vector<16xf32>
      %parallel_loop3A_1072 = vector.broadcast %parallel_loop3A_1069 : f32 to vector<16xf32>
      %parallel_loop3A_1073 = arith.minimumf %parallel_loop3A_1072, %parallel_loop3A_1071 : vector<16xf32>
      %parallel_loop3A_1074 = arith.constant 12 : i32
      %parallel_loop3A_1075 = arith.index_cast %parallel_loop3A_1074 : i32 to index
      %parallel_loop3A_1076 = arith.index_cast %parallel_loop3A_392 : i32 to index
      %parallel_loop3A_1077 = tpu.vector_load %arg11[%parallel_loop3A_1075, %parallel_loop3A_1076] {strides = array<i32>} : memref<24x1280xf32, #tpu.memory_space<vmem>>, vector<16xf32>,
      tpu.vector_store %arg11[%parallel_loop3A_1075, %parallel_loop3A_1076], %parallel_loop3A_1073 {strides = array<i32>} : memref<24x1280xf32, #tpu.memory_space<vmem>>, vector<16xf32>,
      %parallel_loop3A_1078 = arith.constant 12 : i32
      %parallel_loop3A_1079 = arith.index_cast %parallel_loop3A_1078 : i32 to index
      %parallel_loop3A_1080 = arith.index_cast %parallel_loop3A_392 : i32 to index
      %parallel_loop3A_1081 = tpu.vector_load %arg12[%parallel_loop3A_1079, %parallel_loop3A_1080] {strides = array<i32>} : memref<24x1280xf32, #tpu.memory_space<vmem>>, vector<16xf32>,
      tpu.vector_store %arg12[%parallel_loop3A_1079, %parallel_loop3A_1080], %parallel_loop3A_1056 {strides = array<i32>} : memref<24x1280xf32, #tpu.memory_space<vmem>>, vector<16xf32>,
      %parallel_loop3A_1082 = arith.mulf %get3A_267, %parallel_loop3A_980 : vector<16xf32>
      %parallel_loop3A_1083 = arith.mulf %get3A_269, %parallel_loop3A_984 : vector<16xf32>
      %parallel_loop3A_1084 = arith.addf %parallel_loop3A_1082, %parallel_loop3A_1083 : vector<16xf32>
      %parallel_loop3A_1085 = arith.mulf %get3A_271, %parallel_loop3A_988 : vector<16xf32>
      %parallel_loop3A_1086 = arith.addf %parallel_loop3A_1084, %parallel_loop3A_1085 : vector<16xf32>
      %parallel_loop3A_1087 = arith.addf %parallel_loop3A_1086, %get3A_273 : vector<16xf32>
      %parallel_loop3A_1088 = arith.mulf %get3A_275, %parallel_loop3A_980 : vector<16xf32>
      %parallel_loop3A_1089 = arith.mulf %get3A_277, %parallel_loop3A_984 : vector<16xf32>
      %parallel_loop3A_1090 = arith.addf %parallel_loop3A_1088, %parallel_loop3A_1089 : vector<16xf32>
      %parallel_loop3A_1091 = arith.mulf %get3A_279, %parallel_loop3A_988 : vector<16xf32>
      %parallel_loop3A_1092 = arith.addf %parallel_loop3A_1090, %parallel_loop3A_1091 : vector<16xf32>
      %parallel_loop3A_1093 = arith.addf %parallel_loop3A_1092, %get3A_281 : vector<16xf32>
      %parallel_loop3A_1094 = arith.mulf %get3A_283, %parallel_loop3A_980 : vector<16xf32>
      %parallel_loop3A_1095 = arith.mulf %get3A_285, %parallel_loop3A_984 : vector<16xf32>
      %parallel_loop3A_1096 = arith.addf %parallel_loop3A_1094, %parallel_loop3A_1095 : vector<16xf32>
      %parallel_loop3A_1097 = arith.mulf %get3A_287, %parallel_loop3A_988 : vector<16xf32>
      %parallel_loop3A_1098 = arith.addf %parallel_loop3A_1096, %parallel_loop3A_1097 : vector<16xf32>
      %parallel_loop3A_1099 = arith.addf %parallel_loop3A_1098, %get3A_289 : vector<16xf32>
      %parallel_loop3A_1100 = arith.constant 9.99999974E-6 : f32
      %parallel_loop3A_1101 = vector.broadcast %parallel_loop3A_1100 : f32 to vector<16xf32>
      %parallel_loop3A_1102 = arith.maximumf %parallel_loop3A_1099, %parallel_loop3A_1101 : vector<16xf32>
      %parallel_loop3A_1103 = vector.bitcast %parallel_loop3A_1102 : vector<16xf32> to vector<16xi32>
      %parallel_loop3A_1104 = arith.constant 2129859011 : i32
      %parallel_loop3A_1105 = vector.broadcast %parallel_loop3A_1104 : i32 to vector<16xi32>
      %parallel_loop3A_1106 = arith.subi %parallel_loop3A_1105, %parallel_loop3A_1103 : vector<16xi32>
      %parallel_loop3A_1107 = vector.bitcast %parallel_loop3A_1106 : vector<16xi32> to vector<16xf32>
      %parallel_loop3A_1108 = arith.mulf %parallel_loop3A_1102, %parallel_loop3A_1107 : vector<16xf32>
      %parallel_loop3A_1109 = arith.constant 2.000000e+00 : f32
      %parallel_loop3A_1110 = vector.broadcast %parallel_loop3A_1109 : f32 to vector<16xf32>
      %parallel_loop3A_1111 = arith.subf %parallel_loop3A_1110, %parallel_loop3A_1108 : vector<16xf32>
      %parallel_loop3A_1112 = arith.mulf %parallel_loop3A_1107, %parallel_loop3A_1111 : vector<16xf32>
      %parallel_loop3A_1113 = arith.mulf %parallel_loop3A_1102, %parallel_loop3A_1112 : vector<16xf32>
      %parallel_loop3A_1114 = arith.constant 2.000000e+00 : f32
      %parallel_loop3A_1115 = vector.broadcast %parallel_loop3A_1114 : f32 to vector<16xf32>
      %parallel_loop3A_1116 = arith.subf %parallel_loop3A_1115, %parallel_loop3A_1113 : vector<16xf32>
      %parallel_loop3A_1117 = arith.mulf %parallel_loop3A_1112, %parallel_loop3A_1116 : vector<16xf32>
      %parallel_loop3A_1118 = arith.mulf %parallel_loop3A_1087, %parallel_loop3A_1117 : vector<16xf32>
      %parallel_loop3A_1119 = arith.constant 7.10227294E-4 : f32
      %parallel_loop3A_1120 = vector.broadcast %parallel_loop3A_1119 : f32 to vector<16xf32>
      %parallel_loop3A_1121 = arith.mulf %parallel_loop3A_1118, %parallel_loop3A_1120 : vector<16xf32>
      %parallel_loop3A_1122 = arith.mulf %parallel_loop3A_1093, %parallel_loop3A_1117 : vector<16xf32>
      %parallel_loop3A_1123 = arith.constant 0.001953125 : f32
      %parallel_loop3A_1124 = vector.broadcast %parallel_loop3A_1123 : f32 to vector<16xf32>
      %parallel_loop3A_1125 = arith.mulf %parallel_loop3A_1122, %parallel_loop3A_1124 : vector<16xf32>
      %parallel_loop3A_1126 = arith.constant 9.99999974E-6 : f32
      %parallel_loop3A_1127 = vector.broadcast %parallel_loop3A_1126 : f32 to vector<16xf32>
      %parallel_loop3A_1128 = arith.cmpf ogt, %parallel_loop3A_1099, %parallel_loop3A_1127 : vector<16xf32>
      %parallel_loop3A_1129 = arith.constant 0.000000e+00 : f32
      %parallel_loop3A_1130 = vector.broadcast %parallel_loop3A_1129 : f32 to vector<16xf32>
      %parallel_loop3A_1131 = arith.cmpf ogt, %parallel_loop3A_1125, %parallel_loop3A_1130 : vector<16xf32>
      %parallel_loop3A_1132 = arith.andi %parallel_loop3A_1128, %parallel_loop3A_1131 : vector<16xi1>
      %parallel_loop3A_1133 = arith.constant 1.000000e+00 : f32
      %parallel_loop3A_1134 = vector.broadcast %parallel_loop3A_1133 : f32 to vector<16xf32>
      %parallel_loop3A_1135 = arith.cmpf olt, %parallel_loop3A_1125, %parallel_loop3A_1134 : vector<16xf32>
      %parallel_loop3A_1136 = arith.andi %parallel_loop3A_1132, %parallel_loop3A_1135 : vector<16xi1>
      %parallel_loop3A_1137 = arith.constant 1.000000e+00 : f32
      %parallel_loop3A_1138 = vector.broadcast %parallel_loop3A_1137 : f32 to vector<16xf32>
      %parallel_loop3A_1139 = arith.cmpf olt, %parallel_loop3A_1121, %parallel_loop3A_1138 : vector<16xf32>
      %parallel_loop3A_1140 = arith.andi %parallel_loop3A_1136, %parallel_loop3A_1139 : vector<16xi1>
      %parallel_loop3A_1141 = arith.constant 0.000000e+00 : f32
      %parallel_loop3A_1142 = vector.broadcast %parallel_loop3A_1141 : f32 to vector<16xf32>
      %parallel_loop3A_1143 = arith.cmpf ogt, %parallel_loop3A_1121, %parallel_loop3A_1142 : vector<16xf32>
      %parallel_loop3A_1144 = arith.andi %parallel_loop3A_1140, %parallel_loop3A_1143 : vector<16xi1>
      %parallel_loop3A_1145 = arith.constant 1.000000e+00 : f32
      %parallel_loop3A_1146 = arith.constant 0.000000e+00 : f32
      %parallel_loop3A_1147 = vector.broadcast %parallel_loop3A_1145 : f32 to vector<16xf32>
      %parallel_loop3A_1148 = vector.broadcast %parallel_loop3A_1146 : f32 to vector<16xf32>
      %parallel_loop3A_1149 = arith.select %parallel_loop3A_1144, %parallel_loop3A_1147, %parallel_loop3A_1148 : vector<16xi1>, vector<16xf32>
      %parallel_loop3A_1150 = arith.addf %parallel_loop3A_1057, %parallel_loop3A_1149 : vector<16xf32>
      %parallel_loop3A_1151 = arith.constant -2.100000e+00 : f32
      %parallel_loop3A_1152 = arith.constant 2.100000e+00 : f32
      %parallel_loop3A_1153 = vector.broadcast %parallel_loop3A_1151 : f32 to vector<16xf32>
      %parallel_loop3A_1154 = arith.maximumf %parallel_loop3A_1153, %parallel_loop3A_1121 : vector<16xf32>
      %parallel_loop3A_1155 = vector.broadcast %parallel_loop3A_1152 : f32 to vector<16xf32>
      %parallel_loop3A_1156 = arith.minimumf %parallel_loop3A_1155, %parallel_loop3A_1154 : vector<16xf32>
      %parallel_loop3A_1157 = arith.constant 13 : i32
      %parallel_loop3A_1158 = arith.index_cast %parallel_loop3A_1157 : i32 to index
      %parallel_loop3A_1159 = arith.index_cast %parallel_loop3A_392 : i32 to index
      %parallel_loop3A_1160 = tpu.vector_load %arg10[%parallel_loop3A_1158, %parallel_loop3A_1159] {strides = array<i32>} : memref<24x1280xf32, #tpu.memory_space<vmem>>, vector<16xf32>,
      tpu.vector_store %arg10[%parallel_loop3A_1158, %parallel_loop3A_1159], %parallel_loop3A_1156 {strides = array<i32>} : memref<24x1280xf32, #tpu.memory_space<vmem>>, vector<16xf32>,
      %parallel_loop3A_1161 = arith.constant -2.100000e+00 : f32
      %parallel_loop3A_1162 = arith.constant 2.100000e+00 : f32
      %parallel_loop3A_1163 = vector.broadcast %parallel_loop3A_1161 : f32 to vector<16xf32>
      %parallel_loop3A_1164 = arith.maximumf %parallel_loop3A_1163, %parallel_loop3A_1125 : vector<16xf32>
      %parallel_loop3A_1165 = vector.broadcast %parallel_loop3A_1162 : f32 to vector<16xf32>
      %parallel_loop3A_1166 = arith.minimumf %parallel_loop3A_1165, %parallel_loop3A_1164 : vector<16xf32>
      %parallel_loop3A_1167 = arith.constant 13 : i32
      %parallel_loop3A_1168 = arith.index_cast %parallel_loop3A_1167 : i32 to index
      %parallel_loop3A_1169 = arith.index_cast %parallel_loop3A_392 : i32 to index
      %parallel_loop3A_1170 = tpu.vector_load %arg11[%parallel_loop3A_1168, %parallel_loop3A_1169] {strides = array<i32>} : memref<24x1280xf32, #tpu.memory_space<vmem>>, vector<16xf32>,
      tpu.vector_store %arg11[%parallel_loop3A_1168, %parallel_loop3A_1169], %parallel_loop3A_1166 {strides = array<i32>} : memref<24x1280xf32, #tpu.memory_space<vmem>>, vector<16xf32>,
      %parallel_loop3A_1171 = arith.constant 13 : i32
      %parallel_loop3A_1172 = arith.index_cast %parallel_loop3A_1171 : i32 to index
      %parallel_loop3A_1173 = arith.index_cast %parallel_loop3A_392 : i32 to index
      %parallel_loop3A_1174 = tpu.vector_load %arg12[%parallel_loop3A_1172, %parallel_loop3A_1173] {strides = array<i32>} : memref<24x1280xf32, #tpu.memory_space<vmem>>, vector<16xf32>,
      tpu.vector_store %arg12[%parallel_loop3A_1172, %parallel_loop3A_1173], %parallel_loop3A_1149 {strides = array<i32>} : memref<24x1280xf32, #tpu.memory_space<vmem>>, vector<16xf32>,
      %parallel_loop3A_1175 = arith.mulf %get3A_291, %parallel_loop3A_980 : vector<16xf32>
      %parallel_loop3A_1176 = arith.mulf %get3A_293, %parallel_loop3A_984 : vector<16xf32>
      %parallel_loop3A_1177 = arith.addf %parallel_loop3A_1175, %parallel_loop3A_1176 : vector<16xf32>
      %parallel_loop3A_1178 = arith.mulf %get3A_295, %parallel_loop3A_988 : vector<16xf32>
      %parallel_loop3A_1179 = arith.addf %parallel_loop3A_1177, %parallel_loop3A_1178 : vector<16xf32>
      %parallel_loop3A_1180 = arith.addf %parallel_loop3A_1179, %get3A_297 : vector<16xf32>
      %parallel_loop3A_1181 = arith.mulf %get3A_299, %parallel_loop3A_980 : vector<16xf32>
      %parallel_loop3A_1182 = arith.mulf %get3A_301, %parallel_loop3A_984 : vector<16xf32>
      %parallel_loop3A_1183 = arith.addf %parallel_loop3A_1181, %parallel_loop3A_1182 : vector<16xf32>
      %parallel_loop3A_1184 = arith.mulf %get3A_303, %parallel_loop3A_988 : vector<16xf32>
      %parallel_loop3A_1185 = arith.addf %parallel_loop3A_1183, %parallel_loop3A_1184 : vector<16xf32>
      %parallel_loop3A_1186 = arith.addf %parallel_loop3A_1185, %get3A_305 : vector<16xf32>
      %parallel_loop3A_1187 = arith.mulf %get3A_307, %parallel_loop3A_980 : vector<16xf32>
      %parallel_loop3A_1188 = arith.mulf %get3A_309, %parallel_loop3A_984 : vector<16xf32>
      %parallel_loop3A_1189 = arith.addf %parallel_loop3A_1187, %parallel_loop3A_1188 : vector<16xf32>
      %parallel_loop3A_1190 = arith.mulf %get3A_311, %parallel_loop3A_988 : vector<16xf32>
      %parallel_loop3A_1191 = arith.addf %parallel_loop3A_1189, %parallel_loop3A_1190 : vector<16xf32>
      %parallel_loop3A_1192 = arith.addf %parallel_loop3A_1191, %get3A_313 : vector<16xf32>
      %parallel_loop3A_1193 = arith.constant 9.99999974E-6 : f32
      %parallel_loop3A_1194 = vector.broadcast %parallel_loop3A_1193 : f32 to vector<16xf32>
      %parallel_loop3A_1195 = arith.maximumf %parallel_loop3A_1192, %parallel_loop3A_1194 : vector<16xf32>
      %parallel_loop3A_1196 = vector.bitcast %parallel_loop3A_1195 : vector<16xf32> to vector<16xi32>
      %parallel_loop3A_1197 = arith.constant 2129859011 : i32
      %parallel_loop3A_1198 = vector.broadcast %parallel_loop3A_1197 : i32 to vector<16xi32>
      %parallel_loop3A_1199 = arith.subi %parallel_loop3A_1198, %parallel_loop3A_1196 : vector<16xi32>
      %parallel_loop3A_1200 = vector.bitcast %parallel_loop3A_1199 : vector<16xi32> to vector<16xf32>
      %parallel_loop3A_1201 = arith.mulf %parallel_loop3A_1195, %parallel_loop3A_1200 : vector<16xf32>
      %parallel_loop3A_1202 = arith.constant 2.000000e+00 : f32
      %parallel_loop3A_1203 = vector.broadcast %parallel_loop3A_1202 : f32 to vector<16xf32>
      %parallel_loop3A_1204 = arith.subf %parallel_loop3A_1203, %parallel_loop3A_1201 : vector<16xf32>
      %parallel_loop3A_1205 = arith.mulf %parallel_loop3A_1200, %parallel_loop3A_1204 : vector<16xf32>
      %parallel_loop3A_1206 = arith.mulf %parallel_loop3A_1195, %parallel_loop3A_1205 : vector<16xf32>
      %parallel_loop3A_1207 = arith.constant 2.000000e+00 : f32
      %parallel_loop3A_1208 = vector.broadcast %parallel_loop3A_1207 : f32 to vector<16xf32>
      %parallel_loop3A_1209 = arith.subf %parallel_loop3A_1208, %parallel_loop3A_1206 : vector<16xf32>
      %parallel_loop3A_1210 = arith.mulf %parallel_loop3A_1205, %parallel_loop3A_1209 : vector<16xf32>
      %parallel_loop3A_1211 = arith.mulf %parallel_loop3A_1180, %parallel_loop3A_1210 : vector<16xf32>
      %parallel_loop3A_1212 = arith.constant 7.10227294E-4 : f32
      %parallel_loop3A_1213 = vector.broadcast %parallel_loop3A_1212 : f32 to vector<16xf32>
      %parallel_loop3A_1214 = arith.mulf %parallel_loop3A_1211, %parallel_loop3A_1213 : vector<16xf32>
      %parallel_loop3A_1215 = arith.mulf %parallel_loop3A_1186, %parallel_loop3A_1210 : vector<16xf32>
      %parallel_loop3A_1216 = arith.constant 0.001953125 : f32
      %parallel_loop3A_1217 = vector.broadcast %parallel_loop3A_1216 : f32 to vector<16xf32>
      %parallel_loop3A_1218 = arith.mulf %parallel_loop3A_1215, %parallel_loop3A_1217 : vector<16xf32>
      %parallel_loop3A_1219 = arith.constant 9.99999974E-6 : f32
      %parallel_loop3A_1220 = vector.broadcast %parallel_loop3A_1219 : f32 to vector<16xf32>
      %parallel_loop3A_1221 = arith.cmpf ogt, %parallel_loop3A_1192, %parallel_loop3A_1220 : vector<16xf32>
      %parallel_loop3A_1222 = arith.constant 0.000000e+00 : f32
      %parallel_loop3A_1223 = vector.broadcast %parallel_loop3A_1222 : f32 to vector<16xf32>
      %parallel_loop3A_1224 = arith.cmpf ogt, %parallel_loop3A_1218, %parallel_loop3A_1223 : vector<16xf32>
      %parallel_loop3A_1225 = arith.andi %parallel_loop3A_1221, %parallel_loop3A_1224 : vector<16xi1>
      %parallel_loop3A_1226 = arith.constant 1.000000e+00 : f32
      %parallel_loop3A_1227 = vector.broadcast %parallel_loop3A_1226 : f32 to vector<16xf32>
      %parallel_loop3A_1228 = arith.cmpf olt, %parallel_loop3A_1218, %parallel_loop3A_1227 : vector<16xf32>
      %parallel_loop3A_1229 = arith.andi %parallel_loop3A_1225, %parallel_loop3A_1228 : vector<16xi1>
      %parallel_loop3A_1230 = arith.constant 1.000000e+00 : f32
      %parallel_loop3A_1231 = vector.broadcast %parallel_loop3A_1230 : f32 to vector<16xf32>
      %parallel_loop3A_1232 = arith.cmpf olt, %parallel_loop3A_1214, %parallel_loop3A_1231 : vector<16xf32>
      %parallel_loop3A_1233 = arith.andi %parallel_loop3A_1229, %parallel_loop3A_1232 : vector<16xi1>
      %parallel_loop3A_1234 = arith.constant 0.000000e+00 : f32
      %parallel_loop3A_1235 = vector.broadcast %parallel_loop3A_1234 : f32 to vector<16xf32>
      %parallel_loop3A_1236 = arith.cmpf ogt, %parallel_loop3A_1214, %parallel_loop3A_1235 : vector<16xf32>
      %parallel_loop3A_1237 = arith.andi %parallel_loop3A_1233, %parallel_loop3A_1236 : vector<16xi1>
      %parallel_loop3A_1238 = arith.constant 1.000000e+00 : f32
      %parallel_loop3A_1239 = arith.constant 0.000000e+00 : f32
      %parallel_loop3A_1240 = vector.broadcast %parallel_loop3A_1238 : f32 to vector<16xf32>
      %parallel_loop3A_1241 = vector.broadcast %parallel_loop3A_1239 : f32 to vector<16xf32>
      %parallel_loop3A_1242 = arith.select %parallel_loop3A_1237, %parallel_loop3A_1240, %parallel_loop3A_1241 : vector<16xi1>, vector<16xf32>
      %parallel_loop3A_1243 = arith.addf %parallel_loop3A_1150, %parallel_loop3A_1242 : vector<16xf32>
      %parallel_loop3A_1244 = arith.constant -2.100000e+00 : f32
      %parallel_loop3A_1245 = arith.constant 2.100000e+00 : f32
      %parallel_loop3A_1246 = vector.broadcast %parallel_loop3A_1244 : f32 to vector<16xf32>
      %parallel_loop3A_1247 = arith.maximumf %parallel_loop3A_1246, %parallel_loop3A_1214 : vector<16xf32>
      %parallel_loop3A_1248 = vector.broadcast %parallel_loop3A_1245 : f32 to vector<16xf32>
      %parallel_loop3A_1249 = arith.minimumf %parallel_loop3A_1248, %parallel_loop3A_1247 : vector<16xf32>
      %parallel_loop3A_1250 = arith.constant 14 : i32
      %parallel_loop3A_1251 = arith.index_cast %parallel_loop3A_1250 : i32 to index
      %parallel_loop3A_1252 = arith.index_cast %parallel_loop3A_392 : i32 to index
      %parallel_loop3A_1253 = tpu.vector_load %arg10[%parallel_loop3A_1251, %parallel_loop3A_1252] {strides = array<i32>} : memref<24x1280xf32, #tpu.memory_space<vmem>>, vector<16xf32>,
      tpu.vector_store %arg10[%parallel_loop3A_1251, %parallel_loop3A_1252], %parallel_loop3A_1249 {strides = array<i32>} : memref<24x1280xf32, #tpu.memory_space<vmem>>, vector<16xf32>,
      %parallel_loop3A_1254 = arith.constant -2.100000e+00 : f32
      %parallel_loop3A_1255 = arith.constant 2.100000e+00 : f32
      %parallel_loop3A_1256 = vector.broadcast %parallel_loop3A_1254 : f32 to vector<16xf32>
      %parallel_loop3A_1257 = arith.maximumf %parallel_loop3A_1256, %parallel_loop3A_1218 : vector<16xf32>
      %parallel_loop3A_1258 = vector.broadcast %parallel_loop3A_1255 : f32 to vector<16xf32>
      %parallel_loop3A_1259 = arith.minimumf %parallel_loop3A_1258, %parallel_loop3A_1257 : vector<16xf32>
      %parallel_loop3A_1260 = arith.constant 14 : i32
      %parallel_loop3A_1261 = arith.index_cast %parallel_loop3A_1260 : i32 to index
      %parallel_loop3A_1262 = arith.index_cast %parallel_loop3A_392 : i32 to index
      %parallel_loop3A_1263 = tpu.vector_load %arg11[%parallel_loop3A_1261, %parallel_loop3A_1262] {strides = array<i32>} : memref<24x1280xf32, #tpu.memory_space<vmem>>, vector<16xf32>,
      tpu.vector_store %arg11[%parallel_loop3A_1261, %parallel_loop3A_1262], %parallel_loop3A_1259 {strides = array<i32>} : memref<24x1280xf32, #tpu.memory_space<vmem>>, vector<16xf32>,
      %parallel_loop3A_1264 = arith.constant 14 : i32
      %parallel_loop3A_1265 = arith.index_cast %parallel_loop3A_1264 : i32 to index
      %parallel_loop3A_1266 = arith.index_cast %parallel_loop3A_392 : i32 to index
      %parallel_loop3A_1267 = tpu.vector_load %arg12[%parallel_loop3A_1265, %parallel_loop3A_1266] {strides = array<i32>} : memref<24x1280xf32, #tpu.memory_space<vmem>>, vector<16xf32>,
      tpu.vector_store %arg12[%parallel_loop3A_1265, %parallel_loop3A_1266], %parallel_loop3A_1242 {strides = array<i32>} : memref<24x1280xf32, #tpu.memory_space<vmem>>, vector<16xf32>,
      %parallel_loop3A_1268 = arith.constant 3 : i32
      %parallel_loop3A_1269 = arith.index_cast %parallel_loop3A_1268 : i32 to index
      %parallel_loop3A_1270 = arith.index_cast %parallel_loop3A_392 : i32 to index
      %parallel_loop3A_1271 = tpu.vector_load %arg8[%parallel_loop3A_1269, %parallel_loop3A_1270] {strides = array<i32>} : memref<12x1280xf32, #tpu.memory_space<vmem>>, vector<16xf32>,
      %parallel_loop3A_1272 = arith.constant 7 : i32
      %parallel_loop3A_1273 = arith.index_cast %parallel_loop3A_1272 : i32 to index
      %parallel_loop3A_1274 = arith.index_cast %parallel_loop3A_392 : i32 to index
      %parallel_loop3A_1275 = tpu.vector_load %arg8[%parallel_loop3A_1273, %parallel_loop3A_1274] {strides = array<i32>} : memref<12x1280xf32, #tpu.memory_space<vmem>>, vector<16xf32>,
      %parallel_loop3A_1276 = arith.constant 11 : i32
      %parallel_loop3A_1277 = arith.index_cast %parallel_loop3A_1276 : i32 to index
      %parallel_loop3A_1278 = arith.index_cast %parallel_loop3A_392 : i32 to index
      %parallel_loop3A_1279 = tpu.vector_load %arg8[%parallel_loop3A_1277, %parallel_loop3A_1278] {strides = array<i32>} : memref<12x1280xf32, #tpu.memory_space<vmem>>, vector<16xf32>,
      %parallel_loop3A_1280 = arith.mulf %get3A_243, %parallel_loop3A_1271 : vector<16xf32>
      %parallel_loop3A_1281 = arith.mulf %get3A_245, %parallel_loop3A_1275 : vector<16xf32>
      %parallel_loop3A_1282 = arith.addf %parallel_loop3A_1280, %parallel_loop3A_1281 : vector<16xf32>
      %parallel_loop3A_1283 = arith.mulf %get3A_247, %parallel_loop3A_1279 : vector<16xf32>
      %parallel_loop3A_1284 = arith.addf %parallel_loop3A_1282, %parallel_loop3A_1283 : vector<16xf32>
      %parallel_loop3A_1285 = arith.addf %parallel_loop3A_1284, %get3A_249 : vector<16xf32>
      %parallel_loop3A_1286 = arith.mulf %get3A_251, %parallel_loop3A_1271 : vector<16xf32>
      %parallel_loop3A_1287 = arith.mulf %get3A_253, %parallel_loop3A_1275 : vector<16xf32>
      %parallel_loop3A_1288 = arith.addf %parallel_loop3A_1286, %parallel_loop3A_1287 : vector<16xf32>
      %parallel_loop3A_1289 = arith.mulf %get3A_255, %parallel_loop3A_1279 : vector<16xf32>
      %parallel_loop3A_1290 = arith.addf %parallel_loop3A_1288, %parallel_loop3A_1289 : vector<16xf32>
      %parallel_loop3A_1291 = arith.addf %parallel_loop3A_1290, %get3A_257 : vector<16xf32>
      %parallel_loop3A_1292 = arith.mulf %get3A_259, %parallel_loop3A_1271 : vector<16xf32>
      %parallel_loop3A_1293 = arith.mulf %get3A_261, %parallel_loop3A_1275 : vector<16xf32>
      %parallel_loop3A_1294 = arith.addf %parallel_loop3A_1292, %parallel_loop3A_1293 : vector<16xf32>
      %parallel_loop3A_1295 = arith.mulf %get3A_263, %parallel_loop3A_1279 : vector<16xf32>
      %parallel_loop3A_1296 = arith.addf %parallel_loop3A_1294, %parallel_loop3A_1295 : vector<16xf32>
      %parallel_loop3A_1297 = arith.addf %parallel_loop3A_1296, %get3A_265 : vector<16xf32>
      %parallel_loop3A_1298 = arith.constant 9.99999974E-6 : f32
      %parallel_loop3A_1299 = vector.broadcast %parallel_loop3A_1298 : f32 to vector<16xf32>
      %parallel_loop3A_1300 = arith.maximumf %parallel_loop3A_1297, %parallel_loop3A_1299 : vector<16xf32>
      %parallel_loop3A_1301 = vector.bitcast %parallel_loop3A_1300 : vector<16xf32> to vector<16xi32>
      %parallel_loop3A_1302 = arith.constant 2129859011 : i32
      %parallel_loop3A_1303 = vector.broadcast %parallel_loop3A_1302 : i32 to vector<16xi32>
      %parallel_loop3A_1304 = arith.subi %parallel_loop3A_1303, %parallel_loop3A_1301 : vector<16xi32>
      %parallel_loop3A_1305 = vector.bitcast %parallel_loop3A_1304 : vector<16xi32> to vector<16xf32>
      %parallel_loop3A_1306 = arith.mulf %parallel_loop3A_1300, %parallel_loop3A_1305 : vector<16xf32>
      %parallel_loop3A_1307 = arith.constant 2.000000e+00 : f32
      %parallel_loop3A_1308 = vector.broadcast %parallel_loop3A_1307 : f32 to vector<16xf32>
      %parallel_loop3A_1309 = arith.subf %parallel_loop3A_1308, %parallel_loop3A_1306 : vector<16xf32>
      %parallel_loop3A_1310 = arith.mulf %parallel_loop3A_1305, %parallel_loop3A_1309 : vector<16xf32>
      %parallel_loop3A_1311 = arith.mulf %parallel_loop3A_1300, %parallel_loop3A_1310 : vector<16xf32>
      %parallel_loop3A_1312 = arith.constant 2.000000e+00 : f32
      %parallel_loop3A_1313 = vector.broadcast %parallel_loop3A_1312 : f32 to vector<16xf32>
      %parallel_loop3A_1314 = arith.subf %parallel_loop3A_1313, %parallel_loop3A_1311 : vector<16xf32>
      %parallel_loop3A_1315 = arith.mulf %parallel_loop3A_1310, %parallel_loop3A_1314 : vector<16xf32>
      %parallel_loop3A_1316 = arith.mulf %parallel_loop3A_1285, %parallel_loop3A_1315 : vector<16xf32>
      %parallel_loop3A_1317 = arith.constant 7.10227294E-4 : f32
      %parallel_loop3A_1318 = vector.broadcast %parallel_loop3A_1317 : f32 to vector<16xf32>
      %parallel_loop3A_1319 = arith.mulf %parallel_loop3A_1316, %parallel_loop3A_1318 : vector<16xf32>
      %parallel_loop3A_1320 = arith.mulf %parallel_loop3A_1291, %parallel_loop3A_1315 : vector<16xf32>
      %parallel_loop3A_1321 = arith.constant 0.001953125 : f32
      %parallel_loop3A_1322 = vector.broadcast %parallel_loop3A_1321 : f32 to vector<16xf32>
      %parallel_loop3A_1323 = arith.mulf %parallel_loop3A_1320, %parallel_loop3A_1322 : vector<16xf32>
      %parallel_loop3A_1324 = arith.constant 9.99999974E-6 : f32
      %parallel_loop3A_1325 = vector.broadcast %parallel_loop3A_1324 : f32 to vector<16xf32>
      %parallel_loop3A_1326 = arith.cmpf ogt, %parallel_loop3A_1297, %parallel_loop3A_1325 : vector<16xf32>
      %parallel_loop3A_1327 = arith.constant 0.000000e+00 : f32
      %parallel_loop3A_1328 = vector.broadcast %parallel_loop3A_1327 : f32 to vector<16xf32>
      %parallel_loop3A_1329 = arith.cmpf ogt, %parallel_loop3A_1323, %parallel_loop3A_1328 : vector<16xf32>
      %parallel_loop3A_1330 = arith.andi %parallel_loop3A_1326, %parallel_loop3A_1329 : vector<16xi1>
      %parallel_loop3A_1331 = arith.constant 1.000000e+00 : f32
      %parallel_loop3A_1332 = vector.broadcast %parallel_loop3A_1331 : f32 to vector<16xf32>
      %parallel_loop3A_1333 = arith.cmpf olt, %parallel_loop3A_1323, %parallel_loop3A_1332 : vector<16xf32>
      %parallel_loop3A_1334 = arith.andi %parallel_loop3A_1330, %parallel_loop3A_1333 : vector<16xi1>
      %parallel_loop3A_1335 = arith.constant 1.000000e+00 : f32
      %parallel_loop3A_1336 = vector.broadcast %parallel_loop3A_1335 : f32 to vector<16xf32>
      %parallel_loop3A_1337 = arith.cmpf olt, %parallel_loop3A_1319, %parallel_loop3A_1336 : vector<16xf32>
      %parallel_loop3A_1338 = arith.andi %parallel_loop3A_1334, %parallel_loop3A_1337 : vector<16xi1>
      %parallel_loop3A_1339 = arith.constant 0.000000e+00 : f32
      %parallel_loop3A_1340 = vector.broadcast %parallel_loop3A_1339 : f32 to vector<16xf32>
      %parallel_loop3A_1341 = arith.cmpf ogt, %parallel_loop3A_1319, %parallel_loop3A_1340 : vector<16xf32>
      %parallel_loop3A_1342 = arith.andi %parallel_loop3A_1338, %parallel_loop3A_1341 : vector<16xi1>
      %parallel_loop3A_1343 = arith.constant 1.000000e+00 : f32
      %parallel_loop3A_1344 = arith.constant 0.000000e+00 : f32
      %parallel_loop3A_1345 = vector.broadcast %parallel_loop3A_1343 : f32 to vector<16xf32>
      %parallel_loop3A_1346 = vector.broadcast %parallel_loop3A_1344 : f32 to vector<16xf32>
      %parallel_loop3A_1347 = arith.select %parallel_loop3A_1342, %parallel_loop3A_1345, %parallel_loop3A_1346 : vector<16xi1>, vector<16xf32>
      %parallel_loop3A_1348 = arith.addf %parallel_loop3A_1243, %parallel_loop3A_1347 : vector<16xf32>
      %parallel_loop3A_1349 = arith.constant -2.100000e+00 : f32
      %parallel_loop3A_1350 = arith.constant 2.100000e+00 : f32
      %parallel_loop3A_1351 = vector.broadcast %parallel_loop3A_1349 : f32 to vector<16xf32>
      %parallel_loop3A_1352 = arith.maximumf %parallel_loop3A_1351, %parallel_loop3A_1319 : vector<16xf32>
      %parallel_loop3A_1353 = vector.broadcast %parallel_loop3A_1350 : f32 to vector<16xf32>
      %parallel_loop3A_1354 = arith.minimumf %parallel_loop3A_1353, %parallel_loop3A_1352 : vector<16xf32>
      %parallel_loop3A_1355 = arith.constant 18 : i32
      %parallel_loop3A_1356 = arith.index_cast %parallel_loop3A_1355 : i32 to index
      %parallel_loop3A_1357 = arith.index_cast %parallel_loop3A_392 : i32 to index
      %parallel_loop3A_1358 = tpu.vector_load %arg10[%parallel_loop3A_1356, %parallel_loop3A_1357] {strides = array<i32>} : memref<24x1280xf32, #tpu.memory_space<vmem>>, vector<16xf32>,
      tpu.vector_store %arg10[%parallel_loop3A_1356, %parallel_loop3A_1357], %parallel_loop3A_1354 {strides = array<i32>} : memref<24x1280xf32, #tpu.memory_space<vmem>>, vector<16xf32>,
      %parallel_loop3A_1359 = arith.constant -2.100000e+00 : f32
      %parallel_loop3A_1360 = arith.constant 2.100000e+00 : f32
      %parallel_loop3A_1361 = vector.broadcast %parallel_loop3A_1359 : f32 to vector<16xf32>
      %parallel_loop3A_1362 = arith.maximumf %parallel_loop3A_1361, %parallel_loop3A_1323 : vector<16xf32>
      %parallel_loop3A_1363 = vector.broadcast %parallel_loop3A_1360 : f32 to vector<16xf32>
      %parallel_loop3A_1364 = arith.minimumf %parallel_loop3A_1363, %parallel_loop3A_1362 : vector<16xf32>
      %parallel_loop3A_1365 = arith.constant 18 : i32
      %parallel_loop3A_1366 = arith.index_cast %parallel_loop3A_1365 : i32 to index
      %parallel_loop3A_1367 = arith.index_cast %parallel_loop3A_392 : i32 to index
      %parallel_loop3A_1368 = tpu.vector_load %arg11[%parallel_loop3A_1366, %parallel_loop3A_1367] {strides = array<i32>} : memref<24x1280xf32, #tpu.memory_space<vmem>>, vector<16xf32>,
      tpu.vector_store %arg11[%parallel_loop3A_1366, %parallel_loop3A_1367], %parallel_loop3A_1364 {strides = array<i32>} : memref<24x1280xf32, #tpu.memory_space<vmem>>, vector<16xf32>,
      %parallel_loop3A_1369 = arith.constant 18 : i32
      %parallel_loop3A_1370 = arith.index_cast %parallel_loop3A_1369 : i32 to index
      %parallel_loop3A_1371 = arith.index_cast %parallel_loop3A_392 : i32 to index
      %parallel_loop3A_1372 = tpu.vector_load %arg12[%parallel_loop3A_1370, %parallel_loop3A_1371] {strides = array<i32>} : memref<24x1280xf32, #tpu.memory_space<vmem>>, vector<16xf32>,
      tpu.vector_store %arg12[%parallel_loop3A_1370, %parallel_loop3A_1371], %parallel_loop3A_1347 {strides = array<i32>} : memref<24x1280xf32, #tpu.memory_space<vmem>>, vector<16xf32>,
      %parallel_loop3A_1373 = arith.mulf %get3A_267, %parallel_loop3A_1271 : vector<16xf32>
      %parallel_loop3A_1374 = arith.mulf %get3A_269, %parallel_loop3A_1275 : vector<16xf32>
      %parallel_loop3A_1375 = arith.addf %parallel_loop3A_1373, %parallel_loop3A_1374 : vector<16xf32>
      %parallel_loop3A_1376 = arith.mulf %get3A_271, %parallel_loop3A_1279 : vector<16xf32>
      %parallel_loop3A_1377 = arith.addf %parallel_loop3A_1375, %parallel_loop3A_1376 : vector<16xf32>
      %parallel_loop3A_1378 = arith.addf %parallel_loop3A_1377, %get3A_273 : vector<16xf32>
      %parallel_loop3A_1379 = arith.mulf %get3A_275, %parallel_loop3A_1271 : vector<16xf32>
      %parallel_loop3A_1380 = arith.mulf %get3A_277, %parallel_loop3A_1275 : vector<16xf32>
      %parallel_loop3A_1381 = arith.addf %parallel_loop3A_1379, %parallel_loop3A_1380 : vector<16xf32>
      %parallel_loop3A_1382 = arith.mulf %get3A_279, %parallel_loop3A_1279 : vector<16xf32>
      %parallel_loop3A_1383 = arith.addf %parallel_loop3A_1381, %parallel_loop3A_1382 : vector<16xf32>
      %parallel_loop3A_1384 = arith.addf %parallel_loop3A_1383, %get3A_281 : vector<16xf32>
      %parallel_loop3A_1385 = arith.mulf %get3A_283, %parallel_loop3A_1271 : vector<16xf32>
      %parallel_loop3A_1386 = arith.mulf %get3A_285, %parallel_loop3A_1275 : vector<16xf32>
      %parallel_loop3A_1387 = arith.addf %parallel_loop3A_1385, %parallel_loop3A_1386 : vector<16xf32>
      %parallel_loop3A_1388 = arith.mulf %get3A_287, %parallel_loop3A_1279 : vector<16xf32>
      %parallel_loop3A_1389 = arith.addf %parallel_loop3A_1387, %parallel_loop3A_1388 : vector<16xf32>
      %parallel_loop3A_1390 = arith.addf %parallel_loop3A_1389, %get3A_289 : vector<16xf32>
      %parallel_loop3A_1391 = arith.constant 9.99999974E-6 : f32
      %parallel_loop3A_1392 = vector.broadcast %parallel_loop3A_1391 : f32 to vector<16xf32>
      %parallel_loop3A_1393 = arith.maximumf %parallel_loop3A_1390, %parallel_loop3A_1392 : vector<16xf32>
      %parallel_loop3A_1394 = vector.bitcast %parallel_loop3A_1393 : vector<16xf32> to vector<16xi32>
      %parallel_loop3A_1395 = arith.constant 2129859011 : i32
      %parallel_loop3A_1396 = vector.broadcast %parallel_loop3A_1395 : i32 to vector<16xi32>
      %parallel_loop3A_1397 = arith.subi %parallel_loop3A_1396, %parallel_loop3A_1394 : vector<16xi32>
      %parallel_loop3A_1398 = vector.bitcast %parallel_loop3A_1397 : vector<16xi32> to vector<16xf32>
      %parallel_loop3A_1399 = arith.mulf %parallel_loop3A_1393, %parallel_loop3A_1398 : vector<16xf32>
      %parallel_loop3A_1400 = arith.constant 2.000000e+00 : f32
      %parallel_loop3A_1401 = vector.broadcast %parallel_loop3A_1400 : f32 to vector<16xf32>
      %parallel_loop3A_1402 = arith.subf %parallel_loop3A_1401, %parallel_loop3A_1399 : vector<16xf32>
      %parallel_loop3A_1403 = arith.mulf %parallel_loop3A_1398, %parallel_loop3A_1402 : vector<16xf32>
      %parallel_loop3A_1404 = arith.mulf %parallel_loop3A_1393, %parallel_loop3A_1403 : vector<16xf32>
      %parallel_loop3A_1405 = arith.constant 2.000000e+00 : f32
      %parallel_loop3A_1406 = vector.broadcast %parallel_loop3A_1405 : f32 to vector<16xf32>
      %parallel_loop3A_1407 = arith.subf %parallel_loop3A_1406, %parallel_loop3A_1404 : vector<16xf32>
      %parallel_loop3A_1408 = arith.mulf %parallel_loop3A_1403, %parallel_loop3A_1407 : vector<16xf32>
      %parallel_loop3A_1409 = arith.mulf %parallel_loop3A_1378, %parallel_loop3A_1408 : vector<16xf32>
      %parallel_loop3A_1410 = arith.constant 7.10227294E-4 : f32
      %parallel_loop3A_1411 = vector.broadcast %parallel_loop3A_1410 : f32 to vector<16xf32>
      %parallel_loop3A_1412 = arith.mulf %parallel_loop3A_1409, %parallel_loop3A_1411 : vector<16xf32>
      %parallel_loop3A_1413 = arith.mulf %parallel_loop3A_1384, %parallel_loop3A_1408 : vector<16xf32>
      %parallel_loop3A_1414 = arith.constant 0.001953125 : f32
      %parallel_loop3A_1415 = vector.broadcast %parallel_loop3A_1414 : f32 to vector<16xf32>
      %parallel_loop3A_1416 = arith.mulf %parallel_loop3A_1413, %parallel_loop3A_1415 : vector<16xf32>
      %parallel_loop3A_1417 = arith.constant 9.99999974E-6 : f32
      %parallel_loop3A_1418 = vector.broadcast %parallel_loop3A_1417 : f32 to vector<16xf32>
      %parallel_loop3A_1419 = arith.cmpf ogt, %parallel_loop3A_1390, %parallel_loop3A_1418 : vector<16xf32>
      %parallel_loop3A_1420 = arith.constant 0.000000e+00 : f32
      %parallel_loop3A_1421 = vector.broadcast %parallel_loop3A_1420 : f32 to vector<16xf32>
      %parallel_loop3A_1422 = arith.cmpf ogt, %parallel_loop3A_1416, %parallel_loop3A_1421 : vector<16xf32>
      %parallel_loop3A_1423 = arith.andi %parallel_loop3A_1419, %parallel_loop3A_1422 : vector<16xi1>
      %parallel_loop3A_1424 = arith.constant 1.000000e+00 : f32
      %parallel_loop3A_1425 = vector.broadcast %parallel_loop3A_1424 : f32 to vector<16xf32>
      %parallel_loop3A_1426 = arith.cmpf olt, %parallel_loop3A_1416, %parallel_loop3A_1425 : vector<16xf32>
      %parallel_loop3A_1427 = arith.andi %parallel_loop3A_1423, %parallel_loop3A_1426 : vector<16xi1>
      %parallel_loop3A_1428 = arith.constant 1.000000e+00 : f32
      %parallel_loop3A_1429 = vector.broadcast %parallel_loop3A_1428 : f32 to vector<16xf32>
      %parallel_loop3A_1430 = arith.cmpf olt, %parallel_loop3A_1412, %parallel_loop3A_1429 : vector<16xf32>
      %parallel_loop3A_1431 = arith.andi %parallel_loop3A_1427, %parallel_loop3A_1430 : vector<16xi1>
      %parallel_loop3A_1432 = arith.constant 0.000000e+00 : f32
      %parallel_loop3A_1433 = vector.broadcast %parallel_loop3A_1432 : f32 to vector<16xf32>
      %parallel_loop3A_1434 = arith.cmpf ogt, %parallel_loop3A_1412, %parallel_loop3A_1433 : vector<16xf32>
      %parallel_loop3A_1435 = arith.andi %parallel_loop3A_1431, %parallel_loop3A_1434 : vector<16xi1>
      %parallel_loop3A_1436 = arith.constant 1.000000e+00 : f32
      %parallel_loop3A_1437 = arith.constant 0.000000e+00 : f32
      %parallel_loop3A_1438 = vector.broadcast %parallel_loop3A_1436 : f32 to vector<16xf32>
      %parallel_loop3A_1439 = vector.broadcast %parallel_loop3A_1437 : f32 to vector<16xf32>
      %parallel_loop3A_1440 = arith.select %parallel_loop3A_1435, %parallel_loop3A_1438, %parallel_loop3A_1439 : vector<16xi1>, vector<16xf32>
      %parallel_loop3A_1441 = arith.addf %parallel_loop3A_1348, %parallel_loop3A_1440 : vector<16xf32>
      %parallel_loop3A_1442 = arith.constant -2.100000e+00 : f32
      %parallel_loop3A_1443 = arith.constant 2.100000e+00 : f32
      %parallel_loop3A_1444 = vector.broadcast %parallel_loop3A_1442 : f32 to vector<16xf32>
      %parallel_loop3A_1445 = arith.maximumf %parallel_loop3A_1444, %parallel_loop3A_1412 : vector<16xf32>
      %parallel_loop3A_1446 = vector.broadcast %parallel_loop3A_1443 : f32 to vector<16xf32>
      %parallel_loop3A_1447 = arith.minimumf %parallel_loop3A_1446, %parallel_loop3A_1445 : vector<16xf32>
      %parallel_loop3A_1448 = arith.constant 19 : i32
      %parallel_loop3A_1449 = arith.index_cast %parallel_loop3A_1448 : i32 to index
      %parallel_loop3A_1450 = arith.index_cast %parallel_loop3A_392 : i32 to index
      %parallel_loop3A_1451 = tpu.vector_load %arg10[%parallel_loop3A_1449, %parallel_loop3A_1450] {strides = array<i32>} : memref<24x1280xf32, #tpu.memory_space<vmem>>, vector<16xf32>,
      tpu.vector_store %arg10[%parallel_loop3A_1449, %parallel_loop3A_1450], %parallel_loop3A_1447 {strides = array<i32>} : memref<24x1280xf32, #tpu.memory_space<vmem>>, vector<16xf32>,
      %parallel_loop3A_1452 = arith.constant -2.100000e+00 : f32
      %parallel_loop3A_1453 = arith.constant 2.100000e+00 : f32
      %parallel_loop3A_1454 = vector.broadcast %parallel_loop3A_1452 : f32 to vector<16xf32>
      %parallel_loop3A_1455 = arith.maximumf %parallel_loop3A_1454, %parallel_loop3A_1416 : vector<16xf32>
      %parallel_loop3A_1456 = vector.broadcast %parallel_loop3A_1453 : f32 to vector<16xf32>
      %parallel_loop3A_1457 = arith.minimumf %parallel_loop3A_1456, %parallel_loop3A_1455 : vector<16xf32>
      %parallel_loop3A_1458 = arith.constant 19 : i32
      %parallel_loop3A_1459 = arith.index_cast %parallel_loop3A_1458 : i32 to index
      %parallel_loop3A_1460 = arith.index_cast %parallel_loop3A_392 : i32 to index
      %parallel_loop3A_1461 = tpu.vector_load %arg11[%parallel_loop3A_1459, %parallel_loop3A_1460] {strides = array<i32>} : memref<24x1280xf32, #tpu.memory_space<vmem>>, vector<16xf32>,
      tpu.vector_store %arg11[%parallel_loop3A_1459, %parallel_loop3A_1460], %parallel_loop3A_1457 {strides = array<i32>} : memref<24x1280xf32, #tpu.memory_space<vmem>>, vector<16xf32>,
      %parallel_loop3A_1462 = arith.constant 19 : i32
      %parallel_loop3A_1463 = arith.index_cast %parallel_loop3A_1462 : i32 to index
      %parallel_loop3A_1464 = arith.index_cast %parallel_loop3A_392 : i32 to index
      %parallel_loop3A_1465 = tpu.vector_load %arg12[%parallel_loop3A_1463, %parallel_loop3A_1464] {strides = array<i32>} : memref<24x1280xf32, #tpu.memory_space<vmem>>, vector<16xf32>,
      tpu.vector_store %arg12[%parallel_loop3A_1463, %parallel_loop3A_1464], %parallel_loop3A_1440 {strides = array<i32>} : memref<24x1280xf32, #tpu.memory_space<vmem>>, vector<16xf32>,
      %parallel_loop3A_1466 = arith.mulf %get3A_291, %parallel_loop3A_1271 : vector<16xf32>
      %parallel_loop3A_1467 = arith.mulf %get3A_293, %parallel_loop3A_1275 : vector<16xf32>
      %parallel_loop3A_1468 = arith.addf %parallel_loop3A_1466, %parallel_loop3A_1467 : vector<16xf32>
      %parallel_loop3A_1469 = arith.mulf %get3A_295, %parallel_loop3A_1279 : vector<16xf32>
      %parallel_loop3A_1470 = arith.addf %parallel_loop3A_1468, %parallel_loop3A_1469 : vector<16xf32>
      %parallel_loop3A_1471 = arith.addf %parallel_loop3A_1470, %get3A_297 : vector<16xf32>
      %parallel_loop3A_1472 = arith.mulf %get3A_299, %parallel_loop3A_1271 : vector<16xf32>
      %parallel_loop3A_1473 = arith.mulf %get3A_301, %parallel_loop3A_1275 : vector<16xf32>
      %parallel_loop3A_1474 = arith.addf %parallel_loop3A_1472, %parallel_loop3A_1473 : vector<16xf32>
      %parallel_loop3A_1475 = arith.mulf %get3A_303, %parallel_loop3A_1279 : vector<16xf32>
      %parallel_loop3A_1476 = arith.addf %parallel_loop3A_1474, %parallel_loop3A_1475 : vector<16xf32>
      %parallel_loop3A_1477 = arith.addf %parallel_loop3A_1476, %get3A_305 : vector<16xf32>
      %parallel_loop3A_1478 = arith.mulf %get3A_307, %parallel_loop3A_1271 : vector<16xf32>
      %parallel_loop3A_1479 = arith.mulf %get3A_309, %parallel_loop3A_1275 : vector<16xf32>
      %parallel_loop3A_1480 = arith.addf %parallel_loop3A_1478, %parallel_loop3A_1479 : vector<16xf32>
      %parallel_loop3A_1481 = arith.mulf %get3A_311, %parallel_loop3A_1279 : vector<16xf32>
      %parallel_loop3A_1482 = arith.addf %parallel_loop3A_1480, %parallel_loop3A_1481 : vector<16xf32>
      %parallel_loop3A_1483 = arith.addf %parallel_loop3A_1482, %get3A_313 : vector<16xf32>
      %parallel_loop3A_1484 = arith.constant 9.99999974E-6 : f32
      %parallel_loop3A_1485 = vector.broadcast %parallel_loop3A_1484 : f32 to vector<16xf32>
      %parallel_loop3A_1486 = arith.maximumf %parallel_loop3A_1483, %parallel_loop3A_1485 : vector<16xf32>
      %parallel_loop3A_1487 = vector.bitcast %parallel_loop3A_1486 : vector<16xf32> to vector<16xi32>
      %parallel_loop3A_1488 = arith.constant 2129859011 : i32
      %parallel_loop3A_1489 = vector.broadcast %parallel_loop3A_1488 : i32 to vector<16xi32>
      %parallel_loop3A_1490 = arith.subi %parallel_loop3A_1489, %parallel_loop3A_1487 : vector<16xi32>
      %parallel_loop3A_1491 = vector.bitcast %parallel_loop3A_1490 : vector<16xi32> to vector<16xf32>
      %parallel_loop3A_1492 = arith.mulf %parallel_loop3A_1486, %parallel_loop3A_1491 : vector<16xf32>
      %parallel_loop3A_1493 = arith.constant 2.000000e+00 : f32
      %parallel_loop3A_1494 = vector.broadcast %parallel_loop3A_1493 : f32 to vector<16xf32>
      %parallel_loop3A_1495 = arith.subf %parallel_loop3A_1494, %parallel_loop3A_1492 : vector<16xf32>
      %parallel_loop3A_1496 = arith.mulf %parallel_loop3A_1491, %parallel_loop3A_1495 : vector<16xf32>
      %parallel_loop3A_1497 = arith.mulf %parallel_loop3A_1486, %parallel_loop3A_1496 : vector<16xf32>
      %parallel_loop3A_1498 = arith.constant 2.000000e+00 : f32
      %parallel_loop3A_1499 = vector.broadcast %parallel_loop3A_1498 : f32 to vector<16xf32>
      %parallel_loop3A_1500 = arith.subf %parallel_loop3A_1499, %parallel_loop3A_1497 : vector<16xf32>
      %parallel_loop3A_1501 = arith.mulf %parallel_loop3A_1496, %parallel_loop3A_1500 : vector<16xf32>
      %parallel_loop3A_1502 = arith.mulf %parallel_loop3A_1471, %parallel_loop3A_1501 : vector<16xf32>
      %parallel_loop3A_1503 = arith.constant 7.10227294E-4 : f32
      %parallel_loop3A_1504 = vector.broadcast %parallel_loop3A_1503 : f32 to vector<16xf32>
      %parallel_loop3A_1505 = arith.mulf %parallel_loop3A_1502, %parallel_loop3A_1504 : vector<16xf32>
      %parallel_loop3A_1506 = arith.mulf %parallel_loop3A_1477, %parallel_loop3A_1501 : vector<16xf32>
      %parallel_loop3A_1507 = arith.constant 0.001953125 : f32
      %parallel_loop3A_1508 = vector.broadcast %parallel_loop3A_1507 : f32 to vector<16xf32>
      %parallel_loop3A_1509 = arith.mulf %parallel_loop3A_1506, %parallel_loop3A_1508 : vector<16xf32>
      %parallel_loop3A_1510 = arith.constant 9.99999974E-6 : f32
      %parallel_loop3A_1511 = vector.broadcast %parallel_loop3A_1510 : f32 to vector<16xf32>
      %parallel_loop3A_1512 = arith.cmpf ogt, %parallel_loop3A_1483, %parallel_loop3A_1511 : vector<16xf32>
      %parallel_loop3A_1513 = arith.constant 0.000000e+00 : f32
      %parallel_loop3A_1514 = vector.broadcast %parallel_loop3A_1513 : f32 to vector<16xf32>
      %parallel_loop3A_1515 = arith.cmpf ogt, %parallel_loop3A_1509, %parallel_loop3A_1514 : vector<16xf32>
      %parallel_loop3A_1516 = arith.andi %parallel_loop3A_1512, %parallel_loop3A_1515 : vector<16xi1>
      %parallel_loop3A_1517 = arith.constant 1.000000e+00 : f32
      %parallel_loop3A_1518 = vector.broadcast %parallel_loop3A_1517 : f32 to vector<16xf32>
      %parallel_loop3A_1519 = arith.cmpf olt, %parallel_loop3A_1509, %parallel_loop3A_1518 : vector<16xf32>
      %parallel_loop3A_1520 = arith.andi %parallel_loop3A_1516, %parallel_loop3A_1519 : vector<16xi1>
      %parallel_loop3A_1521 = arith.constant 1.000000e+00 : f32
      %parallel_loop3A_1522 = vector.broadcast %parallel_loop3A_1521 : f32 to vector<16xf32>
      %parallel_loop3A_1523 = arith.cmpf olt, %parallel_loop3A_1505, %parallel_loop3A_1522 : vector<16xf32>
      %parallel_loop3A_1524 = arith.andi %parallel_loop3A_1520, %parallel_loop3A_1523 : vector<16xi1>
      %parallel_loop3A_1525 = arith.constant 0.000000e+00 : f32
      %parallel_loop3A_1526 = vector.broadcast %parallel_loop3A_1525 : f32 to vector<16xf32>
      %parallel_loop3A_1527 = arith.cmpf ogt, %parallel_loop3A_1505, %parallel_loop3A_1526 : vector<16xf32>
      %parallel_loop3A_1528 = arith.andi %parallel_loop3A_1524, %parallel_loop3A_1527 : vector<16xi1>
      %parallel_loop3A_1529 = arith.constant 1.000000e+00 : f32
      %parallel_loop3A_1530 = arith.constant 0.000000e+00 : f32
      %parallel_loop3A_1531 = vector.broadcast %parallel_loop3A_1529 : f32 to vector<16xf32>
      %parallel_loop3A_1532 = vector.broadcast %parallel_loop3A_1530 : f32 to vector<16xf32>
      %parallel_loop3A_1533 = arith.select %parallel_loop3A_1528, %parallel_loop3A_1531, %parallel_loop3A_1532 : vector<16xi1>, vector<16xf32>
      %parallel_loop3A_1534 = arith.addf %parallel_loop3A_1441, %parallel_loop3A_1533 : vector<16xf32>
      %parallel_loop3A_1535 = arith.constant -2.100000e+00 : f32
      %parallel_loop3A_1536 = arith.constant 2.100000e+00 : f32
      %parallel_loop3A_1537 = vector.broadcast %parallel_loop3A_1535 : f32 to vector<16xf32>
      %parallel_loop3A_1538 = arith.maximumf %parallel_loop3A_1537, %parallel_loop3A_1505 : vector<16xf32>
      %parallel_loop3A_1539 = vector.broadcast %parallel_loop3A_1536 : f32 to vector<16xf32>
      %parallel_loop3A_1540 = arith.minimumf %parallel_loop3A_1539, %parallel_loop3A_1538 : vector<16xf32>
      %parallel_loop3A_1541 = arith.constant 20 : i32
      %parallel_loop3A_1542 = arith.index_cast %parallel_loop3A_1541 : i32 to index
      %parallel_loop3A_1543 = arith.index_cast %parallel_loop3A_392 : i32 to index
      %parallel_loop3A_1544 = tpu.vector_load %arg10[%parallel_loop3A_1542, %parallel_loop3A_1543] {strides = array<i32>} : memref<24x1280xf32, #tpu.memory_space<vmem>>, vector<16xf32>,
      tpu.vector_store %arg10[%parallel_loop3A_1542, %parallel_loop3A_1543], %parallel_loop3A_1540 {strides = array<i32>} : memref<24x1280xf32, #tpu.memory_space<vmem>>, vector<16xf32>,
      %parallel_loop3A_1545 = arith.constant -2.100000e+00 : f32
      %parallel_loop3A_1546 = arith.constant 2.100000e+00 : f32
      %parallel_loop3A_1547 = vector.broadcast %parallel_loop3A_1545 : f32 to vector<16xf32>
      %parallel_loop3A_1548 = arith.maximumf %parallel_loop3A_1547, %parallel_loop3A_1509 : vector<16xf32>
      %parallel_loop3A_1549 = vector.broadcast %parallel_loop3A_1546 : f32 to vector<16xf32>
      %parallel_loop3A_1550 = arith.minimumf %parallel_loop3A_1549, %parallel_loop3A_1548 : vector<16xf32>
      %parallel_loop3A_1551 = arith.constant 20 : i32
      %parallel_loop3A_1552 = arith.index_cast %parallel_loop3A_1551 : i32 to index
      %parallel_loop3A_1553 = arith.index_cast %parallel_loop3A_392 : i32 to index
      %parallel_loop3A_1554 = tpu.vector_load %arg11[%parallel_loop3A_1552, %parallel_loop3A_1553] {strides = array<i32>} : memref<24x1280xf32, #tpu.memory_space<vmem>>, vector<16xf32>,
      tpu.vector_store %arg11[%parallel_loop3A_1552, %parallel_loop3A_1553], %parallel_loop3A_1550 {strides = array<i32>} : memref<24x1280xf32, #tpu.memory_space<vmem>>, vector<16xf32>,
      %parallel_loop3A_1555 = arith.constant 20 : i32
      %parallel_loop3A_1556 = arith.index_cast %parallel_loop3A_1555 : i32 to index
      %parallel_loop3A_1557 = arith.index_cast %parallel_loop3A_392 : i32 to index
      %parallel_loop3A_1558 = tpu.vector_load %arg12[%parallel_loop3A_1556, %parallel_loop3A_1557] {strides = array<i32>} : memref<24x1280xf32, #tpu.memory_space<vmem>>, vector<16xf32>,
      tpu.vector_store %arg12[%parallel_loop3A_1556, %parallel_loop3A_1557], %parallel_loop3A_1533 {strides = array<i32>} : memref<24x1280xf32, #tpu.memory_space<vmem>>, vector<16xf32>,
      %parallel_loop3A_1559 = arith.index_cast %parallel_loop3A_392 : i32 to index
      %parallel_loop3A_1560 = tpu.vector_load %arg13[%parallel_loop3A_1559] {strides = array<i32>} : memref<1280xf32, #tpu.memory_space<vmem>>, vector<16xf32>,
      tpu.vector_store %arg13[%parallel_loop3A_1559], %parallel_loop3A_1534 {strides = array<i32>} : memref<1280xf32, #tpu.memory_space<vmem>>, vector<16xf32>,
    } {sc.loop_unroll_factor = 2 : i64, sc.parallel_access}
    %get3A_317 = arith.constant 576 : index
    %get3A_318 = tpu.vector_load %arg9[%get3A_317] {strides = array<i32>} : memref<1152xf32, #tpu.memory_space<vmem>>, vector<16xf32>,
    %get3A_319 = arith.constant 592 : index
    %get3A_320 = tpu.vector_load %arg9[%get3A_319] {strides = array<i32>} : memref<1152xf32, #tpu.memory_space<vmem>>, vector<16xf32>,
    %get3A_321 = arith.constant 608 : index
    %get3A_322 = tpu.vector_load %arg9[%get3A_321] {strides = array<i32>} : memref<1152xf32, #tpu.memory_space<vmem>>, vector<16xf32>,
    %get3A_323 = arith.constant 624 : index
    %get3A_324 = tpu.vector_load %arg9[%get3A_323] {strides = array<i32>} : memref<1152xf32, #tpu.memory_space<vmem>>, vector<16xf32>,
    %get3A_325 = arith.constant 640 : index
    %get3A_326 = tpu.vector_load %arg9[%get3A_325] {strides = array<i32>} : memref<1152xf32, #tpu.memory_space<vmem>>, vector<16xf32>,
    %get3A_327 = arith.constant 656 : index
    %get3A_328 = tpu.vector_load %arg9[%get3A_327] {strides = array<i32>} : memref<1152xf32, #tpu.memory_space<vmem>>, vector<16xf32>,
    %get3A_329 = arith.constant 672 : index
    %get3A_330 = tpu.vector_load %arg9[%get3A_329] {strides = array<i32>} : memref<1152xf32, #tpu.memory_space<vmem>>, vector<16xf32>,
    %get3A_331 = arith.constant 688 : index
    %get3A_332 = tpu.vector_load %arg9[%get3A_331] {strides = array<i32>} : memref<1152xf32, #tpu.memory_space<vmem>>, vector<16xf32>,
    %get3A_333 = arith.constant 704 : index
    %get3A_334 = tpu.vector_load %arg9[%get3A_333] {strides = array<i32>} : memref<1152xf32, #tpu.memory_space<vmem>>, vector<16xf32>,
    %get3A_335 = arith.constant 720 : index
    %get3A_336 = tpu.vector_load %arg9[%get3A_335] {strides = array<i32>} : memref<1152xf32, #tpu.memory_space<vmem>>, vector<16xf32>,
    %get3A_337 = arith.constant 736 : index
    %get3A_338 = tpu.vector_load %arg9[%get3A_337] {strides = array<i32>} : memref<1152xf32, #tpu.memory_space<vmem>>, vector<16xf32>,
    %get3A_339 = arith.constant 752 : index
    %get3A_340 = tpu.vector_load %arg9[%get3A_339] {strides = array<i32>} : memref<1152xf32, #tpu.memory_space<vmem>>, vector<16xf32>,
    %get3A_341 = arith.constant 768 : index
    %get3A_342 = tpu.vector_load %arg9[%get3A_341] {strides = array<i32>} : memref<1152xf32, #tpu.memory_space<vmem>>, vector<16xf32>,
    %get3A_343 = arith.constant 784 : index
    %get3A_344 = tpu.vector_load %arg9[%get3A_343] {strides = array<i32>} : memref<1152xf32, #tpu.memory_space<vmem>>, vector<16xf32>,
    %get3A_345 = arith.constant 800 : index
    %get3A_346 = tpu.vector_load %arg9[%get3A_345] {strides = array<i32>} : memref<1152xf32, #tpu.memory_space<vmem>>, vector<16xf32>,
    %get3A_347 = arith.constant 816 : index
    %get3A_348 = tpu.vector_load %arg9[%get3A_347] {strides = array<i32>} : memref<1152xf32, #tpu.memory_space<vmem>>, vector<16xf32>,
    %get3A_349 = arith.constant 832 : index
    %get3A_350 = tpu.vector_load %arg9[%get3A_349] {strides = array<i32>} : memref<1152xf32, #tpu.memory_space<vmem>>, vector<16xf32>,
    %get3A_351 = arith.constant 848 : index
    %get3A_352 = tpu.vector_load %arg9[%get3A_351] {strides = array<i32>} : memref<1152xf32, #tpu.memory_space<vmem>>, vector<16xf32>,
    %get3A_353 = arith.constant 864 : index
    %get3A_354 = tpu.vector_load %arg9[%get3A_353] {strides = array<i32>} : memref<1152xf32, #tpu.memory_space<vmem>>, vector<16xf32>,
    %get3A_355 = arith.constant 880 : index
    %get3A_356 = tpu.vector_load %arg9[%get3A_355] {strides = array<i32>} : memref<1152xf32, #tpu.memory_space<vmem>>, vector<16xf32>,
    %get3A_357 = arith.constant 896 : index
    %get3A_358 = tpu.vector_load %arg9[%get3A_357] {strides = array<i32>} : memref<1152xf32, #tpu.memory_space<vmem>>, vector<16xf32>,
    %get3A_359 = arith.constant 912 : index
    %get3A_360 = tpu.vector_load %arg9[%get3A_359] {strides = array<i32>} : memref<1152xf32, #tpu.memory_space<vmem>>, vector<16xf32>,
    %get3A_361 = arith.constant 928 : index
    %get3A_362 = tpu.vector_load %arg9[%get3A_361] {strides = array<i32>} : memref<1152xf32, #tpu.memory_space<vmem>>, vector<16xf32>,
    %get3A_363 = arith.constant 944 : index
    %get3A_364 = tpu.vector_load %arg9[%get3A_363] {strides = array<i32>} : memref<1152xf32, #tpu.memory_space<vmem>>, vector<16xf32>,
    %get3A_365 = arith.constant 960 : index
    %get3A_366 = tpu.vector_load %arg9[%get3A_365] {strides = array<i32>} : memref<1152xf32, #tpu.memory_space<vmem>>, vector<16xf32>,
    %get3A_367 = arith.constant 976 : index
    %get3A_368 = tpu.vector_load %arg9[%get3A_367] {strides = array<i32>} : memref<1152xf32, #tpu.memory_space<vmem>>, vector<16xf32>,
    %get3A_369 = arith.constant 992 : index
    %get3A_370 = tpu.vector_load %arg9[%get3A_369] {strides = array<i32>} : memref<1152xf32, #tpu.memory_space<vmem>>, vector<16xf32>,
    %get3A_371 = arith.constant 1008 : index
    %get3A_372 = tpu.vector_load %arg9[%get3A_371] {strides = array<i32>} : memref<1152xf32, #tpu.memory_space<vmem>>, vector<16xf32>,
    %get3A_373 = arith.constant 1024 : index
    %get3A_374 = tpu.vector_load %arg9[%get3A_373] {strides = array<i32>} : memref<1152xf32, #tpu.memory_space<vmem>>, vector<16xf32>,
    %get3A_375 = arith.constant 1040 : index
    %get3A_376 = tpu.vector_load %arg9[%get3A_375] {strides = array<i32>} : memref<1152xf32, #tpu.memory_space<vmem>>, vector<16xf32>,
    %get3A_377 = arith.constant 1056 : index
    %get3A_378 = tpu.vector_load %arg9[%get3A_377] {strides = array<i32>} : memref<1152xf32, #tpu.memory_space<vmem>>, vector<16xf32>,
    %get3A_379 = arith.constant 1072 : index
    %get3A_380 = tpu.vector_load %arg9[%get3A_379] {strides = array<i32>} : memref<1152xf32, #tpu.memory_space<vmem>>, vector<16xf32>,
    %get3A_381 = arith.constant 1088 : index
    %get3A_382 = tpu.vector_load %arg9[%get3A_381] {strides = array<i32>} : memref<1152xf32, #tpu.memory_space<vmem>>, vector<16xf32>,
    %get3A_383 = arith.constant 1104 : index
    %get3A_384 = tpu.vector_load %arg9[%get3A_383] {strides = array<i32>} : memref<1152xf32, #tpu.memory_space<vmem>>, vector<16xf32>,
    %get3A_385 = arith.constant 1120 : index
    %get3A_386 = tpu.vector_load %arg9[%get3A_385] {strides = array<i32>} : memref<1152xf32, #tpu.memory_space<vmem>>, vector<16xf32>,
    %get3A_387 = arith.constant 1136 : index
    %get3A_388 = tpu.vector_load %arg9[%get3A_387] {strides = array<i32>} : memref<1152xf32, #tpu.memory_space<vmem>>, vector<16xf32>,
    %parallel_loop3A_389 = arith.constant 0 : i32
    %parallel_loop3A_390 = arith.constant 1280 : i32
    %parallel_loop3A_391 = arith.constant 16 : i32
    scf.for %parallel_loop3A_392 = %parallel_loop3A_389 to %parallel_loop3A_390 step %parallel_loop3A_391  : i32 {
      %parallel_loop3A_393 = arith.constant 0.000000e+00 : f32
      %parallel_loop3A_394 = vector.broadcast %parallel_loop3A_393 : f32 to vector<16xf32>
      %parallel_loop3A_395 = arith.constant 0 : i32
      %parallel_loop3A_396 = arith.index_cast %parallel_loop3A_395 : i32 to index
      %parallel_loop3A_397 = arith.index_cast %parallel_loop3A_392 : i32 to index
      %parallel_loop3A_398 = tpu.vector_load %arg8[%parallel_loop3A_396, %parallel_loop3A_397] {strides = array<i32>} : memref<12x1280xf32, #tpu.memory_space<vmem>>, vector<16xf32>,
      %parallel_loop3A_399 = arith.constant 4 : i32
      %parallel_loop3A_400 = arith.index_cast %parallel_loop3A_399 : i32 to index
      %parallel_loop3A_401 = arith.index_cast %parallel_loop3A_392 : i32 to index
      %parallel_loop3A_402 = tpu.vector_load %arg8[%parallel_loop3A_400, %parallel_loop3A_401] {strides = array<i32>} : memref<12x1280xf32, #tpu.memory_space<vmem>>, vector<16xf32>,
      %parallel_loop3A_403 = arith.constant 8 : i32
      %parallel_loop3A_404 = arith.index_cast %parallel_loop3A_403 : i32 to index
      %parallel_loop3A_405 = arith.index_cast %parallel_loop3A_392 : i32 to index
      %parallel_loop3A_406 = tpu.vector_load %arg8[%parallel_loop3A_404, %parallel_loop3A_405] {strides = array<i32>} : memref<12x1280xf32, #tpu.memory_space<vmem>>, vector<16xf32>,
      %parallel_loop3A_407 = arith.mulf %get3A_318, %parallel_loop3A_398 : vector<16xf32>
      %parallel_loop3A_408 = arith.mulf %get3A_320, %parallel_loop3A_402 : vector<16xf32>
      %parallel_loop3A_409 = arith.addf %parallel_loop3A_407, %parallel_loop3A_408 : vector<16xf32>
      %parallel_loop3A_410 = arith.mulf %get3A_322, %parallel_loop3A_406 : vector<16xf32>
      %parallel_loop3A_411 = arith.addf %parallel_loop3A_409, %parallel_loop3A_410 : vector<16xf32>
      %parallel_loop3A_412 = arith.addf %parallel_loop3A_411, %get3A_324 : vector<16xf32>
      %parallel_loop3A_413 = arith.mulf %get3A_326, %parallel_loop3A_398 : vector<16xf32>
      %parallel_loop3A_414 = arith.mulf %get3A_328, %parallel_loop3A_402 : vector<16xf32>
      %parallel_loop3A_415 = arith.addf %parallel_loop3A_413, %parallel_loop3A_414 : vector<16xf32>
      %parallel_loop3A_416 = arith.mulf %get3A_330, %parallel_loop3A_406 : vector<16xf32>
      %parallel_loop3A_417 = arith.addf %parallel_loop3A_415, %parallel_loop3A_416 : vector<16xf32>
      %parallel_loop3A_418 = arith.addf %parallel_loop3A_417, %get3A_332 : vector<16xf32>
      %parallel_loop3A_419 = arith.mulf %get3A_334, %parallel_loop3A_398 : vector<16xf32>
      %parallel_loop3A_420 = arith.mulf %get3A_336, %parallel_loop3A_402 : vector<16xf32>
      %parallel_loop3A_421 = arith.addf %parallel_loop3A_419, %parallel_loop3A_420 : vector<16xf32>
      %parallel_loop3A_422 = arith.mulf %get3A_338, %parallel_loop3A_406 : vector<16xf32>
      %parallel_loop3A_423 = arith.addf %parallel_loop3A_421, %parallel_loop3A_422 : vector<16xf32>
      %parallel_loop3A_424 = arith.addf %parallel_loop3A_423, %get3A_340 : vector<16xf32>
      %parallel_loop3A_425 = arith.constant 9.99999974E-6 : f32
      %parallel_loop3A_426 = vector.broadcast %parallel_loop3A_425 : f32 to vector<16xf32>
      %parallel_loop3A_427 = arith.maximumf %parallel_loop3A_424, %parallel_loop3A_426 : vector<16xf32>
      %parallel_loop3A_428 = vector.bitcast %parallel_loop3A_427 : vector<16xf32> to vector<16xi32>
      %parallel_loop3A_429 = arith.constant 2129859011 : i32
      %parallel_loop3A_430 = vector.broadcast %parallel_loop3A_429 : i32 to vector<16xi32>
      %parallel_loop3A_431 = arith.subi %parallel_loop3A_430, %parallel_loop3A_428 : vector<16xi32>
      %parallel_loop3A_432 = vector.bitcast %parallel_loop3A_431 : vector<16xi32> to vector<16xf32>
      %parallel_loop3A_433 = arith.mulf %parallel_loop3A_427, %parallel_loop3A_432 : vector<16xf32>
      %parallel_loop3A_434 = arith.constant 2.000000e+00 : f32
      %parallel_loop3A_435 = vector.broadcast %parallel_loop3A_434 : f32 to vector<16xf32>
      %parallel_loop3A_436 = arith.subf %parallel_loop3A_435, %parallel_loop3A_433 : vector<16xf32>
      %parallel_loop3A_437 = arith.mulf %parallel_loop3A_432, %parallel_loop3A_436 : vector<16xf32>
      %parallel_loop3A_438 = arith.mulf %parallel_loop3A_427, %parallel_loop3A_437 : vector<16xf32>
      %parallel_loop3A_439 = arith.constant 2.000000e+00 : f32
      %parallel_loop3A_440 = vector.broadcast %parallel_loop3A_439 : f32 to vector<16xf32>
      %parallel_loop3A_441 = arith.subf %parallel_loop3A_440, %parallel_loop3A_438 : vector<16xf32>
      %parallel_loop3A_442 = arith.mulf %parallel_loop3A_437, %parallel_loop3A_441 : vector<16xf32>
      %parallel_loop3A_443 = arith.mulf %parallel_loop3A_412, %parallel_loop3A_442 : vector<16xf32>
      %parallel_loop3A_444 = arith.constant 7.10227294E-4 : f32
      %parallel_loop3A_445 = vector.broadcast %parallel_loop3A_444 : f32 to vector<16xf32>
      %parallel_loop3A_446 = arith.mulf %parallel_loop3A_443, %parallel_loop3A_445 : vector<16xf32>
      %parallel_loop3A_447 = arith.mulf %parallel_loop3A_418, %parallel_loop3A_442 : vector<16xf32>
      %parallel_loop3A_448 = arith.constant 0.001953125 : f32
      %parallel_loop3A_449 = vector.broadcast %parallel_loop3A_448 : f32 to vector<16xf32>
      %parallel_loop3A_450 = arith.mulf %parallel_loop3A_447, %parallel_loop3A_449 : vector<16xf32>
      %parallel_loop3A_451 = arith.constant 9.99999974E-6 : f32
      %parallel_loop3A_452 = vector.broadcast %parallel_loop3A_451 : f32 to vector<16xf32>
      %parallel_loop3A_453 = arith.cmpf ogt, %parallel_loop3A_424, %parallel_loop3A_452 : vector<16xf32>
      %parallel_loop3A_454 = arith.constant 0.000000e+00 : f32
      %parallel_loop3A_455 = vector.broadcast %parallel_loop3A_454 : f32 to vector<16xf32>
      %parallel_loop3A_456 = arith.cmpf ogt, %parallel_loop3A_450, %parallel_loop3A_455 : vector<16xf32>
      %parallel_loop3A_457 = arith.andi %parallel_loop3A_453, %parallel_loop3A_456 : vector<16xi1>
      %parallel_loop3A_458 = arith.constant 1.000000e+00 : f32
      %parallel_loop3A_459 = vector.broadcast %parallel_loop3A_458 : f32 to vector<16xf32>
      %parallel_loop3A_460 = arith.cmpf olt, %parallel_loop3A_450, %parallel_loop3A_459 : vector<16xf32>
      %parallel_loop3A_461 = arith.andi %parallel_loop3A_457, %parallel_loop3A_460 : vector<16xi1>
      %parallel_loop3A_462 = arith.constant 1.000000e+00 : f32
      %parallel_loop3A_463 = vector.broadcast %parallel_loop3A_462 : f32 to vector<16xf32>
      %parallel_loop3A_464 = arith.cmpf olt, %parallel_loop3A_446, %parallel_loop3A_463 : vector<16xf32>
      %parallel_loop3A_465 = arith.andi %parallel_loop3A_461, %parallel_loop3A_464 : vector<16xi1>
      %parallel_loop3A_466 = arith.constant 0.000000e+00 : f32
      %parallel_loop3A_467 = vector.broadcast %parallel_loop3A_466 : f32 to vector<16xf32>
      %parallel_loop3A_468 = arith.cmpf ogt, %parallel_loop3A_446, %parallel_loop3A_467 : vector<16xf32>
      %parallel_loop3A_469 = arith.andi %parallel_loop3A_465, %parallel_loop3A_468 : vector<16xi1>
      %parallel_loop3A_470 = arith.constant 1.000000e+00 : f32
      %parallel_loop3A_471 = arith.constant 0.000000e+00 : f32
      %parallel_loop3A_472 = vector.broadcast %parallel_loop3A_470 : f32 to vector<16xf32>
      %parallel_loop3A_473 = vector.broadcast %parallel_loop3A_471 : f32 to vector<16xf32>
      %parallel_loop3A_474 = arith.select %parallel_loop3A_469, %parallel_loop3A_472, %parallel_loop3A_473 : vector<16xi1>, vector<16xf32>
      %parallel_loop3A_475 = arith.addf %parallel_loop3A_394, %parallel_loop3A_474 : vector<16xf32>
      %parallel_loop3A_476 = arith.constant -2.100000e+00 : f32
      %parallel_loop3A_477 = arith.constant 2.100000e+00 : f32
      %parallel_loop3A_478 = vector.broadcast %parallel_loop3A_476 : f32 to vector<16xf32>
      %parallel_loop3A_479 = arith.maximumf %parallel_loop3A_478, %parallel_loop3A_446 : vector<16xf32>
      %parallel_loop3A_480 = vector.broadcast %parallel_loop3A_477 : f32 to vector<16xf32>
      %parallel_loop3A_481 = arith.minimumf %parallel_loop3A_480, %parallel_loop3A_479 : vector<16xf32>
      %parallel_loop3A_482 = arith.constant 3 : i32
      %parallel_loop3A_483 = arith.index_cast %parallel_loop3A_482 : i32 to index
      %parallel_loop3A_484 = arith.index_cast %parallel_loop3A_392 : i32 to index
      %parallel_loop3A_485 = tpu.vector_load %arg10[%parallel_loop3A_483, %parallel_loop3A_484] {strides = array<i32>} : memref<24x1280xf32, #tpu.memory_space<vmem>>, vector<16xf32>,
      tpu.vector_store %arg10[%parallel_loop3A_483, %parallel_loop3A_484], %parallel_loop3A_481 {strides = array<i32>} : memref<24x1280xf32, #tpu.memory_space<vmem>>, vector<16xf32>,
      %parallel_loop3A_486 = arith.constant -2.100000e+00 : f32
      %parallel_loop3A_487 = arith.constant 2.100000e+00 : f32
      %parallel_loop3A_488 = vector.broadcast %parallel_loop3A_486 : f32 to vector<16xf32>
      %parallel_loop3A_489 = arith.maximumf %parallel_loop3A_488, %parallel_loop3A_450 : vector<16xf32>
      %parallel_loop3A_490 = vector.broadcast %parallel_loop3A_487 : f32 to vector<16xf32>
      %parallel_loop3A_491 = arith.minimumf %parallel_loop3A_490, %parallel_loop3A_489 : vector<16xf32>
      %parallel_loop3A_492 = arith.constant 3 : i32
      %parallel_loop3A_493 = arith.index_cast %parallel_loop3A_492 : i32 to index
      %parallel_loop3A_494 = arith.index_cast %parallel_loop3A_392 : i32 to index
      %parallel_loop3A_495 = tpu.vector_load %arg11[%parallel_loop3A_493, %parallel_loop3A_494] {strides = array<i32>} : memref<24x1280xf32, #tpu.memory_space<vmem>>, vector<16xf32>,
      tpu.vector_store %arg11[%parallel_loop3A_493, %parallel_loop3A_494], %parallel_loop3A_491 {strides = array<i32>} : memref<24x1280xf32, #tpu.memory_space<vmem>>, vector<16xf32>,
      %parallel_loop3A_496 = arith.constant 3 : i32
      %parallel_loop3A_497 = arith.index_cast %parallel_loop3A_496 : i32 to index
      %parallel_loop3A_498 = arith.index_cast %parallel_loop3A_392 : i32 to index
      %parallel_loop3A_499 = tpu.vector_load %arg12[%parallel_loop3A_497, %parallel_loop3A_498] {strides = array<i32>} : memref<24x1280xf32, #tpu.memory_space<vmem>>, vector<16xf32>,
      tpu.vector_store %arg12[%parallel_loop3A_497, %parallel_loop3A_498], %parallel_loop3A_474 {strides = array<i32>} : memref<24x1280xf32, #tpu.memory_space<vmem>>, vector<16xf32>,
      %parallel_loop3A_500 = arith.mulf %get3A_342, %parallel_loop3A_398 : vector<16xf32>
      %parallel_loop3A_501 = arith.mulf %get3A_344, %parallel_loop3A_402 : vector<16xf32>
      %parallel_loop3A_502 = arith.addf %parallel_loop3A_500, %parallel_loop3A_501 : vector<16xf32>
      %parallel_loop3A_503 = arith.mulf %get3A_346, %parallel_loop3A_406 : vector<16xf32>
      %parallel_loop3A_504 = arith.addf %parallel_loop3A_502, %parallel_loop3A_503 : vector<16xf32>
      %parallel_loop3A_505 = arith.addf %parallel_loop3A_504, %get3A_348 : vector<16xf32>
      %parallel_loop3A_506 = arith.mulf %get3A_350, %parallel_loop3A_398 : vector<16xf32>
      %parallel_loop3A_507 = arith.mulf %get3A_352, %parallel_loop3A_402 : vector<16xf32>
      %parallel_loop3A_508 = arith.addf %parallel_loop3A_506, %parallel_loop3A_507 : vector<16xf32>
      %parallel_loop3A_509 = arith.mulf %get3A_354, %parallel_loop3A_406 : vector<16xf32>
      %parallel_loop3A_510 = arith.addf %parallel_loop3A_508, %parallel_loop3A_509 : vector<16xf32>
      %parallel_loop3A_511 = arith.addf %parallel_loop3A_510, %get3A_356 : vector<16xf32>
      %parallel_loop3A_512 = arith.mulf %get3A_358, %parallel_loop3A_398 : vector<16xf32>
      %parallel_loop3A_513 = arith.mulf %get3A_360, %parallel_loop3A_402 : vector<16xf32>
      %parallel_loop3A_514 = arith.addf %parallel_loop3A_512, %parallel_loop3A_513 : vector<16xf32>
      %parallel_loop3A_515 = arith.mulf %get3A_362, %parallel_loop3A_406 : vector<16xf32>
      %parallel_loop3A_516 = arith.addf %parallel_loop3A_514, %parallel_loop3A_515 : vector<16xf32>
      %parallel_loop3A_517 = arith.addf %parallel_loop3A_516, %get3A_364 : vector<16xf32>
      %parallel_loop3A_518 = arith.constant 9.99999974E-6 : f32
      %parallel_loop3A_519 = vector.broadcast %parallel_loop3A_518 : f32 to vector<16xf32>
      %parallel_loop3A_520 = arith.maximumf %parallel_loop3A_517, %parallel_loop3A_519 : vector<16xf32>
      %parallel_loop3A_521 = vector.bitcast %parallel_loop3A_520 : vector<16xf32> to vector<16xi32>
      %parallel_loop3A_522 = arith.constant 2129859011 : i32
      %parallel_loop3A_523 = vector.broadcast %parallel_loop3A_522 : i32 to vector<16xi32>
      %parallel_loop3A_524 = arith.subi %parallel_loop3A_523, %parallel_loop3A_521 : vector<16xi32>
      %parallel_loop3A_525 = vector.bitcast %parallel_loop3A_524 : vector<16xi32> to vector<16xf32>
      %parallel_loop3A_526 = arith.mulf %parallel_loop3A_520, %parallel_loop3A_525 : vector<16xf32>
      %parallel_loop3A_527 = arith.constant 2.000000e+00 : f32
      %parallel_loop3A_528 = vector.broadcast %parallel_loop3A_527 : f32 to vector<16xf32>
      %parallel_loop3A_529 = arith.subf %parallel_loop3A_528, %parallel_loop3A_526 : vector<16xf32>
      %parallel_loop3A_530 = arith.mulf %parallel_loop3A_525, %parallel_loop3A_529 : vector<16xf32>
      %parallel_loop3A_531 = arith.mulf %parallel_loop3A_520, %parallel_loop3A_530 : vector<16xf32>
      %parallel_loop3A_532 = arith.constant 2.000000e+00 : f32
      %parallel_loop3A_533 = vector.broadcast %parallel_loop3A_532 : f32 to vector<16xf32>
      %parallel_loop3A_534 = arith.subf %parallel_loop3A_533, %parallel_loop3A_531 : vector<16xf32>
      %parallel_loop3A_535 = arith.mulf %parallel_loop3A_530, %parallel_loop3A_534 : vector<16xf32>
      %parallel_loop3A_536 = arith.mulf %parallel_loop3A_505, %parallel_loop3A_535 : vector<16xf32>
      %parallel_loop3A_537 = arith.constant 7.10227294E-4 : f32
      %parallel_loop3A_538 = vector.broadcast %parallel_loop3A_537 : f32 to vector<16xf32>
      %parallel_loop3A_539 = arith.mulf %parallel_loop3A_536, %parallel_loop3A_538 : vector<16xf32>
      %parallel_loop3A_540 = arith.mulf %parallel_loop3A_511, %parallel_loop3A_535 : vector<16xf32>
      %parallel_loop3A_541 = arith.constant 0.001953125 : f32
      %parallel_loop3A_542 = vector.broadcast %parallel_loop3A_541 : f32 to vector<16xf32>
      %parallel_loop3A_543 = arith.mulf %parallel_loop3A_540, %parallel_loop3A_542 : vector<16xf32>
      %parallel_loop3A_544 = arith.constant 9.99999974E-6 : f32
      %parallel_loop3A_545 = vector.broadcast %parallel_loop3A_544 : f32 to vector<16xf32>
      %parallel_loop3A_546 = arith.cmpf ogt, %parallel_loop3A_517, %parallel_loop3A_545 : vector<16xf32>
      %parallel_loop3A_547 = arith.constant 0.000000e+00 : f32
      %parallel_loop3A_548 = vector.broadcast %parallel_loop3A_547 : f32 to vector<16xf32>
      %parallel_loop3A_549 = arith.cmpf ogt, %parallel_loop3A_543, %parallel_loop3A_548 : vector<16xf32>
      %parallel_loop3A_550 = arith.andi %parallel_loop3A_546, %parallel_loop3A_549 : vector<16xi1>
      %parallel_loop3A_551 = arith.constant 1.000000e+00 : f32
      %parallel_loop3A_552 = vector.broadcast %parallel_loop3A_551 : f32 to vector<16xf32>
      %parallel_loop3A_553 = arith.cmpf olt, %parallel_loop3A_543, %parallel_loop3A_552 : vector<16xf32>
      %parallel_loop3A_554 = arith.andi %parallel_loop3A_550, %parallel_loop3A_553 : vector<16xi1>
      %parallel_loop3A_555 = arith.constant 1.000000e+00 : f32
      %parallel_loop3A_556 = vector.broadcast %parallel_loop3A_555 : f32 to vector<16xf32>
      %parallel_loop3A_557 = arith.cmpf olt, %parallel_loop3A_539, %parallel_loop3A_556 : vector<16xf32>
      %parallel_loop3A_558 = arith.andi %parallel_loop3A_554, %parallel_loop3A_557 : vector<16xi1>
      %parallel_loop3A_559 = arith.constant 0.000000e+00 : f32
      %parallel_loop3A_560 = vector.broadcast %parallel_loop3A_559 : f32 to vector<16xf32>
      %parallel_loop3A_561 = arith.cmpf ogt, %parallel_loop3A_539, %parallel_loop3A_560 : vector<16xf32>
      %parallel_loop3A_562 = arith.andi %parallel_loop3A_558, %parallel_loop3A_561 : vector<16xi1>
      %parallel_loop3A_563 = arith.constant 1.000000e+00 : f32
      %parallel_loop3A_564 = arith.constant 0.000000e+00 : f32
      %parallel_loop3A_565 = vector.broadcast %parallel_loop3A_563 : f32 to vector<16xf32>
      %parallel_loop3A_566 = vector.broadcast %parallel_loop3A_564 : f32 to vector<16xf32>
      %parallel_loop3A_567 = arith.select %parallel_loop3A_562, %parallel_loop3A_565, %parallel_loop3A_566 : vector<16xi1>, vector<16xf32>
      %parallel_loop3A_568 = arith.addf %parallel_loop3A_475, %parallel_loop3A_567 : vector<16xf32>
      %parallel_loop3A_569 = arith.constant -2.100000e+00 : f32
      %parallel_loop3A_570 = arith.constant 2.100000e+00 : f32
      %parallel_loop3A_571 = vector.broadcast %parallel_loop3A_569 : f32 to vector<16xf32>
      %parallel_loop3A_572 = arith.maximumf %parallel_loop3A_571, %parallel_loop3A_539 : vector<16xf32>
      %parallel_loop3A_573 = vector.broadcast %parallel_loop3A_570 : f32 to vector<16xf32>
      %parallel_loop3A_574 = arith.minimumf %parallel_loop3A_573, %parallel_loop3A_572 : vector<16xf32>
      %parallel_loop3A_575 = arith.constant 4 : i32
      %parallel_loop3A_576 = arith.index_cast %parallel_loop3A_575 : i32 to index
      %parallel_loop3A_577 = arith.index_cast %parallel_loop3A_392 : i32 to index
      %parallel_loop3A_578 = tpu.vector_load %arg10[%parallel_loop3A_576, %parallel_loop3A_577] {strides = array<i32>} : memref<24x1280xf32, #tpu.memory_space<vmem>>, vector<16xf32>,
      tpu.vector_store %arg10[%parallel_loop3A_576, %parallel_loop3A_577], %parallel_loop3A_574 {strides = array<i32>} : memref<24x1280xf32, #tpu.memory_space<vmem>>, vector<16xf32>,
      %parallel_loop3A_579 = arith.constant -2.100000e+00 : f32
      %parallel_loop3A_580 = arith.constant 2.100000e+00 : f32
      %parallel_loop3A_581 = vector.broadcast %parallel_loop3A_579 : f32 to vector<16xf32>
      %parallel_loop3A_582 = arith.maximumf %parallel_loop3A_581, %parallel_loop3A_543 : vector<16xf32>
      %parallel_loop3A_583 = vector.broadcast %parallel_loop3A_580 : f32 to vector<16xf32>
      %parallel_loop3A_584 = arith.minimumf %parallel_loop3A_583, %parallel_loop3A_582 : vector<16xf32>
      %parallel_loop3A_585 = arith.constant 4 : i32
      %parallel_loop3A_586 = arith.index_cast %parallel_loop3A_585 : i32 to index
      %parallel_loop3A_587 = arith.index_cast %parallel_loop3A_392 : i32 to index
      %parallel_loop3A_588 = tpu.vector_load %arg11[%parallel_loop3A_586, %parallel_loop3A_587] {strides = array<i32>} : memref<24x1280xf32, #tpu.memory_space<vmem>>, vector<16xf32>,
      tpu.vector_store %arg11[%parallel_loop3A_586, %parallel_loop3A_587], %parallel_loop3A_584 {strides = array<i32>} : memref<24x1280xf32, #tpu.memory_space<vmem>>, vector<16xf32>,
      %parallel_loop3A_589 = arith.constant 4 : i32
      %parallel_loop3A_590 = arith.index_cast %parallel_loop3A_589 : i32 to index
      %parallel_loop3A_591 = arith.index_cast %parallel_loop3A_392 : i32 to index
      %parallel_loop3A_592 = tpu.vector_load %arg12[%parallel_loop3A_590, %parallel_loop3A_591] {strides = array<i32>} : memref<24x1280xf32, #tpu.memory_space<vmem>>, vector<16xf32>,
      tpu.vector_store %arg12[%parallel_loop3A_590, %parallel_loop3A_591], %parallel_loop3A_567 {strides = array<i32>} : memref<24x1280xf32, #tpu.memory_space<vmem>>, vector<16xf32>,
      %parallel_loop3A_593 = arith.mulf %get3A_366, %parallel_loop3A_398 : vector<16xf32>
      %parallel_loop3A_594 = arith.mulf %get3A_368, %parallel_loop3A_402 : vector<16xf32>
      %parallel_loop3A_595 = arith.addf %parallel_loop3A_593, %parallel_loop3A_594 : vector<16xf32>
      %parallel_loop3A_596 = arith.mulf %get3A_370, %parallel_loop3A_406 : vector<16xf32>
      %parallel_loop3A_597 = arith.addf %parallel_loop3A_595, %parallel_loop3A_596 : vector<16xf32>
      %parallel_loop3A_598 = arith.addf %parallel_loop3A_597, %get3A_372 : vector<16xf32>
      %parallel_loop3A_599 = arith.mulf %get3A_374, %parallel_loop3A_398 : vector<16xf32>
      %parallel_loop3A_600 = arith.mulf %get3A_376, %parallel_loop3A_402 : vector<16xf32>
      %parallel_loop3A_601 = arith.addf %parallel_loop3A_599, %parallel_loop3A_600 : vector<16xf32>
      %parallel_loop3A_602 = arith.mulf %get3A_378, %parallel_loop3A_406 : vector<16xf32>
      %parallel_loop3A_603 = arith.addf %parallel_loop3A_601, %parallel_loop3A_602 : vector<16xf32>
      %parallel_loop3A_604 = arith.addf %parallel_loop3A_603, %get3A_380 : vector<16xf32>
      %parallel_loop3A_605 = arith.mulf %get3A_382, %parallel_loop3A_398 : vector<16xf32>
      %parallel_loop3A_606 = arith.mulf %get3A_384, %parallel_loop3A_402 : vector<16xf32>
      %parallel_loop3A_607 = arith.addf %parallel_loop3A_605, %parallel_loop3A_606 : vector<16xf32>
      %parallel_loop3A_608 = arith.mulf %get3A_386, %parallel_loop3A_406 : vector<16xf32>
      %parallel_loop3A_609 = arith.addf %parallel_loop3A_607, %parallel_loop3A_608 : vector<16xf32>
      %parallel_loop3A_610 = arith.addf %parallel_loop3A_609, %get3A_388 : vector<16xf32>
      %parallel_loop3A_611 = arith.constant 9.99999974E-6 : f32
      %parallel_loop3A_612 = vector.broadcast %parallel_loop3A_611 : f32 to vector<16xf32>
      %parallel_loop3A_613 = arith.maximumf %parallel_loop3A_610, %parallel_loop3A_612 : vector<16xf32>
      %parallel_loop3A_614 = vector.bitcast %parallel_loop3A_613 : vector<16xf32> to vector<16xi32>
      %parallel_loop3A_615 = arith.constant 2129859011 : i32
      %parallel_loop3A_616 = vector.broadcast %parallel_loop3A_615 : i32 to vector<16xi32>
      %parallel_loop3A_617 = arith.subi %parallel_loop3A_616, %parallel_loop3A_614 : vector<16xi32>
      %parallel_loop3A_618 = vector.bitcast %parallel_loop3A_617 : vector<16xi32> to vector<16xf32>
      %parallel_loop3A_619 = arith.mulf %parallel_loop3A_613, %parallel_loop3A_618 : vector<16xf32>
      %parallel_loop3A_620 = arith.constant 2.000000e+00 : f32
      %parallel_loop3A_621 = vector.broadcast %parallel_loop3A_620 : f32 to vector<16xf32>
      %parallel_loop3A_622 = arith.subf %parallel_loop3A_621, %parallel_loop3A_619 : vector<16xf32>
      %parallel_loop3A_623 = arith.mulf %parallel_loop3A_618, %parallel_loop3A_622 : vector<16xf32>
      %parallel_loop3A_624 = arith.mulf %parallel_loop3A_613, %parallel_loop3A_623 : vector<16xf32>
      %parallel_loop3A_625 = arith.constant 2.000000e+00 : f32
      %parallel_loop3A_626 = vector.broadcast %parallel_loop3A_625 : f32 to vector<16xf32>
      %parallel_loop3A_627 = arith.subf %parallel_loop3A_626, %parallel_loop3A_624 : vector<16xf32>
      %parallel_loop3A_628 = arith.mulf %parallel_loop3A_623, %parallel_loop3A_627 : vector<16xf32>
      %parallel_loop3A_629 = arith.mulf %parallel_loop3A_598, %parallel_loop3A_628 : vector<16xf32>
      %parallel_loop3A_630 = arith.constant 7.10227294E-4 : f32
      %parallel_loop3A_631 = vector.broadcast %parallel_loop3A_630 : f32 to vector<16xf32>
      %parallel_loop3A_632 = arith.mulf %parallel_loop3A_629, %parallel_loop3A_631 : vector<16xf32>
      %parallel_loop3A_633 = arith.mulf %parallel_loop3A_604, %parallel_loop3A_628 : vector<16xf32>
      %parallel_loop3A_634 = arith.constant 0.001953125 : f32
      %parallel_loop3A_635 = vector.broadcast %parallel_loop3A_634 : f32 to vector<16xf32>
      %parallel_loop3A_636 = arith.mulf %parallel_loop3A_633, %parallel_loop3A_635 : vector<16xf32>
      %parallel_loop3A_637 = arith.constant 9.99999974E-6 : f32
      %parallel_loop3A_638 = vector.broadcast %parallel_loop3A_637 : f32 to vector<16xf32>
      %parallel_loop3A_639 = arith.cmpf ogt, %parallel_loop3A_610, %parallel_loop3A_638 : vector<16xf32>
      %parallel_loop3A_640 = arith.constant 0.000000e+00 : f32
      %parallel_loop3A_641 = vector.broadcast %parallel_loop3A_640 : f32 to vector<16xf32>
      %parallel_loop3A_642 = arith.cmpf ogt, %parallel_loop3A_636, %parallel_loop3A_641 : vector<16xf32>
      %parallel_loop3A_643 = arith.andi %parallel_loop3A_639, %parallel_loop3A_642 : vector<16xi1>
      %parallel_loop3A_644 = arith.constant 1.000000e+00 : f32
      %parallel_loop3A_645 = vector.broadcast %parallel_loop3A_644 : f32 to vector<16xf32>
      %parallel_loop3A_646 = arith.cmpf olt, %parallel_loop3A_636, %parallel_loop3A_645 : vector<16xf32>
      %parallel_loop3A_647 = arith.andi %parallel_loop3A_643, %parallel_loop3A_646 : vector<16xi1>
      %parallel_loop3A_648 = arith.constant 1.000000e+00 : f32
      %parallel_loop3A_649 = vector.broadcast %parallel_loop3A_648 : f32 to vector<16xf32>
      %parallel_loop3A_650 = arith.cmpf olt, %parallel_loop3A_632, %parallel_loop3A_649 : vector<16xf32>
      %parallel_loop3A_651 = arith.andi %parallel_loop3A_647, %parallel_loop3A_650 : vector<16xi1>
      %parallel_loop3A_652 = arith.constant 0.000000e+00 : f32
      %parallel_loop3A_653 = vector.broadcast %parallel_loop3A_652 : f32 to vector<16xf32>
      %parallel_loop3A_654 = arith.cmpf ogt, %parallel_loop3A_632, %parallel_loop3A_653 : vector<16xf32>
      %parallel_loop3A_655 = arith.andi %parallel_loop3A_651, %parallel_loop3A_654 : vector<16xi1>
      %parallel_loop3A_656 = arith.constant 1.000000e+00 : f32
      %parallel_loop3A_657 = arith.constant 0.000000e+00 : f32
      %parallel_loop3A_658 = vector.broadcast %parallel_loop3A_656 : f32 to vector<16xf32>
      %parallel_loop3A_659 = vector.broadcast %parallel_loop3A_657 : f32 to vector<16xf32>
      %parallel_loop3A_660 = arith.select %parallel_loop3A_655, %parallel_loop3A_658, %parallel_loop3A_659 : vector<16xi1>, vector<16xf32>
      %parallel_loop3A_661 = arith.addf %parallel_loop3A_568, %parallel_loop3A_660 : vector<16xf32>
      %parallel_loop3A_662 = arith.constant -2.100000e+00 : f32
      %parallel_loop3A_663 = arith.constant 2.100000e+00 : f32
      %parallel_loop3A_664 = vector.broadcast %parallel_loop3A_662 : f32 to vector<16xf32>
      %parallel_loop3A_665 = arith.maximumf %parallel_loop3A_664, %parallel_loop3A_632 : vector<16xf32>
      %parallel_loop3A_666 = vector.broadcast %parallel_loop3A_663 : f32 to vector<16xf32>
      %parallel_loop3A_667 = arith.minimumf %parallel_loop3A_666, %parallel_loop3A_665 : vector<16xf32>
      %parallel_loop3A_668 = arith.constant 5 : i32
      %parallel_loop3A_669 = arith.index_cast %parallel_loop3A_668 : i32 to index
      %parallel_loop3A_670 = arith.index_cast %parallel_loop3A_392 : i32 to index
      %parallel_loop3A_671 = tpu.vector_load %arg10[%parallel_loop3A_669, %parallel_loop3A_670] {strides = array<i32>} : memref<24x1280xf32, #tpu.memory_space<vmem>>, vector<16xf32>,
      tpu.vector_store %arg10[%parallel_loop3A_669, %parallel_loop3A_670], %parallel_loop3A_667 {strides = array<i32>} : memref<24x1280xf32, #tpu.memory_space<vmem>>, vector<16xf32>,
      %parallel_loop3A_672 = arith.constant -2.100000e+00 : f32
      %parallel_loop3A_673 = arith.constant 2.100000e+00 : f32
      %parallel_loop3A_674 = vector.broadcast %parallel_loop3A_672 : f32 to vector<16xf32>
      %parallel_loop3A_675 = arith.maximumf %parallel_loop3A_674, %parallel_loop3A_636 : vector<16xf32>
      %parallel_loop3A_676 = vector.broadcast %parallel_loop3A_673 : f32 to vector<16xf32>
      %parallel_loop3A_677 = arith.minimumf %parallel_loop3A_676, %parallel_loop3A_675 : vector<16xf32>
      %parallel_loop3A_678 = arith.constant 5 : i32
      %parallel_loop3A_679 = arith.index_cast %parallel_loop3A_678 : i32 to index
      %parallel_loop3A_680 = arith.index_cast %parallel_loop3A_392 : i32 to index
      %parallel_loop3A_681 = tpu.vector_load %arg11[%parallel_loop3A_679, %parallel_loop3A_680] {strides = array<i32>} : memref<24x1280xf32, #tpu.memory_space<vmem>>, vector<16xf32>,
      tpu.vector_store %arg11[%parallel_loop3A_679, %parallel_loop3A_680], %parallel_loop3A_677 {strides = array<i32>} : memref<24x1280xf32, #tpu.memory_space<vmem>>, vector<16xf32>,
      %parallel_loop3A_682 = arith.constant 5 : i32
      %parallel_loop3A_683 = arith.index_cast %parallel_loop3A_682 : i32 to index
      %parallel_loop3A_684 = arith.index_cast %parallel_loop3A_392 : i32 to index
      %parallel_loop3A_685 = tpu.vector_load %arg12[%parallel_loop3A_683, %parallel_loop3A_684] {strides = array<i32>} : memref<24x1280xf32, #tpu.memory_space<vmem>>, vector<16xf32>,
      tpu.vector_store %arg12[%parallel_loop3A_683, %parallel_loop3A_684], %parallel_loop3A_660 {strides = array<i32>} : memref<24x1280xf32, #tpu.memory_space<vmem>>, vector<16xf32>,
      %parallel_loop3A_686 = arith.constant 1 : i32
      %parallel_loop3A_687 = arith.index_cast %parallel_loop3A_686 : i32 to index
      %parallel_loop3A_688 = arith.index_cast %parallel_loop3A_392 : i32 to index
      %parallel_loop3A_689 = tpu.vector_load %arg8[%parallel_loop3A_687, %parallel_loop3A_688] {strides = array<i32>} : memref<12x1280xf32, #tpu.memory_space<vmem>>, vector<16xf32>,
      %parallel_loop3A_690 = arith.constant 5 : i32
      %parallel_loop3A_691 = arith.index_cast %parallel_loop3A_690 : i32 to index
      %parallel_loop3A_692 = arith.index_cast %parallel_loop3A_392 : i32 to index
      %parallel_loop3A_693 = tpu.vector_load %arg8[%parallel_loop3A_691, %parallel_loop3A_692] {strides = array<i32>} : memref<12x1280xf32, #tpu.memory_space<vmem>>, vector<16xf32>,
      %parallel_loop3A_694 = arith.constant 9 : i32
      %parallel_loop3A_695 = arith.index_cast %parallel_loop3A_694 : i32 to index
      %parallel_loop3A_696 = arith.index_cast %parallel_loop3A_392 : i32 to index
      %parallel_loop3A_697 = tpu.vector_load %arg8[%parallel_loop3A_695, %parallel_loop3A_696] {strides = array<i32>} : memref<12x1280xf32, #tpu.memory_space<vmem>>, vector<16xf32>,
      %parallel_loop3A_698 = arith.mulf %get3A_318, %parallel_loop3A_689 : vector<16xf32>
      %parallel_loop3A_699 = arith.mulf %get3A_320, %parallel_loop3A_693 : vector<16xf32>
      %parallel_loop3A_700 = arith.addf %parallel_loop3A_698, %parallel_loop3A_699 : vector<16xf32>
      %parallel_loop3A_701 = arith.mulf %get3A_322, %parallel_loop3A_697 : vector<16xf32>
      %parallel_loop3A_702 = arith.addf %parallel_loop3A_700, %parallel_loop3A_701 : vector<16xf32>
      %parallel_loop3A_703 = arith.addf %parallel_loop3A_702, %get3A_324 : vector<16xf32>
      %parallel_loop3A_704 = arith.mulf %get3A_326, %parallel_loop3A_689 : vector<16xf32>
      %parallel_loop3A_705 = arith.mulf %get3A_328, %parallel_loop3A_693 : vector<16xf32>
      %parallel_loop3A_706 = arith.addf %parallel_loop3A_704, %parallel_loop3A_705 : vector<16xf32>
      %parallel_loop3A_707 = arith.mulf %get3A_330, %parallel_loop3A_697 : vector<16xf32>
      %parallel_loop3A_708 = arith.addf %parallel_loop3A_706, %parallel_loop3A_707 : vector<16xf32>
      %parallel_loop3A_709 = arith.addf %parallel_loop3A_708, %get3A_332 : vector<16xf32>
      %parallel_loop3A_710 = arith.mulf %get3A_334, %parallel_loop3A_689 : vector<16xf32>
      %parallel_loop3A_711 = arith.mulf %get3A_336, %parallel_loop3A_693 : vector<16xf32>
      %parallel_loop3A_712 = arith.addf %parallel_loop3A_710, %parallel_loop3A_711 : vector<16xf32>
      %parallel_loop3A_713 = arith.mulf %get3A_338, %parallel_loop3A_697 : vector<16xf32>
      %parallel_loop3A_714 = arith.addf %parallel_loop3A_712, %parallel_loop3A_713 : vector<16xf32>
      %parallel_loop3A_715 = arith.addf %parallel_loop3A_714, %get3A_340 : vector<16xf32>
      %parallel_loop3A_716 = arith.constant 9.99999974E-6 : f32
      %parallel_loop3A_717 = vector.broadcast %parallel_loop3A_716 : f32 to vector<16xf32>
      %parallel_loop3A_718 = arith.maximumf %parallel_loop3A_715, %parallel_loop3A_717 : vector<16xf32>
      %parallel_loop3A_719 = vector.bitcast %parallel_loop3A_718 : vector<16xf32> to vector<16xi32>
      %parallel_loop3A_720 = arith.constant 2129859011 : i32
      %parallel_loop3A_721 = vector.broadcast %parallel_loop3A_720 : i32 to vector<16xi32>
      %parallel_loop3A_722 = arith.subi %parallel_loop3A_721, %parallel_loop3A_719 : vector<16xi32>
      %parallel_loop3A_723 = vector.bitcast %parallel_loop3A_722 : vector<16xi32> to vector<16xf32>
      %parallel_loop3A_724 = arith.mulf %parallel_loop3A_718, %parallel_loop3A_723 : vector<16xf32>
      %parallel_loop3A_725 = arith.constant 2.000000e+00 : f32
      %parallel_loop3A_726 = vector.broadcast %parallel_loop3A_725 : f32 to vector<16xf32>
      %parallel_loop3A_727 = arith.subf %parallel_loop3A_726, %parallel_loop3A_724 : vector<16xf32>
      %parallel_loop3A_728 = arith.mulf %parallel_loop3A_723, %parallel_loop3A_727 : vector<16xf32>
      %parallel_loop3A_729 = arith.mulf %parallel_loop3A_718, %parallel_loop3A_728 : vector<16xf32>
      %parallel_loop3A_730 = arith.constant 2.000000e+00 : f32
      %parallel_loop3A_731 = vector.broadcast %parallel_loop3A_730 : f32 to vector<16xf32>
      %parallel_loop3A_732 = arith.subf %parallel_loop3A_731, %parallel_loop3A_729 : vector<16xf32>
      %parallel_loop3A_733 = arith.mulf %parallel_loop3A_728, %parallel_loop3A_732 : vector<16xf32>
      %parallel_loop3A_734 = arith.mulf %parallel_loop3A_703, %parallel_loop3A_733 : vector<16xf32>
      %parallel_loop3A_735 = arith.constant 7.10227294E-4 : f32
      %parallel_loop3A_736 = vector.broadcast %parallel_loop3A_735 : f32 to vector<16xf32>
      %parallel_loop3A_737 = arith.mulf %parallel_loop3A_734, %parallel_loop3A_736 : vector<16xf32>
      %parallel_loop3A_738 = arith.mulf %parallel_loop3A_709, %parallel_loop3A_733 : vector<16xf32>
      %parallel_loop3A_739 = arith.constant 0.001953125 : f32
      %parallel_loop3A_740 = vector.broadcast %parallel_loop3A_739 : f32 to vector<16xf32>
      %parallel_loop3A_741 = arith.mulf %parallel_loop3A_738, %parallel_loop3A_740 : vector<16xf32>
      %parallel_loop3A_742 = arith.constant 9.99999974E-6 : f32
      %parallel_loop3A_743 = vector.broadcast %parallel_loop3A_742 : f32 to vector<16xf32>
      %parallel_loop3A_744 = arith.cmpf ogt, %parallel_loop3A_715, %parallel_loop3A_743 : vector<16xf32>
      %parallel_loop3A_745 = arith.constant 0.000000e+00 : f32
      %parallel_loop3A_746 = vector.broadcast %parallel_loop3A_745 : f32 to vector<16xf32>
      %parallel_loop3A_747 = arith.cmpf ogt, %parallel_loop3A_741, %parallel_loop3A_746 : vector<16xf32>
      %parallel_loop3A_748 = arith.andi %parallel_loop3A_744, %parallel_loop3A_747 : vector<16xi1>
      %parallel_loop3A_749 = arith.constant 1.000000e+00 : f32
      %parallel_loop3A_750 = vector.broadcast %parallel_loop3A_749 : f32 to vector<16xf32>
      %parallel_loop3A_751 = arith.cmpf olt, %parallel_loop3A_741, %parallel_loop3A_750 : vector<16xf32>
      %parallel_loop3A_752 = arith.andi %parallel_loop3A_748, %parallel_loop3A_751 : vector<16xi1>
      %parallel_loop3A_753 = arith.constant 1.000000e+00 : f32
      %parallel_loop3A_754 = vector.broadcast %parallel_loop3A_753 : f32 to vector<16xf32>
      %parallel_loop3A_755 = arith.cmpf olt, %parallel_loop3A_737, %parallel_loop3A_754 : vector<16xf32>
      %parallel_loop3A_756 = arith.andi %parallel_loop3A_752, %parallel_loop3A_755 : vector<16xi1>
      %parallel_loop3A_757 = arith.constant 0.000000e+00 : f32
      %parallel_loop3A_758 = vector.broadcast %parallel_loop3A_757 : f32 to vector<16xf32>
      %parallel_loop3A_759 = arith.cmpf ogt, %parallel_loop3A_737, %parallel_loop3A_758 : vector<16xf32>
      %parallel_loop3A_760 = arith.andi %parallel_loop3A_756, %parallel_loop3A_759 : vector<16xi1>
      %parallel_loop3A_761 = arith.constant 1.000000e+00 : f32
      %parallel_loop3A_762 = arith.constant 0.000000e+00 : f32
      %parallel_loop3A_763 = vector.broadcast %parallel_loop3A_761 : f32 to vector<16xf32>
      %parallel_loop3A_764 = vector.broadcast %parallel_loop3A_762 : f32 to vector<16xf32>
      %parallel_loop3A_765 = arith.select %parallel_loop3A_760, %parallel_loop3A_763, %parallel_loop3A_764 : vector<16xi1>, vector<16xf32>
      %parallel_loop3A_766 = arith.addf %parallel_loop3A_661, %parallel_loop3A_765 : vector<16xf32>
      %parallel_loop3A_767 = arith.constant -2.100000e+00 : f32
      %parallel_loop3A_768 = arith.constant 2.100000e+00 : f32
      %parallel_loop3A_769 = vector.broadcast %parallel_loop3A_767 : f32 to vector<16xf32>
      %parallel_loop3A_770 = arith.maximumf %parallel_loop3A_769, %parallel_loop3A_737 : vector<16xf32>
      %parallel_loop3A_771 = vector.broadcast %parallel_loop3A_768 : f32 to vector<16xf32>
      %parallel_loop3A_772 = arith.minimumf %parallel_loop3A_771, %parallel_loop3A_770 : vector<16xf32>
      %parallel_loop3A_773 = arith.constant 9 : i32
      %parallel_loop3A_774 = arith.index_cast %parallel_loop3A_773 : i32 to index
      %parallel_loop3A_775 = arith.index_cast %parallel_loop3A_392 : i32 to index
      %parallel_loop3A_776 = tpu.vector_load %arg10[%parallel_loop3A_774, %parallel_loop3A_775] {strides = array<i32>} : memref<24x1280xf32, #tpu.memory_space<vmem>>, vector<16xf32>,
      tpu.vector_store %arg10[%parallel_loop3A_774, %parallel_loop3A_775], %parallel_loop3A_772 {strides = array<i32>} : memref<24x1280xf32, #tpu.memory_space<vmem>>, vector<16xf32>,
      %parallel_loop3A_777 = arith.constant -2.100000e+00 : f32
      %parallel_loop3A_778 = arith.constant 2.100000e+00 : f32
      %parallel_loop3A_779 = vector.broadcast %parallel_loop3A_777 : f32 to vector<16xf32>
      %parallel_loop3A_780 = arith.maximumf %parallel_loop3A_779, %parallel_loop3A_741 : vector<16xf32>
      %parallel_loop3A_781 = vector.broadcast %parallel_loop3A_778 : f32 to vector<16xf32>
      %parallel_loop3A_782 = arith.minimumf %parallel_loop3A_781, %parallel_loop3A_780 : vector<16xf32>
      %parallel_loop3A_783 = arith.constant 9 : i32
      %parallel_loop3A_784 = arith.index_cast %parallel_loop3A_783 : i32 to index
      %parallel_loop3A_785 = arith.index_cast %parallel_loop3A_392 : i32 to index
      %parallel_loop3A_786 = tpu.vector_load %arg11[%parallel_loop3A_784, %parallel_loop3A_785] {strides = array<i32>} : memref<24x1280xf32, #tpu.memory_space<vmem>>, vector<16xf32>,
      tpu.vector_store %arg11[%parallel_loop3A_784, %parallel_loop3A_785], %parallel_loop3A_782 {strides = array<i32>} : memref<24x1280xf32, #tpu.memory_space<vmem>>, vector<16xf32>,
      %parallel_loop3A_787 = arith.constant 9 : i32
      %parallel_loop3A_788 = arith.index_cast %parallel_loop3A_787 : i32 to index
      %parallel_loop3A_789 = arith.index_cast %parallel_loop3A_392 : i32 to index
      %parallel_loop3A_790 = tpu.vector_load %arg12[%parallel_loop3A_788, %parallel_loop3A_789] {strides = array<i32>} : memref<24x1280xf32, #tpu.memory_space<vmem>>, vector<16xf32>,
      tpu.vector_store %arg12[%parallel_loop3A_788, %parallel_loop3A_789], %parallel_loop3A_765 {strides = array<i32>} : memref<24x1280xf32, #tpu.memory_space<vmem>>, vector<16xf32>,
      %parallel_loop3A_791 = arith.mulf %get3A_342, %parallel_loop3A_689 : vector<16xf32>
      %parallel_loop3A_792 = arith.mulf %get3A_344, %parallel_loop3A_693 : vector<16xf32>
      %parallel_loop3A_793 = arith.addf %parallel_loop3A_791, %parallel_loop3A_792 : vector<16xf32>
      %parallel_loop3A_794 = arith.mulf %get3A_346, %parallel_loop3A_697 : vector<16xf32>
      %parallel_loop3A_795 = arith.addf %parallel_loop3A_793, %parallel_loop3A_794 : vector<16xf32>
      %parallel_loop3A_796 = arith.addf %parallel_loop3A_795, %get3A_348 : vector<16xf32>
      %parallel_loop3A_797 = arith.mulf %get3A_350, %parallel_loop3A_689 : vector<16xf32>
      %parallel_loop3A_798 = arith.mulf %get3A_352, %parallel_loop3A_693 : vector<16xf32>
      %parallel_loop3A_799 = arith.addf %parallel_loop3A_797, %parallel_loop3A_798 : vector<16xf32>
      %parallel_loop3A_800 = arith.mulf %get3A_354, %parallel_loop3A_697 : vector<16xf32>
      %parallel_loop3A_801 = arith.addf %parallel_loop3A_799, %parallel_loop3A_800 : vector<16xf32>
      %parallel_loop3A_802 = arith.addf %parallel_loop3A_801, %get3A_356 : vector<16xf32>
      %parallel_loop3A_803 = arith.mulf %get3A_358, %parallel_loop3A_689 : vector<16xf32>
      %parallel_loop3A_804 = arith.mulf %get3A_360, %parallel_loop3A_693 : vector<16xf32>
      %parallel_loop3A_805 = arith.addf %parallel_loop3A_803, %parallel_loop3A_804 : vector<16xf32>
      %parallel_loop3A_806 = arith.mulf %get3A_362, %parallel_loop3A_697 : vector<16xf32>
      %parallel_loop3A_807 = arith.addf %parallel_loop3A_805, %parallel_loop3A_806 : vector<16xf32>
      %parallel_loop3A_808 = arith.addf %parallel_loop3A_807, %get3A_364 : vector<16xf32>
      %parallel_loop3A_809 = arith.constant 9.99999974E-6 : f32
      %parallel_loop3A_810 = vector.broadcast %parallel_loop3A_809 : f32 to vector<16xf32>
      %parallel_loop3A_811 = arith.maximumf %parallel_loop3A_808, %parallel_loop3A_810 : vector<16xf32>
      %parallel_loop3A_812 = vector.bitcast %parallel_loop3A_811 : vector<16xf32> to vector<16xi32>
      %parallel_loop3A_813 = arith.constant 2129859011 : i32
      %parallel_loop3A_814 = vector.broadcast %parallel_loop3A_813 : i32 to vector<16xi32>
      %parallel_loop3A_815 = arith.subi %parallel_loop3A_814, %parallel_loop3A_812 : vector<16xi32>
      %parallel_loop3A_816 = vector.bitcast %parallel_loop3A_815 : vector<16xi32> to vector<16xf32>
      %parallel_loop3A_817 = arith.mulf %parallel_loop3A_811, %parallel_loop3A_816 : vector<16xf32>
      %parallel_loop3A_818 = arith.constant 2.000000e+00 : f32
      %parallel_loop3A_819 = vector.broadcast %parallel_loop3A_818 : f32 to vector<16xf32>
      %parallel_loop3A_820 = arith.subf %parallel_loop3A_819, %parallel_loop3A_817 : vector<16xf32>
      %parallel_loop3A_821 = arith.mulf %parallel_loop3A_816, %parallel_loop3A_820 : vector<16xf32>
      %parallel_loop3A_822 = arith.mulf %parallel_loop3A_811, %parallel_loop3A_821 : vector<16xf32>
      %parallel_loop3A_823 = arith.constant 2.000000e+00 : f32
      %parallel_loop3A_824 = vector.broadcast %parallel_loop3A_823 : f32 to vector<16xf32>
      %parallel_loop3A_825 = arith.subf %parallel_loop3A_824, %parallel_loop3A_822 : vector<16xf32>
      %parallel_loop3A_826 = arith.mulf %parallel_loop3A_821, %parallel_loop3A_825 : vector<16xf32>
      %parallel_loop3A_827 = arith.mulf %parallel_loop3A_796, %parallel_loop3A_826 : vector<16xf32>
      %parallel_loop3A_828 = arith.constant 7.10227294E-4 : f32
      %parallel_loop3A_829 = vector.broadcast %parallel_loop3A_828 : f32 to vector<16xf32>
      %parallel_loop3A_830 = arith.mulf %parallel_loop3A_827, %parallel_loop3A_829 : vector<16xf32>
      %parallel_loop3A_831 = arith.mulf %parallel_loop3A_802, %parallel_loop3A_826 : vector<16xf32>
      %parallel_loop3A_832 = arith.constant 0.001953125 : f32
      %parallel_loop3A_833 = vector.broadcast %parallel_loop3A_832 : f32 to vector<16xf32>
      %parallel_loop3A_834 = arith.mulf %parallel_loop3A_831, %parallel_loop3A_833 : vector<16xf32>
      %parallel_loop3A_835 = arith.constant 9.99999974E-6 : f32
      %parallel_loop3A_836 = vector.broadcast %parallel_loop3A_835 : f32 to vector<16xf32>
      %parallel_loop3A_837 = arith.cmpf ogt, %parallel_loop3A_808, %parallel_loop3A_836 : vector<16xf32>
      %parallel_loop3A_838 = arith.constant 0.000000e+00 : f32
      %parallel_loop3A_839 = vector.broadcast %parallel_loop3A_838 : f32 to vector<16xf32>
      %parallel_loop3A_840 = arith.cmpf ogt, %parallel_loop3A_834, %parallel_loop3A_839 : vector<16xf32>
      %parallel_loop3A_841 = arith.andi %parallel_loop3A_837, %parallel_loop3A_840 : vector<16xi1>
      %parallel_loop3A_842 = arith.constant 1.000000e+00 : f32
      %parallel_loop3A_843 = vector.broadcast %parallel_loop3A_842 : f32 to vector<16xf32>
      %parallel_loop3A_844 = arith.cmpf olt, %parallel_loop3A_834, %parallel_loop3A_843 : vector<16xf32>
      %parallel_loop3A_845 = arith.andi %parallel_loop3A_841, %parallel_loop3A_844 : vector<16xi1>
      %parallel_loop3A_846 = arith.constant 1.000000e+00 : f32
      %parallel_loop3A_847 = vector.broadcast %parallel_loop3A_846 : f32 to vector<16xf32>
      %parallel_loop3A_848 = arith.cmpf olt, %parallel_loop3A_830, %parallel_loop3A_847 : vector<16xf32>
      %parallel_loop3A_849 = arith.andi %parallel_loop3A_845, %parallel_loop3A_848 : vector<16xi1>
      %parallel_loop3A_850 = arith.constant 0.000000e+00 : f32
      %parallel_loop3A_851 = vector.broadcast %parallel_loop3A_850 : f32 to vector<16xf32>
      %parallel_loop3A_852 = arith.cmpf ogt, %parallel_loop3A_830, %parallel_loop3A_851 : vector<16xf32>
      %parallel_loop3A_853 = arith.andi %parallel_loop3A_849, %parallel_loop3A_852 : vector<16xi1>
      %parallel_loop3A_854 = arith.constant 1.000000e+00 : f32
      %parallel_loop3A_855 = arith.constant 0.000000e+00 : f32
      %parallel_loop3A_856 = vector.broadcast %parallel_loop3A_854 : f32 to vector<16xf32>
      %parallel_loop3A_857 = vector.broadcast %parallel_loop3A_855 : f32 to vector<16xf32>
      %parallel_loop3A_858 = arith.select %parallel_loop3A_853, %parallel_loop3A_856, %parallel_loop3A_857 : vector<16xi1>, vector<16xf32>
      %parallel_loop3A_859 = arith.addf %parallel_loop3A_766, %parallel_loop3A_858 : vector<16xf32>
      %parallel_loop3A_860 = arith.constant -2.100000e+00 : f32
      %parallel_loop3A_861 = arith.constant 2.100000e+00 : f32
      %parallel_loop3A_862 = vector.broadcast %parallel_loop3A_860 : f32 to vector<16xf32>
      %parallel_loop3A_863 = arith.maximumf %parallel_loop3A_862, %parallel_loop3A_830 : vector<16xf32>
      %parallel_loop3A_864 = vector.broadcast %parallel_loop3A_861 : f32 to vector<16xf32>
      %parallel_loop3A_865 = arith.minimumf %parallel_loop3A_864, %parallel_loop3A_863 : vector<16xf32>
      %parallel_loop3A_866 = arith.constant 10 : i32
      %parallel_loop3A_867 = arith.index_cast %parallel_loop3A_866 : i32 to index
      %parallel_loop3A_868 = arith.index_cast %parallel_loop3A_392 : i32 to index
      %parallel_loop3A_869 = tpu.vector_load %arg10[%parallel_loop3A_867, %parallel_loop3A_868] {strides = array<i32>} : memref<24x1280xf32, #tpu.memory_space<vmem>>, vector<16xf32>,
      tpu.vector_store %arg10[%parallel_loop3A_867, %parallel_loop3A_868], %parallel_loop3A_865 {strides = array<i32>} : memref<24x1280xf32, #tpu.memory_space<vmem>>, vector<16xf32>,
      %parallel_loop3A_870 = arith.constant -2.100000e+00 : f32
      %parallel_loop3A_871 = arith.constant 2.100000e+00 : f32
      %parallel_loop3A_872 = vector.broadcast %parallel_loop3A_870 : f32 to vector<16xf32>
      %parallel_loop3A_873 = arith.maximumf %parallel_loop3A_872, %parallel_loop3A_834 : vector<16xf32>
      %parallel_loop3A_874 = vector.broadcast %parallel_loop3A_871 : f32 to vector<16xf32>
      %parallel_loop3A_875 = arith.minimumf %parallel_loop3A_874, %parallel_loop3A_873 : vector<16xf32>
      %parallel_loop3A_876 = arith.constant 10 : i32
      %parallel_loop3A_877 = arith.index_cast %parallel_loop3A_876 : i32 to index
      %parallel_loop3A_878 = arith.index_cast %parallel_loop3A_392 : i32 to index
      %parallel_loop3A_879 = tpu.vector_load %arg11[%parallel_loop3A_877, %parallel_loop3A_878] {strides = array<i32>} : memref<24x1280xf32, #tpu.memory_space<vmem>>, vector<16xf32>,
      tpu.vector_store %arg11[%parallel_loop3A_877, %parallel_loop3A_878], %parallel_loop3A_875 {strides = array<i32>} : memref<24x1280xf32, #tpu.memory_space<vmem>>, vector<16xf32>,
      %parallel_loop3A_880 = arith.constant 10 : i32
      %parallel_loop3A_881 = arith.index_cast %parallel_loop3A_880 : i32 to index
      %parallel_loop3A_882 = arith.index_cast %parallel_loop3A_392 : i32 to index
      %parallel_loop3A_883 = tpu.vector_load %arg12[%parallel_loop3A_881, %parallel_loop3A_882] {strides = array<i32>} : memref<24x1280xf32, #tpu.memory_space<vmem>>, vector<16xf32>,
      tpu.vector_store %arg12[%parallel_loop3A_881, %parallel_loop3A_882], %parallel_loop3A_858 {strides = array<i32>} : memref<24x1280xf32, #tpu.memory_space<vmem>>, vector<16xf32>,
      %parallel_loop3A_884 = arith.mulf %get3A_366, %parallel_loop3A_689 : vector<16xf32>
      %parallel_loop3A_885 = arith.mulf %get3A_368, %parallel_loop3A_693 : vector<16xf32>
      %parallel_loop3A_886 = arith.addf %parallel_loop3A_884, %parallel_loop3A_885 : vector<16xf32>
      %parallel_loop3A_887 = arith.mulf %get3A_370, %parallel_loop3A_697 : vector<16xf32>
      %parallel_loop3A_888 = arith.addf %parallel_loop3A_886, %parallel_loop3A_887 : vector<16xf32>
      %parallel_loop3A_889 = arith.addf %parallel_loop3A_888, %get3A_372 : vector<16xf32>
      %parallel_loop3A_890 = arith.mulf %get3A_374, %parallel_loop3A_689 : vector<16xf32>
      %parallel_loop3A_891 = arith.mulf %get3A_376, %parallel_loop3A_693 : vector<16xf32>
      %parallel_loop3A_892 = arith.addf %parallel_loop3A_890, %parallel_loop3A_891 : vector<16xf32>
      %parallel_loop3A_893 = arith.mulf %get3A_378, %parallel_loop3A_697 : vector<16xf32>
      %parallel_loop3A_894 = arith.addf %parallel_loop3A_892, %parallel_loop3A_893 : vector<16xf32>
      %parallel_loop3A_895 = arith.addf %parallel_loop3A_894, %get3A_380 : vector<16xf32>
      %parallel_loop3A_896 = arith.mulf %get3A_382, %parallel_loop3A_689 : vector<16xf32>
      %parallel_loop3A_897 = arith.mulf %get3A_384, %parallel_loop3A_693 : vector<16xf32>
      %parallel_loop3A_898 = arith.addf %parallel_loop3A_896, %parallel_loop3A_897 : vector<16xf32>
      %parallel_loop3A_899 = arith.mulf %get3A_386, %parallel_loop3A_697 : vector<16xf32>
      %parallel_loop3A_900 = arith.addf %parallel_loop3A_898, %parallel_loop3A_899 : vector<16xf32>
      %parallel_loop3A_901 = arith.addf %parallel_loop3A_900, %get3A_388 : vector<16xf32>
      %parallel_loop3A_902 = arith.constant 9.99999974E-6 : f32
      %parallel_loop3A_903 = vector.broadcast %parallel_loop3A_902 : f32 to vector<16xf32>
      %parallel_loop3A_904 = arith.maximumf %parallel_loop3A_901, %parallel_loop3A_903 : vector<16xf32>
      %parallel_loop3A_905 = vector.bitcast %parallel_loop3A_904 : vector<16xf32> to vector<16xi32>
      %parallel_loop3A_906 = arith.constant 2129859011 : i32
      %parallel_loop3A_907 = vector.broadcast %parallel_loop3A_906 : i32 to vector<16xi32>
      %parallel_loop3A_908 = arith.subi %parallel_loop3A_907, %parallel_loop3A_905 : vector<16xi32>
      %parallel_loop3A_909 = vector.bitcast %parallel_loop3A_908 : vector<16xi32> to vector<16xf32>
      %parallel_loop3A_910 = arith.mulf %parallel_loop3A_904, %parallel_loop3A_909 : vector<16xf32>
      %parallel_loop3A_911 = arith.constant 2.000000e+00 : f32
      %parallel_loop3A_912 = vector.broadcast %parallel_loop3A_911 : f32 to vector<16xf32>
      %parallel_loop3A_913 = arith.subf %parallel_loop3A_912, %parallel_loop3A_910 : vector<16xf32>
      %parallel_loop3A_914 = arith.mulf %parallel_loop3A_909, %parallel_loop3A_913 : vector<16xf32>
      %parallel_loop3A_915 = arith.mulf %parallel_loop3A_904, %parallel_loop3A_914 : vector<16xf32>
      %parallel_loop3A_916 = arith.constant 2.000000e+00 : f32
      %parallel_loop3A_917 = vector.broadcast %parallel_loop3A_916 : f32 to vector<16xf32>
      %parallel_loop3A_918 = arith.subf %parallel_loop3A_917, %parallel_loop3A_915 : vector<16xf32>
      %parallel_loop3A_919 = arith.mulf %parallel_loop3A_914, %parallel_loop3A_918 : vector<16xf32>
      %parallel_loop3A_920 = arith.mulf %parallel_loop3A_889, %parallel_loop3A_919 : vector<16xf32>
      %parallel_loop3A_921 = arith.constant 7.10227294E-4 : f32
      %parallel_loop3A_922 = vector.broadcast %parallel_loop3A_921 : f32 to vector<16xf32>
      %parallel_loop3A_923 = arith.mulf %parallel_loop3A_920, %parallel_loop3A_922 : vector<16xf32>
      %parallel_loop3A_924 = arith.mulf %parallel_loop3A_895, %parallel_loop3A_919 : vector<16xf32>
      %parallel_loop3A_925 = arith.constant 0.001953125 : f32
      %parallel_loop3A_926 = vector.broadcast %parallel_loop3A_925 : f32 to vector<16xf32>
      %parallel_loop3A_927 = arith.mulf %parallel_loop3A_924, %parallel_loop3A_926 : vector<16xf32>
      %parallel_loop3A_928 = arith.constant 9.99999974E-6 : f32
      %parallel_loop3A_929 = vector.broadcast %parallel_loop3A_928 : f32 to vector<16xf32>
      %parallel_loop3A_930 = arith.cmpf ogt, %parallel_loop3A_901, %parallel_loop3A_929 : vector<16xf32>
      %parallel_loop3A_931 = arith.constant 0.000000e+00 : f32
      %parallel_loop3A_932 = vector.broadcast %parallel_loop3A_931 : f32 to vector<16xf32>
      %parallel_loop3A_933 = arith.cmpf ogt, %parallel_loop3A_927, %parallel_loop3A_932 : vector<16xf32>
      %parallel_loop3A_934 = arith.andi %parallel_loop3A_930, %parallel_loop3A_933 : vector<16xi1>
      %parallel_loop3A_935 = arith.constant 1.000000e+00 : f32
      %parallel_loop3A_936 = vector.broadcast %parallel_loop3A_935 : f32 to vector<16xf32>
      %parallel_loop3A_937 = arith.cmpf olt, %parallel_loop3A_927, %parallel_loop3A_936 : vector<16xf32>
      %parallel_loop3A_938 = arith.andi %parallel_loop3A_934, %parallel_loop3A_937 : vector<16xi1>
      %parallel_loop3A_939 = arith.constant 1.000000e+00 : f32
      %parallel_loop3A_940 = vector.broadcast %parallel_loop3A_939 : f32 to vector<16xf32>
      %parallel_loop3A_941 = arith.cmpf olt, %parallel_loop3A_923, %parallel_loop3A_940 : vector<16xf32>
      %parallel_loop3A_942 = arith.andi %parallel_loop3A_938, %parallel_loop3A_941 : vector<16xi1>
      %parallel_loop3A_943 = arith.constant 0.000000e+00 : f32
      %parallel_loop3A_944 = vector.broadcast %parallel_loop3A_943 : f32 to vector<16xf32>
      %parallel_loop3A_945 = arith.cmpf ogt, %parallel_loop3A_923, %parallel_loop3A_944 : vector<16xf32>
      %parallel_loop3A_946 = arith.andi %parallel_loop3A_942, %parallel_loop3A_945 : vector<16xi1>
      %parallel_loop3A_947 = arith.constant 1.000000e+00 : f32
      %parallel_loop3A_948 = arith.constant 0.000000e+00 : f32
      %parallel_loop3A_949 = vector.broadcast %parallel_loop3A_947 : f32 to vector<16xf32>
      %parallel_loop3A_950 = vector.broadcast %parallel_loop3A_948 : f32 to vector<16xf32>
      %parallel_loop3A_951 = arith.select %parallel_loop3A_946, %parallel_loop3A_949, %parallel_loop3A_950 : vector<16xi1>, vector<16xf32>
      %parallel_loop3A_952 = arith.addf %parallel_loop3A_859, %parallel_loop3A_951 : vector<16xf32>
      %parallel_loop3A_953 = arith.constant -2.100000e+00 : f32
      %parallel_loop3A_954 = arith.constant 2.100000e+00 : f32
      %parallel_loop3A_955 = vector.broadcast %parallel_loop3A_953 : f32 to vector<16xf32>
      %parallel_loop3A_956 = arith.maximumf %parallel_loop3A_955, %parallel_loop3A_923 : vector<16xf32>
      %parallel_loop3A_957 = vector.broadcast %parallel_loop3A_954 : f32 to vector<16xf32>
      %parallel_loop3A_958 = arith.minimumf %parallel_loop3A_957, %parallel_loop3A_956 : vector<16xf32>
      %parallel_loop3A_959 = arith.constant 11 : i32
      %parallel_loop3A_960 = arith.index_cast %parallel_loop3A_959 : i32 to index
      %parallel_loop3A_961 = arith.index_cast %parallel_loop3A_392 : i32 to index
      %parallel_loop3A_962 = tpu.vector_load %arg10[%parallel_loop3A_960, %parallel_loop3A_961] {strides = array<i32>} : memref<24x1280xf32, #tpu.memory_space<vmem>>, vector<16xf32>,
      tpu.vector_store %arg10[%parallel_loop3A_960, %parallel_loop3A_961], %parallel_loop3A_958 {strides = array<i32>} : memref<24x1280xf32, #tpu.memory_space<vmem>>, vector<16xf32>,
      %parallel_loop3A_963 = arith.constant -2.100000e+00 : f32
      %parallel_loop3A_964 = arith.constant 2.100000e+00 : f32
      %parallel_loop3A_965 = vector.broadcast %parallel_loop3A_963 : f32 to vector<16xf32>
      %parallel_loop3A_966 = arith.maximumf %parallel_loop3A_965, %parallel_loop3A_927 : vector<16xf32>
      %parallel_loop3A_967 = vector.broadcast %parallel_loop3A_964 : f32 to vector<16xf32>
      %parallel_loop3A_968 = arith.minimumf %parallel_loop3A_967, %parallel_loop3A_966 : vector<16xf32>
      %parallel_loop3A_969 = arith.constant 11 : i32
      %parallel_loop3A_970 = arith.index_cast %parallel_loop3A_969 : i32 to index
      %parallel_loop3A_971 = arith.index_cast %parallel_loop3A_392 : i32 to index
      %parallel_loop3A_972 = tpu.vector_load %arg11[%parallel_loop3A_970, %parallel_loop3A_971] {strides = array<i32>} : memref<24x1280xf32, #tpu.memory_space<vmem>>, vector<16xf32>,
      tpu.vector_store %arg11[%parallel_loop3A_970, %parallel_loop3A_971], %parallel_loop3A_968 {strides = array<i32>} : memref<24x1280xf32, #tpu.memory_space<vmem>>, vector<16xf32>,
      %parallel_loop3A_973 = arith.constant 11 : i32
      %parallel_loop3A_974 = arith.index_cast %parallel_loop3A_973 : i32 to index
      %parallel_loop3A_975 = arith.index_cast %parallel_loop3A_392 : i32 to index
      %parallel_loop3A_976 = tpu.vector_load %arg12[%parallel_loop3A_974, %parallel_loop3A_975] {strides = array<i32>} : memref<24x1280xf32, #tpu.memory_space<vmem>>, vector<16xf32>,
      tpu.vector_store %arg12[%parallel_loop3A_974, %parallel_loop3A_975], %parallel_loop3A_951 {strides = array<i32>} : memref<24x1280xf32, #tpu.memory_space<vmem>>, vector<16xf32>,
      %parallel_loop3A_977 = arith.constant 2 : i32
      %parallel_loop3A_978 = arith.index_cast %parallel_loop3A_977 : i32 to index
      %parallel_loop3A_979 = arith.index_cast %parallel_loop3A_392 : i32 to index
      %parallel_loop3A_980 = tpu.vector_load %arg8[%parallel_loop3A_978, %parallel_loop3A_979] {strides = array<i32>} : memref<12x1280xf32, #tpu.memory_space<vmem>>, vector<16xf32>,
      %parallel_loop3A_981 = arith.constant 6 : i32
      %parallel_loop3A_982 = arith.index_cast %parallel_loop3A_981 : i32 to index
      %parallel_loop3A_983 = arith.index_cast %parallel_loop3A_392 : i32 to index
      %parallel_loop3A_984 = tpu.vector_load %arg8[%parallel_loop3A_982, %parallel_loop3A_983] {strides = array<i32>} : memref<12x1280xf32, #tpu.memory_space<vmem>>, vector<16xf32>,
      %parallel_loop3A_985 = arith.constant 10 : i32
      %parallel_loop3A_986 = arith.index_cast %parallel_loop3A_985 : i32 to index
      %parallel_loop3A_987 = arith.index_cast %parallel_loop3A_392 : i32 to index
      %parallel_loop3A_988 = tpu.vector_load %arg8[%parallel_loop3A_986, %parallel_loop3A_987] {strides = array<i32>} : memref<12x1280xf32, #tpu.memory_space<vmem>>, vector<16xf32>,
      %parallel_loop3A_989 = arith.mulf %get3A_318, %parallel_loop3A_980 : vector<16xf32>
      %parallel_loop3A_990 = arith.mulf %get3A_320, %parallel_loop3A_984 : vector<16xf32>
      %parallel_loop3A_991 = arith.addf %parallel_loop3A_989, %parallel_loop3A_990 : vector<16xf32>
      %parallel_loop3A_992 = arith.mulf %get3A_322, %parallel_loop3A_988 : vector<16xf32>
      %parallel_loop3A_993 = arith.addf %parallel_loop3A_991, %parallel_loop3A_992 : vector<16xf32>
      %parallel_loop3A_994 = arith.addf %parallel_loop3A_993, %get3A_324 : vector<16xf32>
      %parallel_loop3A_995 = arith.mulf %get3A_326, %parallel_loop3A_980 : vector<16xf32>
      %parallel_loop3A_996 = arith.mulf %get3A_328, %parallel_loop3A_984 : vector<16xf32>
      %parallel_loop3A_997 = arith.addf %parallel_loop3A_995, %parallel_loop3A_996 : vector<16xf32>
      %parallel_loop3A_998 = arith.mulf %get3A_330, %parallel_loop3A_988 : vector<16xf32>
      %parallel_loop3A_999 = arith.addf %parallel_loop3A_997, %parallel_loop3A_998 : vector<16xf32>
      %parallel_loop3A_1000 = arith.addf %parallel_loop3A_999, %get3A_332 : vector<16xf32>
      %parallel_loop3A_1001 = arith.mulf %get3A_334, %parallel_loop3A_980 : vector<16xf32>
      %parallel_loop3A_1002 = arith.mulf %get3A_336, %parallel_loop3A_984 : vector<16xf32>
      %parallel_loop3A_1003 = arith.addf %parallel_loop3A_1001, %parallel_loop3A_1002 : vector<16xf32>
      %parallel_loop3A_1004 = arith.mulf %get3A_338, %parallel_loop3A_988 : vector<16xf32>
      %parallel_loop3A_1005 = arith.addf %parallel_loop3A_1003, %parallel_loop3A_1004 : vector<16xf32>
      %parallel_loop3A_1006 = arith.addf %parallel_loop3A_1005, %get3A_340 : vector<16xf32>
      %parallel_loop3A_1007 = arith.constant 9.99999974E-6 : f32
      %parallel_loop3A_1008 = vector.broadcast %parallel_loop3A_1007 : f32 to vector<16xf32>
      %parallel_loop3A_1009 = arith.maximumf %parallel_loop3A_1006, %parallel_loop3A_1008 : vector<16xf32>
      %parallel_loop3A_1010 = vector.bitcast %parallel_loop3A_1009 : vector<16xf32> to vector<16xi32>
      %parallel_loop3A_1011 = arith.constant 2129859011 : i32
      %parallel_loop3A_1012 = vector.broadcast %parallel_loop3A_1011 : i32 to vector<16xi32>
      %parallel_loop3A_1013 = arith.subi %parallel_loop3A_1012, %parallel_loop3A_1010 : vector<16xi32>
      %parallel_loop3A_1014 = vector.bitcast %parallel_loop3A_1013 : vector<16xi32> to vector<16xf32>
      %parallel_loop3A_1015 = arith.mulf %parallel_loop3A_1009, %parallel_loop3A_1014 : vector<16xf32>
      %parallel_loop3A_1016 = arith.constant 2.000000e+00 : f32
      %parallel_loop3A_1017 = vector.broadcast %parallel_loop3A_1016 : f32 to vector<16xf32>
      %parallel_loop3A_1018 = arith.subf %parallel_loop3A_1017, %parallel_loop3A_1015 : vector<16xf32>
      %parallel_loop3A_1019 = arith.mulf %parallel_loop3A_1014, %parallel_loop3A_1018 : vector<16xf32>
      %parallel_loop3A_1020 = arith.mulf %parallel_loop3A_1009, %parallel_loop3A_1019 : vector<16xf32>
      %parallel_loop3A_1021 = arith.constant 2.000000e+00 : f32
      %parallel_loop3A_1022 = vector.broadcast %parallel_loop3A_1021 : f32 to vector<16xf32>
      %parallel_loop3A_1023 = arith.subf %parallel_loop3A_1022, %parallel_loop3A_1020 : vector<16xf32>
      %parallel_loop3A_1024 = arith.mulf %parallel_loop3A_1019, %parallel_loop3A_1023 : vector<16xf32>
      %parallel_loop3A_1025 = arith.mulf %parallel_loop3A_994, %parallel_loop3A_1024 : vector<16xf32>
      %parallel_loop3A_1026 = arith.constant 7.10227294E-4 : f32
      %parallel_loop3A_1027 = vector.broadcast %parallel_loop3A_1026 : f32 to vector<16xf32>
      %parallel_loop3A_1028 = arith.mulf %parallel_loop3A_1025, %parallel_loop3A_1027 : vector<16xf32>
      %parallel_loop3A_1029 = arith.mulf %parallel_loop3A_1000, %parallel_loop3A_1024 : vector<16xf32>
      %parallel_loop3A_1030 = arith.constant 0.001953125 : f32
      %parallel_loop3A_1031 = vector.broadcast %parallel_loop3A_1030 : f32 to vector<16xf32>
      %parallel_loop3A_1032 = arith.mulf %parallel_loop3A_1029, %parallel_loop3A_1031 : vector<16xf32>
      %parallel_loop3A_1033 = arith.constant 9.99999974E-6 : f32
      %parallel_loop3A_1034 = vector.broadcast %parallel_loop3A_1033 : f32 to vector<16xf32>
      %parallel_loop3A_1035 = arith.cmpf ogt, %parallel_loop3A_1006, %parallel_loop3A_1034 : vector<16xf32>
      %parallel_loop3A_1036 = arith.constant 0.000000e+00 : f32
      %parallel_loop3A_1037 = vector.broadcast %parallel_loop3A_1036 : f32 to vector<16xf32>
      %parallel_loop3A_1038 = arith.cmpf ogt, %parallel_loop3A_1032, %parallel_loop3A_1037 : vector<16xf32>
      %parallel_loop3A_1039 = arith.andi %parallel_loop3A_1035, %parallel_loop3A_1038 : vector<16xi1>
      %parallel_loop3A_1040 = arith.constant 1.000000e+00 : f32
      %parallel_loop3A_1041 = vector.broadcast %parallel_loop3A_1040 : f32 to vector<16xf32>
      %parallel_loop3A_1042 = arith.cmpf olt, %parallel_loop3A_1032, %parallel_loop3A_1041 : vector<16xf32>
      %parallel_loop3A_1043 = arith.andi %parallel_loop3A_1039, %parallel_loop3A_1042 : vector<16xi1>
      %parallel_loop3A_1044 = arith.constant 1.000000e+00 : f32
      %parallel_loop3A_1045 = vector.broadcast %parallel_loop3A_1044 : f32 to vector<16xf32>
      %parallel_loop3A_1046 = arith.cmpf olt, %parallel_loop3A_1028, %parallel_loop3A_1045 : vector<16xf32>
      %parallel_loop3A_1047 = arith.andi %parallel_loop3A_1043, %parallel_loop3A_1046 : vector<16xi1>
      %parallel_loop3A_1048 = arith.constant 0.000000e+00 : f32
      %parallel_loop3A_1049 = vector.broadcast %parallel_loop3A_1048 : f32 to vector<16xf32>
      %parallel_loop3A_1050 = arith.cmpf ogt, %parallel_loop3A_1028, %parallel_loop3A_1049 : vector<16xf32>
      %parallel_loop3A_1051 = arith.andi %parallel_loop3A_1047, %parallel_loop3A_1050 : vector<16xi1>
      %parallel_loop3A_1052 = arith.constant 1.000000e+00 : f32
      %parallel_loop3A_1053 = arith.constant 0.000000e+00 : f32
      %parallel_loop3A_1054 = vector.broadcast %parallel_loop3A_1052 : f32 to vector<16xf32>
      %parallel_loop3A_1055 = vector.broadcast %parallel_loop3A_1053 : f32 to vector<16xf32>
      %parallel_loop3A_1056 = arith.select %parallel_loop3A_1051, %parallel_loop3A_1054, %parallel_loop3A_1055 : vector<16xi1>, vector<16xf32>
      %parallel_loop3A_1057 = arith.addf %parallel_loop3A_952, %parallel_loop3A_1056 : vector<16xf32>
      %parallel_loop3A_1058 = arith.constant -2.100000e+00 : f32
      %parallel_loop3A_1059 = arith.constant 2.100000e+00 : f32
      %parallel_loop3A_1060 = vector.broadcast %parallel_loop3A_1058 : f32 to vector<16xf32>
      %parallel_loop3A_1061 = arith.maximumf %parallel_loop3A_1060, %parallel_loop3A_1028 : vector<16xf32>
      %parallel_loop3A_1062 = vector.broadcast %parallel_loop3A_1059 : f32 to vector<16xf32>
      %parallel_loop3A_1063 = arith.minimumf %parallel_loop3A_1062, %parallel_loop3A_1061 : vector<16xf32>
      %parallel_loop3A_1064 = arith.constant 15 : i32
      %parallel_loop3A_1065 = arith.index_cast %parallel_loop3A_1064 : i32 to index
      %parallel_loop3A_1066 = arith.index_cast %parallel_loop3A_392 : i32 to index
      %parallel_loop3A_1067 = tpu.vector_load %arg10[%parallel_loop3A_1065, %parallel_loop3A_1066] {strides = array<i32>} : memref<24x1280xf32, #tpu.memory_space<vmem>>, vector<16xf32>,
      tpu.vector_store %arg10[%parallel_loop3A_1065, %parallel_loop3A_1066], %parallel_loop3A_1063 {strides = array<i32>} : memref<24x1280xf32, #tpu.memory_space<vmem>>, vector<16xf32>,
      %parallel_loop3A_1068 = arith.constant -2.100000e+00 : f32
      %parallel_loop3A_1069 = arith.constant 2.100000e+00 : f32
      %parallel_loop3A_1070 = vector.broadcast %parallel_loop3A_1068 : f32 to vector<16xf32>
      %parallel_loop3A_1071 = arith.maximumf %parallel_loop3A_1070, %parallel_loop3A_1032 : vector<16xf32>
      %parallel_loop3A_1072 = vector.broadcast %parallel_loop3A_1069 : f32 to vector<16xf32>
      %parallel_loop3A_1073 = arith.minimumf %parallel_loop3A_1072, %parallel_loop3A_1071 : vector<16xf32>
      %parallel_loop3A_1074 = arith.constant 15 : i32
      %parallel_loop3A_1075 = arith.index_cast %parallel_loop3A_1074 : i32 to index
      %parallel_loop3A_1076 = arith.index_cast %parallel_loop3A_392 : i32 to index
      %parallel_loop3A_1077 = tpu.vector_load %arg11[%parallel_loop3A_1075, %parallel_loop3A_1076] {strides = array<i32>} : memref<24x1280xf32, #tpu.memory_space<vmem>>, vector<16xf32>,
      tpu.vector_store %arg11[%parallel_loop3A_1075, %parallel_loop3A_1076], %parallel_loop3A_1073 {strides = array<i32>} : memref<24x1280xf32, #tpu.memory_space<vmem>>, vector<16xf32>,
      %parallel_loop3A_1078 = arith.constant 15 : i32
      %parallel_loop3A_1079 = arith.index_cast %parallel_loop3A_1078 : i32 to index
      %parallel_loop3A_1080 = arith.index_cast %parallel_loop3A_392 : i32 to index
      %parallel_loop3A_1081 = tpu.vector_load %arg12[%parallel_loop3A_1079, %parallel_loop3A_1080] {strides = array<i32>} : memref<24x1280xf32, #tpu.memory_space<vmem>>, vector<16xf32>,
      tpu.vector_store %arg12[%parallel_loop3A_1079, %parallel_loop3A_1080], %parallel_loop3A_1056 {strides = array<i32>} : memref<24x1280xf32, #tpu.memory_space<vmem>>, vector<16xf32>,
      %parallel_loop3A_1082 = arith.mulf %get3A_342, %parallel_loop3A_980 : vector<16xf32>
      %parallel_loop3A_1083 = arith.mulf %get3A_344, %parallel_loop3A_984 : vector<16xf32>
      %parallel_loop3A_1084 = arith.addf %parallel_loop3A_1082, %parallel_loop3A_1083 : vector<16xf32>
      %parallel_loop3A_1085 = arith.mulf %get3A_346, %parallel_loop3A_988 : vector<16xf32>
      %parallel_loop3A_1086 = arith.addf %parallel_loop3A_1084, %parallel_loop3A_1085 : vector<16xf32>
      %parallel_loop3A_1087 = arith.addf %parallel_loop3A_1086, %get3A_348 : vector<16xf32>
      %parallel_loop3A_1088 = arith.mulf %get3A_350, %parallel_loop3A_980 : vector<16xf32>
      %parallel_loop3A_1089 = arith.mulf %get3A_352, %parallel_loop3A_984 : vector<16xf32>
      %parallel_loop3A_1090 = arith.addf %parallel_loop3A_1088, %parallel_loop3A_1089 : vector<16xf32>
      %parallel_loop3A_1091 = arith.mulf %get3A_354, %parallel_loop3A_988 : vector<16xf32>
      %parallel_loop3A_1092 = arith.addf %parallel_loop3A_1090, %parallel_loop3A_1091 : vector<16xf32>
      %parallel_loop3A_1093 = arith.addf %parallel_loop3A_1092, %get3A_356 : vector<16xf32>
      %parallel_loop3A_1094 = arith.mulf %get3A_358, %parallel_loop3A_980 : vector<16xf32>
      %parallel_loop3A_1095 = arith.mulf %get3A_360, %parallel_loop3A_984 : vector<16xf32>
      %parallel_loop3A_1096 = arith.addf %parallel_loop3A_1094, %parallel_loop3A_1095 : vector<16xf32>
      %parallel_loop3A_1097 = arith.mulf %get3A_362, %parallel_loop3A_988 : vector<16xf32>
      %parallel_loop3A_1098 = arith.addf %parallel_loop3A_1096, %parallel_loop3A_1097 : vector<16xf32>
      %parallel_loop3A_1099 = arith.addf %parallel_loop3A_1098, %get3A_364 : vector<16xf32>
      %parallel_loop3A_1100 = arith.constant 9.99999974E-6 : f32
      %parallel_loop3A_1101 = vector.broadcast %parallel_loop3A_1100 : f32 to vector<16xf32>
      %parallel_loop3A_1102 = arith.maximumf %parallel_loop3A_1099, %parallel_loop3A_1101 : vector<16xf32>
      %parallel_loop3A_1103 = vector.bitcast %parallel_loop3A_1102 : vector<16xf32> to vector<16xi32>
      %parallel_loop3A_1104 = arith.constant 2129859011 : i32
      %parallel_loop3A_1105 = vector.broadcast %parallel_loop3A_1104 : i32 to vector<16xi32>
      %parallel_loop3A_1106 = arith.subi %parallel_loop3A_1105, %parallel_loop3A_1103 : vector<16xi32>
      %parallel_loop3A_1107 = vector.bitcast %parallel_loop3A_1106 : vector<16xi32> to vector<16xf32>
      %parallel_loop3A_1108 = arith.mulf %parallel_loop3A_1102, %parallel_loop3A_1107 : vector<16xf32>
      %parallel_loop3A_1109 = arith.constant 2.000000e+00 : f32
      %parallel_loop3A_1110 = vector.broadcast %parallel_loop3A_1109 : f32 to vector<16xf32>
      %parallel_loop3A_1111 = arith.subf %parallel_loop3A_1110, %parallel_loop3A_1108 : vector<16xf32>
      %parallel_loop3A_1112 = arith.mulf %parallel_loop3A_1107, %parallel_loop3A_1111 : vector<16xf32>
      %parallel_loop3A_1113 = arith.mulf %parallel_loop3A_1102, %parallel_loop3A_1112 : vector<16xf32>
      %parallel_loop3A_1114 = arith.constant 2.000000e+00 : f32
      %parallel_loop3A_1115 = vector.broadcast %parallel_loop3A_1114 : f32 to vector<16xf32>
      %parallel_loop3A_1116 = arith.subf %parallel_loop3A_1115, %parallel_loop3A_1113 : vector<16xf32>
      %parallel_loop3A_1117 = arith.mulf %parallel_loop3A_1112, %parallel_loop3A_1116 : vector<16xf32>
      %parallel_loop3A_1118 = arith.mulf %parallel_loop3A_1087, %parallel_loop3A_1117 : vector<16xf32>
      %parallel_loop3A_1119 = arith.constant 7.10227294E-4 : f32
      %parallel_loop3A_1120 = vector.broadcast %parallel_loop3A_1119 : f32 to vector<16xf32>
      %parallel_loop3A_1121 = arith.mulf %parallel_loop3A_1118, %parallel_loop3A_1120 : vector<16xf32>
      %parallel_loop3A_1122 = arith.mulf %parallel_loop3A_1093, %parallel_loop3A_1117 : vector<16xf32>
      %parallel_loop3A_1123 = arith.constant 0.001953125 : f32
      %parallel_loop3A_1124 = vector.broadcast %parallel_loop3A_1123 : f32 to vector<16xf32>
      %parallel_loop3A_1125 = arith.mulf %parallel_loop3A_1122, %parallel_loop3A_1124 : vector<16xf32>
      %parallel_loop3A_1126 = arith.constant 9.99999974E-6 : f32
      %parallel_loop3A_1127 = vector.broadcast %parallel_loop3A_1126 : f32 to vector<16xf32>
      %parallel_loop3A_1128 = arith.cmpf ogt, %parallel_loop3A_1099, %parallel_loop3A_1127 : vector<16xf32>
      %parallel_loop3A_1129 = arith.constant 0.000000e+00 : f32
      %parallel_loop3A_1130 = vector.broadcast %parallel_loop3A_1129 : f32 to vector<16xf32>
      %parallel_loop3A_1131 = arith.cmpf ogt, %parallel_loop3A_1125, %parallel_loop3A_1130 : vector<16xf32>
      %parallel_loop3A_1132 = arith.andi %parallel_loop3A_1128, %parallel_loop3A_1131 : vector<16xi1>
      %parallel_loop3A_1133 = arith.constant 1.000000e+00 : f32
      %parallel_loop3A_1134 = vector.broadcast %parallel_loop3A_1133 : f32 to vector<16xf32>
      %parallel_loop3A_1135 = arith.cmpf olt, %parallel_loop3A_1125, %parallel_loop3A_1134 : vector<16xf32>
      %parallel_loop3A_1136 = arith.andi %parallel_loop3A_1132, %parallel_loop3A_1135 : vector<16xi1>
      %parallel_loop3A_1137 = arith.constant 1.000000e+00 : f32
      %parallel_loop3A_1138 = vector.broadcast %parallel_loop3A_1137 : f32 to vector<16xf32>
      %parallel_loop3A_1139 = arith.cmpf olt, %parallel_loop3A_1121, %parallel_loop3A_1138 : vector<16xf32>
      %parallel_loop3A_1140 = arith.andi %parallel_loop3A_1136, %parallel_loop3A_1139 : vector<16xi1>
      %parallel_loop3A_1141 = arith.constant 0.000000e+00 : f32
      %parallel_loop3A_1142 = vector.broadcast %parallel_loop3A_1141 : f32 to vector<16xf32>
      %parallel_loop3A_1143 = arith.cmpf ogt, %parallel_loop3A_1121, %parallel_loop3A_1142 : vector<16xf32>
      %parallel_loop3A_1144 = arith.andi %parallel_loop3A_1140, %parallel_loop3A_1143 : vector<16xi1>
      %parallel_loop3A_1145 = arith.constant 1.000000e+00 : f32
      %parallel_loop3A_1146 = arith.constant 0.000000e+00 : f32
      %parallel_loop3A_1147 = vector.broadcast %parallel_loop3A_1145 : f32 to vector<16xf32>
      %parallel_loop3A_1148 = vector.broadcast %parallel_loop3A_1146 : f32 to vector<16xf32>
      %parallel_loop3A_1149 = arith.select %parallel_loop3A_1144, %parallel_loop3A_1147, %parallel_loop3A_1148 : vector<16xi1>, vector<16xf32>
      %parallel_loop3A_1150 = arith.addf %parallel_loop3A_1057, %parallel_loop3A_1149 : vector<16xf32>
      %parallel_loop3A_1151 = arith.constant -2.100000e+00 : f32
      %parallel_loop3A_1152 = arith.constant 2.100000e+00 : f32
      %parallel_loop3A_1153 = vector.broadcast %parallel_loop3A_1151 : f32 to vector<16xf32>
      %parallel_loop3A_1154 = arith.maximumf %parallel_loop3A_1153, %parallel_loop3A_1121 : vector<16xf32>
      %parallel_loop3A_1155 = vector.broadcast %parallel_loop3A_1152 : f32 to vector<16xf32>
      %parallel_loop3A_1156 = arith.minimumf %parallel_loop3A_1155, %parallel_loop3A_1154 : vector<16xf32>
      %parallel_loop3A_1157 = arith.constant 16 : i32
      %parallel_loop3A_1158 = arith.index_cast %parallel_loop3A_1157 : i32 to index
      %parallel_loop3A_1159 = arith.index_cast %parallel_loop3A_392 : i32 to index
      %parallel_loop3A_1160 = tpu.vector_load %arg10[%parallel_loop3A_1158, %parallel_loop3A_1159] {strides = array<i32>} : memref<24x1280xf32, #tpu.memory_space<vmem>>, vector<16xf32>,
      tpu.vector_store %arg10[%parallel_loop3A_1158, %parallel_loop3A_1159], %parallel_loop3A_1156 {strides = array<i32>} : memref<24x1280xf32, #tpu.memory_space<vmem>>, vector<16xf32>,
      %parallel_loop3A_1161 = arith.constant -2.100000e+00 : f32
      %parallel_loop3A_1162 = arith.constant 2.100000e+00 : f32
      %parallel_loop3A_1163 = vector.broadcast %parallel_loop3A_1161 : f32 to vector<16xf32>
      %parallel_loop3A_1164 = arith.maximumf %parallel_loop3A_1163, %parallel_loop3A_1125 : vector<16xf32>
      %parallel_loop3A_1165 = vector.broadcast %parallel_loop3A_1162 : f32 to vector<16xf32>
      %parallel_loop3A_1166 = arith.minimumf %parallel_loop3A_1165, %parallel_loop3A_1164 : vector<16xf32>
      %parallel_loop3A_1167 = arith.constant 16 : i32
      %parallel_loop3A_1168 = arith.index_cast %parallel_loop3A_1167 : i32 to index
      %parallel_loop3A_1169 = arith.index_cast %parallel_loop3A_392 : i32 to index
      %parallel_loop3A_1170 = tpu.vector_load %arg11[%parallel_loop3A_1168, %parallel_loop3A_1169] {strides = array<i32>} : memref<24x1280xf32, #tpu.memory_space<vmem>>, vector<16xf32>,
      tpu.vector_store %arg11[%parallel_loop3A_1168, %parallel_loop3A_1169], %parallel_loop3A_1166 {strides = array<i32>} : memref<24x1280xf32, #tpu.memory_space<vmem>>, vector<16xf32>,
      %parallel_loop3A_1171 = arith.constant 16 : i32
      %parallel_loop3A_1172 = arith.index_cast %parallel_loop3A_1171 : i32 to index
      %parallel_loop3A_1173 = arith.index_cast %parallel_loop3A_392 : i32 to index
      %parallel_loop3A_1174 = tpu.vector_load %arg12[%parallel_loop3A_1172, %parallel_loop3A_1173] {strides = array<i32>} : memref<24x1280xf32, #tpu.memory_space<vmem>>, vector<16xf32>,
      tpu.vector_store %arg12[%parallel_loop3A_1172, %parallel_loop3A_1173], %parallel_loop3A_1149 {strides = array<i32>} : memref<24x1280xf32, #tpu.memory_space<vmem>>, vector<16xf32>,
      %parallel_loop3A_1175 = arith.mulf %get3A_366, %parallel_loop3A_980 : vector<16xf32>
      %parallel_loop3A_1176 = arith.mulf %get3A_368, %parallel_loop3A_984 : vector<16xf32>
      %parallel_loop3A_1177 = arith.addf %parallel_loop3A_1175, %parallel_loop3A_1176 : vector<16xf32>
      %parallel_loop3A_1178 = arith.mulf %get3A_370, %parallel_loop3A_988 : vector<16xf32>
      %parallel_loop3A_1179 = arith.addf %parallel_loop3A_1177, %parallel_loop3A_1178 : vector<16xf32>
      %parallel_loop3A_1180 = arith.addf %parallel_loop3A_1179, %get3A_372 : vector<16xf32>
      %parallel_loop3A_1181 = arith.mulf %get3A_374, %parallel_loop3A_980 : vector<16xf32>
      %parallel_loop3A_1182 = arith.mulf %get3A_376, %parallel_loop3A_984 : vector<16xf32>
      %parallel_loop3A_1183 = arith.addf %parallel_loop3A_1181, %parallel_loop3A_1182 : vector<16xf32>
      %parallel_loop3A_1184 = arith.mulf %get3A_378, %parallel_loop3A_988 : vector<16xf32>
      %parallel_loop3A_1185 = arith.addf %parallel_loop3A_1183, %parallel_loop3A_1184 : vector<16xf32>
      %parallel_loop3A_1186 = arith.addf %parallel_loop3A_1185, %get3A_380 : vector<16xf32>
      %parallel_loop3A_1187 = arith.mulf %get3A_382, %parallel_loop3A_980 : vector<16xf32>
      %parallel_loop3A_1188 = arith.mulf %get3A_384, %parallel_loop3A_984 : vector<16xf32>
      %parallel_loop3A_1189 = arith.addf %parallel_loop3A_1187, %parallel_loop3A_1188 : vector<16xf32>
      %parallel_loop3A_1190 = arith.mulf %get3A_386, %parallel_loop3A_988 : vector<16xf32>
      %parallel_loop3A_1191 = arith.addf %parallel_loop3A_1189, %parallel_loop3A_1190 : vector<16xf32>
      %parallel_loop3A_1192 = arith.addf %parallel_loop3A_1191, %get3A_388 : vector<16xf32>
      %parallel_loop3A_1193 = arith.constant 9.99999974E-6 : f32
      %parallel_loop3A_1194 = vector.broadcast %parallel_loop3A_1193 : f32 to vector<16xf32>
      %parallel_loop3A_1195 = arith.maximumf %parallel_loop3A_1192, %parallel_loop3A_1194 : vector<16xf32>
      %parallel_loop3A_1196 = vector.bitcast %parallel_loop3A_1195 : vector<16xf32> to vector<16xi32>
      %parallel_loop3A_1197 = arith.constant 2129859011 : i32
      %parallel_loop3A_1198 = vector.broadcast %parallel_loop3A_1197 : i32 to vector<16xi32>
      %parallel_loop3A_1199 = arith.subi %parallel_loop3A_1198, %parallel_loop3A_1196 : vector<16xi32>
      %parallel_loop3A_1200 = vector.bitcast %parallel_loop3A_1199 : vector<16xi32> to vector<16xf32>
      %parallel_loop3A_1201 = arith.mulf %parallel_loop3A_1195, %parallel_loop3A_1200 : vector<16xf32>
      %parallel_loop3A_1202 = arith.constant 2.000000e+00 : f32
      %parallel_loop3A_1203 = vector.broadcast %parallel_loop3A_1202 : f32 to vector<16xf32>
      %parallel_loop3A_1204 = arith.subf %parallel_loop3A_1203, %parallel_loop3A_1201 : vector<16xf32>
      %parallel_loop3A_1205 = arith.mulf %parallel_loop3A_1200, %parallel_loop3A_1204 : vector<16xf32>
      %parallel_loop3A_1206 = arith.mulf %parallel_loop3A_1195, %parallel_loop3A_1205 : vector<16xf32>
      %parallel_loop3A_1207 = arith.constant 2.000000e+00 : f32
      %parallel_loop3A_1208 = vector.broadcast %parallel_loop3A_1207 : f32 to vector<16xf32>
      %parallel_loop3A_1209 = arith.subf %parallel_loop3A_1208, %parallel_loop3A_1206 : vector<16xf32>
      %parallel_loop3A_1210 = arith.mulf %parallel_loop3A_1205, %parallel_loop3A_1209 : vector<16xf32>
      %parallel_loop3A_1211 = arith.mulf %parallel_loop3A_1180, %parallel_loop3A_1210 : vector<16xf32>
      %parallel_loop3A_1212 = arith.constant 7.10227294E-4 : f32
      %parallel_loop3A_1213 = vector.broadcast %parallel_loop3A_1212 : f32 to vector<16xf32>
      %parallel_loop3A_1214 = arith.mulf %parallel_loop3A_1211, %parallel_loop3A_1213 : vector<16xf32>
      %parallel_loop3A_1215 = arith.mulf %parallel_loop3A_1186, %parallel_loop3A_1210 : vector<16xf32>
      %parallel_loop3A_1216 = arith.constant 0.001953125 : f32
      %parallel_loop3A_1217 = vector.broadcast %parallel_loop3A_1216 : f32 to vector<16xf32>
      %parallel_loop3A_1218 = arith.mulf %parallel_loop3A_1215, %parallel_loop3A_1217 : vector<16xf32>
      %parallel_loop3A_1219 = arith.constant 9.99999974E-6 : f32
      %parallel_loop3A_1220 = vector.broadcast %parallel_loop3A_1219 : f32 to vector<16xf32>
      %parallel_loop3A_1221 = arith.cmpf ogt, %parallel_loop3A_1192, %parallel_loop3A_1220 : vector<16xf32>
      %parallel_loop3A_1222 = arith.constant 0.000000e+00 : f32
      %parallel_loop3A_1223 = vector.broadcast %parallel_loop3A_1222 : f32 to vector<16xf32>
      %parallel_loop3A_1224 = arith.cmpf ogt, %parallel_loop3A_1218, %parallel_loop3A_1223 : vector<16xf32>
      %parallel_loop3A_1225 = arith.andi %parallel_loop3A_1221, %parallel_loop3A_1224 : vector<16xi1>
      %parallel_loop3A_1226 = arith.constant 1.000000e+00 : f32
      %parallel_loop3A_1227 = vector.broadcast %parallel_loop3A_1226 : f32 to vector<16xf32>
      %parallel_loop3A_1228 = arith.cmpf olt, %parallel_loop3A_1218, %parallel_loop3A_1227 : vector<16xf32>
      %parallel_loop3A_1229 = arith.andi %parallel_loop3A_1225, %parallel_loop3A_1228 : vector<16xi1>
      %parallel_loop3A_1230 = arith.constant 1.000000e+00 : f32
      %parallel_loop3A_1231 = vector.broadcast %parallel_loop3A_1230 : f32 to vector<16xf32>
      %parallel_loop3A_1232 = arith.cmpf olt, %parallel_loop3A_1214, %parallel_loop3A_1231 : vector<16xf32>
      %parallel_loop3A_1233 = arith.andi %parallel_loop3A_1229, %parallel_loop3A_1232 : vector<16xi1>
      %parallel_loop3A_1234 = arith.constant 0.000000e+00 : f32
      %parallel_loop3A_1235 = vector.broadcast %parallel_loop3A_1234 : f32 to vector<16xf32>
      %parallel_loop3A_1236 = arith.cmpf ogt, %parallel_loop3A_1214, %parallel_loop3A_1235 : vector<16xf32>
      %parallel_loop3A_1237 = arith.andi %parallel_loop3A_1233, %parallel_loop3A_1236 : vector<16xi1>
      %parallel_loop3A_1238 = arith.constant 1.000000e+00 : f32
      %parallel_loop3A_1239 = arith.constant 0.000000e+00 : f32
      %parallel_loop3A_1240 = vector.broadcast %parallel_loop3A_1238 : f32 to vector<16xf32>
      %parallel_loop3A_1241 = vector.broadcast %parallel_loop3A_1239 : f32 to vector<16xf32>
      %parallel_loop3A_1242 = arith.select %parallel_loop3A_1237, %parallel_loop3A_1240, %parallel_loop3A_1241 : vector<16xi1>, vector<16xf32>
      %parallel_loop3A_1243 = arith.addf %parallel_loop3A_1150, %parallel_loop3A_1242 : vector<16xf32>
      %parallel_loop3A_1244 = arith.constant -2.100000e+00 : f32
      %parallel_loop3A_1245 = arith.constant 2.100000e+00 : f32
      %parallel_loop3A_1246 = vector.broadcast %parallel_loop3A_1244 : f32 to vector<16xf32>
      %parallel_loop3A_1247 = arith.maximumf %parallel_loop3A_1246, %parallel_loop3A_1214 : vector<16xf32>
      %parallel_loop3A_1248 = vector.broadcast %parallel_loop3A_1245 : f32 to vector<16xf32>
      %parallel_loop3A_1249 = arith.minimumf %parallel_loop3A_1248, %parallel_loop3A_1247 : vector<16xf32>
      %parallel_loop3A_1250 = arith.constant 17 : i32
      %parallel_loop3A_1251 = arith.index_cast %parallel_loop3A_1250 : i32 to index
      %parallel_loop3A_1252 = arith.index_cast %parallel_loop3A_392 : i32 to index
      %parallel_loop3A_1253 = tpu.vector_load %arg10[%parallel_loop3A_1251, %parallel_loop3A_1252] {strides = array<i32>} : memref<24x1280xf32, #tpu.memory_space<vmem>>, vector<16xf32>,
      tpu.vector_store %arg10[%parallel_loop3A_1251, %parallel_loop3A_1252], %parallel_loop3A_1249 {strides = array<i32>} : memref<24x1280xf32, #tpu.memory_space<vmem>>, vector<16xf32>,
      %parallel_loop3A_1254 = arith.constant -2.100000e+00 : f32
      %parallel_loop3A_1255 = arith.constant 2.100000e+00 : f32
      %parallel_loop3A_1256 = vector.broadcast %parallel_loop3A_1254 : f32 to vector<16xf32>
      %parallel_loop3A_1257 = arith.maximumf %parallel_loop3A_1256, %parallel_loop3A_1218 : vector<16xf32>
      %parallel_loop3A_1258 = vector.broadcast %parallel_loop3A_1255 : f32 to vector<16xf32>
      %parallel_loop3A_1259 = arith.minimumf %parallel_loop3A_1258, %parallel_loop3A_1257 : vector<16xf32>
      %parallel_loop3A_1260 = arith.constant 17 : i32
      %parallel_loop3A_1261 = arith.index_cast %parallel_loop3A_1260 : i32 to index
      %parallel_loop3A_1262 = arith.index_cast %parallel_loop3A_392 : i32 to index
      %parallel_loop3A_1263 = tpu.vector_load %arg11[%parallel_loop3A_1261, %parallel_loop3A_1262] {strides = array<i32>} : memref<24x1280xf32, #tpu.memory_space<vmem>>, vector<16xf32>,
      tpu.vector_store %arg11[%parallel_loop3A_1261, %parallel_loop3A_1262], %parallel_loop3A_1259 {strides = array<i32>} : memref<24x1280xf32, #tpu.memory_space<vmem>>, vector<16xf32>,
      %parallel_loop3A_1264 = arith.constant 17 : i32
      %parallel_loop3A_1265 = arith.index_cast %parallel_loop3A_1264 : i32 to index
      %parallel_loop3A_1266 = arith.index_cast %parallel_loop3A_392 : i32 to index
      %parallel_loop3A_1267 = tpu.vector_load %arg12[%parallel_loop3A_1265, %parallel_loop3A_1266] {strides = array<i32>} : memref<24x1280xf32, #tpu.memory_space<vmem>>, vector<16xf32>,
      tpu.vector_store %arg12[%parallel_loop3A_1265, %parallel_loop3A_1266], %parallel_loop3A_1242 {strides = array<i32>} : memref<24x1280xf32, #tpu.memory_space<vmem>>, vector<16xf32>,
      %parallel_loop3A_1268 = arith.constant 3 : i32
      %parallel_loop3A_1269 = arith.index_cast %parallel_loop3A_1268 : i32 to index
      %parallel_loop3A_1270 = arith.index_cast %parallel_loop3A_392 : i32 to index
      %parallel_loop3A_1271 = tpu.vector_load %arg8[%parallel_loop3A_1269, %parallel_loop3A_1270] {strides = array<i32>} : memref<12x1280xf32, #tpu.memory_space<vmem>>, vector<16xf32>,
      %parallel_loop3A_1272 = arith.constant 7 : i32
      %parallel_loop3A_1273 = arith.index_cast %parallel_loop3A_1272 : i32 to index
      %parallel_loop3A_1274 = arith.index_cast %parallel_loop3A_392 : i32 to index
      %parallel_loop3A_1275 = tpu.vector_load %arg8[%parallel_loop3A_1273, %parallel_loop3A_1274] {strides = array<i32>} : memref<12x1280xf32, #tpu.memory_space<vmem>>, vector<16xf32>,
      %parallel_loop3A_1276 = arith.constant 11 : i32
      %parallel_loop3A_1277 = arith.index_cast %parallel_loop3A_1276 : i32 to index
      %parallel_loop3A_1278 = arith.index_cast %parallel_loop3A_392 : i32 to index
      %parallel_loop3A_1279 = tpu.vector_load %arg8[%parallel_loop3A_1277, %parallel_loop3A_1278] {strides = array<i32>} : memref<12x1280xf32, #tpu.memory_space<vmem>>, vector<16xf32>,
      %parallel_loop3A_1280 = arith.mulf %get3A_318, %parallel_loop3A_1271 : vector<16xf32>
      %parallel_loop3A_1281 = arith.mulf %get3A_320, %parallel_loop3A_1275 : vector<16xf32>
      %parallel_loop3A_1282 = arith.addf %parallel_loop3A_1280, %parallel_loop3A_1281 : vector<16xf32>
      %parallel_loop3A_1283 = arith.mulf %get3A_322, %parallel_loop3A_1279 : vector<16xf32>
      %parallel_loop3A_1284 = arith.addf %parallel_loop3A_1282, %parallel_loop3A_1283 : vector<16xf32>
      %parallel_loop3A_1285 = arith.addf %parallel_loop3A_1284, %get3A_324 : vector<16xf32>
      %parallel_loop3A_1286 = arith.mulf %get3A_326, %parallel_loop3A_1271 : vector<16xf32>
      %parallel_loop3A_1287 = arith.mulf %get3A_328, %parallel_loop3A_1275 : vector<16xf32>
      %parallel_loop3A_1288 = arith.addf %parallel_loop3A_1286, %parallel_loop3A_1287 : vector<16xf32>
      %parallel_loop3A_1289 = arith.mulf %get3A_330, %parallel_loop3A_1279 : vector<16xf32>
      %parallel_loop3A_1290 = arith.addf %parallel_loop3A_1288, %parallel_loop3A_1289 : vector<16xf32>
      %parallel_loop3A_1291 = arith.addf %parallel_loop3A_1290, %get3A_332 : vector<16xf32>
      %parallel_loop3A_1292 = arith.mulf %get3A_334, %parallel_loop3A_1271 : vector<16xf32>
      %parallel_loop3A_1293 = arith.mulf %get3A_336, %parallel_loop3A_1275 : vector<16xf32>
      %parallel_loop3A_1294 = arith.addf %parallel_loop3A_1292, %parallel_loop3A_1293 : vector<16xf32>
      %parallel_loop3A_1295 = arith.mulf %get3A_338, %parallel_loop3A_1279 : vector<16xf32>
      %parallel_loop3A_1296 = arith.addf %parallel_loop3A_1294, %parallel_loop3A_1295 : vector<16xf32>
      %parallel_loop3A_1297 = arith.addf %parallel_loop3A_1296, %get3A_340 : vector<16xf32>
      %parallel_loop3A_1298 = arith.constant 9.99999974E-6 : f32
      %parallel_loop3A_1299 = vector.broadcast %parallel_loop3A_1298 : f32 to vector<16xf32>
      %parallel_loop3A_1300 = arith.maximumf %parallel_loop3A_1297, %parallel_loop3A_1299 : vector<16xf32>
      %parallel_loop3A_1301 = vector.bitcast %parallel_loop3A_1300 : vector<16xf32> to vector<16xi32>
      %parallel_loop3A_1302 = arith.constant 2129859011 : i32
      %parallel_loop3A_1303 = vector.broadcast %parallel_loop3A_1302 : i32 to vector<16xi32>
      %parallel_loop3A_1304 = arith.subi %parallel_loop3A_1303, %parallel_loop3A_1301 : vector<16xi32>
      %parallel_loop3A_1305 = vector.bitcast %parallel_loop3A_1304 : vector<16xi32> to vector<16xf32>
      %parallel_loop3A_1306 = arith.mulf %parallel_loop3A_1300, %parallel_loop3A_1305 : vector<16xf32>
      %parallel_loop3A_1307 = arith.constant 2.000000e+00 : f32
      %parallel_loop3A_1308 = vector.broadcast %parallel_loop3A_1307 : f32 to vector<16xf32>
      %parallel_loop3A_1309 = arith.subf %parallel_loop3A_1308, %parallel_loop3A_1306 : vector<16xf32>
      %parallel_loop3A_1310 = arith.mulf %parallel_loop3A_1305, %parallel_loop3A_1309 : vector<16xf32>
      %parallel_loop3A_1311 = arith.mulf %parallel_loop3A_1300, %parallel_loop3A_1310 : vector<16xf32>
      %parallel_loop3A_1312 = arith.constant 2.000000e+00 : f32
      %parallel_loop3A_1313 = vector.broadcast %parallel_loop3A_1312 : f32 to vector<16xf32>
      %parallel_loop3A_1314 = arith.subf %parallel_loop3A_1313, %parallel_loop3A_1311 : vector<16xf32>
      %parallel_loop3A_1315 = arith.mulf %parallel_loop3A_1310, %parallel_loop3A_1314 : vector<16xf32>
      %parallel_loop3A_1316 = arith.mulf %parallel_loop3A_1285, %parallel_loop3A_1315 : vector<16xf32>
      %parallel_loop3A_1317 = arith.constant 7.10227294E-4 : f32
      %parallel_loop3A_1318 = vector.broadcast %parallel_loop3A_1317 : f32 to vector<16xf32>
      %parallel_loop3A_1319 = arith.mulf %parallel_loop3A_1316, %parallel_loop3A_1318 : vector<16xf32>
      %parallel_loop3A_1320 = arith.mulf %parallel_loop3A_1291, %parallel_loop3A_1315 : vector<16xf32>
      %parallel_loop3A_1321 = arith.constant 0.001953125 : f32
      %parallel_loop3A_1322 = vector.broadcast %parallel_loop3A_1321 : f32 to vector<16xf32>
      %parallel_loop3A_1323 = arith.mulf %parallel_loop3A_1320, %parallel_loop3A_1322 : vector<16xf32>
      %parallel_loop3A_1324 = arith.constant 9.99999974E-6 : f32
      %parallel_loop3A_1325 = vector.broadcast %parallel_loop3A_1324 : f32 to vector<16xf32>
      %parallel_loop3A_1326 = arith.cmpf ogt, %parallel_loop3A_1297, %parallel_loop3A_1325 : vector<16xf32>
      %parallel_loop3A_1327 = arith.constant 0.000000e+00 : f32
      %parallel_loop3A_1328 = vector.broadcast %parallel_loop3A_1327 : f32 to vector<16xf32>
      %parallel_loop3A_1329 = arith.cmpf ogt, %parallel_loop3A_1323, %parallel_loop3A_1328 : vector<16xf32>
      %parallel_loop3A_1330 = arith.andi %parallel_loop3A_1326, %parallel_loop3A_1329 : vector<16xi1>
      %parallel_loop3A_1331 = arith.constant 1.000000e+00 : f32
      %parallel_loop3A_1332 = vector.broadcast %parallel_loop3A_1331 : f32 to vector<16xf32>
      %parallel_loop3A_1333 = arith.cmpf olt, %parallel_loop3A_1323, %parallel_loop3A_1332 : vector<16xf32>
      %parallel_loop3A_1334 = arith.andi %parallel_loop3A_1330, %parallel_loop3A_1333 : vector<16xi1>
      %parallel_loop3A_1335 = arith.constant 1.000000e+00 : f32
      %parallel_loop3A_1336 = vector.broadcast %parallel_loop3A_1335 : f32 to vector<16xf32>
      %parallel_loop3A_1337 = arith.cmpf olt, %parallel_loop3A_1319, %parallel_loop3A_1336 : vector<16xf32>
      %parallel_loop3A_1338 = arith.andi %parallel_loop3A_1334, %parallel_loop3A_1337 : vector<16xi1>
      %parallel_loop3A_1339 = arith.constant 0.000000e+00 : f32
      %parallel_loop3A_1340 = vector.broadcast %parallel_loop3A_1339 : f32 to vector<16xf32>
      %parallel_loop3A_1341 = arith.cmpf ogt, %parallel_loop3A_1319, %parallel_loop3A_1340 : vector<16xf32>
      %parallel_loop3A_1342 = arith.andi %parallel_loop3A_1338, %parallel_loop3A_1341 : vector<16xi1>
      %parallel_loop3A_1343 = arith.constant 1.000000e+00 : f32
      %parallel_loop3A_1344 = arith.constant 0.000000e+00 : f32
      %parallel_loop3A_1345 = vector.broadcast %parallel_loop3A_1343 : f32 to vector<16xf32>
      %parallel_loop3A_1346 = vector.broadcast %parallel_loop3A_1344 : f32 to vector<16xf32>
      %parallel_loop3A_1347 = arith.select %parallel_loop3A_1342, %parallel_loop3A_1345, %parallel_loop3A_1346 : vector<16xi1>, vector<16xf32>
      %parallel_loop3A_1348 = arith.addf %parallel_loop3A_1243, %parallel_loop3A_1347 : vector<16xf32>
      %parallel_loop3A_1349 = arith.constant -2.100000e+00 : f32
      %parallel_loop3A_1350 = arith.constant 2.100000e+00 : f32
      %parallel_loop3A_1351 = vector.broadcast %parallel_loop3A_1349 : f32 to vector<16xf32>
      %parallel_loop3A_1352 = arith.maximumf %parallel_loop3A_1351, %parallel_loop3A_1319 : vector<16xf32>
      %parallel_loop3A_1353 = vector.broadcast %parallel_loop3A_1350 : f32 to vector<16xf32>
      %parallel_loop3A_1354 = arith.minimumf %parallel_loop3A_1353, %parallel_loop3A_1352 : vector<16xf32>
      %parallel_loop3A_1355 = arith.constant 21 : i32
      %parallel_loop3A_1356 = arith.index_cast %parallel_loop3A_1355 : i32 to index
      %parallel_loop3A_1357 = arith.index_cast %parallel_loop3A_392 : i32 to index
      %parallel_loop3A_1358 = tpu.vector_load %arg10[%parallel_loop3A_1356, %parallel_loop3A_1357] {strides = array<i32>} : memref<24x1280xf32, #tpu.memory_space<vmem>>, vector<16xf32>,
      tpu.vector_store %arg10[%parallel_loop3A_1356, %parallel_loop3A_1357], %parallel_loop3A_1354 {strides = array<i32>} : memref<24x1280xf32, #tpu.memory_space<vmem>>, vector<16xf32>,
      %parallel_loop3A_1359 = arith.constant -2.100000e+00 : f32
      %parallel_loop3A_1360 = arith.constant 2.100000e+00 : f32
      %parallel_loop3A_1361 = vector.broadcast %parallel_loop3A_1359 : f32 to vector<16xf32>
      %parallel_loop3A_1362 = arith.maximumf %parallel_loop3A_1361, %parallel_loop3A_1323 : vector<16xf32>
      %parallel_loop3A_1363 = vector.broadcast %parallel_loop3A_1360 : f32 to vector<16xf32>
      %parallel_loop3A_1364 = arith.minimumf %parallel_loop3A_1363, %parallel_loop3A_1362 : vector<16xf32>
      %parallel_loop3A_1365 = arith.constant 21 : i32
      %parallel_loop3A_1366 = arith.index_cast %parallel_loop3A_1365 : i32 to index
      %parallel_loop3A_1367 = arith.index_cast %parallel_loop3A_392 : i32 to index
      %parallel_loop3A_1368 = tpu.vector_load %arg11[%parallel_loop3A_1366, %parallel_loop3A_1367] {strides = array<i32>} : memref<24x1280xf32, #tpu.memory_space<vmem>>, vector<16xf32>,
      tpu.vector_store %arg11[%parallel_loop3A_1366, %parallel_loop3A_1367], %parallel_loop3A_1364 {strides = array<i32>} : memref<24x1280xf32, #tpu.memory_space<vmem>>, vector<16xf32>,
      %parallel_loop3A_1369 = arith.constant 21 : i32
      %parallel_loop3A_1370 = arith.index_cast %parallel_loop3A_1369 : i32 to index
      %parallel_loop3A_1371 = arith.index_cast %parallel_loop3A_392 : i32 to index
      %parallel_loop3A_1372 = tpu.vector_load %arg12[%parallel_loop3A_1370, %parallel_loop3A_1371] {strides = array<i32>} : memref<24x1280xf32, #tpu.memory_space<vmem>>, vector<16xf32>,
      tpu.vector_store %arg12[%parallel_loop3A_1370, %parallel_loop3A_1371], %parallel_loop3A_1347 {strides = array<i32>} : memref<24x1280xf32, #tpu.memory_space<vmem>>, vector<16xf32>,
      %parallel_loop3A_1373 = arith.mulf %get3A_342, %parallel_loop3A_1271 : vector<16xf32>
      %parallel_loop3A_1374 = arith.mulf %get3A_344, %parallel_loop3A_1275 : vector<16xf32>
      %parallel_loop3A_1375 = arith.addf %parallel_loop3A_1373, %parallel_loop3A_1374 : vector<16xf32>
      %parallel_loop3A_1376 = arith.mulf %get3A_346, %parallel_loop3A_1279 : vector<16xf32>
      %parallel_loop3A_1377 = arith.addf %parallel_loop3A_1375, %parallel_loop3A_1376 : vector<16xf32>
      %parallel_loop3A_1378 = arith.addf %parallel_loop3A_1377, %get3A_348 : vector<16xf32>
      %parallel_loop3A_1379 = arith.mulf %get3A_350, %parallel_loop3A_1271 : vector<16xf32>
      %parallel_loop3A_1380 = arith.mulf %get3A_352, %parallel_loop3A_1275 : vector<16xf32>
      %parallel_loop3A_1381 = arith.addf %parallel_loop3A_1379, %parallel_loop3A_1380 : vector<16xf32>
      %parallel_loop3A_1382 = arith.mulf %get3A_354, %parallel_loop3A_1279 : vector<16xf32>
      %parallel_loop3A_1383 = arith.addf %parallel_loop3A_1381, %parallel_loop3A_1382 : vector<16xf32>
      %parallel_loop3A_1384 = arith.addf %parallel_loop3A_1383, %get3A_356 : vector<16xf32>
      %parallel_loop3A_1385 = arith.mulf %get3A_358, %parallel_loop3A_1271 : vector<16xf32>
      %parallel_loop3A_1386 = arith.mulf %get3A_360, %parallel_loop3A_1275 : vector<16xf32>
      %parallel_loop3A_1387 = arith.addf %parallel_loop3A_1385, %parallel_loop3A_1386 : vector<16xf32>
      %parallel_loop3A_1388 = arith.mulf %get3A_362, %parallel_loop3A_1279 : vector<16xf32>
      %parallel_loop3A_1389 = arith.addf %parallel_loop3A_1387, %parallel_loop3A_1388 : vector<16xf32>
      %parallel_loop3A_1390 = arith.addf %parallel_loop3A_1389, %get3A_364 : vector<16xf32>
      %parallel_loop3A_1391 = arith.constant 9.99999974E-6 : f32
      %parallel_loop3A_1392 = vector.broadcast %parallel_loop3A_1391 : f32 to vector<16xf32>
      %parallel_loop3A_1393 = arith.maximumf %parallel_loop3A_1390, %parallel_loop3A_1392 : vector<16xf32>
      %parallel_loop3A_1394 = vector.bitcast %parallel_loop3A_1393 : vector<16xf32> to vector<16xi32>
      %parallel_loop3A_1395 = arith.constant 2129859011 : i32
      %parallel_loop3A_1396 = vector.broadcast %parallel_loop3A_1395 : i32 to vector<16xi32>
      %parallel_loop3A_1397 = arith.subi %parallel_loop3A_1396, %parallel_loop3A_1394 : vector<16xi32>
      %parallel_loop3A_1398 = vector.bitcast %parallel_loop3A_1397 : vector<16xi32> to vector<16xf32>
      %parallel_loop3A_1399 = arith.mulf %parallel_loop3A_1393, %parallel_loop3A_1398 : vector<16xf32>
      %parallel_loop3A_1400 = arith.constant 2.000000e+00 : f32
      %parallel_loop3A_1401 = vector.broadcast %parallel_loop3A_1400 : f32 to vector<16xf32>
      %parallel_loop3A_1402 = arith.subf %parallel_loop3A_1401, %parallel_loop3A_1399 : vector<16xf32>
      %parallel_loop3A_1403 = arith.mulf %parallel_loop3A_1398, %parallel_loop3A_1402 : vector<16xf32>
      %parallel_loop3A_1404 = arith.mulf %parallel_loop3A_1393, %parallel_loop3A_1403 : vector<16xf32>
      %parallel_loop3A_1405 = arith.constant 2.000000e+00 : f32
      %parallel_loop3A_1406 = vector.broadcast %parallel_loop3A_1405 : f32 to vector<16xf32>
      %parallel_loop3A_1407 = arith.subf %parallel_loop3A_1406, %parallel_loop3A_1404 : vector<16xf32>
      %parallel_loop3A_1408 = arith.mulf %parallel_loop3A_1403, %parallel_loop3A_1407 : vector<16xf32>
      %parallel_loop3A_1409 = arith.mulf %parallel_loop3A_1378, %parallel_loop3A_1408 : vector<16xf32>
      %parallel_loop3A_1410 = arith.constant 7.10227294E-4 : f32
      %parallel_loop3A_1411 = vector.broadcast %parallel_loop3A_1410 : f32 to vector<16xf32>
      %parallel_loop3A_1412 = arith.mulf %parallel_loop3A_1409, %parallel_loop3A_1411 : vector<16xf32>
      %parallel_loop3A_1413 = arith.mulf %parallel_loop3A_1384, %parallel_loop3A_1408 : vector<16xf32>
      %parallel_loop3A_1414 = arith.constant 0.001953125 : f32
      %parallel_loop3A_1415 = vector.broadcast %parallel_loop3A_1414 : f32 to vector<16xf32>
      %parallel_loop3A_1416 = arith.mulf %parallel_loop3A_1413, %parallel_loop3A_1415 : vector<16xf32>
      %parallel_loop3A_1417 = arith.constant 9.99999974E-6 : f32
      %parallel_loop3A_1418 = vector.broadcast %parallel_loop3A_1417 : f32 to vector<16xf32>
      %parallel_loop3A_1419 = arith.cmpf ogt, %parallel_loop3A_1390, %parallel_loop3A_1418 : vector<16xf32>
      %parallel_loop3A_1420 = arith.constant 0.000000e+00 : f32
      %parallel_loop3A_1421 = vector.broadcast %parallel_loop3A_1420 : f32 to vector<16xf32>
      %parallel_loop3A_1422 = arith.cmpf ogt, %parallel_loop3A_1416, %parallel_loop3A_1421 : vector<16xf32>
      %parallel_loop3A_1423 = arith.andi %parallel_loop3A_1419, %parallel_loop3A_1422 : vector<16xi1>
      %parallel_loop3A_1424 = arith.constant 1.000000e+00 : f32
      %parallel_loop3A_1425 = vector.broadcast %parallel_loop3A_1424 : f32 to vector<16xf32>
      %parallel_loop3A_1426 = arith.cmpf olt, %parallel_loop3A_1416, %parallel_loop3A_1425 : vector<16xf32>
      %parallel_loop3A_1427 = arith.andi %parallel_loop3A_1423, %parallel_loop3A_1426 : vector<16xi1>
      %parallel_loop3A_1428 = arith.constant 1.000000e+00 : f32
      %parallel_loop3A_1429 = vector.broadcast %parallel_loop3A_1428 : f32 to vector<16xf32>
      %parallel_loop3A_1430 = arith.cmpf olt, %parallel_loop3A_1412, %parallel_loop3A_1429 : vector<16xf32>
      %parallel_loop3A_1431 = arith.andi %parallel_loop3A_1427, %parallel_loop3A_1430 : vector<16xi1>
      %parallel_loop3A_1432 = arith.constant 0.000000e+00 : f32
      %parallel_loop3A_1433 = vector.broadcast %parallel_loop3A_1432 : f32 to vector<16xf32>
      %parallel_loop3A_1434 = arith.cmpf ogt, %parallel_loop3A_1412, %parallel_loop3A_1433 : vector<16xf32>
      %parallel_loop3A_1435 = arith.andi %parallel_loop3A_1431, %parallel_loop3A_1434 : vector<16xi1>
      %parallel_loop3A_1436 = arith.constant 1.000000e+00 : f32
      %parallel_loop3A_1437 = arith.constant 0.000000e+00 : f32
      %parallel_loop3A_1438 = vector.broadcast %parallel_loop3A_1436 : f32 to vector<16xf32>
      %parallel_loop3A_1439 = vector.broadcast %parallel_loop3A_1437 : f32 to vector<16xf32>
      %parallel_loop3A_1440 = arith.select %parallel_loop3A_1435, %parallel_loop3A_1438, %parallel_loop3A_1439 : vector<16xi1>, vector<16xf32>
      %parallel_loop3A_1441 = arith.addf %parallel_loop3A_1348, %parallel_loop3A_1440 : vector<16xf32>
      %parallel_loop3A_1442 = arith.constant -2.100000e+00 : f32
      %parallel_loop3A_1443 = arith.constant 2.100000e+00 : f32
      %parallel_loop3A_1444 = vector.broadcast %parallel_loop3A_1442 : f32 to vector<16xf32>
      %parallel_loop3A_1445 = arith.maximumf %parallel_loop3A_1444, %parallel_loop3A_1412 : vector<16xf32>
      %parallel_loop3A_1446 = vector.broadcast %parallel_loop3A_1443 : f32 to vector<16xf32>
      %parallel_loop3A_1447 = arith.minimumf %parallel_loop3A_1446, %parallel_loop3A_1445 : vector<16xf32>
      %parallel_loop3A_1448 = arith.constant 22 : i32
      %parallel_loop3A_1449 = arith.index_cast %parallel_loop3A_1448 : i32 to index
      %parallel_loop3A_1450 = arith.index_cast %parallel_loop3A_392 : i32 to index
      %parallel_loop3A_1451 = tpu.vector_load %arg10[%parallel_loop3A_1449, %parallel_loop3A_1450] {strides = array<i32>} : memref<24x1280xf32, #tpu.memory_space<vmem>>, vector<16xf32>,
      tpu.vector_store %arg10[%parallel_loop3A_1449, %parallel_loop3A_1450], %parallel_loop3A_1447 {strides = array<i32>} : memref<24x1280xf32, #tpu.memory_space<vmem>>, vector<16xf32>,
      %parallel_loop3A_1452 = arith.constant -2.100000e+00 : f32
      %parallel_loop3A_1453 = arith.constant 2.100000e+00 : f32
      %parallel_loop3A_1454 = vector.broadcast %parallel_loop3A_1452 : f32 to vector<16xf32>
      %parallel_loop3A_1455 = arith.maximumf %parallel_loop3A_1454, %parallel_loop3A_1416 : vector<16xf32>
      %parallel_loop3A_1456 = vector.broadcast %parallel_loop3A_1453 : f32 to vector<16xf32>
      %parallel_loop3A_1457 = arith.minimumf %parallel_loop3A_1456, %parallel_loop3A_1455 : vector<16xf32>
      %parallel_loop3A_1458 = arith.constant 22 : i32
      %parallel_loop3A_1459 = arith.index_cast %parallel_loop3A_1458 : i32 to index
      %parallel_loop3A_1460 = arith.index_cast %parallel_loop3A_392 : i32 to index
      %parallel_loop3A_1461 = tpu.vector_load %arg11[%parallel_loop3A_1459, %parallel_loop3A_1460] {strides = array<i32>} : memref<24x1280xf32, #tpu.memory_space<vmem>>, vector<16xf32>,
      tpu.vector_store %arg11[%parallel_loop3A_1459, %parallel_loop3A_1460], %parallel_loop3A_1457 {strides = array<i32>} : memref<24x1280xf32, #tpu.memory_space<vmem>>, vector<16xf32>,
      %parallel_loop3A_1462 = arith.constant 22 : i32
      %parallel_loop3A_1463 = arith.index_cast %parallel_loop3A_1462 : i32 to index
      %parallel_loop3A_1464 = arith.index_cast %parallel_loop3A_392 : i32 to index
      %parallel_loop3A_1465 = tpu.vector_load %arg12[%parallel_loop3A_1463, %parallel_loop3A_1464] {strides = array<i32>} : memref<24x1280xf32, #tpu.memory_space<vmem>>, vector<16xf32>,
      tpu.vector_store %arg12[%parallel_loop3A_1463, %parallel_loop3A_1464], %parallel_loop3A_1440 {strides = array<i32>} : memref<24x1280xf32, #tpu.memory_space<vmem>>, vector<16xf32>,
      %parallel_loop3A_1466 = arith.mulf %get3A_366, %parallel_loop3A_1271 : vector<16xf32>
      %parallel_loop3A_1467 = arith.mulf %get3A_368, %parallel_loop3A_1275 : vector<16xf32>
      %parallel_loop3A_1468 = arith.addf %parallel_loop3A_1466, %parallel_loop3A_1467 : vector<16xf32>
      %parallel_loop3A_1469 = arith.mulf %get3A_370, %parallel_loop3A_1279 : vector<16xf32>
      %parallel_loop3A_1470 = arith.addf %parallel_loop3A_1468, %parallel_loop3A_1469 : vector<16xf32>
      %parallel_loop3A_1471 = arith.addf %parallel_loop3A_1470, %get3A_372 : vector<16xf32>
      %parallel_loop3A_1472 = arith.mulf %get3A_374, %parallel_loop3A_1271 : vector<16xf32>
      %parallel_loop3A_1473 = arith.mulf %get3A_376, %parallel_loop3A_1275 : vector<16xf32>
      %parallel_loop3A_1474 = arith.addf %parallel_loop3A_1472, %parallel_loop3A_1473 : vector<16xf32>
      %parallel_loop3A_1475 = arith.mulf %get3A_378, %parallel_loop3A_1279 : vector<16xf32>
      %parallel_loop3A_1476 = arith.addf %parallel_loop3A_1474, %parallel_loop3A_1475 : vector<16xf32>
      %parallel_loop3A_1477 = arith.addf %parallel_loop3A_1476, %get3A_380 : vector<16xf32>
      %parallel_loop3A_1478 = arith.mulf %get3A_382, %parallel_loop3A_1271 : vector<16xf32>
      %parallel_loop3A_1479 = arith.mulf %get3A_384, %parallel_loop3A_1275 : vector<16xf32>
      %parallel_loop3A_1480 = arith.addf %parallel_loop3A_1478, %parallel_loop3A_1479 : vector<16xf32>
      %parallel_loop3A_1481 = arith.mulf %get3A_386, %parallel_loop3A_1279 : vector<16xf32>
      %parallel_loop3A_1482 = arith.addf %parallel_loop3A_1480, %parallel_loop3A_1481 : vector<16xf32>
      %parallel_loop3A_1483 = arith.addf %parallel_loop3A_1482, %get3A_388 : vector<16xf32>
      %parallel_loop3A_1484 = arith.constant 9.99999974E-6 : f32
      %parallel_loop3A_1485 = vector.broadcast %parallel_loop3A_1484 : f32 to vector<16xf32>
      %parallel_loop3A_1486 = arith.maximumf %parallel_loop3A_1483, %parallel_loop3A_1485 : vector<16xf32>
      %parallel_loop3A_1487 = vector.bitcast %parallel_loop3A_1486 : vector<16xf32> to vector<16xi32>
      %parallel_loop3A_1488 = arith.constant 2129859011 : i32
      %parallel_loop3A_1489 = vector.broadcast %parallel_loop3A_1488 : i32 to vector<16xi32>
      %parallel_loop3A_1490 = arith.subi %parallel_loop3A_1489, %parallel_loop3A_1487 : vector<16xi32>
      %parallel_loop3A_1491 = vector.bitcast %parallel_loop3A_1490 : vector<16xi32> to vector<16xf32>
      %parallel_loop3A_1492 = arith.mulf %parallel_loop3A_1486, %parallel_loop3A_1491 : vector<16xf32>
      %parallel_loop3A_1493 = arith.constant 2.000000e+00 : f32
      %parallel_loop3A_1494 = vector.broadcast %parallel_loop3A_1493 : f32 to vector<16xf32>
      %parallel_loop3A_1495 = arith.subf %parallel_loop3A_1494, %parallel_loop3A_1492 : vector<16xf32>
      %parallel_loop3A_1496 = arith.mulf %parallel_loop3A_1491, %parallel_loop3A_1495 : vector<16xf32>
      %parallel_loop3A_1497 = arith.mulf %parallel_loop3A_1486, %parallel_loop3A_1496 : vector<16xf32>
      %parallel_loop3A_1498 = arith.constant 2.000000e+00 : f32
      %parallel_loop3A_1499 = vector.broadcast %parallel_loop3A_1498 : f32 to vector<16xf32>
      %parallel_loop3A_1500 = arith.subf %parallel_loop3A_1499, %parallel_loop3A_1497 : vector<16xf32>
      %parallel_loop3A_1501 = arith.mulf %parallel_loop3A_1496, %parallel_loop3A_1500 : vector<16xf32>
      %parallel_loop3A_1502 = arith.mulf %parallel_loop3A_1471, %parallel_loop3A_1501 : vector<16xf32>
      %parallel_loop3A_1503 = arith.constant 7.10227294E-4 : f32
      %parallel_loop3A_1504 = vector.broadcast %parallel_loop3A_1503 : f32 to vector<16xf32>
      %parallel_loop3A_1505 = arith.mulf %parallel_loop3A_1502, %parallel_loop3A_1504 : vector<16xf32>
      %parallel_loop3A_1506 = arith.mulf %parallel_loop3A_1477, %parallel_loop3A_1501 : vector<16xf32>
      %parallel_loop3A_1507 = arith.constant 0.001953125 : f32
      %parallel_loop3A_1508 = vector.broadcast %parallel_loop3A_1507 : f32 to vector<16xf32>
      %parallel_loop3A_1509 = arith.mulf %parallel_loop3A_1506, %parallel_loop3A_1508 : vector<16xf32>
      %parallel_loop3A_1510 = arith.constant 9.99999974E-6 : f32
      %parallel_loop3A_1511 = vector.broadcast %parallel_loop3A_1510 : f32 to vector<16xf32>
      %parallel_loop3A_1512 = arith.cmpf ogt, %parallel_loop3A_1483, %parallel_loop3A_1511 : vector<16xf32>
      %parallel_loop3A_1513 = arith.constant 0.000000e+00 : f32
      %parallel_loop3A_1514 = vector.broadcast %parallel_loop3A_1513 : f32 to vector<16xf32>
      %parallel_loop3A_1515 = arith.cmpf ogt, %parallel_loop3A_1509, %parallel_loop3A_1514 : vector<16xf32>
      %parallel_loop3A_1516 = arith.andi %parallel_loop3A_1512, %parallel_loop3A_1515 : vector<16xi1>
      %parallel_loop3A_1517 = arith.constant 1.000000e+00 : f32
      %parallel_loop3A_1518 = vector.broadcast %parallel_loop3A_1517 : f32 to vector<16xf32>
      %parallel_loop3A_1519 = arith.cmpf olt, %parallel_loop3A_1509, %parallel_loop3A_1518 : vector<16xf32>
      %parallel_loop3A_1520 = arith.andi %parallel_loop3A_1516, %parallel_loop3A_1519 : vector<16xi1>
      %parallel_loop3A_1521 = arith.constant 1.000000e+00 : f32
      %parallel_loop3A_1522 = vector.broadcast %parallel_loop3A_1521 : f32 to vector<16xf32>
      %parallel_loop3A_1523 = arith.cmpf olt, %parallel_loop3A_1505, %parallel_loop3A_1522 : vector<16xf32>
      %parallel_loop3A_1524 = arith.andi %parallel_loop3A_1520, %parallel_loop3A_1523 : vector<16xi1>
      %parallel_loop3A_1525 = arith.constant 0.000000e+00 : f32
      %parallel_loop3A_1526 = vector.broadcast %parallel_loop3A_1525 : f32 to vector<16xf32>
      %parallel_loop3A_1527 = arith.cmpf ogt, %parallel_loop3A_1505, %parallel_loop3A_1526 : vector<16xf32>
      %parallel_loop3A_1528 = arith.andi %parallel_loop3A_1524, %parallel_loop3A_1527 : vector<16xi1>
      %parallel_loop3A_1529 = arith.constant 1.000000e+00 : f32
      %parallel_loop3A_1530 = arith.constant 0.000000e+00 : f32
      %parallel_loop3A_1531 = vector.broadcast %parallel_loop3A_1529 : f32 to vector<16xf32>
      %parallel_loop3A_1532 = vector.broadcast %parallel_loop3A_1530 : f32 to vector<16xf32>
      %parallel_loop3A_1533 = arith.select %parallel_loop3A_1528, %parallel_loop3A_1531, %parallel_loop3A_1532 : vector<16xi1>, vector<16xf32>
      %parallel_loop3A_1534 = arith.addf %parallel_loop3A_1441, %parallel_loop3A_1533 : vector<16xf32>
      %parallel_loop3A_1535 = arith.constant -2.100000e+00 : f32
      %parallel_loop3A_1536 = arith.constant 2.100000e+00 : f32
      %parallel_loop3A_1537 = vector.broadcast %parallel_loop3A_1535 : f32 to vector<16xf32>
      %parallel_loop3A_1538 = arith.maximumf %parallel_loop3A_1537, %parallel_loop3A_1505 : vector<16xf32>
      %parallel_loop3A_1539 = vector.broadcast %parallel_loop3A_1536 : f32 to vector<16xf32>
      %parallel_loop3A_1540 = arith.minimumf %parallel_loop3A_1539, %parallel_loop3A_1538 : vector<16xf32>
      %parallel_loop3A_1541 = arith.constant 23 : i32
      %parallel_loop3A_1542 = arith.index_cast %parallel_loop3A_1541 : i32 to index
      %parallel_loop3A_1543 = arith.index_cast %parallel_loop3A_392 : i32 to index
      %parallel_loop3A_1544 = tpu.vector_load %arg10[%parallel_loop3A_1542, %parallel_loop3A_1543] {strides = array<i32>} : memref<24x1280xf32, #tpu.memory_space<vmem>>, vector<16xf32>,
      tpu.vector_store %arg10[%parallel_loop3A_1542, %parallel_loop3A_1543], %parallel_loop3A_1540 {strides = array<i32>} : memref<24x1280xf32, #tpu.memory_space<vmem>>, vector<16xf32>,
      %parallel_loop3A_1545 = arith.constant -2.100000e+00 : f32
      %parallel_loop3A_1546 = arith.constant 2.100000e+00 : f32
      %parallel_loop3A_1547 = vector.broadcast %parallel_loop3A_1545 : f32 to vector<16xf32>
      %parallel_loop3A_1548 = arith.maximumf %parallel_loop3A_1547, %parallel_loop3A_1509 : vector<16xf32>
      %parallel_loop3A_1549 = vector.broadcast %parallel_loop3A_1546 : f32 to vector<16xf32>
      %parallel_loop3A_1550 = arith.minimumf %parallel_loop3A_1549, %parallel_loop3A_1548 : vector<16xf32>
      %parallel_loop3A_1551 = arith.constant 23 : i32
      %parallel_loop3A_1552 = arith.index_cast %parallel_loop3A_1551 : i32 to index
      %parallel_loop3A_1553 = arith.index_cast %parallel_loop3A_392 : i32 to index
      %parallel_loop3A_1554 = tpu.vector_load %arg11[%parallel_loop3A_1552, %parallel_loop3A_1553] {strides = array<i32>} : memref<24x1280xf32, #tpu.memory_space<vmem>>, vector<16xf32>,
      tpu.vector_store %arg11[%parallel_loop3A_1552, %parallel_loop3A_1553], %parallel_loop3A_1550 {strides = array<i32>} : memref<24x1280xf32, #tpu.memory_space<vmem>>, vector<16xf32>,
      %parallel_loop3A_1555 = arith.constant 23 : i32
      %parallel_loop3A_1556 = arith.index_cast %parallel_loop3A_1555 : i32 to index
      %parallel_loop3A_1557 = arith.index_cast %parallel_loop3A_392 : i32 to index
      %parallel_loop3A_1558 = tpu.vector_load %arg12[%parallel_loop3A_1556, %parallel_loop3A_1557] {strides = array<i32>} : memref<24x1280xf32, #tpu.memory_space<vmem>>, vector<16xf32>,
      tpu.vector_store %arg12[%parallel_loop3A_1556, %parallel_loop3A_1557], %parallel_loop3A_1533 {strides = array<i32>} : memref<24x1280xf32, #tpu.memory_space<vmem>>, vector<16xf32>,
      %parallel_loop3A_1559 = arith.index_cast %parallel_loop3A_392 : i32 to index
      %parallel_loop3A_1560 = tpu.vector_load %arg13[%parallel_loop3A_1559] {strides = array<i32>} : memref<1280xf32, #tpu.memory_space<vmem>>, vector<16xf32>,
      %parallel_loop3A_1561 = arith.addf %parallel_loop3A_1560, %parallel_loop3A_1534 : vector<16xf32>
      %parallel_loop3A_1562 = arith.index_cast %parallel_loop3A_392 : i32 to index
      %parallel_loop3A_1563 = tpu.vector_load %arg13[%parallel_loop3A_1562] {strides = array<i32>} : memref<1280xf32, #tpu.memory_space<vmem>>, vector<16xf32>,
      tpu.vector_store %arg13[%parallel_loop3A_1562], %parallel_loop3A_1561 {strides = array<i32>} : memref<1280xf32, #tpu.memory_space<vmem>>, vector<16xf32>,
    } {sc.loop_unroll_factor = 2 : i64, sc.parallel_access}
    "tpu.region"() ({
      %run_scoped3A = tpu.sem_alloc : memref<!tpu.dma_semaphore, #tpu.memory_space<semaphore_mem>>
      %dma_start3A_392 = arith.constant 0 : i32
      %dma_start3A_393 = tpu.memref_slice %arg4[%dma_start3A_392, %multiple_of3A] : memref<24x40960xf32, #tpu.memory_space<hbm>> -> memref<24x1280xf32, #tpu.memory_space<hbm>>
      %dma_start3A_394 = arith.constant 0 : i32
      %dma_start3A_395 = tpu.memref_slice %arg4[%dma_start3A_394, %multiple_of3A] : memref<24x40960xf32, #tpu.memory_space<hbm>> -> memref<24x1280xf32, #tpu.memory_space<hbm>>
      tpu.enqueue_dma source(%arg10 : memref<24x1280xf32, #tpu.memory_space<vmem>>) target(%dma_start3A_395 : memref<24x1280xf32, #tpu.memory_space<hbm>>) target_semaphore(%run_scoped3A : memref<!tpu.dma_semaphore, #tpu.memory_space<semaphore_mem>>)
      %dma_wait3A_396 = arith.constant 0 : i32
      %dma_wait3A_397 = tpu.memref_slice %arg4[%dma_wait3A_396, %multiple_of3A] : memref<24x40960xf32, #tpu.memory_space<hbm>> -> memref<24x1280xf32, #tpu.memory_space<hbm>>
      %dma_wait3A_398 = arith.constant 0 : i32
      %dma_wait3A_399 = tpu.memref_slice %arg4[%dma_wait3A_398, %multiple_of3A] : memref<24x40960xf32, #tpu.memory_space<hbm>> -> memref<24x1280xf32, #tpu.memory_space<hbm>>
      tpu.wait_dma2 semaphore(%run_scoped3A : memref<!tpu.dma_semaphore, #tpu.memory_space<semaphore_mem>>) src(%arg10 : memref<24x1280xf32, #tpu.memory_space<vmem>>) dst(%dma_wait3A_399 : memref<24x1280xf32, #tpu.memory_space<hbm>>)
      tpu.yield
    }) : () -> ()
    "tpu.region"() ({
      %run_scoped3A = tpu.sem_alloc : memref<!tpu.dma_semaphore, #tpu.memory_space<semaphore_mem>>
      %dma_start3A_392 = arith.constant 0 : i32
      %dma_start3A_393 = tpu.memref_slice %arg5[%dma_start3A_392, %multiple_of3A] : memref<24x40960xf32, #tpu.memory_space<hbm>> -> memref<24x1280xf32, #tpu.memory_space<hbm>>
      %dma_start3A_394 = arith.constant 0 : i32
      %dma_start3A_395 = tpu.memref_slice %arg5[%dma_start3A_394, %multiple_of3A] : memref<24x40960xf32, #tpu.memory_space<hbm>> -> memref<24x1280xf32, #tpu.memory_space<hbm>>
      tpu.enqueue_dma source(%arg11 : memref<24x1280xf32, #tpu.memory_space<vmem>>) target(%dma_start3A_395 : memref<24x1280xf32, #tpu.memory_space<hbm>>) target_semaphore(%run_scoped3A : memref<!tpu.dma_semaphore, #tpu.memory_space<semaphore_mem>>)
      %dma_wait3A_396 = arith.constant 0 : i32
      %dma_wait3A_397 = tpu.memref_slice %arg5[%dma_wait3A_396, %multiple_of3A] : memref<24x40960xf32, #tpu.memory_space<hbm>> -> memref<24x1280xf32, #tpu.memory_space<hbm>>
      %dma_wait3A_398 = arith.constant 0 : i32
      %dma_wait3A_399 = tpu.memref_slice %arg5[%dma_wait3A_398, %multiple_of3A] : memref<24x40960xf32, #tpu.memory_space<hbm>> -> memref<24x1280xf32, #tpu.memory_space<hbm>>
      tpu.wait_dma2 semaphore(%run_scoped3A : memref<!tpu.dma_semaphore, #tpu.memory_space<semaphore_mem>>) src(%arg11 : memref<24x1280xf32, #tpu.memory_space<vmem>>) dst(%dma_wait3A_399 : memref<24x1280xf32, #tpu.memory_space<hbm>>)
      tpu.yield
    }) : () -> ()
    "tpu.region"() ({
      %run_scoped3A = tpu.sem_alloc : memref<!tpu.dma_semaphore, #tpu.memory_space<semaphore_mem>>
      %dma_start3A_392 = arith.constant 0 : i32
      %dma_start3A_393 = tpu.memref_slice %arg6[%dma_start3A_392, %multiple_of3A] : memref<24x40960xf32, #tpu.memory_space<hbm>> -> memref<24x1280xf32, #tpu.memory_space<hbm>>
      %dma_start3A_394 = arith.constant 0 : i32
      %dma_start3A_395 = tpu.memref_slice %arg6[%dma_start3A_394, %multiple_of3A] : memref<24x40960xf32, #tpu.memory_space<hbm>> -> memref<24x1280xf32, #tpu.memory_space<hbm>>
      tpu.enqueue_dma source(%arg12 : memref<24x1280xf32, #tpu.memory_space<vmem>>) target(%dma_start3A_395 : memref<24x1280xf32, #tpu.memory_space<hbm>>) target_semaphore(%run_scoped3A : memref<!tpu.dma_semaphore, #tpu.memory_space<semaphore_mem>>)
      %dma_wait3A_396 = arith.constant 0 : i32
      %dma_wait3A_397 = tpu.memref_slice %arg6[%dma_wait3A_396, %multiple_of3A] : memref<24x40960xf32, #tpu.memory_space<hbm>> -> memref<24x1280xf32, #tpu.memory_space<hbm>>
      %dma_wait3A_398 = arith.constant 0 : i32
      %dma_wait3A_399 = tpu.memref_slice %arg6[%dma_wait3A_398, %multiple_of3A] : memref<24x40960xf32, #tpu.memory_space<hbm>> -> memref<24x1280xf32, #tpu.memory_space<hbm>>
      tpu.wait_dma2 semaphore(%run_scoped3A : memref<!tpu.dma_semaphore, #tpu.memory_space<semaphore_mem>>) src(%arg12 : memref<24x1280xf32, #tpu.memory_space<vmem>>) dst(%dma_wait3A_399 : memref<24x1280xf32, #tpu.memory_space<hbm>>)
      tpu.yield
    }) : () -> ()
    "tpu.region"() ({
      %run_scoped3A = tpu.sem_alloc : memref<!tpu.dma_semaphore, #tpu.memory_space<semaphore_mem>>
      %dma_start3A_392 = tpu.memref_slice %arg7[%multiple_of3A] : memref<40960xf32, #tpu.memory_space<hbm>> -> memref<1280xf32, #tpu.memory_space<hbm>>
      %dma_start3A_393 = tpu.memref_slice %arg7[%multiple_of3A] : memref<40960xf32, #tpu.memory_space<hbm>> -> memref<1280xf32, #tpu.memory_space<hbm>>
      tpu.enqueue_dma source(%arg13 : memref<1280xf32, #tpu.memory_space<vmem>>) target(%dma_start3A_393 : memref<1280xf32, #tpu.memory_space<hbm>>) target_semaphore(%run_scoped3A : memref<!tpu.dma_semaphore, #tpu.memory_space<semaphore_mem>>)
      %dma_wait3A_394 = tpu.memref_slice %arg7[%multiple_of3A] : memref<40960xf32, #tpu.memory_space<hbm>> -> memref<1280xf32, #tpu.memory_space<hbm>>
      %dma_wait3A_395 = tpu.memref_slice %arg7[%multiple_of3A] : memref<40960xf32, #tpu.memory_space<hbm>> -> memref<1280xf32, #tpu.memory_space<hbm>>
      tpu.wait_dma2 semaphore(%run_scoped3A : memref<!tpu.dma_semaphore, #tpu.memory_space<semaphore_mem>>) src(%arg13 : memref<1280xf32, #tpu.memory_space<vmem>>) dst(%dma_wait3A_395 : memref<1280xf32, #tpu.memory_space<hbm>>)
      tpu.yield
    }) : () -> ()
    return
  }
}

</mosaic_0001>

<sc_bundles>
// kernel: kernel.3.cloned.1.call-start
scs
__scs_entry_jumppad:
0x0: {  	(pc) =	sbr.rel $0x88, $3  }
0x1: {  	(tag) =	ssettag $0x0;
	lr =	simm.s32 $0x1  }
0x2: {  	[smem:$0x3F9F] =	sst lr;
	_ =	strace $0xD0000000  }
0x3: {  	_ = 	snop  }
0x4: {  	_ = 	snop  }
0x5: {  	_ = 	snop  }
0x6: {  	_ = 	snop  }
0x7: {  	_ = 	snop  }
__scs_overlays_trampoline_lowered:
0x8: {  	[smem:$0x3FAE] =	sst s0  }
0x9: {  	[smem:$0x3FAF] =	sst s1  }
0xa: {  	[smem:$0x3FB0] =	sst s2  }
0xb: {  	[smem:$0x3FB1] =	sst s3  }
0xc: {  	[smem:$0x3FB2] =	sst s4  }
0xd: {  	[smem:$0x3FB3] =	sst s5  }
0xe: {  	[smem:$0x3FB4] =	sst s6  }
0xf: {  	[smem:$0x3FB5] =	sst s7  }
0x10: {  	[smem:$0x3FB6] =	sst s8  }
0x11: {  	[smem:$0x3FB7] =	sst s9;
	s0 =	simm.s32 @!p0 $0x0  }
0x12: {  	s1 =	sld [smem:$0x3F9D];
	s0 =	simm.s32 @p0 $0x1  }
0x13: {  	[smem:$0x3FB8] =	sst s0;
	s0 =	simm.s32 @!p1 $0x0  }
0x14: {  	s2 =	sld [smem:$0x3F9C];
	s0 =	simm.s32 @p1 $0x1  }
0x15: {  	[smem:$0x3FB9] =	sst s0;
	s0 =	simm.s32 @!p2 $0x0  }
0x16: {  	s3 =	sld [smem:$0x3FDB];
	s0 =	simm.s32 @p2 $0x1  }
0x17: {  	s4 =	simm.s32 $0x1BF5;
	[smem:$0x3FBB] =	sst s0  }
0x18: {  	s0 =	sld [smem:$0x3F9E];
	_ =	swait.ge [sflag:s4], $0x0  }
0x19: {  	s7 =	sld [smem:$0x3F9F]  }
0x1a: {  	s8 =	sadd.s32 $0xFFFFE003, lr  }
0x1b: {  	s9 =	sadd.s32 $0xFFFFFEF7, lr;
	s5 =	simm.s32 $0xFFFFFFFF;
	p2 =	slt.u32 s8, $0xFFFFF086  }
0x1c: {  	p1 =	slt.u32 s9, $0xF7A;
	s5 =	simm.s32 @!p2 $0x0  }
0x1d: {  	s5 =	simm.s32 @p1 $0x1;
	p0 =	seq.s32 s7, s2  }
0x1e: {  	s7 =	smul.u32 @!p0 $0xF7A, s2;
	p2 =	seq.s32 @!p0 s5, $0x0  }
0x1f: {  	s9 =	smul.u32 $0xF7A, s1;
	s8 =	simm.s32 @!p0 $0x1BF5;
	p2 =	por !p2, p0  }
0x20: {  	[sflag:s8] =	ssyncset.s32 @!p0 $0xFFFFF086;
	s6 =	sadd.s32 @!p0 s3, s7;
	s7 =	simm.s32 @!p0 $0x108  }
0x21: {  	s3 =	sadd.s32 s3, s9;
	s6 =	sadd.s32 @!p0 $0x88, s6;
	s7 =	simm.s32 @p2 $0x1082  }
0x22: {  	[simem:s7], [sflag:s8] =	dma.local @!p0 [hbm:s6], $0xF7A  }
0x23: {  	s9 =	sor.u32 $0xD0000000, s2;
	s6 =	simm.s32 $0x108;
	_ =	swait.ge @!p0 [sflag:s8], $0x0  }
0x24: {  	s3 =	sadd.s32 $0x88, s3;
	s6 =	simm.s32 @!p1 $0x1082;
	[sflag:s4] =	ssyncset.s32 $0xFFFFF086  }
0x25: {  	[simem:s6], [sflag:s4] =	dma.local [hbm:s3], $0xF7A  }
0x26: {  	[smem:$0x3F9F] =	sst s1;
	(tag) =	ssettag s2;
	_ =	strace s9  }
0x27: {  	s1 =	sld [smem:$0x3FAF]  }
0x28: {  	s2 =	sld [smem:$0x3FB0]  }
0x29: {  	s4 =	sld [smem:$0x3FB2]  }
0x2a: {  	p0 =	seq.s32 s5, $0x0;
	s5 =	sld [smem:$0x3FB3]  }
0x2b: {  	s6 =	sld [smem:$0x3FB4]  }
0x2c: {  	s7 =	sld [smem:$0x3FB5]  }
0x2d: {  	s3 =	simm.s32 $0x108;
	s8 =	sld [smem:$0x3FB6]  }
0x2e: {  	s3 =	simm.s32 @!p0 $0x1082;
	s9 =	sld [smem:$0x3FB7]  }
0x2f: {  	lr =	sadd.s32 s0, s3;
	s0 =	sld [smem:$0x3FAE]  }
0x30: {  	s3 =	sld [smem:$0x3FB1]  }
0x31: {  	[smem:$0x3FBA] =	sst s10  }
0x32: {  	s10 =	sld [smem:$0x3FB8];
	_ =	sdelay $0x3  }
0x33: {  	p0 =	seq.s32 s10, $0x1;
	s10 =	sld [smem:$0x3FBA];
	_ =	sdelay $0x3  }
0x34: {  	[smem:$0x3FBA] =	sst s10  }
0x35: {  	s10 =	sld [smem:$0x3FB9];
	_ =	sdelay $0x3  }
0x36: {  	p1 =	seq.s32 s10, $0x1;
	s10 =	sld [smem:$0x3FBA];
	_ =	sdelay $0x3  }
0x37: {  	[smem:$0x3FBA] =	sst s10  }
0x38: {  	s10 =	sld [smem:$0x3FBB]  }
0x39: {  	_ = 	snop;
	(pc) =	sbr.ind lr, $3  }
0x3a: {  	_ = 	snop  }
0x3b: {  	_ = 	snop  }
0x3c: {  	p2 =	seq.s32 s10, $0x1;
	s10 =	sld [smem:$0x3FBA]  }
0x3d: {  	_ =	shalt  }
0x3e: {  	_ =	shalt  }
0x3f: {  	_ =	shalt  }
0x40: {  	_ =	shalt  }
0x41: {  	_ =	shalt  }
0x42: {  	_ =	shalt  }
0x43: {  	_ =	shalt  }
0x44: {  	_ =	shalt  }
0x45: {  	_ =	shalt  }
0x46: {  	_ =	shalt  }
0x47: {  	_ =	shalt  }
0x48: {  	_ =	shalt  }
0x49: {  	_ =	shalt  }
0x4a: {  	_ =	shalt  }
0x4b: {  	_ =	shalt  }
0x4c: {  	_ =	shalt  }
0x4d: {  	_ =	shalt  }
0x4e: {  	_ =	shalt  }
0x4f: {  	_ =	shalt  }
0x50: {  	_ =	shalt  }
0x51: {  	_ =	shalt  }
0x52: {  	_ =	shalt  }
0x53: {  	_ =	shalt  }
0x54: {  	_ =	shalt  }
0x55: {  	_ =	shalt  }
0x56: {  	_ =	shalt  }
0x57: {  	_ =	shalt  }
0x58: {  	_ =	shalt  }
0x59: {  	_ =	shalt  }
0x5a: {  	_ =	shalt  }
0x5b: {  	_ =	shalt  }
0x5c: {  	_ =	shalt  }
0x5d: {  	_ =	shalt  }
0x5e: {  	_ =	shalt  }
0x5f: {  	_ =	shalt  }
0x60: {  	_ =	shalt  }
0x61: {  	_ =	shalt  }
0x62: {  	_ =	shalt  }
0x63: {  	_ =	shalt  }
0x64: {  	_ =	shalt  }
0x65: {  	_ =	shalt  }
0x66: {  	_ =	shalt  }
0x67: {  	_ =	shalt  }
0x68: {  	_ =	shalt  }
0x69: {  	_ =	shalt  }
0x6a: {  	_ =	shalt  }
0x6b: {  	_ =	shalt  }
0x6c: {  	_ =	shalt  }
0x6d: {  	_ =	shalt  }
0x6e: {  	_ =	shalt  }
0x6f: {  	_ =	shalt  }
0x70: {  	_ =	shalt  }
0x71: {  	_ =	shalt  }
0x72: {  	_ =	shalt  }
0x73: {  	_ =	shalt  }
0x74: {  	_ =	shalt  }
0x75: {  	_ =	shalt  }
0x76: {  	_ =	shalt  }
0x77: {  	_ =	shalt  }
0x78: {  	_ =	shalt  }
0x79: {  	_ =	shalt  }
0x7a: {  	_ =	shalt  }
0x7b: {  	_ =	shalt  }
0x7c: {  	_ =	shalt  }
0x7d: {  	_ =	shalt  }
0x7e: {  	_ =	shalt  }
0x7f: {  	_ =	shalt  }
0x80: {  	_ =	shalt  }
0x81: {  	_ =	shalt  }
0x82: {  	_ =	shalt  }
0x83: {  	_ =	shalt  }
0x84: {  	_ =	shalt  }
0x85: {  	_ =	shalt  }
0x86: {  	_ =	shalt  }
0x87: {  	_ =	shalt  }
.Lfunc_end0:
.L_simem_size_0:
called_computation_lowered:
.L_overlay_start_0:
0x88: {  	s2 =	sld [smem:$0x3FD9]  }
0x89: {  	s3 =	sld [smem:$0x3FFE];
	_ =	sdelay $0x1  }
0x8a: {  	s1 =	srdreg.scid  }
0x8b: {  	s0 =	sand.u32 $0x1, s1  }
0x8c: {  	s14 =	sshll.u32 s0, $0xA;
	s2 =	sadd.s32 s3, s2  }
0x8d: {  	s2 =	sadd.s32 s2, s14  }
0x8e: {  	[smem:$0x3FC6] =	sst s2  }
0x8f: {  	_ = 	snop  }
0x90: {  	s2 =	sld [smem:$0x3FD0];
	_ =	sdelay $0x2  }
0x91: {  	s15 =	simm.s32 $0xA;
	s4 =	simm.s32 $0x10  }
0x92: {  	[smem:s4], [sflag:s15] =	dma.local [hbm:s2], $0x1  }
0x93: {  	_ =	swait.eq [sflag:s15], $0x1  }
0x94: {  	s16 =	sld [smem:$0x10];
	[sflag:s15] =	ssyncset.done $0x0  }
0x95: {  	s17 =	sld [smem:$0x11];
	[sflag:s15] =	ssyncadd.s32 $0xFFFFFFFF  }
0x96: {  	s18 =	sld [smem:$0x12];
	(tm) =	ssettm $0x1  }
0x97: {  	s5 =	sld [smem:$0x3FFB];
	_ =	sdelay $0x3  }
0x98: {  	_ =	strace s5  }
0x99: {  	s5 =	sld [smem:$0x3FFC];
	_ =	sdelay $0x3  }
0x9a: {  	_ =	strace s5  }
0x9b: {  	s5 =	sld [smem:$0x3FFD];
	_ =	sdelay $0x3  }
0x9c: {  	_ =	strace s5  }
0x9d: {  	_ =	strace $0x8FFFFFFF  }
0x9e: {  	s19 =	sld [smem:$0x3FDB];
	_ =	sdelay $0x1  }
0x9f: {  	s6 =	simm.s32 $_scs_section_size  }
0xa0: {  	s7 =	simm.s32 $_size__tile_overlayer_lowered;
	s8 =	simm.s32 $_tile_overlayer_lowered  }
0xa1: {  	s22 =	simm.s32 $0x1BFF;
	s21 =	sshll.u32 s8, $0x1;
	s5 =	sadd.s32 s6, s19  }
0xa2: {  	s9 =	simm.s32 $0x0;
	s20 =	sshll.u32 s7, $0x1;
	s7 =	sadd.s32 s21, s5  }
0xa3: {  	[timem:s9], [sflag:s22] =	dma.local [hbm:s7], s20  }
0xa4: {  	_ =	swait.ge [sflag:s22], s20  }
0xa5: {  	s6 =	ssub.s32 $0x0, s20;
	[sflag:s22] =	ssyncset.done $0x0  }
0xa6: {  	[sflag:s22] =	ssyncadd.s32 s6;
	_ =	sdelay $0x1  }
0xa7: {  	s23 =	simm.s32 $0x1B8B  }
0xa8: {  	_ =	swait.ge [sflag:s23], $0x1  }
0xa9: {  	[sflag:s23] =	ssyncset.done $0x0  }
0xaa: {  	s25 =	simm.s32 $0x1B8E;
	s24 =	sld [smem:$0x3FFE];
	[sflag:s23] =	ssyncadd.s32 $0xFFFFFFFF  }
0xab: {  	s26 =	simm.s32 $execute0_lowered;
	[smem:$0x3FD2] =	sst s25  }
0xac: {  	s7 =	sshll.u32 s26, $0x1;
	_ =	strace $0x80000046;
	[dreg:$0x1] =	wrdreg $0xFFFFFFFF  }
0xad: {  	s28 =	simm.s32 $_size_execute0_lowered;
	s5 =	sadd.s32 s5, s7;
	[dreg:$0x0] =	wrdreg $0x0  }
0xae: {  	s7 =	sshll.u32 s28, $0x1;
	[dreg:$0x2] =	wrdreg s5  }
0xaf: {  	[dreg:$0x3] =	wrdreg s7  }
0xb0: {  	[dreg:$0x4] =	wrdreg $0xC0  }
0xb1: {  	_ =	task [dreg:s9], $0x5FFFF  }
0xb2: {  	[dreg:$0x1] =	wrdreg $0xFFFFFFFF  }
0xb3: {  	[dreg:$0x0] =	wrdreg $0x60  }
0xb4: {  	[dreg:$0x2] =	wrdreg s24  }
0xb5: {  	[dreg:$0x3] =	wrdreg s18  }
0xb6: {  	[dreg:$0x4] =	wrdreg s16  }
0xb7: {  	[dreg:$0x5] =	wrdreg s17  }
0xb8: {  	[dreg:$0x6] =	wrdreg $0x9  }
0xb9: {  	_ =	task.clear_ibuf [dreg:s9], $0x7FFFF;
	_ =	strace $0x90000046  }
0xba: {  	s29 =	simm.s32 $0x9;
	_ =	strace $0x80000048  }
0xbb: {  	_ =	swait.ge [sflag:s29], $0x1  }
0xbc: {  	[sflag:s29] =	ssyncadd.s32 $0xFFFFFFFF  }
0xbd: {  	_ =	strace $0x90000048  }
0xbe: {  	_ =	sfence  }
0xbf: {  	s30 =	sld [smem:$0x0];
	_ =	sdelay $0x2  }
0xc0: {  	s31 =	sshll.u32 s1, $0xD;
	s1 =	sshrl.u32 s1, $0x2  }
0xc1: {  	s3 =	sand.u32 $0x4000, s31;
	s1 =	sadd.s32 s1, s30  }
0xc2: {  	s0 =	sor.u32 s3, s0;
	s1 =	sshll.u32 s1, $0x11  }
0xc3: {  	s0 =	sor.u32 s1, s0  }
0xc4: {  	s0 =	sadd.s32 $0x8F2B, s0  }
0xc5: {  	[sflag:s0] =	ssyncadd.remote.s32 $0x1  }
0xc6: {  	_ =	sfence.sel $0xFFFF  }
0xc7: {  	[dreg:$0x0] =	wrdreg $0xFFFFFFFF;
	(pc) =	sbr.abs _section_cstart, $3  }
0xc8: {  	[dreg:$0x1] =	wrdreg $0xFFFFFFFF  }
0xc9: {  	_ =	task.clear_ibuf [dreg:s9], $0x2FFFF;
	_ =	strace $0x9FFFFFFF  }
0xca: {  	(tm) =	ssettm $0x7FFFFFFF  }
0xcb: {  	_ =	shalt  }
tec
execute0_lowered:
.L_overlay_start_1:
0x0: {  	(tag) =	ssettag $0x1  }
0x1: {  	s1 =	srdreg.scid;
	s2 =	stileid.u32  }
0x2: {  	s1 =	sand.u32 $0x1, s1;
	s2 =	sshll.u32 s2, $0x1  }
0x3: {  	s0 =	rddreg [dreg:$0x0];
	s2 =	sor.u32 s1, s2  }
0x4: {  	s4 =	rddreg [dreg:$0x2];
	s1 =	ssub.s32 $0x2, s1;
	s2 =	smul.u32 $0x500, s2  }
0x5: {  	s5 =	rddreg [dreg:$0x3];
	s3 =	simm.s32 $0x0;
	s7 =	sshrl.u32 s1, $0x1  }
0x6: {  	[smem:$0x7FF] =	sst s3;
	s1 =	ssub.s32 s1, s7;
	s6 =	sshrl.u32 s2, $0x3  }
0x7: {  	_ =	strace $0x80000047;
	s14 =	smax.u32 s1, $0x1;
	s8 =	sadd.s32 s6, s0  }
0x8: {  	s0 =	sadd.s32 s2, s0;
	s2 =	sadd.s32 s4, s2;
	[dreg:$0x15] =	wrdreg s14  }
0x9: {  	s13 =	sadd.s32 s5, s6;
	[dreg:$0x11] =	wrdreg s2  }
0xa: {  	s22 =	sadd.s32 $0xE00, s8;
	[dreg:$0x14] =	wrdreg s13  }
0xb: {  	s23 =	sadd.s32 $0x2200, s8;
	[dreg:$0x5] =	wrdreg s22  }
0xc: {  	s24 =	sadd.s32 $0x3600, s8;
	[dreg:$0x6] =	wrdreg s23  }
0xd: {  	s25 =	sadd.s32 $0x4A00, s8;
	[dreg:$0x7] =	wrdreg s24  }
0xe: {  	s26 =	sadd.s32 $0x5E00, s8;
	[dreg:$0x8] =	wrdreg s25  }
0xf: {  	s28 =	sadd.s32 $0x7200, s8;
	[dreg:$0x9] =	wrdreg s26  }
0x10: {  	s29 =	sadd.s32 $0x8600, s8;
	[dreg:$0xa] =	wrdreg s28  }
0x11: {  	s30 =	sadd.s32 $0x9A00, s8;
	[dreg:$0xb] =	wrdreg s29  }
0x12: {  	s31 =	sadd.s32 $0xAE00, s8;
	[dreg:$0xc] =	wrdreg s30  }
0x13: {  	s9 =	sadd.s32 $0xC200, s8;
	[dreg:$0xd] =	wrdreg s31  }
0x14: {  	s10 =	sadd.s32 $0xD600, s8;
	[dreg:$0xe] =	wrdreg s9  }
0x15: {  	s11 =	sadd.s32 $0xEA00, s8;
	[dreg:$0xf] =	wrdreg s10  }
0x16: {  	s12 =	sadd.s32 $0x2DE00, s0;
	[dreg:$0x10] =	wrdreg s11  }
0x17: {  	s0 =	sadd.s32 $0xFE00, s0;
	[dreg:$0x12] =	wrdreg s12  }
0x18: {  	s15 =	sadd.s32 $0xE10, s8;
	[dreg:$0x13] =	wrdreg s0  }
0x19: {  	s16 =	sadd.s32 $0xE20, s8;
	[dreg:$0x16] =	wrdreg s15  }
0x1a: {  	s17 =	sadd.s32 $0xE30, s8;
	[dreg:$0x17] =	wrdreg s16  }
0x1b: {  	s18 =	sadd.s32 $0xE40, s8;
	[dreg:$0x18] =	wrdreg s17  }
0x1c: {  	s19 =	sadd.s32 $0xE50, s8;
	[dreg:$0x19] =	wrdreg s18  }
0x1d: {  	s20 =	sadd.s32 $0xE60, s8;
	[dreg:$0x1a] =	wrdreg s19  }
0x1e: {  	s21 =	sadd.s32 $0xE70, s8;
	[dreg:$0x1b] =	wrdreg s20  }
0x1f: {  	s1 =	sadd.s32 $0x2280, s8;
	[dreg:$0x1c] =	wrdreg s21  }
0x20: {  	s2 =	sadd.s32 $0x2290, s8;
	[smem:$0x7AA] =	sst s1  }
0x21: {  	s4 =	sadd.s32 $0x3610, s8;
	[smem:$0x7AB] =	sst s2  }
0x22: {  	s5 =	sadd.s32 $0x3620, s8;
	[smem:$0x7AC] =	sst s4  }
0x23: {  	s6 =	sadd.s32 $0x3630, s8;
	[smem:$0x7AD] =	sst s5  }
0x24: {  	s7 =	sadd.s32 $0x3640, s8;
	[smem:$0x7AE] =	sst s6  }
0x25: {  	s13 =	sadd.s32 $0x3690, s8;
	[smem:$0x7AF] =	sst s7  }
0x26: {  	s14 =	sadd.s32 $0x4A10, s8;
	[smem:$0x7B4] =	sst s13  }
0x27: {  	s22 =	sadd.s32 $0xE80, s8;
	[smem:$0x7B5] =	sst s14  }
0x28: {  	s23 =	sadd.s32 $0xE90, s8;
	[dreg:$0x1d] =	wrdreg s22  }
0x29: {  	s24 =	sadd.s32 $0x2210, s8;
	[dreg:$0x1e] =	wrdreg s23  }
0x2a: {  	s25 =	sadd.s32 $0x2220, s8;
	[dreg:$0x1f] =	wrdreg s24  }
0x2b: {  	s26 =	sadd.s32 $0x2230, s8;
	[smem:$0x7A4] =	sst s25  }
0x2c: {  	s28 =	sadd.s32 $0x2240, s8;
	[smem:$0x7A5] =	sst s26  }
0x2d: {  	s29 =	sadd.s32 $0x2250, s8;
	[smem:$0x7A6] =	sst s28  }
0x2e: {  	s30 =	sadd.s32 $0x2260, s8;
	[smem:$0x7A7] =	sst s29  }
0x2f: {  	s31 =	sadd.s32 $0x2270, s8;
	[smem:$0x7A8] =	sst s30  }
0x30: {  	s9 =	sadd.s32 $0x3650, s8;
	[smem:$0x7A9] =	sst s31  }
0x31: {  	s10 =	sadd.s32 $0x3660, s8;
	[smem:$0x7B0] =	sst s9  }
0x32: {  	s11 =	sadd.s32 $0x3670, s8;
	[smem:$0x7B1] =	sst s10  }
0x33: {  	s12 =	sadd.s32 $0x3680, s8;
	[smem:$0x7B2] =	sst s11  }
0x34: {  	s15 =	sadd.s32 $0x4A20, s8;
	[smem:$0x7B3] =	sst s12  }
0x35: {  	s16 =	sadd.s32 $0x4A30, s8;
	[smem:$0x7B6] =	sst s15  }
0x36: {  	s17 =	sadd.s32 $0x4A40, s8;
	[smem:$0x7B7] =	sst s16  }
0x37: {  	s18 =	sadd.s32 $0x4A50, s8;
	[smem:$0x7B8] =	sst s17  }
0x38: {  	s19 =	sadd.s32 $0x4A60, s8;
	[smem:$0x7B9] =	sst s18  }
0x39: {  	s20 =	sadd.s32 $0x4A70, s8;
	[smem:$0x7BA] =	sst s19  }
0x3a: {  	s21 =	sadd.s32 $0x4A80, s8;
	[smem:$0x7BB] =	sst s20  }
0x3b: {  	s1 =	sadd.s32 $0x5E90, s8;
	[smem:$0x7BC] =	sst s21  }
0x3c: {  	s2 =	sadd.s32 $0x7210, s8;
	[smem:$0x7C6] =	sst s1  }
0x3d: {  	s4 =	sadd.s32 $0x7220, s8;
	[smem:$0x7C7] =	sst s2  }
0x3e: {  	s5 =	sadd.s32 $0x7230, s8;
	[smem:$0x7C8] =	sst s4  }
0x3f: {  	s6 =	sadd.s32 $0x7240, s8;
	[smem:$0x7C9] =	sst s5  }
0x40: {  	s7 =	sadd.s32 $0x7250, s8;
	[smem:$0x7CA] =	sst s6  }
0x41: {  	s13 =	sadd.s32 $0x8610, s8;
	[smem:$0x7CB] =	sst s7  }
0x42: {  	s14 =	sadd.s32 $0x8620, s8;
	[smem:$0x7D0] =	sst s13  }
0x43: {  	s22 =	sadd.s32 $0x4A90, s8;
	[smem:$0x7D1] =	sst s14  }
0x44: {  	s23 =	sadd.s32 $0x5E10, s8;
	[smem:$0x7BD] =	sst s22  }
0x45: {  	s24 =	sadd.s32 $0x5E20, s8;
	[smem:$0x7BE] =	sst s23  }
0x46: {  	s25 =	sadd.s32 $0x5E30, s8;
	[smem:$0x7BF] =	sst s24  }
0x47: {  	s26 =	sadd.s32 $0x5E40, s8;
	[smem:$0x7C0] =	sst s25  }
0x48: {  	s28 =	sadd.s32 $0x5E50, s8;
	[smem:$0x7C1] =	sst s26  }
0x49: {  	s29 =	sadd.s32 $0x5E60, s8;
	[smem:$0x7C2] =	sst s28  }
0x4a: {  	s30 =	sadd.s32 $0x5E70, s8;
	[smem:$0x7C3] =	sst s29  }
0x4b: {  	s31 =	sadd.s32 $0x5E80, s8;
	[smem:$0x7C4] =	sst s30  }
0x4c: {  	s9 =	sadd.s32 $0x7260, s8;
	[smem:$0x7C5] =	sst s31  }
0x4d: {  	s10 =	sadd.s32 $0x7270, s8;
	[smem:$0x7CC] =	sst s9  }
0x4e: {  	s11 =	sadd.s32 $0x7280, s8;
	[smem:$0x7CD] =	sst s10  }
0x4f: {  	s12 =	sadd.s32 $0x7290, s8;
	[smem:$0x7CE] =	sst s11  }
0x50: {  	s15 =	sadd.s32 $0x8630, s8;
	[smem:$0x7CF] =	sst s12  }
0x51: {  	s16 =	sadd.s32 $0x8640, s8;
	[smem:$0x7D2] =	sst s15  }
0x52: {  	s17 =	sadd.s32 $0x8650, s8;
	[smem:$0x7D3] =	sst s16  }
0x53: {  	s18 =	sadd.s32 $0x8660, s8;
	[smem:$0x7D4] =	sst s17  }
0x54: {  	s19 =	sadd.s32 $0x8670, s8;
	[smem:$0x7D5] =	sst s18  }
0x55: {  	s20 =	sadd.s32 $0x8680, s8;
	[smem:$0x7D6] =	sst s19  }
0x56: {  	s21 =	sadd.s32 $0x8690, s8;
	[smem:$0x7D7] =	sst s20  }
0x57: {  	s1 =	sadd.s32 $0xAE10, s8;
	[smem:$0x7D8] =	sst s21  }
0x58: {  	s2 =	sadd.s32 $0xAE20, s8;
	[smem:$0x7E2] =	sst s1  }
0x59: {  	s4 =	sadd.s32 $0xAE30, s8;
	[smem:$0x7E3] =	sst s2  }
0x5a: {  	s5 =	sadd.s32 $0xAE40, s8;
	[smem:$0x7E4] =	sst s4  }
0x5b: {  	s6 =	sadd.s32 $0xAE50, s8;
	[smem:$0x7E5] =	sst s5  }
0x5c: {  	s7 =	sadd.s32 $0xAE60, s8;
	[smem:$0x7E6] =	sst s6  }
0x5d: {  	s13 =	sadd.s32 $0xC220, s8;
	[smem:$0x7E7] =	sst s7  }
0x5e: {  	s14 =	sadd.s32 $0xC230, s8;
	[smem:$0x7EC] =	sst s13  }
0x5f: {  	s22 =	sadd.s32 $0x9A10, s8;
	[smem:$0x7ED] =	sst s14  }
0x60: {  	s23 =	sadd.s32 $0x9A20, s8;
	[smem:$0x7D9] =	sst s22  }
0x61: {  	s24 =	sadd.s32 $0x9A30, s8;
	[smem:$0x7DA] =	sst s23  }
0x62: {  	s25 =	sadd.s32 $0x9A40, s8;
	[smem:$0x7DB] =	sst s24  }
0x63: {  	s26 =	sadd.s32 $0x9A50, s8;
	[smem:$0x7DC] =	sst s25  }
0x64: {  	s28 =	sadd.s32 $0x9A60, s8;
	[smem:$0x7DD] =	sst s26  }
0x65: {  	s29 =	sadd.s32 $0x9A70, s8;
	[smem:$0x7DE] =	sst s28  }
0x66: {  	s30 =	sadd.s32 $0x9A80, s8;
	[smem:$0x7DF] =	sst s29  }
0x67: {  	s31 =	sadd.s32 $0x9A90, s8;
	[smem:$0x7E0] =	sst s30  }
0x68: {  	s9 =	sadd.s32 $0xAE70, s8;
	[smem:$0x7E1] =	sst s31  }
0x69: {  	s10 =	sadd.s32 $0xAE80, s8;
	[smem:$0x7E8] =	sst s9  }
0x6a: {  	s11 =	sadd.s32 $0xAE90, s8;
	[smem:$0x7E9] =	sst s10  }
0x6b: {  	s12 =	sadd.s32 $0xC210, s8;
	[smem:$0x7EA] =	sst s11  }
0x6c: {  	s15 =	sadd.s32 $0xC240, s8;
	[smem:$0x7EB] =	sst s12  }
0x6d: {  	s16 =	sadd.s32 $0xC250, s8;
	[smem:$0x7EE] =	sst s15  }
0x6e: {  	s17 =	sadd.s32 $0xC260, s8;
	[smem:$0x7EF] =	sst s16  }
0x6f: {  	s18 =	sadd.s32 $0xC270, s8;
	[smem:$0x7F0] =	sst s17  }
0x70: {  	s19 =	sadd.s32 $0xC280, s8;
	[smem:$0x7F1] =	sst s18  }
0x71: {  	s0 =	sadd.s32 $0xEA30, s8;
	s20 =	sadd.s32 $0xC290, s8;
	[smem:$0x7F2] =	sst s19  }
0x72: {  	s21 =	sadd.s32 $0xD610, s8;
	s2 =	sadd.s32 $0xEA20, s8;
	[smem:$0x7F3] =	sst s20  }
0x73: {  	s1 =	sadd.s32 $0xEA40, s8;
	[smem:$0x7F4] =	sst s21;
	s22 =	sadd.s32 $0xD620, s8  }
0x74: {  	s4 =	sadd.s32 $0xEA50, s8;
	s23 =	sadd.s32 $0xD630, s8;
	[smem:$0x7F5] =	sst s22  }
0x75: {  	s5 =	sadd.s32 $0xEA60, s8;
	s24 =	sadd.s32 $0xD640, s8;
	[smem:$0x7F6] =	sst s23  }
0x76: {  	s6 =	sadd.s32 $0xEA70, s8;
	s25 =	sadd.s32 $0xD650, s8;
	[smem:$0x7F7] =	sst s24  }
0x77: {  	s7 =	sadd.s32 $0xEA80, s8;
	s26 =	sadd.s32 $0xD660, s8;
	[smem:$0x7F8] =	sst s25  }
0x78: {  	s13 =	simm.s32 $0x0;
	s28 =	sadd.s32 $0xD670, s8;
	[smem:$0x7F9] =	sst s26  }
0x79: {  	s29 =	sadd.s32 $0xD680, s8;
	s30 =	sadd.s32 $0xD690, s8;
	[smem:$0x7FA] =	sst s28  }
0x7a: {  	s31 =	sadd.s32 $0xEA10, s8;
	s8 =	sadd.s32 $0xEA90, s8;
	[smem:$0x7FB] =	sst s29  }
0x7b: {  	s9 =	simm.s32 $0x2800;
	s10 =	simm.s32 $0x1;
	[smem:$0x7FC] =	sst s30  }
0x7c: {  	s11 =	simm.s32 $0x50000;
	s12 =	simm.s32 $0x2;
	[smem:$0x7FD] =	sst s31  }
.LBB2_1:
0x7d: {  	s14 =	rddreg [dreg:$0x5]  }
0x7e: {  	s18 =	rddreg [dreg:$0x16]  }
0x7f: {  	[tilespmem:s3], [sflag:$0x1] =	stream.linear.gather [hbm4b:s14+s3], $0x80, $0x38;
	[tilespmem:$0x1C180] =	vst v63  }
0x80: {  	s15 =	simm.s32 $0x400;
	s19 =	rddreg [dreg:$0x17]  }
0x81: {  	[tilespmem:s15], [sflag:$0x1] =	stream.linear.gather [hbm4b:s18+s3], $0x80, $0x38;
	[tilespmem:$0x1C180] =	vst v63  }
0x82: {  	s20 =	simm.s32 $0x800;
	s21 =	rddreg [dreg:$0x18]  }
0x83: {  	[tilespmem:s20], [sflag:$0x1] =	stream.linear.gather [hbm4b:s19+s3], $0x80, $0x38;
	[tilespmem:$0x1C180] =	vst v63  }
0x84: {  	s22 =	simm.s32 $0xC00;
	s23 =	rddreg [dreg:$0x19]  }
0x85: {  	[tilespmem:s22], [sflag:$0x1] =	stream.linear.gather [hbm4b:s21+s3], $0x80, $0x38;
	[tilespmem:$0x1C180] =	vst v63  }
0x86: {  	s24 =	simm.s32 $0x1000;
	s25 =	rddreg [dreg:$0x1a]  }
0x87: {  	[tilespmem:s24], [sflag:$0x1] =	stream.linear.gather [hbm4b:s23+s3], $0x80, $0x38;
	[tilespmem:$0x1C180] =	vst v63  }
0x88: {  	s26 =	simm.s32 $0x1400;
	s28 =	rddreg [dreg:$0x1b]  }
0x89: {  	[tilespmem:s26], [sflag:$0x1] =	stream.linear.gather [hbm4b:s25+s3], $0x80, $0x38;
	[tilespmem:$0x1C180] =	vst v63  }
0x8a: {  	s29 =	simm.s32 $0x1800;
	s30 =	rddreg [dreg:$0x1c]  }
0x8b: {  	[tilespmem:s29], [sflag:$0x1] =	stream.linear.gather [hbm4b:s28+s3], $0x80, $0x38;
	[tilespmem:$0x1C180] =	vst v63  }
0x8c: {  	s31 =	simm.s32 $0x1C00;
	s17 =	rddreg [dreg:$0x1e]  }
0x8d: {  	[tilespmem:s31], [sflag:$0x1] =	stream.linear.gather [hbm4b:s30+s3], $0x80, $0x38;
	[tilespmem:$0x1C180] =	vst v63  }
0x8e: {  	s16 =	simm.s32 $0x2000;
	s15 =	rddreg [dreg:$0x1d]  }
0x8f: {  	[tilespmem:s16], [sflag:$0x1] =	stream.linear.gather [hbm4b:s15+s3], $0x80, $0x38;
	[tilespmem:$0x1C180] =	vst v63  }
0x90: {  	s18 =	simm.s32 $0x2400;
	s19 =	rddreg [dreg:$0x6]  }
0x91: {  	[tilespmem:s18], [sflag:$0x1] =	stream.linear.gather [hbm4b:s17+s3], $0x80, $0x38;
	[tilespmem:$0x1C180] =	vst v63  }
0x92: {  	s20 =	simm.s32 $0x80;
	s21 =	rddreg [dreg:$0x1f]  }
0x93: {  	[tilespmem:s20], [sflag:$0x1] =	stream.linear.gather [hbm4b:s19+s3], $0x80, $0x38;
	[tilespmem:$0x1C180] =	vst v63  }
0x94: {  	s22 =	simm.s32 $0x480;
	s23 =	sld [smem:$0x7A4]  }
0x95: {  	[tilespmem:s22], [sflag:$0x1] =	stream.linear.gather [hbm4b:s21+s3], $0x80, $0x38;
	[tilespmem:$0x1C180] =	vst v63  }
0x96: {  	s24 =	simm.s32 $0x880;
	s25 =	sld [smem:$0x7A5]  }
0x97: {  	[tilespmem:s24], [sflag:$0x1] =	stream.linear.gather [hbm4b:s23+s3], $0x80, $0x38;
	[tilespmem:$0x1C180] =	vst v63  }
0x98: {  	s26 =	simm.s32 $0xC80;
	s28 =	sld [smem:$0x7A6]  }
0x99: {  	[tilespmem:s26], [sflag:$0x1] =	stream.linear.gather [hbm4b:s25+s3], $0x80, $0x38;
	[tilespmem:$0x1C180] =	vst v63  }
0x9a: {  	s29 =	simm.s32 $0x1080;
	s30 =	sld [smem:$0x7A7]  }
0x9b: {  	[tilespmem:s29], [sflag:$0x1] =	stream.linear.gather [hbm4b:s28+s3], $0x80, $0x38;
	[tilespmem:$0x1C180] =	vst v63  }
0x9c: {  	s31 =	simm.s32 $0x1480;
	s15 =	sld [smem:$0x7A8]  }
0x9d: {  	[tilespmem:s31], [sflag:$0x1] =	stream.linear.gather [hbm4b:s30+s3], $0x80, $0x38;
	[tilespmem:$0x1C180] =	vst v63  }
0x9e: {  	s16 =	simm.s32 $0x1880;
	s17 =	sld [smem:$0x7A9]  }
0x9f: {  	[tilespmem:s16], [sflag:$0x1] =	stream.linear.gather [hbm4b:s15+s3], $0x80, $0x38;
	[tilespmem:$0x1C180] =	vst v63  }
0xa0: {  	s18 =	simm.s32 $0x1C80;
	s19 =	sld [smem:$0x7AA]  }
0xa1: {  	[tilespmem:s18], [sflag:$0x1] =	stream.linear.gather [hbm4b:s17+s3], $0x80, $0x38;
	[tilespmem:$0x1C180] =	vst v63  }
0xa2: {  	s20 =	simm.s32 $0x2080;
	s21 =	sld [smem:$0x7AB]  }
0xa3: {  	[tilespmem:s20], [sflag:$0x1] =	stream.linear.gather [hbm4b:s19+s3], $0x80, $0x38;
	[tilespmem:$0x1C180] =	vst v63  }
0xa4: {  	s22 =	simm.s32 $0x2480;
	s23 =	rddreg [dreg:$0x7]  }
0xa5: {  	[tilespmem:s22], [sflag:$0x1] =	stream.linear.gather [hbm4b:s21+s3], $0x80, $0x38;
	[tilespmem:$0x1C180] =	vst v63  }
0xa6: {  	s24 =	simm.s32 $0x100;
	s25 =	sld [smem:$0x7AC]  }
0xa7: {  	[tilespmem:s24], [sflag:$0x1] =	stream.linear.gather [hbm4b:s23+s3], $0x80, $0x38;
	[tilespmem:$0x1C180] =	vst v63  }
0xa8: {  	s26 =	simm.s32 $0x500;
	s28 =	sld [smem:$0x7AD]  }
0xa9: {  	[tilespmem:s26], [sflag:$0x1] =	stream.linear.gather [hbm4b:s25+s3], $0x80, $0x38;
	[tilespmem:$0x1C180] =	vst v63  }
0xaa: {  	s29 =	simm.s32 $0x900;
	s30 =	sld [smem:$0x7AE]  }
0xab: {  	[tilespmem:s29], [sflag:$0x1] =	stream.linear.gather [hbm4b:s28+s3], $0x80, $0x38;
	[tilespmem:$0x1C180] =	vst v63  }
0xac: {  	s31 =	simm.s32 $0xD00;
	s15 =	sld [smem:$0x7AF]  }
0xad: {  	[tilespmem:s31], [sflag:$0x1] =	stream.linear.gather [hbm4b:s30+s3], $0x80, $0x38;
	[tilespmem:$0x1C180] =	vst v63  }
0xae: {  	s16 =	simm.s32 $0x1100;
	s17 =	sld [smem:$0x7B0]  }
0xaf: {  	[tilespmem:s16], [sflag:$0x1] =	stream.linear.gather [hbm4b:s15+s3], $0x80, $0x38;
	[tilespmem:$0x1C180] =	vst v63  }
0xb0: {  	s18 =	simm.s32 $0x1500;
	s19 =	sld [smem:$0x7B1]  }
0xb1: {  	[tilespmem:s18], [sflag:$0x1] =	stream.linear.gather [hbm4b:s17+s3], $0x80, $0x38;
	[tilespmem:$0x1C180] =	vst v63  }
0xb2: {  	s20 =	simm.s32 $0x1900;
	s21 =	sld [smem:$0x7B2]  }
0xb3: {  	[tilespmem:s20], [sflag:$0x1] =	stream.linear.gather [hbm4b:s19+s3], $0x80, $0x38;
	[tilespmem:$0x1C180] =	vst v63  }
0xb4: {  	s22 =	simm.s32 $0x1D00;
	s23 =	sld [smem:$0x7B3]  }
0xb5: {  	[tilespmem:s22], [sflag:$0x1] =	stream.linear.gather [hbm4b:s21+s3], $0x80, $0x38;
	[tilespmem:$0x1C180] =	vst v63  }
0xb6: {  	s24 =	simm.s32 $0x2100;
	s25 =	sld [smem:$0x7B4]  }
0xb7: {  	[tilespmem:s24], [sflag:$0x1] =	stream.linear.gather [hbm4b:s23+s3], $0x80, $0x38;
	[tilespmem:$0x1C180] =	vst v63  }
0xb8: {  	s26 =	simm.s32 $0x2500;
	s28 =	rddreg [dreg:$0x8]  }
0xb9: {  	[tilespmem:s26], [sflag:$0x1] =	stream.linear.gather [hbm4b:s25+s3], $0x80, $0x38;
	[tilespmem:$0x1C180] =	vst v63  }
0xba: {  	s29 =	simm.s32 $0x180;
	s30 =	sld [smem:$0x7B5]  }
0xbb: {  	[tilespmem:s29], [sflag:$0x1] =	stream.linear.gather [hbm4b:s28+s3], $0x80, $0x38;
	[tilespmem:$0x1C180] =	vst v63  }
0xbc: {  	s31 =	simm.s32 $0x580;
	s15 =	sld [smem:$0x7B6]  }
0xbd: {  	[tilespmem:s31], [sflag:$0x1] =	stream.linear.gather [hbm4b:s30+s3], $0x80, $0x38;
	[tilespmem:$0x1C180] =	vst v63  }
0xbe: {  	s16 =	simm.s32 $0x980;
	s17 =	sld [smem:$0x7B7]  }
0xbf: {  	[tilespmem:s16], [sflag:$0x1] =	stream.linear.gather [hbm4b:s15+s3], $0x80, $0x38;
	[tilespmem:$0x1C180] =	vst v63  }
0xc0: {  	s18 =	simm.s32 $0xD80;
	s19 =	sld [smem:$0x7B8]  }
0xc1: {  	[tilespmem:s18], [sflag:$0x1] =	stream.linear.gather [hbm4b:s17+s3], $0x80, $0x38;
	[tilespmem:$0x1C180] =	vst v63  }
0xc2: {  	s20 =	simm.s32 $0x1180;
	s21 =	sld [smem:$0x7B9]  }
0xc3: {  	[tilespmem:s20], [sflag:$0x1] =	stream.linear.gather [hbm4b:s19+s3], $0x80, $0x38;
	[tilespmem:$0x1C180] =	vst v63  }
0xc4: {  	s22 =	simm.s32 $0x1580;
	s23 =	sld [smem:$0x7BA]  }
0xc5: {  	[tilespmem:s22], [sflag:$0x1] =	stream.linear.gather [hbm4b:s21+s3], $0x80, $0x38;
	[tilespmem:$0x1C180] =	vst v63  }
0xc6: {  	s24 =	simm.s32 $0x1980;
	s25 =	sld [smem:$0x7BB]  }
0xc7: {  	[tilespmem:s24], [sflag:$0x1] =	stream.linear.gather [hbm4b:s23+s3], $0x80, $0x38;
	[tilespmem:$0x1C180] =	vst v63  }
0xc8: {  	s26 =	simm.s32 $0x1D80;
	s28 =	sld [smem:$0x7BC]  }
0xc9: {  	[tilespmem:s26], [sflag:$0x1] =	stream.linear.gather [hbm4b:s25+s3], $0x80, $0x38;
	[tilespmem:$0x1C180] =	vst v63  }
0xca: {  	s29 =	simm.s32 $0x2180;
	s30 =	sld [smem:$0x7BD]  }
0xcb: {  	[tilespmem:s29], [sflag:$0x1] =	stream.linear.gather [hbm4b:s28+s3], $0x80, $0x38;
	[tilespmem:$0x1C180] =	vst v63  }
0xcc: {  	s31 =	simm.s32 $0x2580;
	s15 =	rddreg [dreg:$0x9]  }
0xcd: {  	[tilespmem:s31], [sflag:$0x1] =	stream.linear.gather [hbm4b:s30+s3], $0x80, $0x38;
	[tilespmem:$0x1C180] =	vst v63  }
0xce: {  	s16 =	simm.s32 $0x200;
	s17 =	sld [smem:$0x7BE]  }
0xcf: {  	[tilespmem:s16], [sflag:$0x1] =	stream.linear.gather [hbm4b:s15+s3], $0x80, $0x38;
	[tilespmem:$0x1C180] =	vst v63  }
0xd0: {  	s18 =	simm.s32 $0x600;
	s19 =	sld [smem:$0x7BF]  }
0xd1: {  	[tilespmem:s18], [sflag:$0x1] =	stream.linear.gather [hbm4b:s17+s3], $0x80, $0x38;
	[tilespmem:$0x1C180] =	vst v63  }
0xd2: {  	s20 =	simm.s32 $0xA00;
	s21 =	sld [smem:$0x7C0]  }
0xd3: {  	[tilespmem:s20], [sflag:$0x1] =	stream.linear.gather [hbm4b:s19+s3], $0x80, $0x38;
	[tilespmem:$0x1C180] =	vst v63  }
0xd4: {  	s22 =	simm.s32 $0xE00;
	s23 =	sld [smem:$0x7C1]  }
0xd5: {  	[tilespmem:s22], [sflag:$0x1] =	stream.linear.gather [hbm4b:s21+s3], $0x80, $0x38;
	[tilespmem:$0x1C180] =	vst v63  }
0xd6: {  	s24 =	simm.s32 $0x1200;
	s25 =	sld [smem:$0x7C2]  }
0xd7: {  	[tilespmem:s24], [sflag:$0x1] =	stream.linear.gather [hbm4b:s23+s3], $0x80, $0x38;
	[tilespmem:$0x1C180] =	vst v63  }
0xd8: {  	s26 =	simm.s32 $0x1600;
	s28 =	sld [smem:$0x7C3]  }
0xd9: {  	[tilespmem:s26], [sflag:$0x1] =	stream.linear.gather [hbm4b:s25+s3], $0x80, $0x38;
	[tilespmem:$0x1C180] =	vst v63  }
0xda: {  	s29 =	simm.s32 $0x1A00;
	s30 =	sld [smem:$0x7C4]  }
0xdb: {  	[tilespmem:s29], [sflag:$0x1] =	stream.linear.gather [hbm4b:s28+s3], $0x80, $0x38;
	[tilespmem:$0x1C180] =	vst v63  }
0xdc: {  	s31 =	simm.s32 $0x1E00;
	s15 =	sld [smem:$0x7C5]  }
0xdd: {  	[tilespmem:s31], [sflag:$0x1] =	stream.linear.gather [hbm4b:s30+s3], $0x80, $0x38;
	[tilespmem:$0x1C180] =	vst v63  }
0xde: {  	s16 =	simm.s32 $0x2200;
	s17 =	sld [smem:$0x7C6]  }
0xdf: {  	[tilespmem:s16], [sflag:$0x1] =	stream.linear.gather [hbm4b:s15+s3], $0x80, $0x38;
	[tilespmem:$0x1C180] =	vst v63  }
0xe0: {  	s18 =	simm.s32 $0x2600;
	s19 =	rddreg [dreg:$0xa]  }
0xe1: {  	[tilespmem:s18], [sflag:$0x1] =	stream.linear.gather [hbm4b:s17+s3], $0x80, $0x38;
	[tilespmem:$0x1C180] =	vst v63  }
0xe2: {  	s20 =	simm.s32 $0x280;
	s21 =	sld [smem:$0x7C7]  }
0xe3: {  	[tilespmem:s20], [sflag:$0x1] =	stream.linear.gather [hbm4b:s19+s3], $0x80, $0x38;
	[tilespmem:$0x1C180] =	vst v63  }
0xe4: {  	s22 =	simm.s32 $0x680;
	s23 =	sld [smem:$0x7C8]  }
0xe5: {  	[tilespmem:s22], [sflag:$0x1] =	stream.linear.gather [hbm4b:s21+s3], $0x80, $0x38;
	[tilespmem:$0x1C180] =	vst v63  }
0xe6: {  	s24 =	simm.s32 $0xA80;
	s25 =	sld [smem:$0x7C9]  }
0xe7: {  	[tilespmem:s24], [sflag:$0x1] =	stream.linear.gather [hbm4b:s23+s3], $0x80, $0x38;
	[tilespmem:$0x1C180] =	vst v63  }
0xe8: {  	s26 =	simm.s32 $0xE80;
	s28 =	sld [smem:$0x7CA]  }
0xe9: {  	[tilespmem:s26], [sflag:$0x1] =	stream.linear.gather [hbm4b:s25+s3], $0x80, $0x38;
	[tilespmem:$0x1C180] =	vst v63  }
0xea: {  	s29 =	simm.s32 $0x1280;
	s30 =	sld [smem:$0x7CB]  }
0xeb: {  	[tilespmem:s29], [sflag:$0x1] =	stream.linear.gather [hbm4b:s28+s3], $0x80, $0x38;
	[tilespmem:$0x1C180] =	vst v63  }
0xec: {  	s31 =	simm.s32 $0x1680;
	s15 =	sld [smem:$0x7CC]  }
0xed: {  	[tilespmem:s31], [sflag:$0x1] =	stream.linear.gather [hbm4b:s30+s3], $0x80, $0x38;
	[tilespmem:$0x1C180] =	vst v63  }
0xee: {  	s16 =	simm.s32 $0x1A80;
	s17 =	sld [smem:$0x7CD]  }
0xef: {  	[tilespmem:s16], [sflag:$0x1] =	stream.linear.gather [hbm4b:s15+s3], $0x80, $0x38;
	[tilespmem:$0x1C180] =	vst v63  }
0xf0: {  	s18 =	simm.s32 $0x1E80;
	s19 =	sld [smem:$0x7CE]  }
0xf1: {  	[tilespmem:s18], [sflag:$0x1] =	stream.linear.gather [hbm4b:s17+s3], $0x80, $0x38;
	[tilespmem:$0x1C180] =	vst v63  }
0xf2: {  	s20 =	simm.s32 $0x2280;
	s21 =	sld [smem:$0x7CF]  }
0xf3: {  	[tilespmem:s20], [sflag:$0x1] =	stream.linear.gather [hbm4b:s19+s3], $0x80, $0x38;
	[tilespmem:$0x1C180] =	vst v63  }
0xf4: {  	s22 =	simm.s32 $0x2680;
	s23 =	rddreg [dreg:$0xb]  }
0xf5: {  	[tilespmem:s22], [sflag:$0x1] =	stream.linear.gather [hbm4b:s21+s3], $0x80, $0x38;
	[tilespmem:$0x1C180] =	vst v63  }
0xf6: {  	s24 =	simm.s32 $0x300;
	s25 =	sld [smem:$0x7D0]  }
0xf7: {  	[tilespmem:s24], [sflag:$0x1] =	stream.linear.gather [hbm4b:s23+s3], $0x80, $0x38;
	[tilespmem:$0x1C180] =	vst v63  }
0xf8: {  	s26 =	simm.s32 $0x700;
	s28 =	sld [smem:$0x7D1]  }
0xf9: {  	[tilespmem:s26], [sflag:$0x1] =	stream.linear.gather [hbm4b:s25+s3], $0x80, $0x38;
	[tilespmem:$0x1C180] =	vst v63  }
0xfa: {  	s29 =	simm.s32 $0xB00;
	s30 =	sld [smem:$0x7D2]  }
0xfb: {  	[tilespmem:s29], [sflag:$0x1] =	stream.linear.gather [hbm4b:s28+s3], $0x80, $0x38;
	[tilespmem:$0x1C180] =	vst v63  }
0xfc: {  	s31 =	simm.s32 $0xF00;
	s15 =	sld [smem:$0x7D3]  }
0xfd: {  	[tilespmem:s31], [sflag:$0x1] =	stream.linear.gather [hbm4b:s30+s3], $0x80, $0x38;
	[tilespmem:$0x1C180] =	vst v63  }
0xfe: {  	s16 =	simm.s32 $0x1300;
	s17 =	sld [smem:$0x7D4]  }
0xff: {  	[tilespmem:s16], [sflag:$0x1] =	stream.linear.gather [hbm4b:s15+s3], $0x80, $0x38;
	[tilespmem:$0x1C180] =	vst v63  }
0x100: {  	s18 =	simm.s32 $0x1700;
	s19 =	sld [smem:$0x7D5]  }
0x101: {  	[tilespmem:s18], [sflag:$0x1] =	stream.linear.gather [hbm4b:s17+s3], $0x80, $0x38;
	[tilespmem:$0x1C180] =	vst v63  }
0x102: {  	s20 =	simm.s32 $0x1B00;
	s21 =	sld [smem:$0x7D6]  }
0x103: {  	[tilespmem:s20], [sflag:$0x1] =	stream.linear.gather [hbm4b:s19+s3], $0x80, $0x38;
	[tilespmem:$0x1C180] =	vst v63  }
0x104: {  	s22 =	simm.s32 $0x1F00;
	s23 =	sld [smem:$0x7D7]  }
0x105: {  	[tilespmem:s22], [sflag:$0x1] =	stream.linear.gather [hbm4b:s21+s3], $0x80, $0x38;
	[tilespmem:$0x1C180] =	vst v63  }
0x106: {  	s24 =	simm.s32 $0x2300;
	s25 =	sld [smem:$0x7D8]  }
0x107: {  	[tilespmem:s24], [sflag:$0x1] =	stream.linear.gather [hbm4b:s23+s3], $0x80, $0x38;
	[tilespmem:$0x1C180] =	vst v63  }
0x108: {  	s26 =	simm.s32 $0x2700;
	s28 =	rddreg [dreg:$0xc]  }
0x109: {  	[tilespmem:s26], [sflag:$0x1] =	stream.linear.gather [hbm4b:s25+s3], $0x80, $0x38;
	[tilespmem:$0x1C180] =	vst v63  }
0x10a: {  	s29 =	simm.s32 $0x380;
	s30 =	sld [smem:$0x7D9]  }
0x10b: {  	[tilespmem:s29], [sflag:$0x1] =	stream.linear.gather [hbm4b:s28+s3], $0x80, $0x38;
	[tilespmem:$0x1C180] =	vst v63  }
0x10c: {  	s31 =	simm.s32 $0x780;
	s15 =	sld [smem:$0x7DA]  }
0x10d: {  	[tilespmem:s31], [sflag:$0x1] =	stream.linear.gather [hbm4b:s30+s3], $0x80, $0x38;
	[tilespmem:$0x1C180] =	vst v63  }
0x10e: {  	s16 =	simm.s32 $0xB80;
	s17 =	sld [smem:$0x7DB]  }
0x10f: {  	[tilespmem:s16], [sflag:$0x1] =	stream.linear.gather [hbm4b:s15+s3], $0x80, $0x38;
	[tilespmem:$0x1C180] =	vst v63  }
0x110: {  	s18 =	simm.s32 $0xF80;
	s19 =	sld [smem:$0x7DC]  }
0x111: {  	[tilespmem:s18], [sflag:$0x1] =	stream.linear.gather [hbm4b:s17+s3], $0x80, $0x38;
	[tilespmem:$0x1C180] =	vst v63  }
0x112: {  	s20 =	simm.s32 $0x1380;
	s21 =	sld [smem:$0x7DD]  }
0x113: {  	[tilespmem:s20], [sflag:$0x1] =	stream.linear.gather [hbm4b:s19+s3], $0x80, $0x38;
	[tilespmem:$0x1C180] =	vst v63  }
0x114: {  	s22 =	simm.s32 $0x1780;
	s23 =	sld [smem:$0x7DE]  }
0x115: {  	[tilespmem:s22], [sflag:$0x1] =	stream.linear.gather [hbm4b:s21+s3], $0x80, $0x38;
	[tilespmem:$0x1C180] =	vst v63  }
0x116: {  	s24 =	simm.s32 $0x1B80;
	s25 =	sld [smem:$0x7DF]  }
0x117: {  	[tilespmem:s24], [sflag:$0x1] =	stream.linear.gather [hbm4b:s23+s3], $0x80, $0x38;
	[tilespmem:$0x1C180] =	vst v63  }
0x118: {  	s26 =	simm.s32 $0x1F80;
	s28 =	sld [smem:$0x7E0]  }
0x119: {  	[tilespmem:s26], [sflag:$0x1] =	stream.linear.gather [hbm4b:s25+s3], $0x80, $0x38;
	[tilespmem:$0x1C180] =	vst v63  }
0x11a: {  	s29 =	simm.s32 $0x2380;
	s30 =	sld [smem:$0x7E1]  }
0x11b: {  	[tilespmem:s29], [sflag:$0x1] =	stream.linear.gather [hbm4b:s28+s3], $0x80, $0x38;
	[tilespmem:$0x1C180] =	vst v63  }
0x11c: {  	s31 =	simm.s32 $0x2780;
	s16 =	rddreg [dreg:$0xd]  }
0x11d: {  	[tilespmem:s31], [sflag:$0x1] =	stream.linear.gather [hbm4b:s30+s3], $0x80, $0x38;
	[tilespmem:$0x1C180] =	vst v63  }
0x11e: {  	s17 =	sld [smem:$0x7E2]  }
0x11f: {  	[tilespmem:s9], [sflag:$0x1] =	stream.linear.gather [hbm4b:s16+s3], $0x80, $0x38;
	[tilespmem:$0x1C180] =	vst v63  }
0x120: {  	s18 =	simm.s32 $0x2C00;
	s19 =	sld [smem:$0x7E3]  }
0x121: {  	[tilespmem:s18], [sflag:$0x1] =	stream.linear.gather [hbm4b:s17+s3], $0x80, $0x38;
	[tilespmem:$0x1C180] =	vst v63  }
0x122: {  	s20 =	simm.s32 $0x3000;
	s21 =	sld [smem:$0x7E4]  }
0x123: {  	[tilespmem:s20], [sflag:$0x1] =	stream.linear.gather [hbm4b:s19+s3], $0x80, $0x38;
	[tilespmem:$0x1C180] =	vst v63  }
0x124: {  	s22 =	simm.s32 $0x3400;
	s23 =	sld [smem:$0x7E5]  }
0x125: {  	[tilespmem:s22], [sflag:$0x1] =	stream.linear.gather [hbm4b:s21+s3], $0x80, $0x38;
	[tilespmem:$0x1C180] =	vst v63  }
0x126: {  	s24 =	simm.s32 $0x3800;
	s25 =	sld [smem:$0x7E6]  }
0x127: {  	[tilespmem:s24], [sflag:$0x1] =	stream.linear.gather [hbm4b:s23+s3], $0x80, $0x38;
	[tilespmem:$0x1C180] =	vst v63  }
0x128: {  	s26 =	simm.s32 $0x3C00;
	s28 =	sld [smem:$0x7E7]  }
0x129: {  	[tilespmem:s26], [sflag:$0x1] =	stream.linear.gather [hbm4b:s25+s3], $0x80, $0x38;
	[tilespmem:$0x1C180] =	vst v63  }
0x12a: {  	s29 =	simm.s32 $0x4000;
	s30 =	sld [smem:$0x7E8]  }
0x12b: {  	[tilespmem:s29], [sflag:$0x1] =	stream.linear.gather [hbm4b:s28+s3], $0x80, $0x38;
	[tilespmem:$0x1C180] =	vst v63  }
0x12c: {  	s15 =	sld [smem:$0x7E9];
	s31 =	simm.s32 $0x4400  }
0x12d: {  	[tilespmem:s31], [sflag:$0x1] =	stream.linear.gather [hbm4b:s30+s3], $0x80, $0x38;
	[tilespmem:$0x1C180] =	vst v63  }
0x12e: {  	s16 =	simm.s32 $0x4800;
	s17 =	sld [smem:$0x7EA]  }
0x12f: {  	[tilespmem:s16], [sflag:$0x1] =	stream.linear.gather [hbm4b:s15+s3], $0x80, $0x38;
	[tilespmem:$0x1C180] =	vst v63  }
0x130: {  	s18 =	simm.s32 $0x4C00;
	s19 =	rddreg [dreg:$0xe]  }
0x131: {  	[tilespmem:s18], [sflag:$0x1] =	stream.linear.gather [hbm4b:s17+s3], $0x80, $0x38;
	[tilespmem:$0x1C180] =	vst v63  }
0x132: {  	s20 =	simm.s32 $0x2880;
	s21 =	sld [smem:$0x7EB]  }
0x133: {  	[tilespmem:s20], [sflag:$0x1] =	stream.linear.gather [hbm4b:s19+s3], $0x80, $0x38;
	[tilespmem:$0x1C180] =	vst v63  }
0x134: {  	s22 =	simm.s32 $0x2C80;
	s23 =	sld [smem:$0x7EC]  }
0x135: {  	[tilespmem:s22], [sflag:$0x1] =	stream.linear.gather [hbm4b:s21+s3], $0x80, $0x38;
	[tilespmem:$0x1C180] =	vst v63  }
0x136: {  	s24 =	simm.s32 $0x3080;
	s25 =	sld [smem:$0x7ED]  }
0x137: {  	[tilespmem:s24], [sflag:$0x1] =	stream.linear.gather [hbm4b:s23+s3], $0x80, $0x38;
	[tilespmem:$0x1C180] =	vst v63  }
0x138: {  	s26 =	simm.s32 $0x3480;
	s28 =	sld [smem:$0x7EE]  }
0x139: {  	[tilespmem:s26], [sflag:$0x1] =	stream.linear.gather [hbm4b:s25+s3], $0x80, $0x38;
	[tilespmem:$0x1C180] =	vst v63  }
0x13a: {  	s29 =	simm.s32 $0x3880;
	s30 =	sld [smem:$0x7EF]  }
0x13b: {  	[tilespmem:s29], [sflag:$0x1] =	stream.linear.gather [hbm4b:s28+s3], $0x80, $0x38;
	[tilespmem:$0x1C180] =	vst v63  }
0x13c: {  	s31 =	simm.s32 $0x3C80;
	s15 =	sld [smem:$0x7F0]  }
0x13d: {  	[tilespmem:s31], [sflag:$0x1] =	stream.linear.gather [hbm4b:s30+s3], $0x80, $0x38;
	[tilespmem:$0x1C180] =	vst v63  }
0x13e: {  	s16 =	simm.s32 $0x4080;
	s17 =	sld [smem:$0x7F1]  }
0x13f: {  	[tilespmem:s16], [sflag:$0x1] =	stream.linear.gather [hbm4b:s15+s3], $0x80, $0x38;
	[tilespmem:$0x1C180] =	vst v63  }
0x140: {  	s18 =	simm.s32 $0x4480;
	s19 =	sld [smem:$0x7F2]  }
0x141: {  	[tilespmem:s18], [sflag:$0x1] =	stream.linear.gather [hbm4b:s17+s3], $0x80, $0x38;
	[tilespmem:$0x1C180] =	vst v63  }
0x142: {  	s20 =	simm.s32 $0x4880;
	s21 =	sld [smem:$0x7F3]  }
0x143: {  	[tilespmem:s20], [sflag:$0x1] =	stream.linear.gather [hbm4b:s19+s3], $0x80, $0x38;
	[tilespmem:$0x1C180] =	vst v63  }
0x144: {  	s22 =	simm.s32 $0x4C80;
	s23 =	rddreg [dreg:$0xf]  }
0x145: {  	[tilespmem:s22], [sflag:$0x1] =	stream.linear.gather [hbm4b:s21+s3], $0x80, $0x38;
	[tilespmem:$0x1C180] =	vst v63  }
0x146: {  	s24 =	simm.s32 $0x2900;
	s25 =	sld [smem:$0x7F4]  }
0x147: {  	[tilespmem:s24], [sflag:$0x1] =	stream.linear.gather [hbm4b:s23+s3], $0x80, $0x38;
	[tilespmem:$0x1C180] =	vst v63  }
0x148: {  	s26 =	simm.s32 $0x2D00;
	s28 =	sld [smem:$0x7F5]  }
0x149: {  	[tilespmem:s26], [sflag:$0x1] =	stream.linear.gather [hbm4b:s25+s3], $0x80, $0x38;
	[tilespmem:$0x1C180] =	vst v63  }
0x14a: {  	s29 =	simm.s32 $0x3100;
	s30 =	sld [smem:$0x7F6]  }
0x14b: {  	[tilespmem:s29], [sflag:$0x1] =	stream.linear.gather [hbm4b:s28+s3], $0x80, $0x38;
	[tilespmem:$0x1C180] =	vst v63  }
0x14c: {  	s31 =	simm.s32 $0x3500;
	s15 =	sld [smem:$0x7F7]  }
0x14d: {  	[tilespmem:s31], [sflag:$0x1] =	stream.linear.gather [hbm4b:s30+s3], $0x80, $0x38;
	[tilespmem:$0x1C180] =	vst v63  }
0x14e: {  	s16 =	simm.s32 $0x3900;
	s17 =	sld [smem:$0x7F8]  }
0x14f: {  	[tilespmem:s16], [sflag:$0x1] =	stream.linear.gather [hbm4b:s15+s3], $0x80, $0x38;
	[tilespmem:$0x1C180] =	vst v63  }
0x150: {  	s18 =	simm.s32 $0x3D00;
	s19 =	sld [smem:$0x7F9]  }
0x151: {  	[tilespmem:s18], [sflag:$0x1] =	stream.linear.gather [hbm4b:s17+s3], $0x80, $0x38;
	[tilespmem:$0x1C180] =	vst v63  }
0x152: {  	s20 =	simm.s32 $0x4100;
	s21 =	sld [smem:$0x7FA]  }
0x153: {  	[tilespmem:s20], [sflag:$0x1] =	stream.linear.gather [hbm4b:s19+s3], $0x80, $0x38;
	[tilespmem:$0x1C180] =	vst v63  }
0x154: {  	s22 =	simm.s32 $0x4500;
	s23 =	sld [smem:$0x7FB]  }
0x155: {  	[tilespmem:s22], [sflag:$0x1] =	stream.linear.gather [hbm4b:s21+s3], $0x80, $0x38;
	[tilespmem:$0x1C180] =	vst v63  }
0x156: {  	s24 =	simm.s32 $0x4900;
	s25 =	sld [smem:$0x7FC]  }
0x157: {  	[tilespmem:s24], [sflag:$0x1] =	stream.linear.gather [hbm4b:s23+s3], $0x80, $0x38;
	[tilespmem:$0x1C180] =	vst v63  }
0x158: {  	s26 =	simm.s32 $0x4D00;
	s28 =	rddreg [dreg:$0x10]  }
0x159: {  	[tilespmem:s26], [sflag:$0x1] =	stream.linear.gather [hbm4b:s25+s3], $0x80, $0x38;
	[tilespmem:$0x1C180] =	vst v63  }
0x15a: {  	s29 =	simm.s32 $0x2980;
	s30 =	sld [smem:$0x7FD]  }
0x15b: {  	[tilespmem:s29], [sflag:$0x1] =	stream.linear.gather [hbm4b:s28+s3], $0x80, $0x38;
	[tilespmem:$0x1C180] =	vst v63  }
0x15c: {  	s31 =	simm.s32 $0x2D80  }
0x15d: {  	[tilespmem:s31], [sflag:$0x1] =	stream.linear.gather [hbm4b:s30+s3], $0x80, $0x38;
	[tilespmem:$0x1C180] =	vst v63  }
0x15e: {  	s15 =	simm.s32 $0x3180  }
0x15f: {  	[tilespmem:s15], [sflag:$0x1] =	stream.linear.gather [hbm4b:s2+s3], $0x80, $0x38;
	[tilespmem:$0x1C180] =	vst v63  }
0x160: {  	s16 =	simm.s32 $0x3580  }
0x161: {  	[tilespmem:s16], [sflag:$0x1] =	stream.linear.gather [hbm4b:s0+s3], $0x80, $0x38;
	[tilespmem:$0x1C180] =	vst v63  }
0x162: {  	s17 =	simm.s32 $0x3980  }
0x163: {  	[tilespmem:s17], [sflag:$0x1] =	stream.linear.gather [hbm4b:s1+s3], $0x80, $0x38;
	[tilespmem:$0x1C180] =	vst v63  }
0x164: {  	s18 =	simm.s32 $0x3D80  }
0x165: {  	[tilespmem:s18], [sflag:$0x1] =	stream.linear.gather [hbm4b:s4+s3], $0x80, $0x38;
	[tilespmem:$0x1C180] =	vst v63  }
0x166: {  	s19 =	simm.s32 $0x4180  }
0x167: {  	[tilespmem:s19], [sflag:$0x1] =	stream.linear.gather [hbm4b:s5+s3], $0x80, $0x38;
	[tilespmem:$0x1C180] =	vst v63  }
0x168: {  	s20 =	simm.s32 $0x4580  }
0x169: {  	[tilespmem:s20], [sflag:$0x1] =	stream.linear.gather [hbm4b:s6+s3], $0x80, $0x38;
	[tilespmem:$0x1C180] =	vst v63  }
0x16a: {  	s21 =	simm.s32 $0x4980  }
0x16b: {  	[tilespmem:s21], [sflag:$0x1] =	stream.linear.gather [hbm4b:s7+s3], $0x80, $0x38;
	[tilespmem:$0x1C180] =	vst v63  }
0x16c: {  	s22 =	simm.s32 $0x4D80  }
0x16d: {  	[tilespmem:s22], [sflag:$0x1] =	stream.linear.gather [hbm4b:s8+s3], $0x80, $0x38;
	[tilespmem:$0x1C180] =	vst v63  }
0x16e: {  	s23 =	rddreg [dreg:$0x1];
	s24 =	simm.s32 $0x5000  }
0x16f: {  	[tilespmem:s24], [sflag:$0x1] =	stream.linear.gather [hbm4b:s23+s3], $0x480, $0x38;
	[tilespmem:$0x1C180] =	vst v63  }
0x170: {  	_ =	swait.ge [sflag:s10], $0x500  }
0x171: {  	[sflag:s10] =	ssyncset.done $0x0  }
0x172: {  	[sflag:s10] =	ssyncadd.s32 $0xFFFFFB00  }
0x173: {  	_ =	swait.ge [sflag:s10], $0x500  }
0x174: {  	[sflag:s10] =	ssyncset.done $0x0  }
0x175: {  	[sflag:s10] =	ssyncadd.s32 $0xFFFFFB00  }
0x176: {  	_ =	swait.ge [sflag:s10], $0x500  }
0x177: {  	[sflag:s10] =	ssyncset.done $0x0  }
0x178: {  	[sflag:s10] =	ssyncadd.s32 $0xFFFFFB00  }
0x179: {  	_ =	swait.ge [sflag:s10], $0x500  }
0x17a: {  	[sflag:s10] =	ssyncset.done $0x0  }
0x17b: {  	[sflag:s10] =	ssyncadd.s32 $0xFFFFFB00  }
0x17c: {  	_ =	swait.ge [sflag:s10], $0x500  }
0x17d: {  	[sflag:s10] =	ssyncset.done $0x0  }
0x17e: {  	[sflag:s10] =	ssyncadd.s32 $0xFFFFFB00  }
0x17f: {  	_ =	swait.ge [sflag:s10], $0x500  }
0x180: {  	[sflag:s10] =	ssyncset.done $0x0  }
0x181: {  	[sflag:s10] =	ssyncadd.s32 $0xFFFFFB00  }
0x182: {  	_ =	swait.ge [sflag:s10], $0x500  }
0x183: {  	[sflag:s10] =	ssyncset.done $0x0  }
0x184: {  	[sflag:s10] =	ssyncadd.s32 $0xFFFFFB00  }
0x185: {  	_ =	swait.ge [sflag:s10], $0x500  }
0x186: {  	[sflag:s10] =	ssyncset.done $0x0  }
0x187: {  	[sflag:s10] =	ssyncadd.s32 $0xFFFFFB00  }
0x188: {  	_ =	swait.ge [sflag:s10], $0x500  }
0x189: {  	[sflag:s10] =	ssyncset.done $0x0  }
0x18a: {  	[sflag:s10] =	ssyncadd.s32 $0xFFFFFB00  }
0x18b: {  	_ =	swait.ge [sflag:s10], $0x500  }
0x18c: {  	[sflag:s10] =	ssyncset.done $0x0  }
0x18d: {  	[sflag:s10] =	ssyncadd.s32 $0xFFFFFB00  }
0x18e: {  	_ =	swait.ge [sflag:s10], $0x500  }
0x18f: {  	[sflag:s10] =	ssyncset.done $0x0  }
0x190: {  	[sflag:s10] =	ssyncadd.s32 $0xFFFFFB00  }
0x191: {  	_ =	swait.ge [sflag:s10], $0x500  }
0x192: {  	[sflag:s10] =	ssyncset.done $0x0  }
0x193: {  	[sflag:s10] =	ssyncadd.s32 $0xFFFFFB00  }
0x194: {  	s25 =	simm.s32 $0x0;
	_ =	swait.ge [sflag:s10], $0x480  }
0x195: {  	s26 =	sand.u32 $0x3C00, s3;
	s14 =	sand.u32 $0x70, s25;
	[sflag:s10] =	ssyncset.done $0x0  }
0x196: {  	s14 =	sor.u32 s14, s26;
	[sflag:s10] =	ssyncadd.s32 $0xFFFFFB80  }
0x197: {  	v1 =	vld [tilespmem:s14+$0x0]  }
0x198: {  	v2 =	vld [tilespmem:s14+$0x80]  }
0x199: {  	v3 =	vld [tilespmem:s14+$0x100]  }
0x19a: {  	v4 =	vld [tilespmem:s14+$0x180]  }
0x19b: {  	v5 =	vld [tilespmem:s14+$0x200]  }
0x19c: {  	v6 =	vld [tilespmem:s14+$0x280]  }
0x19d: {  	v7 =	vld [tilespmem:s14+$0x300]  }
0x19e: {  	v1 =	vmul.f32 $1.024000020e+02, v1  }
0x19f: {  	v2 =	vmul.f32 $1.024000020e+02, v2;
	v3 =	vmul.f32 $1.024000020e+02, v3  }
0x1a0: {  	v4 =	vmul.f32 $1.024000020e+02, v4;
	v5 =	vmul.f32 $1.024000020e+02, v5  }
0x1a1: {  	v6 =	vmul.f32 $1.024000020e+02, v6;
	v1 =	vadd.f32 $-5.120000080e+01, v1;
	v2 =	vadd.f32 $-5.120000080e+01, v2  }
0x1a2: {  	v7 =	vmul.f32 $1.024000020e+02, v7;
	v3 =	vadd.f32 $-5.120000080e+01, v3;
	v4 =	vadd.f32 $-5.120000080e+01, v4  }
0x1a3: {  	v5 =	vadd.f32 $-5.120000080e+01, v5;
	v6 =	vadd.f32 $-5.120000080e+01, v6  }
0x1a4: {  	v7 =	vadd.f32 $-5.120000080e+01, v7;
	v8 =	vshrl.u32 v1, $0x10;
	v9 =	vshrl.u32 v2, $0x10  }
0x1a5: {  	v10 =	vshrl.u32 v3, $0x10;
	v11 =	vshrl.u32 v4, $0x10;
	v12 =	vshrl.u32 v5, $0x10  }
0x1a6: {  	v13 =	vshrl.u32 v6, $0x10;
	v14 =	vshrl.u32 v7, $0x10;
	v8 =	vand.u32 $0x1, v8  }
0x1a7: {  	v9 =	vand.u32 $0x1, v9;
	v10 =	vand.u32 $0x1, v10;
	v11 =	vand.u32 $0x1, v11  }
0x1a8: {  	v12 =	vand.u32 $0x1, v12;
	v13 =	vand.u32 $0x1, v13;
	v1 =	vadd.s32 v8, v1  }
0x1a9: {  	v8 =	vand.u32 $0x1, v14;
	v2 =	vadd.s32 v9, v2;
	v1 =	vadd.s32 $0x7FFF, v1  }
0x1aa: {  	v3 =	vadd.s32 v10, v3;
	v2 =	vadd.s32 $0x7FFF, v2;
	v1 =	vand.u32 $0xFFFF0000, v1  }
0x1ab: {  	s28 =	simm.s32 $0x10;
	s16 =	simm.s32 $0x80;
	v4 =	vadd.s32 v11, v4;
	[tilespmem:s14+$0x0] =	vst v1;
	v1 =	vand.u32 $0xFFFF0000, v2;
	v2 =	vadd.s32 $0x7FFF, v3  }
0x1ac: {  	s15 =	sand.u32 $0x70, s28;
	s16 =	sand.u32 $0x3C00, s16;
	v3 =	vadd.s32 v12, v5;
	[tilespmem:s14+$0x80] =	vst v1;
	v1 =	vand.u32 $0xFFFF0000, v2;
	v2 =	vadd.s32 $0x7FFF, v4  }
0x1ad: {  	s15 =	sor.u32 s15, s16;
	v4 =	vadd.s32 v13, v6;
	[tilespmem:s14+$0x100] =	vst v1;
	v1 =	vand.u32 $0xFFFF0000, v2;
	v2 =	vadd.s32 $0x7FFF, v3  }
0x1ae: {  	s29 =	sand.u32 $0x7, s3;
	v5 =	vld [tilespmem:s15+$0x180];
	v3 =	vadd.s32 v8, v7;
	[tilespmem:s14+$0x180] =	vst v1;
	v1 =	vand.u32 $0xFFFF0000, v2;
	v2 =	vadd.s32 $0x7FFF, v4  }
0x1af: {  	s16 =	sshll.u32 s29, $0x4;
	v6 =	vld [tilespmem:s15+$0x200];
	[tilespmem:s14+$0x200] =	vst v1;
	v1 =	vand.u32 $0xFFFF0000, v2;
	v2 =	vadd.s32 $0x7FFF, v3  }
0x1b0: {  	s16 =	sadd.s32 $0x0, s16;
	v7 =	vld [tilespmem:s15+$0x280];
	[tilespmem:s14+$0x280] =	vst v1;
	v1 =	vand.u32 $0xFFFF0000, v2  }
0x1b1: {  	s16 =	sor.u32 $0x380, s16;
	v8 =	vld [tilespmem:s15+$0x300];
	[tilespmem:s14+$0x300] =	vst v1  }
0x1b2: {  	v1 =	vld [tilespmem:s16+$0x0]  }
0x1b3: {  	v4 =	vld [tilespmem:s15+$0x0]  }
0x1b4: {  	v3 =	vld [tilespmem:s15+$0x80];
	_ =	sdelay $0x1  }
0x1b5: {  	v2 =	vld [tilespmem:s15+$0x100];
	v5 =	vmul.f32 $1.024000020e+02, v5;
	v6 =	vmul.f32 $1.024000020e+02, v6  }
0x1b6: {  	v7 =	vmul.f32 $1.024000020e+02, v7;
	v1 =	vmul.f32 $1.024000020e+02, v1  }
0x1b7: {  	v8 =	vmul.f32 $1.024000020e+02, v8;
	v5 =	vadd.f32 $-5.120000080e+01, v5;
	v4 =	vmul.f32 $1.024000020e+02, v4  }
0x1b8: {  	v6 =	vadd.f32 $-5.120000080e+01, v6;
	v3 =	vmul.f32 $1.024000020e+02, v3;
	v1 =	vadd.f32 $-5.120000080e+01, v1  }
0x1b9: {  	v7 =	vadd.f32 $-5.120000080e+01, v7;
	v8 =	vadd.f32 $-5.120000080e+01, v8;
	v12 =	vshrl.u32 v5, $0x10  }
0x1ba: {  	v2 =	vmul.f32 $1.024000020e+02, v2;
	v4 =	vadd.f32 $-5.120000080e+01, v4;
	v9 =	vshrl.u32 v1, $0x10  }
0x1bb: {  	v13 =	vshrl.u32 v6, $0x10;
	v12 =	vand.u32 $0x1, v12;
	v9 =	vand.u32 $0x1, v9  }
0x1bc: {  	v3 =	vadd.f32 $-5.120000080e+01, v3;
	v14 =	vshrl.u32 v8, $0x10;
	v1 =	vadd.s32 v9, v1  }
0x1bd: {  	v13 =	vand.u32 $0x1, v13;
	v2 =	vadd.f32 $-5.120000080e+01, v2;
	v1 =	vadd.s32 $0x7FFF, v1  }
0x1be: {  	v14 =	vand.u32 $0x1, v14;
	v6 =	vadd.s32 v13, v6;
	v1 =	vand.u32 $0xFFFF0000, v1  }
0x1bf: {  	v10 =	vshrl.u32 v3, $0x10;
	v11 =	vshrl.u32 v2, $0x10;
	v9 =	vshrl.u32 v4, $0x10;
	[tilespmem:s16+$0x0] =	vst v1  }
0x1c0: {  	v10 =	vand.u32 $0x1, v10;
	v11 =	vand.u32 $0x1, v11;
	v1 =	vand.u32 $0x1, v9;
	v15 =	vld [tilespmem:s14+$0x2980]  }
0x1c1: {  	v3 =	vadd.s32 v10, v3;
	v2 =	vadd.s32 v11, v2;
	v1 =	vadd.s32 v1, v4  }
0x1c2: {  	v3 =	vadd.s32 $0x7FFF, v3;
	v9 =	vshrl.u32 v7, $0x10;
	v1 =	vadd.s32 $0x7FFF, v1  }
0x1c3: {  	s17 =	simm.s32 $0x20;
	s19 =	simm.s32 $0x100;
	v9 =	vand.u32 $0x1, v9;
	v4 =	vadd.s32 v12, v5;
	v5 =	vld [tilespmem:s14+$0x2800];
	v1 =	vand.u32 $0xFFFF0000, v1  }
0x1c4: {  	s30 =	sand.u32 $0x70, s17;
	s20 =	sand.u32 $0x3C00, s19;
	v2 =	vadd.s32 $0x7FFF, v2;
	v10 =	vld [tilespmem:s14+$0x2880];
	v7 =	vadd.s32 v9, v7;
	[tilespmem:s15+$0x0] =	vst v1;
	v1 =	vand.u32 $0xFFFF0000, v3  }
0x1c5: {  	s16 =	sor.u32 s30, s20;
	v3 =	vld [tilespmem:s14+$0x2900];
	[tilespmem:s15+$0x80] =	vst v1;
	v1 =	vand.u32 $0xFFFF0000, v2;
	v2 =	vadd.s32 $0x7FFF, v4;
	v11 =	vmul.f32 $8.000000000e+00, v15  }
0x1c6: {  	s18 =	simm.s32 $0x1;
	v9 =	vld [tilespmem:s16+$0x180];
	[tilespmem:s15+$0x100] =	vst v1;
	v1 =	vand.u32 $0xFFFF0000, v2;
	v2 =	vadd.s32 $0x7FFF, v6;
	v6 =	vadd.s32 v14, v8  }
0x1c7: {  	s31 =	sand.u32 $0x7, s18;
	[tilespmem:s15+$0x180] =	vst v1;
	v1 =	vand.u32 $0xFFFF0000, v2;
	v2 =	vadd.s32 $0x7FFF, v7;
	v4 =	vadd.f32 $-5.000000000e+00, v11  }
0x1c8: {  	s20 =	sshll.u32 s31, $0x4;
	v8 =	vld [tilespmem:s16+$0x80];
	[tilespmem:s15+$0x200] =	vst v1;
	v1 =	vand.u32 $0xFFFF0000, v2;
	v2 =	vadd.s32 $0x7FFF, v6  }
0x1c9: {  	s20 =	sadd.s32 $0x80, s20;
	[tilespmem:s15+$0x280] =	vst v1;
	v1 =	vand.u32 $0xFFFF0000, v2;
	v6 =	vshrl.u32 v4, $0x10  }
0x1ca: {  	v12 =	vld [tilespmem:s16+$0x280];
	s20 =	sor.u32 $0x380, s20;
	v2 =	vmul.f32 $8.000000000e+00, v5;
	v3 =	vmul.f32 $8.000000000e+00, v3;
	[tilespmem:s15+$0x300] =	vst v1;
	v5 =	vand.u32 $0x1, v6  }
0x1cb: {  	v9 =	vmul.f32 $1.024000020e+02, v9;
	v1 =	vmul.f32 $8.000000000e+00, v10;
	v4 =	vadd.s32 v5, v4;
	v5 =	vld [tilespmem:s20+$0x0]  }
0x1cc: {  	v7 =	vld [tilespmem:s16+$0x0];
	v2 =	vadd.f32 $-5.000000000e+00, v2;
	v3 =	vadd.f32 $-5.000000000e+00, v3  }
0x1cd: {  	v9 =	vadd.f32 $-5.120000080e+01, v9;
	v6 =	vld [tilespmem:s16+$0x100];
	v8 =	vmul.f32 $1.024000020e+02, v8;
	v1 =	vadd.f32 $-5.000000000e+00, v1  }
0x1ce: {  	v15 =	vld [tilespmem:s16+$0x300];
	v4 =	vadd.s32 $0x7FFF, v4;
	v10 =	vshrl.u32 v2, $0x10;
	v14 =	vshrl.u32 v3, $0x10  }
0x1cf: {  	v11 =	vand.u32 $0xFFFF0000, v4;
	v4 =	vld [tilespmem:s16+$0x200];
	v10 =	vand.u32 $0x1, v10;
	v13 =	vshrl.u32 v1, $0x10  }
0x1d0: {  	v10 =	vadd.s32 v10, v2;
	v2 =	vand.u32 $0x1, v13;
	v5 =	vmul.f32 $1.024000020e+02, v5  }
0x1d1: {  	v7 =	vmul.f32 $1.024000020e+02, v7;
	v13 =	vand.u32 $0x1, v14;
	v14 =	vadd.s32 v2, v1  }
0x1d2: {  	v2 =	vadd.s32 v13, v3;
	v6 =	vmul.f32 $1.024000020e+02, v6;
	v5 =	vadd.f32 $-5.120000080e+01, v5  }
0x1d3: {  	v1 =	vadd.s32 $0x7FFF, v10;
	v10 =	vmul.f32 $1.024000020e+02, v12;
	v12 =	vmul.f32 $1.024000020e+02, v15  }
0x1d4: {  	v3 =	vadd.s32 $0x7FFF, v14;
	v4 =	vmul.f32 $1.024000020e+02, v4;
	v13 =	vshrl.u32 v5, $0x10  }
0x1d5: {  	v14 =	vadd.f32 $-5.120000080e+01, v8;
	v15 =	vadd.f32 $-5.120000080e+01, v6;
	v6 =	vand.u32 $0x1, v13  }
0x1d6: {  	v7 =	vadd.f32 $-5.120000080e+01, v7;
	v13 =	vadd.f32 $-5.120000080e+01, v4;
	v4 =	vadd.s32 v6, v5  }
0x1d7: {  	v16 =	vadd.f32 $-5.120000080e+01, v10;
	v8 =	vshrl.u32 v14, $0x10;
	v4 =	vadd.s32 $0x7FFF, v4  }
0x1d8: {  	v10 =	vshrl.u32 v15, $0x10;
	v20 =	vand.u32 $0x1, v8;
	v4 =	vand.u32 $0xFFFF0000, v4  }
0x1d9: {  	v10 =	vand.u32 $0x1, v10;
	v6 =	vadd.f32 $-5.120000080e+01, v12;
	v12 =	vshrl.u32 v9, $0x10;
	[tilespmem:s20+$0x0] =	vst v4  }
0x1da: {  	v5 =	vshrl.u32 v7, $0x10;
	v17 =	vshrl.u32 v13, $0x10;
	v12 =	vand.u32 $0x1, v12;
	v19 =	vld [tilespmem:s15+$0x2980]  }
0x1db: {  	v18 =	vshrl.u32 v6, $0x10;
	v17 =	vand.u32 $0x1, v17;
	v12 =	vadd.s32 v12, v9  }
0x1dc: {  	v4 =	vand.u32 $0x1, v5;
	v5 =	vshrl.u32 v16, $0x10;
	v8 =	vand.u32 $0x1, v18  }
0x1dd: {  	v21 =	vand.u32 $0x1, v5;
	v5 =	vadd.s32 v4, v7;
	v7 =	vadd.s32 v20, v14  }
0x1de: {  	v14 =	vadd.s32 v10, v15;
	v4 =	vld [tilespmem:s15+$0x2800];
	v10 =	vadd.s32 v17, v13;
	v15 =	vadd.s32 $0x7FFF, v5  }
0x1df: {  	[tilespmem:s14+$0x2980] =	vst v11;
	v5 =	vld [tilespmem:s15+$0x2880];
	v13 =	vadd.s32 $0x7FFF, v7;
	v11 =	vand.u32 $0xFFFF0000, v15;
	v9 =	vmul.f32 $8.000000000e+00, v19  }
0x1e0: {  	s20 =	simm.s32 $0x100;
	v7 =	vld [tilespmem:s15+$0x2900];
	v14 =	vadd.s32 $0x7FFF, v14;
	v13 =	vand.u32 $0xFFFF0000, v13;
	[tilespmem:s16+$0x0] =	vst v11;
	v11 =	vadd.s32 v21, v16  }
.LBB2_2:
0x1e1: {  	s17 =	sadd.s32 $0x10, s17;
	[tilespmem:s16+$0x80] =	vst v13;
	v13 =	vand.u32 $0xFFFF0000, v14;
	v12 =	vadd.s32 $0x7FFF, v12;
	s19 =	sadd.s32 $0x80, s19;
	v9 =	vadd.f32 $-5.000000000e+00, v9  }
0x1e2: {  	v10 =	vadd.s32 $0x7FFF, v10;
	v6 =	vadd.s32 v8, v6;
	s18 =	sadd.s32 $0x1, s18;
	s21 =	sand.u32 $0x70, s17;
	s22 =	sand.u32 $0x3C00, s19;
	[tilespmem:s16+$0x100] =	vst v13;
	v12 =	vand.u32 $0xFFFF0000, v12  }
0x1e3: {  	p0 =	slt.u32 s17, $0x4F0;
	v8 =	vand.u32 $0xFFFF0000, v10;
	v10 =	vadd.s32 $0x7FFF, v11;
	s22 =	sor.u32 s21, s22;
	s21 =	sand.u32 $0x7, s18;
	[tilespmem:s16+$0x180] =	vst v12;
	v11 =	vshrl.u32 v9, $0x10  }
0x1e4: {  	v6 =	vadd.s32 $0x7FFF, v6;
	v12 =	vld [tilespmem:s22+$0x0];
	s21 =	sshll.u32 s21, $0x4;
	[tilespmem:s16+$0x200] =	vst v8;
	v8 =	vand.u32 $0xFFFF0000, v10;
	v10 =	vand.u32 $0x1, v11  }
0x1e5: {  	v4 =	vmul.f32 $8.000000000e+00, v4;
	v6 =	vand.u32 $0xFFFF0000, v6;
	v11 =	vld [tilespmem:s22+$0x80];
	s21 =	sadd.s32 s21, s20;
	[tilespmem:s16+$0x280] =	vst v8;
	v8 =	vadd.s32 v10, v9;
	s20 =	smov.u32 s19  }
0x1e6: {  	v5 =	vmul.f32 $8.000000000e+00, v5;
	v9 =	vld [tilespmem:s22+$0x100];
	[tilespmem:s16+$0x300] =	vst v6;
	s21 =	sor.u32 $0x380, s21;
	v6 =	vmul.f32 $8.000000000e+00, v7;
	v7 =	vadd.s32 $0x7FFF, v8  }
0x1e7: {  	v2 =	vadd.s32 $0x7FFF, v2;
	v4 =	vadd.f32 $-5.000000000e+00, v4;
	v8 =	vld [tilespmem:s21+$0x0];
	v7 =	vand.u32 $0xFFFF0000, v7  }
0x1e8: {  	v1 =	vand.u32 $0xFFFF0000, v1;
	v5 =	vadd.f32 $-5.000000000e+00, v5;
	v10 =	vld [tilespmem:s22+$0x180];
	v6 =	vadd.f32 $-5.000000000e+00, v6;
	[tilespmem:s15+$0x2980] =	vst v7  }
0x1e9: {  	v2 =	vand.u32 $0xFFFF0000, v2;
	v13 =	vshrl.u32 v4, $0x10;
	v7 =	vld [tilespmem:s22+$0x200];
	[tilespmem:s14+$0x2800] =	vst v1;
	v1 =	vand.u32 $0xFFFF0000, v3  }
0x1ea: {  	v14 =	vshrl.u32 v5, $0x10;
	v13 =	vand.u32 $0x1, v13;
	v3 =	vld [tilespmem:s22+$0x280];
	v15 =	vshrl.u32 v6, $0x10;
	[tilespmem:s14+$0x2880] =	vst v1  }
0x1eb: {  	v1 =	vadd.s32 v13, v4;
	v4 =	vand.u32 $0x1, v14;
	v16 =	vld [tilespmem:s22+$0x300];
	v13 =	vand.u32 $0x1, v15;
	[tilespmem:s14+$0x2900] =	vst v2;
	s14 =	smov.u32 s15;
	s15 =	smov.u32 s16;
	s16 =	smov.u32 s22  }
0x1ec: {  	v4 =	vadd.s32 v4, v5;
	v8 =	vmul.f32 $1.024000020e+02, v8;
	v2 =	vadd.s32 v13, v6  }
0x1ed: {  	v5 =	vmul.f32 $1.024000020e+02, v12;
	v1 =	vadd.s32 $0x7FFF, v1;
	v6 =	vmul.f32 $1.024000020e+02, v11  }
0x1ee: {  	v9 =	vmul.f32 $1.024000020e+02, v9;
	v10 =	vmul.f32 $1.024000020e+02, v10;
	v8 =	vadd.f32 $-5.120000080e+01, v8  }
0x1ef: {  	v7 =	vmul.f32 $1.024000020e+02, v7;
	v11 =	vmul.f32 $1.024000020e+02, v3;
	v3 =	vadd.s32 $0x7FFF, v4  }
0x1f0: {  	v12 =	vadd.f32 $-5.120000080e+01, v5;
	v4 =	vmul.f32 $1.024000020e+02, v16;
	v5 =	vshrl.u32 v8, $0x10  }
0x1f1: {  	v9 =	vadd.f32 $-5.120000080e+01, v9;
	v13 =	vadd.f32 $-5.120000080e+01, v6;
	v5 =	vand.u32 $0x1, v5  }
0x1f2: {  	v10 =	vadd.f32 $-5.120000080e+01, v10;
	v14 =	vadd.f32 $-5.120000080e+01, v7;
	v5 =	vadd.s32 v5, v8  }
0x1f3: {  	v11 =	vadd.f32 $-5.120000080e+01, v11;
	v6 =	vadd.f32 $-5.120000080e+01, v4;
	v4 =	vadd.s32 $0x7FFF, v5  }
0x1f4: {  	v7 =	vshrl.u32 v13, $0x10;
	v5 =	vshrl.u32 v12, $0x10;
	v4 =	vand.u32 $0xFFFF0000, v4  }
0x1f5: {  	v15 =	vshrl.u32 v10, $0x10;
	v8 =	vshrl.u32 v9, $0x10;
	v16 =	vshrl.u32 v14, $0x10;
	[tilespmem:s21+$0x0] =	vst v4  }
0x1f6: {  	v17 =	vand.u32 $0x1, v5;
	v5 =	vshrl.u32 v11, $0x10;
	v18 =	vshrl.u32 v6, $0x10;
	v19 =	vld [tilespmem:s15+$0x2980]  }
0x1f7: {  	v7 =	vand.u32 $0x1, v7;
	v15 =	vand.u32 $0x1, v15;
	v20 =	vand.u32 $0x1, v8;
	v4 =	vld [tilespmem:s15+$0x2800]  }
.Ltmp0:
0x1f8: {  	v16 =	vand.u32 $0x1, v16;
	v21 =	vand.u32 $0x1, v5;
	v8 =	vand.u32 $0x1, v18;
	v5 =	vld [tilespmem:s15+$0x2880];
	(pc) =	sbr.rel @p0 .LBB2_2-.Ltmp0, $4  }
0x1f9: {  	v13 =	vadd.s32 v7, v13;
	v12 =	vadd.s32 v17, v12;
	v17 =	vadd.s32 v20, v9;
	v7 =	vld [tilespmem:s15+$0x2900]  }
0x1fa: {  	v9 =	vadd.s32 $0x7FFF, v12;
	v12 =	vadd.s32 v15, v10;
	v10 =	vadd.s32 v16, v14  }
0x1fb: {  	v13 =	vadd.s32 $0x7FFF, v13;
	v14 =	vand.u32 $0xFFFF0000, v9;
	v9 =	vmul.f32 $8.000000000e+00, v19  }
0x1fc: {  	v13 =	vand.u32 $0xFFFF0000, v13;
	v11 =	vadd.s32 v21, v11;
	[tilespmem:s16+$0x0] =	vst v14;
	v14 =	vadd.s32 $0x7FFF, v17  }
0x1fd: {  	[tilespmem:s16+$0x80] =	vst v13;
	v48 =	vand.u32 $0xFFFF0000, v14;
	v12 =	vadd.s32 $0x7FFF, v12  }
0x1fe: {  	v10 =	vadd.s32 $0x7FFF, v10;
	s17 =	sadd.s32 $0x1, s18;
	[tilespmem:s16+$0x100] =	vst v48;
	v12 =	vand.u32 $0xFFFF0000, v12  }
0x1ff: {  	v6 =	vadd.s32 v8, v6;
	v50 =	vadd.s32 $0x7FFF, v11;
	s17 =	sand.u32 $0x7, s17;
	v49 =	vand.u32 $0xFFFF0000, v10;
	[tilespmem:s16+$0x180] =	vst v12  }
0x200: {  	v51 =	vand.u32 $0xFFFF0000, v50;
	v6 =	vadd.s32 $0x7FFF, v6;
	s17 =	sshll.u32 s17, $0x4;
	[tilespmem:s16+$0x200] =	vst v49  }
0x201: {  	[tilespmem:s16+$0x280] =	vst v51;
	v6 =	vand.u32 $0xFFFF0000, v6;
	s17 =	sadd.s32 s17, s20  }
0x202: {  	[tilespmem:s16+$0x300] =	vst v6;
	s17 =	sor.u32 $0x380, s17  }
0x203: {  	v6 =	vld [tilespmem:s17+$0x0];
	_ =	sdelay $0x4  }
0x204: {  	v6 =	vmul.f32 $1.024000020e+02, v6;
	_ =	sdelay $0x1  }
0x205: {  	v6 =	vadd.f32 $-5.120000080e+01, v6;
	_ =	sdelay $0x1  }
0x206: {  	v52 =	vshrl.u32 v6, $0x10  }
0x207: {  	v8 =	vand.u32 $0x1, v52  }
0x208: {  	v6 =	vadd.s32 v8, v6  }
0x209: {  	v6 =	vadd.s32 $0x7FFF, v6  }
0x20a: {  	v4 =	vmul.f32 $8.000000000e+00, v4;
	v5 =	vmul.f32 $8.000000000e+00, v5;
	v6 =	vand.u32 $0xFFFF0000, v6  }
0x20b: {  	v53 =	vadd.f32 $-5.000000000e+00, v9;
	v2 =	vadd.s32 $0x7FFF, v2;
	v7 =	vmul.f32 $8.000000000e+00, v7;
	[tilespmem:s17+$0x0] =	vst v6  }
0x20c: {  	v1 =	vand.u32 $0xFFFF0000, v1;
	v4 =	vadd.f32 $-5.000000000e+00, v4;
	v5 =	vadd.f32 $-5.000000000e+00, v5;
	v55 =	vld [tilespmem:s16+$0x2980]  }
0x20d: {  	v3 =	vand.u32 $0xFFFF0000, v3;
	v2 =	vand.u32 $0xFFFF0000, v2;
	v7 =	vadd.f32 $-5.000000000e+00, v7;
	v56 =	vld [tilespmem:s16+$0x2800]  }
0x20e: {  	v54 =	vshrl.u32 v53, $0x10;
	v57 =	vshrl.u32 v4, $0x10;
	v60 =	vshrl.u32 v5, $0x10;
	v58 =	vld [tilespmem:s16+$0x2880]  }
0x20f: {  	v10 =	vand.u32 $0x1, v57;
	v61 =	vshrl.u32 v7, $0x10;
	v62 =	vand.u32 $0x1, v60;
	v59 =	vld [tilespmem:s16+$0x2900]  }
0x210: {  	v4 =	vadd.s32 v10, v4;
	v63 =	vand.u32 $0x1, v61;
	v5 =	vadd.s32 v62, v5  }
0x211: {  	v7 =	vadd.s32 v63, v7;
	v4 =	vadd.s32 $0x7FFF, v4;
	v17 =	vadd.s32 $0x7FFF, v5  }
0x212: {  	v20 =	vadd.s32 $0x7FFF, v7;
	v22 =	vand.u32 $0xFFFF0000, v4;
	v6 =	vand.u32 $0x1, v54  }
0x213: {  	v6 =	vadd.s32 v6, v53;
	v9 =	vmul.f32 $8.000000000e+00, v55;
	v8 =	vmul.f32 $8.000000000e+00, v56  }
0x214: {  	v6 =	vadd.s32 $0x7FFF, v6;
	v15 =	vmul.f32 $8.000000000e+00, v58;
	v16 =	vmul.f32 $8.000000000e+00, v59  }
0x215: {  	[tilespmem:s14+$0x2800] =	vst v1;
	v6 =	vand.u32 $0xFFFF0000, v6;
	v9 =	vadd.f32 $-5.000000000e+00, v9;
	v18 =	vadd.f32 $-5.000000000e+00, v8  }
0x216: {  	v1 =	vand.u32 $0xFFFF0000, v17;
	[tilespmem:s15+$0x2980] =	vst v6;
	v6 =	vadd.f32 $-5.000000000e+00, v15;
	v21 =	vadd.f32 $-5.000000000e+00, v16  }
0x217: {  	[tilespmem:s14+$0x2880] =	vst v3;
	v3 =	vand.u32 $0xFFFF0000, v20;
	v0 =	vshrl.u32 v9, $0x10;
	v23 =	vshrl.u32 v18, $0x10  }
0x218: {  	[tilespmem:s14+$0x2900] =	vst v2;
	v24 =	vshrl.u32 v6, $0x10;
	v25 =	vshrl.u32 v21, $0x10;
	v14 =	vand.u32 $0x1, v0  }
0x219: {  	[tilespmem:s15+$0x2800] =	vst v22;
	v4 =	vand.u32 $0x1, v23;
	v26 =	vand.u32 $0x1, v24;
	v9 =	vadd.s32 v14, v9  }
0x21a: {  	[tilespmem:s15+$0x2880] =	vst v1;
	v27 =	vand.u32 $0x1, v25;
	v4 =	vadd.s32 v4, v18;
	v9 =	vadd.s32 $0x7FFF, v9  }
0x21b: {  	[tilespmem:s15+$0x2900] =	vst v3;
	v28 =	vadd.s32 v26, v6;
	v4 =	vadd.s32 $0x7FFF, v4;
	v19 =	vand.u32 $0xFFFF0000, v9  }
0x21c: {  	v1 =	vadd.s32 v27, v21;
	v2 =	vadd.s32 $0x7FFF, v28;
	v29 =	vand.u32 $0xFFFF0000, v4;
	[tilespmem:s16+$0x2980] =	vst v19  }
0x21d: {  	v1 =	vadd.s32 $0x7FFF, v1;
	v2 =	vand.u32 $0xFFFF0000, v2;
	[tilespmem:s16+$0x2800] =	vst v29  }
0x21e: {  	v1 =	vand.u32 $0xFFFF0000, v1;
	[tilespmem:s16+$0x2880] =	vst v2  }
0x21f: {  	[tilespmem:s16+$0x2900] =	vst v1  }
0x220: {  	v1 =	vld [tilespmem:$0x5000]  }
0x221: {  	v30 =	vld [tilespmem:$0x5010]  }
0x222: {  	v31 =	vld [tilespmem:$0x5020]  }
0x223: {  	v32 =	vld [tilespmem:$0x5030]  }
0x224: {  	v33 =	vld [tilespmem:$0x5040]  }
0x225: {  	v34 =	vld [tilespmem:$0x5050];
	[tilespmem:$0x1FDC0] =	vst v1  }
0x226: {  	v35 =	vld [tilespmem:$0x5060];
	[tilespmem:$0x1FDD0] =	vst v30  }
0x227: {  	v36 =	vld [tilespmem:$0x5070];
	[tilespmem:$0x1FDE0] =	vst v31  }
0x228: {  	v37 =	vld [tilespmem:$0x5080];
	[tilespmem:$0x1FDF0] =	vst v32  }
0x229: {  	v38 =	vld [tilespmem:$0x5090];
	[tilespmem:$0x1FE00] =	vst v33  }
0x22a: {  	v39 =	vld [tilespmem:$0x50A0];
	[tilespmem:$0x1FE10] =	vst v34  }
0x22b: {  	v40 =	vld [tilespmem:$0x50B0];
	[tilespmem:$0x1FE20] =	vst v35  }
0x22c: {  	v41 =	vld [tilespmem:$0x50C0];
	[tilespmem:$0x1FE30] =	vst v36  }
0x22d: {  	v42 =	vld [tilespmem:$0x50D0];
	[tilespmem:$0x1FE40] =	vst v37  }
0x22e: {  	v43 =	vld [tilespmem:$0x50E0];
	[tilespmem:$0x1FE50] =	vst v38  }
0x22f: {  	v44 =	vld [tilespmem:$0x50F0];
	[tilespmem:$0x1FE60] =	vst v39  }
0x230: {  	v45 =	vld [tilespmem:$0x5100];
	[tilespmem:$0x1FE70] =	vst v40  }
0x231: {  	v46 =	vld [tilespmem:$0x5110];
	[tilespmem:$0x1FE80] =	vst v41  }
0x232: {  	v47 =	vld [tilespmem:$0x5120];
	[tilespmem:$0x1FE90] =	vst v42  }
0x233: {  	v48 =	vld [tilespmem:$0x5130];
	[tilespmem:$0x1FEA0] =	vst v43  }
0x234: {  	v49 =	vld [tilespmem:$0x5140];
	[tilespmem:$0x1FEB0] =	vst v44  }
0x235: {  	v50 =	vld [tilespmem:$0x5150];
	[tilespmem:$0x1FEC0] =	vst v45  }
0x236: {  	v51 =	vld [tilespmem:$0x5160];
	[tilespmem:$0x1FED0] =	vst v46  }
0x237: {  	v52 =	vld [tilespmem:$0x5170];
	[tilespmem:$0x1FEE0] =	vst v47  }
0x238: {  	v53 =	vld [tilespmem:$0x5180];
	[tilespmem:$0x1FEF0] =	vst v48  }
0x239: {  	v54 =	vld [tilespmem:$0x5190];
	[tilespmem:$0x1FF00] =	vst v49  }
0x23a: {  	v55 =	vld [tilespmem:$0x51A0];
	[tilespmem:$0x1FF10] =	vst v50  }
0x23b: {  	v0 =	vld [tilespmem:$0x51B0];
	[tilespmem:$0x1FF20] =	vst v51  }
0x23c: {  	v56 =	vld [tilespmem:$0x51C0];
	[tilespmem:$0x1FF30] =	vst v52  }
0x23d: {  	v57 =	vld [tilespmem:$0x51D0];
	[tilespmem:$0x1FF40] =	vst v53  }
0x23e: {  	v58 =	vld [tilespmem:$0x51E0];
	[tilespmem:$0x1FF50] =	vst v54  }
0x23f: {  	v59 =	vld [tilespmem:$0x51F0];
	[tilespmem:$0x1FF60] =	vst v55  }
0x240: {  	v60 =	vld [tilespmem:$0x5200];
	[tilespmem:$0x1FF70] =	vst v0  }
0x241: {  	v61 =	vld [tilespmem:$0x5210];
	[tilespmem:$0x1FF80] =	vst v56  }
0x242: {  	v62 =	vld [tilespmem:$0x5220];
	[tilespmem:$0x1FF90] =	vst v57  }
0x243: {  	v63 =	vld [tilespmem:$0x5230];
	[tilespmem:$0x1FFA0] =	vst v58  }
0x244: {  	[tilespmem:$0x1FFB0] =	vst v59  }
0x245: {  	[tilespmem:$0x1FFC0] =	vst v60  }
0x246: {  	[tilespmem:$0x1FFD0] =	vst v61  }
0x247: {  	s14 =	simm.s32 $0xFFFFFFE0;
	[tilespmem:$0x1FFE0] =	vst v62  }
0x248: {  	s17 =	simm.s32 $0x0;
	s15 =	simm.s32 $0x1BC80;
	s16 =	simm.s32 $0x0;
	[tilespmem:$0x1FFF0] =	vst v63;
	v36 =	vimm.f32 $0.0e+00  }
.LBB2_4:
0x249: {  	s14 =	sadd.s32 $0x20, s14  }
0x24a: {  	s19 =	sand.u32 $0x3C00, s17;
	v33 =	vld [tilespmem:$0x1FE40];
	s18 =	sand.u32 $0x60, s14  }
0x24b: {  	v30 =	vld [tilespmem:$0x1FE50];
	s22 =	sor.u32 s18, s19  }
0x24c: {  	v37 =	vld [tilespmem:s22+$0x0]  }
0x24d: {  	s26 =	sadd.s32 $0x2800, s19;
	v38 =	vld [tilespmem:s22+$0x200]  }
0x24e: {  	v29 =	vld [tilespmem:$0x1FE60];
	s20 =	sor.u32 s18, s26  }
0x24f: {  	v39 =	vld [tilespmem:s20+$0x0];
	_ =	sdelay $0x2  }
0x250: {  	v35 =	vld [tilespmem:$0x1FE70];
	v40 =	vmul.f32 v37, v33;
	v41 =	vmul.f32 v38, v30  }
0x251: {  	v14 =	vld [tilespmem:$0x1FDC0]  }
0x252: {  	v15 =	vld [tilespmem:$0x1FDD0];
	v3 =	vmul.f32 v39, v29;
	v40 =	vadd.f32 v41, v40  }
0x253: {  	v28 =	vld [tilespmem:$0x1FF00]  }
0x254: {  	v32 =	vld [tilespmem:$0x1FF10];
	v40 =	vadd.f32 v3, v40  }
0x255: {  	v13 =	vld [tilespmem:$0x1FE00]  }
0x256: {  	v17 =	vld [tilespmem:$0x1FE10];
	v40 =	vadd.f32 v40, v35  }
0x257: {  	v31 =	vld [tilespmem:$0x1FF20]  }
0x258: {  	v24 =	vld [tilespmem:$0x1FDE0];
	v4 =	vmax.f32 v40, $9.999999740e-06  }
0x259: {  	v23 =	vld [tilespmem:$0x1FE20];
	v42 =	vsub.s32 $0x7EF311C3, v4  }
0x25a: {  	v25 =	vld [tilespmem:$0x1FF30];
	v43 =	vmul.f32 v42, v4  }
0x25b: {  	v34 =	vld [tilespmem:$0x1FEC0]  }
0x25c: {  	v60 =	vld [tilespmem:$0x1FFE0];
	v46 =	vmul.f32 v37, v28;
	v47 =	vmul.f32 v38, v32;
	v43 =	vsub.f32 $2.000000000e+00, v43  }
0x25d: {  	v26 =	vld [tilespmem:$0x1FED0];
	v48 =	vmul.f32 v37, v13;
	v5 =	vmul.f32 v38, v17  }
0x25e: {  	v57 =	vld [tilespmem:$0x1FE90];
	v44 =	vmul.f32 v37, v14;
	v42 =	vmul.f32 v42, v43  }
0x25f: {  	v6 =	vmul.f32 v39, v31;
	v46 =	vadd.f32 v47, v46;
	v43 =	vadd.f32 v5, v48;
	v5 =	vld [tilespmem:$0x1FFC0]  }
0x260: {  	v45 =	vmul.f32 v38, v15;
	v41 =	vmul.f32 v42, v4;
	v4 =	vld [tilespmem:$0x1FFD0]  }
0x261: {  	v11 =	vld [tilespmem:$0x1FDF0];
	v46 =	vadd.f32 v6, v46  }
0x262: {  	v56 =	vld [tilespmem:$0x1FEA0];
	v7 =	vmul.f32 v39, v24;
	v8 =	vmul.f32 v39, v23;
	v44 =	vadd.f32 v45, v44  }
0x263: {  	v10 =	vld [tilespmem:$0x1FE30];
	v49 =	vmul.f32 v37, v34;
	v22 =	vmul.f32 v39, v60;
	v45 =	vadd.f32 v46, v25  }
0x264: {  	v62 =	vld [tilespmem:$0x1FF90];
	v27 =	vmul.f32 v38, v26;
	v50 =	vmul.f32 v38, v57;
	v44 =	vadd.f32 v7, v44  }
0x265: {  	v12 =	vmax.f32 v45, $9.999999740e-06;
	v20 =	vmul.f32 v37, v5;
	v21 =	vmul.f32 v38, v4  }
0x266: {  	v6 =	vld [tilespmem:$0x1FFF0];
	v18 =	vsub.s32 $0x7EF311C3, v12;
	v43 =	vadd.f32 v8, v43;
	v41 =	vsub.f32 $2.000000000e+00, v41  }
0x267: {  	v54 =	vmul.f32 v39, v56;
	v7 =	vld [tilespmem:$0x1FF50];
	v19 =	vmul.f32 v18, v12;
	v47 =	vadd.f32 v21, v20  }
0x268: {  	v44 =	vadd.f32 v44, v11;
	v8 =	vld [tilespmem:$0x1FF60];
	v9 =	vadd.f32 v43, v10;
	v41 =	vmul.f32 v41, v42  }
0x269: {  	v3 =	vmul.f32 v38, v62;
	v42 =	vsub.f32 $2.000000000e+00, v19;
	v19 =	vld [tilespmem:$0x1FEE0];
	v47 =	vadd.f32 v22, v47  }
0x26a: {  	vm0 =	vgt.f32 v40, $9.999999740e-06;
	v40 =	vadd.f32 v27, v49;
	v44 =	vmul.f32 v41, v44  }
0x26b: {  	v41 =	vmul.f32 v41, v9;
	v42 =	vmul.f32 v18, v42;
	v9 =	vld [tilespmem:$0x1FF80];
	v47 =	vadd.f32 v47, v6  }
0x26c: {  	vm8 =	vgt.f32 v45, $9.999999740e-06;
	v38 =	vmul.f32 v38, v7;
	v44 =	vmul.f32 $7.102272940e-04, v44  }
0x26d: {  	v18 =	vld [tilespmem:$0x1FE80];
	v41 =	vmul.f32 $1.953125000e-03, v41;
	v43 =	vmul.f32 v42, v12;
	v55 =	vmax.f32 v47, $9.999999740e-06  }
0x26e: {  	v53 =	vmul.f32 v39, v19;
	v22 =	vmul.f32 v39, v8;
	v59 =	vsub.s32 $0x7EF311C3, v55  }
0x26f: {  	vm1 =	vgt.f32 v41, $0.0e+00;
	v43 =	vsub.f32 $2.000000000e+00, v43;
	v0 =	vmul.f32 v59, v55  }
0x270: {  	v12 =	vld [tilespmem:$0x1FEF0];
	vm5 =	vlt.f32 v41, $1.000000000e+00;
	vm6 =	vlt.f32 v44, $1.000000000e+00;
	v2 =	vmul.f32 v37, v9  }
0x271: {  	v20 =	vld [tilespmem:$0x1FEB0];
	vm7 =	vgt.f32 v44, $0.0e+00;
	v44 =	vmax.f32 v44, $-2.099999900e+00;
	v1 =	vsub.f32 $2.000000000e+00, v0  }
0x272: {  	v41 =	vmax.f32 v41, $-2.099999900e+00;
	v52 =	vmul.f32 v37, v18;
	v16 =	vadd.f32 v3, v2;
	v3 =	vld [tilespmem:$0x1FFA0]  }
0x273: {  	v40 =	vadd.f32 v53, v40;
	v42 =	vmul.f32 v43, v42;
	v43 =	vmul.f32 v59, v1;
	v59 =	vld [tilespmem:$0x1FF40]  }
0x274: {  	vm0 =	vmand vm0, vm1;
	v44 =	vmin.f32 v44, $2.099999900e+00;
	v46 =	vadd.f32 v50, v52  }
0x275: {  	v41 =	vmin.f32 v41, $2.099999900e+00;
	vm0 =	vmand vm5, vm0;
	v40 =	vadd.f32 v40, v12  }
0x276: {  	vm0 =	vmand vm6, vm0;
	vm13 =	vgt.f32 v47, $9.999999740e-06;
	v46 =	vadd.f32 v54, v46  }
0x277: {  	v2 =	vld [tilespmem:$0x1FFB0];
	vm0 =	vmand vm7, vm0;
	v40 =	vmul.f32 v42, v40;
	v21 =	vmul.f32 v39, v3  }
0x278: {  	v46 =	vadd.f32 v46, v20;
	v48 =	vmul.f32 v43, v55;
	v37 =	vmul.f32 v37, v59  }
0x279: {  	v40 =	vmul.f32 $1.953125000e-03, v40;
	v0 =	vsel vm0, $0x3F800000, v36;
	v1 =	vld [tilespmem:$0x1FF70];
	v27 =	vadd.f32 v21, v16  }
0x27a: {  	v42 =	vmul.f32 v42, v46;
	v49 =	vsub.f32 $2.000000000e+00, v48;
	v37 =	vadd.f32 v38, v37  }
0x27b: {  	vm2 =	vgt.f32 v40, $0.0e+00;
	vm9 =	vlt.f32 v40, $1.000000000e+00;
	v40 =	vmax.f32 v40, $-2.099999900e+00  }
0x27c: {  	v39 =	vadd.f32 v27, v2;
	v43 =	vmul.f32 v49, v43;
	v37 =	vadd.f32 v22, v37  }
0x27d: {  	vm1 =	vmand vm8, vm2;
	v40 =	vmin.f32 v40, $2.099999900e+00;
	v42 =	vmul.f32 $7.102272940e-04, v42  }
0x27e: {  	vm10 =	vmand vm9, vm1;
	v39 =	vmul.f32 v43, v39;
	v37 =	vadd.f32 v37, v1  }
0x27f: {  	vm11 =	vlt.f32 v42, $1.000000000e+00;
	vm12 =	vgt.f32 v42, $0.0e+00;
	v42 =	vmax.f32 v42, $-2.099999900e+00  }
0x280: {  	[tilespmem:s22+$0x5480] =	vst v44;
	vm0 =	vmand vm11, vm10;
	v39 =	vmul.f32 $1.953125000e-03, v39;
	v37 =	vmul.f32 v43, v37  }
0x281: {  	[tilespmem:s22+$0xCC80] =	vst v41;
	v42 =	vmin.f32 v42, $2.099999900e+00;
	vm0 =	vmand vm12, vm0;
	v22 =	vimm.f32 $0.0e+00  }
0x282: {  	[tilespmem:s22+$0x14480] =	vst v0;
	v41 =	vsel vm0, $0x3F800000, v22;
	vm14 =	vgt.f32 v39, $0.0e+00;
	v37 =	vmul.f32 $7.102272940e-04, v37  }
0x283: {  	[tilespmem:s22+$0xCD00] =	vst v40;
	vm15 =	vlt.f32 v39, $1.000000000e+00;
	v39 =	vmax.f32 v39, $-2.099999900e+00;
	vm1 =	vmand vm13, vm14  }
0x284: {  	[tilespmem:s22+$0x5500] =	vst v42;
	v52 =	vmin.f32 v39, $2.099999900e+00;
	vm1 =	vmand vm15, vm1;
	vm4 =	vlt.f32 v37, $1.000000000e+00  }
0x285: {  	[tilespmem:s22+$0x14500] =	vst v41;
	v50 =	vmax.f32 v37, $-2.099999900e+00;
	vm6 =	vgt.f32 v37, $0.0e+00;
	vm5 =	vmand vm4, vm1  }
0x286: {  	v39 =	vld [tilespmem:s22+$0x80];
	[tilespmem:s22+$0xCD80] =	vst v52;
	v51 =	vmin.f32 v50, $2.099999900e+00;
	vm0 =	vmand vm6, vm5  }
0x287: {  	s25 =	sadd.s32 $0x2880, s19;
	v37 =	vld [tilespmem:s22+$0x280];
	[tilespmem:s22+$0x5580] =	vst v51;
	v53 =	vsel vm0, $0x3F800000, v22  }
0x288: {  	s21 =	sor.u32 s18, s25;
	[tilespmem:s22+$0x14580] =	vst v53  }
0x289: {  	v42 =	vld [tilespmem:s21+$0x0];
	_ =	sdelay $0x2  }
0x28a: {  	v54 =	vmul.f32 v39, v33;
	v55 =	vmul.f32 v37, v30;
	_ =	sdelay $0x1  }
0x28b: {  	v43 =	vadd.f32 v55, v54;
	v58 =	vmul.f32 v42, v29;
	_ =	sdelay $0x1  }
0x28c: {  	v43 =	vadd.f32 v58, v43  }
0x28d: {  	v16 =	vmul.f32 v39, v14;
	v27 =	vmul.f32 v39, v28  }
0x28e: {  	v52 =	vmul.f32 v39, v34;
	v21 =	vmul.f32 v37, v15;
	v43 =	vadd.f32 v43, v35  }
0x28f: {  	v51 =	vmul.f32 v39, v13;
	v36 =	vmul.f32 v37, v32  }
0x290: {  	v38 =	vmul.f32 v37, v17;
	v47 =	vadd.f32 v21, v16;
	v61 =	vmax.f32 v43, $9.999999740e-06  }
0x291: {  	[tilespmem:$0x1FCF0] =	vst v0;
	v16 =	vmul.f32 v39, v5;
	v21 =	vmul.f32 v37, v4;
	v63 =	vsub.s32 $0x7EF311C3, v61  }
0x292: {  	[tilespmem:$0x1FD00] =	vst v53;
	v53 =	vmul.f32 v37, v57;
	v49 =	vadd.f32 v36, v27;
	v0 =	vmul.f32 v63, v61  }
0x293: {  	v36 =	vmul.f32 v37, v26;
	v50 =	vadd.f32 v21, v16;
	v40 =	vmul.f32 v42, v31  }
0x294: {  	v54 =	vmul.f32 v42, v24;
	v27 =	vmul.f32 v42, v60;
	v46 =	vsub.f32 $2.000000000e+00, v0  }
0x295: {  	v21 =	vmul.f32 v39, v9;
	v55 =	vmul.f32 v42, v23;
	v49 =	vadd.f32 v40, v49  }
0x296: {  	v47 =	vadd.f32 v54, v47;
	v50 =	vadd.f32 v27, v50;
	v45 =	vmul.f32 v63, v46  }
0x297: {  	v27 =	vmul.f32 v37, v62;
	v37 =	vmul.f32 v37, v7;
	v48 =	vadd.f32 v49, v25  }
0x298: {  	v47 =	vadd.f32 v47, v11;
	v46 =	vadd.f32 v38, v51;
	v44 =	vmul.f32 v45, v61  }
0x299: {  	v50 =	vadd.f32 v50, v6;
	vm7 =	vgt.f32 v43, $9.999999740e-06;
	v61 =	vmax.f32 v48, $9.999999740e-06  }
0x29a: {  	v46 =	vadd.f32 v55, v46;
	v63 =	vsub.s32 $0x7EF311C3, v61;
	v44 =	vsub.f32 $2.000000000e+00, v44  }
0x29b: {  	v43 =	vadd.f32 v36, v52;
	vm12 =	vgt.f32 v48, $9.999999740e-06;
	v0 =	vmul.f32 v63, v61  }
0x29c: {  	vm6 =	vgt.f32 v50, $9.999999740e-06;
	v58 =	vadd.f32 v46, v10;
	v44 =	vmul.f32 v44, v45  }
0x29d: {  	v38 =	vmul.f32 v39, v18;
	v39 =	vmul.f32 v39, v59;
	v45 =	vsub.f32 $2.000000000e+00, v0  }
0x29e: {  	v51 =	vmax.f32 v50, $9.999999740e-06;
	v47 =	vmul.f32 v44, v47;
	v44 =	vmul.f32 v44, v58  }
0x29f: {  	v45 =	vmul.f32 v63, v45;
	v58 =	vmul.f32 v42, v19;
	v63 =	vsub.s32 $0x7EF311C3, v51  }
0x2a0: {  	v49 =	vadd.f32 v53, v38;
	v0 =	vmul.f32 v63, v51;
	v47 =	vmul.f32 $7.102272940e-04, v47  }
0x2a1: {  	v37 =	vadd.f32 v37, v39;
	v44 =	vmul.f32 $1.953125000e-03, v44;
	v46 =	vmul.f32 v45, v61  }
0x2a2: {  	v61 =	vmul.f32 v42, v56;
	v43 =	vadd.f32 v58, v43;
	v58 =	vadd.f32 v27, v21  }
0x2a3: {  	v16 =	vsub.f32 $2.000000000e+00, v0;
	vm8 =	vgt.f32 v44, $0.0e+00;
	v46 =	vsub.f32 $2.000000000e+00, v46  }
0x2a4: {  	v49 =	vadd.f32 v61, v49;
	v43 =	vadd.f32 v43, v12;
	vm9 =	vlt.f32 v44, $1.000000000e+00  }
0x2a5: {  	vm10 =	vlt.f32 v47, $1.000000000e+00;
	vm11 =	vgt.f32 v47, $0.0e+00;
	v47 =	vmax.f32 v47, $-2.099999900e+00  }
0x2a6: {  	v61 =	vmul.f32 v42, v3;
	v44 =	vmax.f32 v44, $-2.099999900e+00;
	vm0 =	vmand vm7, vm8  }
0x2a7: {  	v47 =	vmin.f32 v47, $2.099999900e+00;
	v45 =	vmul.f32 v46, v45;
	v46 =	vmul.f32 v63, v16  }
0x2a8: {  	v49 =	vadd.f32 v49, v20;
	vm0 =	vmand vm9, vm0;
	v63 =	vmul.f32 v42, v8  }
0x2a9: {  	v0 =	vadd.f32 v61, v58;
	vm0 =	vmand vm10, vm0;
	v51 =	vmul.f32 v46, v51  }
0x2aa: {  	v43 =	vmul.f32 v45, v43;
	v45 =	vmul.f32 v45, v49;
	v37 =	vadd.f32 v63, v37  }
0x2ab: {  	vm0 =	vmand vm11, vm0;
	v21 =	vadd.f32 v0, v2;
	v16 =	vsub.f32 $2.000000000e+00, v51  }
0x2ac: {  	v49 =	vmin.f32 v44, $2.099999900e+00;
	v43 =	vmul.f32 $1.953125000e-03, v43;
	v45 =	vmul.f32 $7.102272940e-04, v45  }
0x2ad: {  	s28 =	sand.u32 $0x3, s16;
	v48 =	vsel vm0, $0x3F800000, v22;
	v37 =	vadd.f32 v37, v1;
	v27 =	vmul.f32 v16, v46  }
0x2ae: {  	s21 =	sshll.u32 s28, $0x5;
	vm13 =	vgt.f32 v43, $0.0e+00;
	vm14 =	vlt.f32 v43, $1.000000000e+00;
	vm4 =	vlt.f32 v45, $1.000000000e+00  }
0x2af: {  	s24 =	sadd.s32 s21, s17;
	vm5 =	vgt.f32 v45, $0.0e+00;
	vm1 =	vmand vm12, vm13;
	v39 =	vmul.f32 v27, v21  }
0x2b0: {  	s21 =	sor.u32 $0x300, s24;
	v45 =	vmax.f32 v45, $-2.099999900e+00;
	vm15 =	vmand vm14, vm1;
	v37 =	vmul.f32 v27, v37  }
0x2b1: {  	[tilespmem:s21+$0x5480] =	vst v47;
	v52 =	vmax.f32 v43, $-2.099999900e+00;
	vm0 =	vmand vm4, vm15;
	v39 =	vmul.f32 $1.953125000e-03, v39  }
0x2b2: {  	[tilespmem:s21+$0xCC80] =	vst v49;
	v51 =	vmin.f32 v45, $2.099999900e+00;
	vm0 =	vmand vm5, vm0;
	v37 =	vmul.f32 $7.102272940e-04, v37  }
0x2b3: {  	s30 =	sor.u32 $0x380, s24;
	[tilespmem:s21+$0x14480] =	vst v48;
	v42 =	vmin.f32 v52, $2.099999900e+00;
	v53 =	vsel vm0, $0x3F800000, v22;
	vm7 =	vgt.f32 v39, $0.0e+00  }
0x2b4: {  	[tilespmem:s30+$0x5480] =	vst v51;
	vm8 =	vlt.f32 v39, $1.000000000e+00;
	vm9 =	vlt.f32 v37, $1.000000000e+00;
	vm1 =	vmand vm6, vm7  }
0x2b5: {  	[tilespmem:s30+$0xCC80] =	vst v42;
	v54 =	vmax.f32 v37, $-2.099999900e+00;
	vm11 =	vgt.f32 v37, $0.0e+00;
	vm1 =	vmand vm8, vm1  }
0x2b6: {  	[tilespmem:s30+$0x14480] =	vst v53;
	v39 =	vmax.f32 v39, $-2.099999900e+00;
	v55 =	vmin.f32 v54, $2.099999900e+00;
	vm10 =	vmand vm9, vm1  }
0x2b7: {  	v58 =	vmin.f32 v39, $2.099999900e+00;
	[tilespmem:s20+$0x5480] =	vst v55;
	vm0 =	vmand vm11, vm10  }
0x2b8: {  	[tilespmem:s20+$0xCC80] =	vst v58;
	v61 =	vsel vm0, $0x3F800000, v22  }
0x2b9: {  	[tilespmem:s20+$0x14480] =	vst v61  }
0x2ba: {  	v52 =	vld [tilespmem:s22+$0x100]  }
0x2bb: {  	s23 =	sadd.s32 $0x2900, s19;
	[tilespmem:$0x1FD20] =	vst v53;
	v53 =	vld [tilespmem:s21+$0x0]  }
0x2bc: {  	s29 =	sor.u32 s18, s23  }
0x2bd: {  	v54 =	vld [tilespmem:s29+$0x0];
	_ =	sdelay $0x2  }
0x2be: {  	v63 =	vmul.f32 v52, v33;
	v0 =	vmul.f32 v53, v30;
	_ =	sdelay $0x1  }
0x2bf: {  	v16 =	vmul.f32 v54, v29;
	v37 =	vadd.f32 v0, v63;
	_ =	sdelay $0x1  }
0x2c0: {  	v37 =	vadd.f32 v16, v37;
	_ =	sdelay $0x1  }
0x2c1: {  	v37 =	vadd.f32 v37, v35;
	_ =	sdelay $0x1  }
0x2c2: {  	v21 =	vmax.f32 v37, $9.999999740e-06  }
0x2c3: {  	[tilespmem:$0x1FD30] =	vst v61;
	v61 =	vmul.f32 v52, v13;
	v63 =	vmul.f32 v53, v17;
	v55 =	vsub.s32 $0x7EF311C3, v21  }
0x2c4: {  	v40 =	vmov v13;
	v13 =	vmul.f32 v53, v15;
	v58 =	vmul.f32 v55, v21  }
0x2c5: {  	v44 =	vmovc v14;
	v0 =	vmul.f32 v52, v14;
	v14 =	vmul.f32 v54, v23;
	v47 =	vadd.f32 v63, v61  }
0x2c6: {  	v27 =	vmovc v17;
	s20 =	sor.u32 $0x10, s18;
	v17 =	vmovc v15;
	v15 =	vmul.f32 v52, v28;
	v16 =	vmul.f32 v53, v32;
	v45 =	vsub.f32 $2.000000000e+00, v58  }
0x2c7: {  	s28 =	sor.u32 s20, s26;
	v47 =	vadd.f32 v14, v47  }
0x2c8: {  	v38 =	vmovc v29;
	v51 =	vld [tilespmem:s28+$0x0];
	v36 =	vmul.f32 v52, v59;
	v29 =	vadd.f32 v16, v15;
	v42 =	vmul.f32 v55, v45  }
0x2c9: {  	v43 =	vmovc v10;
	s21 =	sor.u32 s20, s19;
	v47 =	vadd.f32 v47, v10;
	v10 =	vmul.f32 v53, v26;
	v55 =	vmul.f32 v54, v31  }
0x2ca: {  	v50 =	vld [tilespmem:s21+$0x200];
	v45 =	vadd.f32 v13, v0;
	v0 =	vmul.f32 v52, v34;
	v39 =	vmul.f32 v42, v21  }
0x2cb: {  	v14 =	vmul.f32 v53, v57;
	v21 =	vmul.f32 v54, v24;
	v58 =	vadd.f32 v55, v29  }
0x2cc: {  	[tilespmem:$0x1FD10] =	vst v48;
	v16 =	vmul.f32 v54, v19;
	v48 =	vadd.f32 v10, v0;
	v39 =	vsub.f32 $2.000000000e+00, v39  }
0x2cd: {  	v46 =	vmovc v31;
	v31 =	vmul.f32 v51, v31;
	v45 =	vadd.f32 v21, v45;
	v55 =	vadd.f32 v58, v25  }
0x2ce: {  	v29 =	vmul.f32 v52, v5;
	v48 =	vadd.f32 v16, v48;
	v39 =	vmul.f32 v39, v42  }
0x2cf: {  	v16 =	vmul.f32 v50, v30;
	v45 =	vadd.f32 v45, v11;
	v42 =	vmax.f32 v55, $9.999999740e-06  }
0x2d0: {  	v15 =	vmovc v11;
	v11 =	vmul.f32 v52, v18;
	v61 =	vsub.s32 $0x7EF311C3, v42;
	v47 =	vmul.f32 v39, v47  }
0x2d1: {  	vm12 =	vgt.f32 v37, $9.999999740e-06;
	v39 =	vmul.f32 v39, v45;
	v63 =	vmul.f32 v61, v42  }
0x2d2: {  	v48 =	vadd.f32 v48, v12;
	vm5 =	vgt.f32 v55, $9.999999740e-06;
	v52 =	vmul.f32 v52, v9  }
0x2d3: {  	v45 =	vmul.f32 $1.953125000e-03, v47;
	v47 =	vmul.f32 $7.102272940e-04, v39;
	v37 =	vsub.f32 $2.000000000e+00, v63  }
0x2d4: {  	v21 =	vadd.f32 v14, v11;
	v11 =	vmovc v56;
	v56 =	vmul.f32 v54, v56;
	v63 =	vmul.f32 v54, v60  }
0x2d5: {  	vm13 =	vgt.f32 v45, $0.0e+00;
	vm14 =	vlt.f32 v45, $1.000000000e+00;
	v37 =	vmul.f32 v61, v37  }
0x2d6: {  	vm15 =	vlt.f32 v47, $1.000000000e+00;
	vm4 =	vgt.f32 v47, $0.0e+00;
	v61 =	vmul.f32 v53, v4  }
0x2d7: {  	v39 =	vld [tilespmem:s21+$0x0];
	v58 =	vmax.f32 v47, $-2.099999900e+00;
	v56 =	vadd.f32 v56, v21;
	v42 =	vmul.f32 v37, v42  }
0x2d8: {  	v45 =	vmax.f32 v45, $-2.099999900e+00;
	vm0 =	vmand vm12, vm13;
	v49 =	vadd.f32 v61, v29  }
0x2d9: {  	v21 =	vmul.f32 v51, v38;
	vm0 =	vmand vm14, vm0;
	v42 =	vsub.f32 $2.000000000e+00, v42  }
0x2da: {  	v47 =	vmul.f32 v54, v3;
	vm0 =	vmand vm15, vm0;
	v49 =	vadd.f32 v63, v49  }
0x2db: {  	v56 =	vadd.f32 v56, v20;
	vm0 =	vmand vm4, vm0;
	v37 =	vmul.f32 v42, v37  }
0x2dc: {  	v10 =	vmul.f32 v39, v33;
	v29 =	vsel vm0, $0x3F800000, v22;
	v49 =	vadd.f32 v49, v6  }
0x2dd: {  	v14 =	vmovc v5;
	v5 =	vmovc v4;
	v42 =	vmin.f32 v58, $2.099999900e+00;
	v4 =	vmul.f32 v37, v48;
	v48 =	vmin.f32 v45, $2.099999900e+00  }
0x2de: {  	v56 =	vmul.f32 v37, v56;
	v45 =	vadd.f32 v16, v10;
	v58 =	vmax.f32 v49, $9.999999740e-06  }
0x2df: {  	v10 =	vmul.f32 v53, v7;
	v53 =	vmul.f32 v53, v62;
	v16 =	vsub.s32 $0x7EF311C3, v58  }
0x2e0: {  	v37 =	vmul.f32 $1.953125000e-03, v4;
	v45 =	vadd.f32 v21, v45;
	v21 =	vmul.f32 v16, v58  }
0x2e1: {  	v13 =	vmovc v57;
	v57 =	vadd.f32 v10, v36;
	v36 =	vmul.f32 v54, v8;
	v52 =	vadd.f32 v53, v52  }
0x2e2: {  	v53 =	vmul.f32 v39, v28;
	vm6 =	vgt.f32 v37, $0.0e+00;
	vm7 =	vlt.f32 v37, $1.000000000e+00  }
0x2e3: {  	v61 =	vadd.f32 v45, v35;
	v45 =	vmul.f32 $7.102272940e-04, v56;
	v55 =	vsub.f32 $2.000000000e+00, v21  }
0x2e4: {  	v63 =	vadd.f32 v36, v57;
	v52 =	vadd.f32 v47, v52;
	vm0 =	vmand vm5, vm6  }
0x2e5: {  	v37 =	vmax.f32 v37, $-2.099999900e+00;
	vm0 =	vmand vm7, vm0;
	v57 =	vmax.f32 v61, $9.999999740e-06  }
0x2e6: {  	v55 =	vmul.f32 v16, v55;
	vm8 =	vlt.f32 v45, $1.000000000e+00;
	v56 =	vadd.f32 v63, v1  }
0x2e7: {  	v4 =	vmovc v59;
	v36 =	vmovc v62;
	v62 =	vmul.f32 v50, v17;
	v63 =	vmul.f32 v50, v32;
	v59 =	vsub.s32 $0x7EF311C3, v57  }
0x2e8: {  	v52 =	vadd.f32 v52, v2;
	vm9 =	vgt.f32 v45, $0.0e+00;
	v16 =	vmul.f32 v59, v57  }
0x2e9: {  	v10 =	vmovc v1;
	vm10 =	vgt.f32 v61, $9.999999740e-06;
	vm0 =	vmand vm8, vm0;
	v1 =	vmul.f32 v55, v58  }
0x2ea: {  	v0 =	vmovc v60;
	v58 =	vmul.f32 v39, v44;
	v53 =	vadd.f32 v63, v53;
	v60 =	vsub.f32 $2.000000000e+00, v16  }
0x2eb: {  	v21 =	vmovc v44;
	v44 =	vmul.f32 v51, v23;
	v54 =	vsub.f32 $2.000000000e+00, v1;
	v1 =	vmul.f32 v39, v40  }
0x2ec: {  	v16 =	vmul.f32 v50, v27;
	v58 =	vadd.f32 v62, v58;
	v59 =	vmul.f32 v59, v60  }
0x2ed: {  	v40 =	vmul.f32 v51, v24;
	v53 =	vadd.f32 v31, v53;
	v31 =	vmul.f32 v39, v14  }
0x2ee: {  	vm0 =	vmand vm9, vm0;
	v62 =	vmul.f32 v39, v34;
	v57 =	vmul.f32 v59, v57  }
0x2ef: {  	v1 =	vadd.f32 v16, v1;
	v58 =	vadd.f32 v40, v58;
	v54 =	vmul.f32 v54, v55  }
0x2f0: {  	v53 =	vadd.f32 v53, v25;
	v60 =	vmul.f32 v51, v0;
	v57 =	vsub.f32 $2.000000000e+00, v57  }
0x2f1: {  	v1 =	vadd.f32 v44, v1;
	v63 =	vadd.f32 v58, v15;
	v56 =	vmul.f32 v54, v56  }
0x2f2: {  	v58 =	vmax.f32 v53, $9.999999740e-06;
	v52 =	vmul.f32 v54, v52;
	v57 =	vmul.f32 v57, v59  }
0x2f3: {  	v44 =	vmovc v43;
	v55 =	vsub.s32 $0x7EF311C3, v58;
	v1 =	vadd.f32 v1, v43;
	v43 =	vmul.f32 v50, v5  }
0x2f4: {  	v24 =	vmovc v5;
	v40 =	vmovc v15;
	vm15 =	vgt.f32 v53, $9.999999740e-06;
	v16 =	vmul.f32 v55, v58;
	v15 =	vmul.f32 v57, v63  }
0x2f5: {  	v5 =	vmovc v0;
	v0 =	vmul.f32 v50, v13;
	v59 =	vadd.f32 v43, v31;
	v1 =	vmul.f32 v57, v1  }
0x2f6: {  	v57 =	vsub.f32 $2.000000000e+00, v16;
	v16 =	vmul.f32 v39, v18;
	v54 =	vmul.f32 $7.102272940e-04, v15  }
0x2f7: {  	v47 =	vmovc v27;
	v59 =	vadd.f32 v60, v59;
	v1 =	vmul.f32 $1.953125000e-03, v1;
	v15 =	vmul.f32 v50, v26  }
0x2f8: {  	v27 =	vmovc v13;
	v55 =	vmul.f32 v55, v57;
	v57 =	vadd.f32 v0, v16;
	v0 =	vmul.f32 v51, v11  }
0x2f9: {  	v31 =	vmovc v26;
	v26 =	vmul.f32 v51, v19;
	v59 =	vadd.f32 v59, v6;
	v13 =	vadd.f32 v15, v62  }
0x2fa: {  	v58 =	vmul.f32 v55, v58;
	vm11 =	vgt.f32 v1, $0.0e+00;
	v57 =	vadd.f32 v0, v57  }
0x2fb: {  	v61 =	vmax.f32 v59, $9.999999740e-06;
	vm12 =	vlt.f32 v1, $1.000000000e+00;
	v60 =	vadd.f32 v26, v13  }
0x2fc: {  	v43 =	vmovc v18;
	vm13 =	vlt.f32 v54, $1.000000000e+00;
	vm14 =	vgt.f32 v54, $0.0e+00;
	v0 =	vmul.f32 v50, v36  }
0x2fd: {  	v18 =	vmovc v6;
	v6 =	vmovc v12;
	v58 =	vsub.f32 $2.000000000e+00, v58;
	v60 =	vadd.f32 v60, v12;
	v12 =	vsub.s32 $0x7EF311C3, v61  }
0x2fe: {  	v54 =	vmax.f32 v54, $-2.099999900e+00;
	v50 =	vmul.f32 v50, v7;
	v13 =	vmul.f32 v12, v61  }
0x2ff: {  	v16 =	vmovc v11;
	v11 =	vmul.f32 v51, v3;
	v1 =	vmax.f32 v1, $-2.099999900e+00;
	v55 =	vmul.f32 v58, v55  }
0x300: {  	vm1 =	vmand vm10, vm11;
	v57 =	vadd.f32 v57, v20;
	v15 =	vsub.f32 $2.000000000e+00, v13  }
0x301: {  	v54 =	vmin.f32 v54, $2.099999900e+00;
	v26 =	vmul.f32 v39, v9;
	v60 =	vmul.f32 v55, v60  }
0x302: {  	v1 =	vmin.f32 v1, $2.099999900e+00;
	v55 =	vmul.f32 v55, v57;
	v57 =	vmul.f32 v12, v15  }
0x303: {  	vm10 =	vgt.f32 v59, $9.999999740e-06;
	vm1 =	vmand vm12, vm1;
	v39 =	vmul.f32 v39, v4  }
0x304: {  	vm1 =	vmand vm13, vm1;
	v12 =	vmovc v4;
	v4 =	vadd.f32 v0, v26;
	v61 =	vmul.f32 v57, v61  }
0x305: {  	vm1 =	vmand vm14, vm1;
	v39 =	vadd.f32 v50, v39;
	v13 =	vmul.f32 v51, v8  }
0x306: {  	s26 =	sadd.s32 $0x2A00, s19;
	v60 =	vmul.f32 $1.953125000e-03, v60;
	v15 =	vadd.f32 v11, v4;
	v26 =	vsub.f32 $2.000000000e+00, v61  }
0x307: {  	s29 =	sor.u32 s18, s26;
	v55 =	vmul.f32 $7.102272940e-04, v55;
	v50 =	vadd.f32 v13, v39;
	v39 =	vsel vm1, $0x3F800000, v22  }
0x308: {  	[tilespmem:s29+$0x14480] =	vst v29;
	vm3 =	vgt.f32 v60, $0.0e+00;
	v51 =	vadd.f32 v15, v2;
	v53 =	vmul.f32 v26, v57  }
0x309: {  	[tilespmem:s29+$0x5480] =	vst v42;
	vm6 =	vlt.f32 v60, $1.000000000e+00;
	vm2 =	vmand vm15, vm3;
	v50 =	vadd.f32 v50, v10  }
0x30a: {  	[tilespmem:s29+$0xCC80] =	vst v48;
	vm8 =	vlt.f32 v55, $1.000000000e+00;
	vm7 =	vmand vm6, vm2;
	v51 =	vmul.f32 v53, v51  }
0x30b: {  	[tilespmem:s21+$0x5480] =	vst v54;
	vm9 =	vgt.f32 v55, $0.0e+00;
	vm1 =	vmand vm8, vm7;
	v50 =	vmul.f32 v53, v50  }
0x30c: {  	[tilespmem:s21+$0xCC80] =	vst v1;
	v61 =	vmax.f32 v60, $-2.099999900e+00;
	vm1 =	vmand vm9, vm1;
	v51 =	vmul.f32 $1.953125000e-03, v51  }
0x30d: {  	[tilespmem:$0x1FD50] =	vst v39;
	v57 =	vmax.f32 v55, $-2.099999900e+00;
	v62 =	vsel vm1, $0x3F800000, v22;
	v58 =	vmul.f32 $7.102272940e-04, v50  }
0x30e: {  	[tilespmem:s21+$0x14480] =	vst v39;
	v42 =	vmin.f32 v57, $2.099999900e+00;
	v50 =	vmin.f32 v61, $2.099999900e+00;
	vm11 =	vgt.f32 v51, $0.0e+00  }
0x30f: {  	[tilespmem:s21+$0x14500] =	vst v62;
	vm12 =	vlt.f32 v51, $1.000000000e+00;
	vm13 =	vlt.f32 v58, $1.000000000e+00;
	vm2 =	vmand vm10, vm11  }
0x310: {  	[tilespmem:s21+$0x5500] =	vst v42;
	v63 =	vmax.f32 v58, $-2.099999900e+00;
	vm15 =	vgt.f32 v58, $0.0e+00;
	vm2 =	vmand vm12, vm2  }
0x311: {  	v26 =	vmovc v10;
	[tilespmem:s21+$0xCD00] =	vst v50;
	v10 =	vmax.f32 v51, $-2.099999900e+00;
	v4 =	vmin.f32 v63, $2.099999900e+00;
	vm14 =	vmand vm13, vm2  }
0x312: {  	v11 =	vmul.f32 $1.953125000e-03, v52;
	v13 =	vmin.f32 v10, $2.099999900e+00;
	[tilespmem:s21+$0x5580] =	vst v4;
	vm1 =	vmand vm15, vm14  }
0x313: {  	vm4 =	vgt.f32 v49, $9.999999740e-06;
	v37 =	vmin.f32 v37, $2.099999900e+00;
	v53 =	vld [tilespmem:s21+$0x280];
	[tilespmem:s21+$0xCD80] =	vst v13;
	v39 =	vsel vm1, $0x3F800000, v22  }
0x314: {  	s31 =	sor.u32 s20, s25;
	s25 =	sadd.s32 $0x2A80, s19;
	v52 =	vsel vm0, $0x3F800000, v22;
	v15 =	vmax.f32 v45, $-2.099999900e+00;
	v59 =	vmax.f32 v11, $-2.099999900e+00;
	v50 =	vld [tilespmem:s21+$0x80];
	[tilespmem:s21+$0x14580] =	vst v39  }
0x315: {  	vm5 =	vgt.f32 v11, $0.0e+00;
	v45 =	vmin.f32 v15, $2.099999900e+00;
	[tilespmem:$0x1FD60] =	vst v62;
	v42 =	vmul.f32 $7.102272940e-04, v56;
	v54 =	vld [tilespmem:s31+$0x0];
	s31 =	sor.u32 s18, s25  }
0x316: {  	vm6 =	vlt.f32 v11, $1.000000000e+00;
	vm0 =	vmand vm4, vm5;
	v60 =	vmin.f32 v59, $2.099999900e+00;
	[tilespmem:s31+$0x5480] =	vst v45  }
0x317: {  	s29 =	sadd.s32 $0x2B00, s19;
	vm0 =	vmand vm6, vm0;
	vm7 =	vlt.f32 v42, $1.000000000e+00;
	v1 =	vmax.f32 v42, $-2.099999900e+00;
	[tilespmem:s31+$0xCC80] =	vst v37  }
0x318: {  	vm8 =	vgt.f32 v42, $0.0e+00;
	vm0 =	vmand vm7, vm0;
	v1 =	vmin.f32 v1, $2.099999900e+00;
	[tilespmem:s31+$0x14480] =	vst v52;
	s31 =	sor.u32 s18, s29  }
0x319: {  	vm0 =	vmand vm8, vm0;
	v58 =	vmul.f32 v53, v30;
	v57 =	vmul.f32 v50, v33;
	[tilespmem:s31+$0x5480] =	vst v1  }
0x31a: {  	v62 =	vsel vm0, $0x3F800000, v22;
	[tilespmem:s31+$0xCC80] =	vst v60  }
0x31b: {  	v48 =	vadd.f32 v58, v57;
	[tilespmem:s31+$0x14480] =	vst v62;
	v61 =	vmul.f32 v54, v38  }
0x31c: {  	v49 =	vld [tilespmem:s30+$0x0]  }
0x31d: {  	v63 =	vadd.f32 v61, v48;
	v48 =	vld [tilespmem:s22+$0x180];
	_ =	sdelay $0x1  }
0x31e: {  	v1 =	vadd.f32 v63, v35  }
0x31f: {  	v15 =	vmov v21;
	v59 =	vmul.f32 v50, v21;
	v21 =	vld [tilespmem:$0x1FE00]  }
0x320: {  	[tilespmem:$0x1FD70] =	vst v39;
	v39 =	vld [tilespmem:$0x1FCF0];
	s22 =	sadd.s32 $0x2980, s19;
	v51 =	vmax.f32 v1, $9.999999740e-06  }
0x321: {  	v11 =	vmul.f32 v49, v30;
	s31 =	sor.u32 s18, s22;
	v55 =	vsub.s32 $0x7EF311C3, v51;
	v10 =	vmul.f32 v48, v33  }
0x322: {  	v4 =	vmovc v29;
	v29 =	vmovc v38;
	v42 =	vmul.f32 v50, v28;
	v45 =	vmov v17;
	v38 =	vld [tilespmem:s31+$0x0];
	v0 =	vmul.f32 v55, v51  }
0x323: {  	v17 =	vmul.f32 v53, v17;
	v37 =	vmovc v47;
	v57 =	vadd.f32 v11, v10;
	v11 =	vmul.f32 v53, v47;
	v47 =	vld [tilespmem:$0x1FDE0]  }
0x324: {  	v56 =	vsub.f32 $2.000000000e+00, v0;
	v0 =	vmul.f32 v53, v32  }
0x325: {  	v59 =	vadd.f32 v17, v59;
	v41 =	vadd.f32 v41, v39;
	v10 =	vmul.f32 v50, v21  }
0x326: {  	v60 =	vld [tilespmem:$0x1FD00];
	v13 =	vmul.f32 v54, v46;
	v55 =	vmul.f32 v55, v56;
	v61 =	vadd.f32 v0, v42  }
0x327: {  	v39 =	vmul.f32 v54, v23;
	v42 =	vmovc v46;
	v56 =	vadd.f32 v11, v10;
	v46 =	vmul.f32 v38, v29  }
0x328: {  	v17 =	vmul.f32 v54, v47;
	v51 =	vmul.f32 v55, v51;
	v61 =	vadd.f32 v13, v61  }
0x329: {  	v56 =	vadd.f32 v39, v56;
	v57 =	vadd.f32 v46, v57  }
0x32a: {  	vm9 =	vgt.f32 v1, $9.999999740e-06;
	v59 =	vadd.f32 v17, v59;
	v51 =	vsub.f32 $2.000000000e+00, v51  }
0x32b: {  	v10 =	vmul.f32 v53, v24;
	v58 =	vadd.f32 v61, v25;
	v61 =	vadd.f32 v41, v60  }
0x32c: {  	[tilespmem:$0x1FDA0] =	vst v62;
	v46 =	vmul.f32 v50, v34;
	v62 =	vadd.f32 v56, v44;
	v63 =	vadd.f32 v57, v35;
	v17 =	vld [tilespmem:$0x1FD10]  }
0x32d: {  	v0 =	vmovc v44;
	v44 =	vmul.f32 v54, v5;
	v59 =	vadd.f32 v59, v40;
	v55 =	vmul.f32 v51, v55  }
0x32e: {  	v13 =	vmovc v34;
	v56 =	vmax.f32 v58, $9.999999740e-06;
	v51 =	vmul.f32 v50, v14;
	vm14 =	vgt.f32 v58, $9.999999740e-06  }
0x32f: {  	v58 =	vmul.f32 v48, v13;
	v57 =	vmul.f32 v55, v59;
	v59 =	vsub.s32 $0x7EF311C3, v56  }
0x330: {  	v11 =	vmovc v40;
	v34 =	vmovc v5;
	v41 =	vmul.f32 v55, v62;
	v55 =	vmax.f32 v63, $9.999999740e-06;
	v60 =	vadd.f32 v10, v51  }
0x331: {  	v5 =	vmovc v31;
	v51 =	vmul.f32 v53, v31;
	v31 =	vmul.f32 v50, v43;
	v40 =	vadd.f32 v17, v61  }
0x332: {  	v39 =	vmul.f32 v59, v56;
	v57 =	vmul.f32 $7.102272940e-04, v57;
	v60 =	vadd.f32 v44, v60  }
0x333: {  	v62 =	vmul.f32 $1.953125000e-03, v41;
	v1 =	vadd.f32 v51, v46;
	v51 =	vmul.f32 v54, v16  }
0x334: {  	v17 =	vsub.f32 $2.000000000e+00, v39;
	v39 =	vmul.f32 v53, v27;
	v60 =	vadd.f32 v60, v18  }
0x335: {  	vm10 =	vgt.f32 v62, $0.0e+00;
	vm11 =	vlt.f32 v62, $1.000000000e+00;
	vm12 =	vlt.f32 v57, $1.000000000e+00  }
0x336: {  	vm13 =	vgt.f32 v57, $0.0e+00;
	v41 =	vmul.f32 v59, v17;
	v59 =	vadd.f32 v39, v31  }
0x337: {  	vm0 =	vmand vm9, vm10;
	v39 =	vmul.f32 v50, v9;
	v50 =	vmul.f32 v50, v12  }
0x338: {  	vm0 =	vmand vm11, vm0;
	v17 =	vmovc v43;
	v43 =	vmul.f32 v54, v19;
	v56 =	vmul.f32 v41, v56  }
0x339: {  	v16 =	vmovc v18;
	v18 =	vadd.f32 v51, v59;
	v59 =	vmax.f32 v60, $9.999999740e-06;
	vm0 =	vmand vm12, vm0  }
0x33a: {  	vm8 =	vgt.f32 v60, $9.999999740e-06;
	v19 =	vsub.s32 $0x7EF311C3, v59;
	vm0 =	vmand vm13, vm0  }
0x33b: {  	[tilespmem:$0x1FD40] =	vst v63;
	v10 =	vmovc v27;
	v1 =	vadd.f32 v43, v1;
	v63 =	vsub.f32 $2.000000000e+00, v56;
	v27 =	vmul.f32 v19, v59  }
0x33c: {  	v56 =	vadd.f32 v18, v20;
	v43 =	vmul.f32 v53, v36;
	v53 =	vmul.f32 v53, v7  }
0x33d: {  	v51 =	vmovc v20;
	v20 =	vmovc v7;
	v7 =	vmul.f32 v54, v8;
	v1 =	vadd.f32 v1, v6;
	v31 =	vsub.f32 $2.000000000e+00, v27  }
0x33e: {  	v41 =	vmul.f32 v63, v41;
	v44 =	vadd.f32 v43, v39;
	v6 =	vmul.f32 v54, v3  }
0x33f: {  	v50 =	vadd.f32 v53, v50;
	v43 =	vsel vm0, $0x3F800000, v22;
	v46 =	vmul.f32 v19, v31  }
0x340: {  	v63 =	vmax.f32 v62, $-2.099999900e+00;
	v1 =	vmul.f32 v41, v1;
	v41 =	vmul.f32 v41, v56  }
0x341: {  	v56 =	vmax.f32 v57, $-2.099999900e+00;
	v19 =	vmovc v8;
	v8 =	vadd.f32 v6, v44;
	v59 =	vmul.f32 v46, v59  }
0x342: {  	v50 =	vadd.f32 v7, v50;
	v6 =	vmin.f32 v63, $2.099999900e+00;
	v1 =	vmul.f32 $1.953125000e-03, v1  }
0x343: {  	v27 =	vmovc v9;
	v61 =	vmin.f32 v56, $2.099999900e+00;
	v18 =	vmul.f32 $7.102272940e-04, v41;
	v9 =	vsub.f32 $2.000000000e+00, v59  }
0x344: {  	v41 =	vadd.f32 v8, v2;
	v50 =	vadd.f32 v50, v26;
	vm15 =	vgt.f32 v1, $0.0e+00  }
0x345: {  	vm4 =	vlt.f32 v1, $1.000000000e+00;
	vm6 =	vlt.f32 v18, $1.000000000e+00;
	v46 =	vmul.f32 v9, v46  }
0x346: {  	v39 =	vmovc v3;
	vm7 =	vgt.f32 v18, $0.0e+00;
	v3 =	vmax.f32 v18, $-2.099999900e+00;
	v1 =	vmax.f32 v1, $-2.099999900e+00  }
0x347: {  	s24 =	sadd.s32 $0x10, s24;
	v18 =	vsub.s32 $0x7EF311C3, v55;
	vm1 =	vmand vm14, vm15;
	v53 =	vmul.f32 v46, v41  }
0x348: {  	s31 =	sor.u32 $0x300, s24;
	[tilespmem:$0x1FD80] =	vst v43;
	v7 =	vmin.f32 v3, $2.099999900e+00;
	vm5 =	vmand vm4, vm1;
	v46 =	vmul.f32 v46, v50  }
0x349: {  	[tilespmem:s31+$0x14480] =	vst v43;
	v60 =	vmul.f32 v18, v55;
	vm0 =	vmand vm6, vm5;
	v53 =	vmul.f32 $1.953125000e-03, v53  }
0x34a: {  	v62 =	vld [tilespmem:$0x1FD20];
	[tilespmem:s31+$0xCC80] =	vst v6;
	v1 =	vmin.f32 v1, $2.099999900e+00;
	vm0 =	vmand vm7, vm0;
	v46 =	vmul.f32 $7.102272940e-04, v46  }
0x34b: {  	s24 =	sor.u32 $0x380, s24;
	[tilespmem:s31+$0x5480] =	vst v61;
	v63 =	vsub.f32 $2.000000000e+00, v60;
	v50 =	vsel vm0, $0x3F800000, v22;
	vm9 =	vgt.f32 v53, $0.0e+00  }
0x34c: {  	v6 =	vld [tilespmem:$0x1FD30];
	[tilespmem:s24+$0x5480] =	vst v7;
	vm10 =	vlt.f32 v53, $1.000000000e+00;
	vm11 =	vlt.f32 v46, $1.000000000e+00;
	vm1 =	vmand vm8, vm9  }
0x34d: {  	[tilespmem:s24+$0xCC80] =	vst v1;
	v8 =	vmax.f32 v46, $-2.099999900e+00;
	vm13 =	vgt.f32 v46, $0.0e+00;
	vm1 =	vmand vm10, vm1  }
0x34e: {  	[tilespmem:s24+$0x14480] =	vst v50;
	v9 =	vmax.f32 v53, $-2.099999900e+00;
	v1 =	vmin.f32 v8, $2.099999900e+00;
	vm12 =	vmand vm11, vm1  }
0x34f: {  	v59 =	vmin.f32 v9, $2.099999900e+00;
	[tilespmem:s28+$0x5480] =	vst v1;
	v1 =	vadd.f32 v40, v62;
	vm0 =	vmand vm13, vm12  }
0x350: {  	v54 =	vmul.f32 v48, v21;
	v53 =	vmul.f32 v18, v63;
	[tilespmem:s28+$0xCC80] =	vst v59;
	v61 =	vsel vm0, $0x3F800000, v22  }
0x351: {  	v7 =	vmul.f32 v48, v15;
	v9 =	vmul.f32 v49, v45;
	v1 =	vadd.f32 v1, v6;
	[tilespmem:s28+$0x14480] =	vst v61  }
0x352: {  	v31 =	vmovc v2;
	v2 =	vmul.f32 v48, v14;
	v55 =	vmul.f32 v53, v55;
	v8 =	vmovc v15;
	v15 =	vmov v45;
	v43 =	vld [tilespmem:s21+$0x100]  }
0x353: {  	v45 =	vmovc v47;
	v47 =	vmul.f32 v38, v47;
	v44 =	vadd.f32 v9, v7;
	v1 =	vadd.f32 v4, v1;
	v56 =	vld [tilespmem:s31+$0x0]  }
0x354: {  	s23 =	sor.u32 s20, s23;
	v18 =	vmul.f32 v48, v28;
	v55 =	vsub.f32 $2.000000000e+00, v55;
	[tilespmem:$0x1FD90] =	vst v61;
	v61 =	vmul.f32 v49, v37  }
0x355: {  	v40 =	vmul.f32 v49, v32;
	v44 =	vadd.f32 v47, v44;
	v57 =	vld [tilespmem:s23+$0x0];
	v1 =	vadd.f32 v1, v52  }
0x356: {  	v62 =	vmul.f32 v38, v42;
	v4 =	vmul.f32 v38, v23;
	v54 =	vadd.f32 v61, v54  }
0x357: {  	v53 =	vmul.f32 v55, v53;
	v44 =	vadd.f32 v44, v11;
	[tilespmem:$0x1FDB0] =	vst v1;
	v1 =	vadd.f32 v40, v18  }
0x358: {  	v6 =	vadd.f32 v4, v54;
	v41 =	vmul.f32 v43, v33;
	v60 =	vmul.f32 v56, v30  }
0x359: {  	v7 =	vmovc v28;
	v28 =	vmovc v37;
	v9 =	vmov v32;
	v54 =	vmul.f32 v53, v44;
	v1 =	vadd.f32 v62, v1  }
0x35a: {  	v37 =	vmovc v14;
	v63 =	vmul.f32 v57, v29;
	v14 =	vadd.f32 v6, v0;
	v47 =	vadd.f32 v60, v41  }
0x35b: {  	v46 =	vmul.f32 v43, v7;
	v9 =	vmul.f32 v56, v9;
	v52 =	vadd.f32 v1, v25  }
0x35c: {  	v18 =	vmovc v25;
	v1 =	vmul.f32 v48, v17;
	v60 =	vmul.f32 v49, v5;
	v47 =	vadd.f32 v63, v47  }
0x35d: {  	v40 =	vmovc v17;
	v17 =	vmovc v5;
	v25 =	vmov v24;
	v5 =	vmul.f32 v49, v24;
	v24 =	vmul.f32 v56, v15  }
0x35e: {  	v15 =	vmul.f32 v43, v21;
	v21 =	vmul.f32 v56, v28;
	v47 =	vadd.f32 v47, v35  }
0x35f: {  	v28 =	vmul.f32 v57, v45;
	v41 =	vmovc v23;
	v23 =	vmul.f32 v49, v10;
	v59 =	vmax.f32 v52, $9.999999740e-06  }
0x360: {  	v55 =	vadd.f32 v60, v58;
	v58 =	vmul.f32 v43, v8;
	v62 =	vmax.f32 v47, $9.999999740e-06  }
0x361: {  	v61 =	vsub.s32 $0x7EF311C3, v59;
	v44 =	vadd.f32 v23, v1;
	v3 =	vsub.s32 $0x7EF311C3, v62  }
0x362: {  	v1 =	vadd.f32 v9, v46;
	v46 =	vmul.f32 v57, v42;
	v6 =	vmul.f32 v3, v62  }
0x363: {  	v2 =	vadd.f32 v5, v2;
	v63 =	vmul.f32 v61, v59;
	v24 =	vadd.f32 v24, v58  }
0x364: {  	v60 =	vmul.f32 v57, v41;
	v1 =	vadd.f32 v46, v1;
	v6 =	vsub.f32 $2.000000000e+00, v6  }
0x365: {  	v58 =	vmul.f32 v56, v17;
	v63 =	vsub.f32 $2.000000000e+00, v63;
	v46 =	vadd.f32 v21, v15  }
0x366: {  	v23 =	vmovc v7;
	v5 =	vadd.f32 v28, v24;
	v1 =	vadd.f32 v1, v18;
	v3 =	vmul.f32 v3, v6  }
0x367: {  	v21 =	vmovc v18;
	v28 =	vmul.f32 v56, v25;
	v18 =	vmul.f32 v43, v37;
	v7 =	vadd.f32 v60, v46  }
0x368: {  	vm14 =	vgt.f32 v47, $9.999999740e-06;
	v9 =	vmax.f32 v1, $9.999999740e-06;
	v15 =	vmul.f32 v3, v62  }
0x369: {  	v7 =	vadd.f32 v7, v0;
	v46 =	vsub.s32 $0x7EF311C3, v9;
	v6 =	vadd.f32 v28, v18  }
0x36a: {  	v32 =	vmovc v0;
	v24 =	vmovc v37;
	v0 =	vmul.f32 v46, v9;
	v18 =	vmul.f32 v61, v63;
	v37 =	vsub.f32 $2.000000000e+00, v15  }
0x36b: {  	v5 =	vadd.f32 v5, v11;
	v62 =	vmul.f32 v57, v34;
	v15 =	vmul.f32 v53, v14  }
0x36c: {  	vm6 =	vgt.f32 v1, $9.999999740e-06;
	v14 =	vmul.f32 v38, v34;
	v3 =	vmul.f32 v37, v3  }
0x36d: {  	v28 =	vmul.f32 v56, v10;
	v8 =	vsub.f32 $2.000000000e+00, v0;
	v6 =	vadd.f32 v62, v6  }
0x36e: {  	v2 =	vadd.f32 v14, v2;
	v14 =	vmul.f32 v43, v13;
	v7 =	vmul.f32 v3, v7  }
0x36f: {  	v0 =	vmovc v16;
	v3 =	vmul.f32 v3, v5;
	v5 =	vadd.f32 v6, v16;
	v16 =	vmul.f32 v43, v40  }
0x370: {  	v47 =	vadd.f32 v58, v14;
	v14 =	vld [tilespmem:$0x1FEE0];
	v2 =	vadd.f32 v2, v0;
	v6 =	vmul.f32 $1.953125000e-03, v7  }
0x371: {  	v7 =	vmul.f32 v46, v8;
	v60 =	vmax.f32 v5, $9.999999740e-06;
	v8 =	vadd.f32 v28, v16  }
0x372: {  	v3 =	vmul.f32 $7.102272940e-04, v3;
	vm8 =	vgt.f32 v5, $9.999999740e-06;
	v62 =	vsub.s32 $0x7EF311C3, v60  }
0x373: {  	v16 =	vld [tilespmem:$0x1FEA0];
	v9 =	vmul.f32 v7, v9;
	v4 =	vmul.f32 v62, v60;
	vm15 =	vgt.f32 v6, $0.0e+00  }
0x374: {  	vm4 =	vlt.f32 v6, $1.000000000e+00;
	vm5 =	vlt.f32 v3, $1.000000000e+00;
	vm7 =	vgt.f32 v3, $0.0e+00  }
0x375: {  	v3 =	vmax.f32 v3, $-2.099999900e+00;
	v6 =	vmax.f32 v6, $-2.099999900e+00;
	v46 =	vmul.f32 v57, v14  }
0x376: {  	vm0 =	vmand vm14, vm15;
	v3 =	vmin.f32 v3, $2.099999900e+00;
	v61 =	vmin.f32 v6, $2.099999900e+00  }
0x377: {  	v9 =	vsub.f32 $2.000000000e+00, v9;
	v63 =	vsub.f32 $2.000000000e+00, v4;
	v4 =	vmul.f32 v43, v12  }
0x378: {  	v58 =	vmovc v12;
	v43 =	vmul.f32 v43, v27;
	v12 =	vld [tilespmem:$0x1FEF0];
	vm0 =	vmand vm4, vm0;
	v28 =	vmul.f32 v57, v16  }
0x379: {  	v47 =	vadd.f32 v46, v47;
	v46 =	vmul.f32 v57, v19;
	v1 =	vmul.f32 v38, v16  }
0x37a: {  	v53 =	vmul.f32 v62, v63;
	v8 =	vadd.f32 v28, v8;
	v28 =	vmul.f32 v56, v20  }
0x37b: {  	vm0 =	vmand vm5, vm0;
	v7 =	vmul.f32 v9, v7;
	v56 =	vmul.f32 v56, v36  }
0x37c: {  	v63 =	vmul.f32 v53, v60;
	v8 =	vadd.f32 v8, v51;
	v9 =	vadd.f32 v28, v4  }
0x37d: {  	v62 =	vmul.f32 v57, v39;
	v47 =	vadd.f32 v47, v12;
	v43 =	vadd.f32 v56, v43  }
0x37e: {  	vm0 =	vmand vm7, vm0;
	v9 =	vadd.f32 v46, v9;
	v46 =	vsub.f32 $2.000000000e+00, v63  }
0x37f: {  	v1 =	vadd.f32 v1, v44;
	v8 =	vmul.f32 v7, v8;
	v28 =	vadd.f32 v62, v43  }
0x380: {  	v7 =	vmul.f32 v7, v47;
	v53 =	vmul.f32 v46, v53;
	v56 =	vadd.f32 v9, v26  }
0x381: {  	v1 =	vadd.f32 v1, v51;
	v43 =	vmul.f32 $1.953125000e-03, v15;
	v57 =	vadd.f32 v28, v31  }
0x382: {  	v47 =	vsel vm0, $0x3F800000, v22;
	v7 =	vmul.f32 $1.953125000e-03, v7;
	v4 =	vmul.f32 v53, v56  }
0x383: {  	vm7 =	vgt.f32 v43, $0.0e+00;
	v9 =	vmul.f32 v53, v57;
	v56 =	vmul.f32 v38, v14  }
0x384: {  	v57 =	vmul.f32 v18, v59;
	v59 =	vmul.f32 $7.102272940e-04, v8;
	vm9 =	vgt.f32 v7, $0.0e+00  }
0x385: {  	v28 =	vld [tilespmem:$0x1FD40];
	vm10 =	vlt.f32 v7, $1.000000000e+00;
	v63 =	vmax.f32 v7, $-2.099999900e+00;
	vm0 =	vmand vm6, vm9  }
0x386: {  	v7 =	vmin.f32 v63, $2.099999900e+00;
	vm9 =	vgt.f32 v52, $9.999999740e-06;
	vm0 =	vmand vm10, vm0  }
0x387: {  	vm11 =	vlt.f32 v59, $1.000000000e+00;
	vm12 =	vgt.f32 v59, $0.0e+00;
	v60 =	vmul.f32 $1.953125000e-03, v9  }
0x388: {  	v5 =	vmax.f32 v59, $-2.099999900e+00;
	v4 =	vmul.f32 $7.102272940e-04, v4;
	v46 =	vadd.f32 v56, v55  }
0x389: {  	v55 =	vsub.f32 $2.000000000e+00, v57;
	v56 =	vmul.f32 $7.102272940e-04, v54;
	v57 =	vmul.f32 v48, v27  }
0x38a: {  	s26 =	sor.u32 s20, s26;
	vm0 =	vmand vm11, vm0;
	v62 =	vmin.f32 v5, $2.099999900e+00;
	vm6 =	vgt.f32 v28, $9.999999740e-06  }
0x38b: {  	[tilespmem:s26+$0x5480] =	vst v3;
	v5 =	vmax.f32 v2, $9.999999740e-06;
	vm0 =	vmand vm12, vm0;
	vm13 =	vgt.f32 v60, $0.0e+00  }
0x38c: {  	[tilespmem:s26+$0xCC80] =	vst v61;
	vm14 =	vlt.f32 v60, $1.000000000e+00;
	vm15 =	vlt.f32 v4, $1.000000000e+00;
	v9 =	vmax.f32 v4, $-2.099999900e+00  }
0x38d: {  	s28 =	sor.u32 s20, s25;
	v37 =	vmovc v11;
	[tilespmem:s26+$0x14480] =	vst v47;
	vm5 =	vgt.f32 v4, $0.0e+00;
	v11 =	vmax.f32 v60, $-2.099999900e+00;
	v60 =	vsub.s32 $0x7EF311C3, v5  }
0x38e: {  	[tilespmem:s28+$0xCC80] =	vst v7;
	v4 =	vmul.f32 v55, v18;
	v18 =	vmul.f32 v49, v20;
	vm1 =	vmand vm8, vm13  }
0x38f: {  	[tilespmem:s28+$0x5480] =	vst v62;
	vm10 =	vlt.f32 v56, $1.000000000e+00;
	v53 =	vsel vm0, $0x3F800000, v22;
	vm1 =	vmand vm14, vm1  }
0x390: {  	s29 =	sor.u32 s20, s29;
	v3 =	vmin.f32 v9, $2.099999900e+00;
	v62 =	vmul.f32 v60, v5;
	[tilespmem:s28+$0x14480] =	vst v53;
	vm4 =	vmand vm15, vm1  }
0x391: {  	v49 =	vmul.f32 v49, v36;
	v15 =	vmin.f32 v11, $2.099999900e+00;
	[tilespmem:s29+$0x5480] =	vst v3;
	vm0 =	vmand vm5, vm4  }
0x392: {  	[tilespmem:s29+$0xCC80] =	vst v15;
	v3 =	vadd.f32 v46, v12;
	v63 =	vsub.f32 $2.000000000e+00, v62;
	v44 =	vsel vm0, $0x3F800000, v22  }
0x393: {  	vm11 =	vgt.f32 v56, $0.0e+00;
	vm8 =	vlt.f32 v43, $1.000000000e+00;
	v1 =	vmul.f32 v4, v1;
	[tilespmem:s29+$0x14480] =	vst v44  }
0x394: {  	v59 =	vmovc v51;
	v43 =	vmax.f32 v43, $-2.099999900e+00;
	v3 =	vmul.f32 v4, v3;
	v4 =	vmul.f32 v60, v63;
	v51 =	vld [tilespmem:s21+$0x180]  }
0x395: {  	s30 =	sor.u32 s20, s22;
	v11 =	vmul.f32 v38, v39;
	v43 =	vmin.f32 v43, $2.099999900e+00;
	v15 =	vmul.f32 v48, v58;
	v55 =	vld [tilespmem:s24+$0x0]  }
0x396: {  	v62 =	vadd.f32 v49, v57;
	vm0 =	vmand vm6, vm7;
	v54 =	vld [tilespmem:s30+$0x0];
	v5 =	vmul.f32 v4, v5  }
0x397: {  	v28 =	vadd.f32 v18, v15;
	v63 =	vmul.f32 v38, v19;
	vm0 =	vmand vm8, vm0  }
0x398: {  	vm0 =	vmand vm10, vm0;
	v48 =	vmul.f32 $1.953125000e-03, v3;
	v5 =	vsub.f32 $2.000000000e+00, v5  }
0x399: {  	vm15 =	vgt.f32 v2, $9.999999740e-06;
	v6 =	vadd.f32 v63, v28;
	vm0 =	vmand vm11, vm0  }
0x39a: {  	v57 =	vld [tilespmem:$0x1FDD0];
	vm12 =	vgt.f32 v48, $0.0e+00;
	v4 =	vmul.f32 v5, v4;
	v46 =	vmul.f32 v51, v33  }
0x39b: {  	v6 =	vadd.f32 v6, v26;
	v52 =	vmul.f32 v55, v30;
	v60 =	vmul.f32 v54, v29;
	v29 =	vld [tilespmem:$0x1FF10]  }
0x39c: {  	v49 =	vsel vm0, $0x3F800000, v22;
	vm13 =	vlt.f32 v48, $1.000000000e+00;
	vm0 =	vmand vm9, vm12;
	v30 =	vld [tilespmem:$0x1FD50]  }
0x39d: {  	vm0 =	vmand vm13, vm0;
	v33 =	vld [tilespmem:$0x1FD60];
	v6 =	vmul.f32 v4, v6;
	v7 =	vadd.f32 v52, v46  }
0x39e: {  	v28 =	vmul.f32 v51, v23;
	v52 =	vmul.f32 $7.102272940e-04, v1;
	v1 =	vadd.f32 v11, v62  }
0x39f: {  	v23 =	vmul.f32 v54, v41;
	v46 =	vld [tilespmem:$0x1FDC0];
	v38 =	vmul.f32 $7.102272940e-04, v6;
	v7 =	vadd.f32 v60, v7  }
0x3a0: {  	v11 =	vld [tilespmem:$0x1FE00];
	v1 =	vadd.f32 v1, v31;
	vm14 =	vlt.f32 v52, $1.000000000e+00;
	vm6 =	vgt.f32 v52, $0.0e+00  }
0x3a1: {  	v60 =	vmul.f32 v55, v57;
	vm0 =	vmand vm14, vm0;
	v8 =	vmul.f32 v55, v29  }
0x3a2: {  	v6 =	vadd.f32 v33, v30;
	vm9 =	vlt.f32 v38, $1.000000000e+00;
	vm10 =	vgt.f32 v38, $0.0e+00  }
0x3a3: {  	v38 =	vmax.f32 v38, $-2.099999900e+00;
	v3 =	vadd.f32 v7, v35;
	v1 =	vmul.f32 v4, v1  }
0x3a4: {  	v35 =	vmul.f32 v54, v42;
	vm0 =	vmand vm6, vm0;
	v38 =	vmin.f32 v38, $2.099999900e+00  }
0x3a5: {  	v2 =	vadd.f32 v8, v28;
	v9 =	vmul.f32 v51, v46;
	v7 =	vmul.f32 v51, v11  }
0x3a6: {  	v61 =	vmovc v0;
	v46 =	vmul.f32 v55, v10;
	v57 =	vsel vm0, $0x3F800000, v22;
	v5 =	vmax.f32 v3, $9.999999740e-06  }
0x3a7: {  	v0 =	vmovc v20;
	v20 =	vmovc v39;
	v11 =	vmul.f32 v55, v25;
	v39 =	vmul.f32 $1.953125000e-03, v1;
	v15 =	vsub.s32 $0x7EF311C3, v5  }
0x3a8: {  	v42 =	vld [tilespmem:$0x1FD70];
	vm11 =	vgt.f32 v3, $9.999999740e-06;
	v2 =	vadd.f32 v35, v2;
	v18 =	vmul.f32 v15, v5  }
0x3a9: {  	v63 =	vadd.f32 v60, v9;
	v35 =	vmul.f32 v51, v13;
	v60 =	vmul.f32 v54, v16  }
0x3aa: {  	v13 =	vmul.f32 v54, v34;
	v34 =	vmul.f32 v55, v36;
	v4 =	vsub.f32 $2.000000000e+00, v18  }
0x3ab: {  	v33 =	vld [tilespmem:$0x1FD80];
	v36 =	vimm.f32 $0.0e+00;
	vm7 =	vgt.f32 v39, $0.0e+00;
	vm8 =	vlt.f32 v39, $1.000000000e+00  }
0x3ac: {  	v39 =	vmax.f32 v39, $-2.099999900e+00;
	v2 =	vadd.f32 v2, v21;
	v62 =	vmul.f32 v15, v4  }
0x3ad: {  	v6 =	vadd.f32 v6, v42;
	vm1 =	vmand vm15, vm7;
	v18 =	vmul.f32 v54, v45  }
0x3ae: {  	vm1 =	vmand vm8, vm1;
	v28 =	vmax.f32 v2, $9.999999740e-06;
	v5 =	vmul.f32 v62, v5  }
0x3af: {  	v45 =	vmul.f32 v51, v40;
	vm1 =	vmand vm9, vm1;
	v29 =	vsub.s32 $0x7EF311C3, v28  }
0x3b0: {  	v6 =	vadd.f32 v33, v6;
	v30 =	vmul.f32 v29, v28;
	v5 =	vsub.f32 $2.000000000e+00, v5  }
0x3b1: {  	vm4 =	vgt.f32 v2, $9.999999740e-06;
	v33 =	vmul.f32 v51, v27;
	v4 =	vadd.f32 v18, v63  }
0x3b2: {  	v15 =	vld [tilespmem:$0x1FE10];
	v3 =	vadd.f32 v46, v45;
	v1 =	vmul.f32 v5, v62;
	v5 =	vsub.f32 $2.000000000e+00, v30  }
0x3b3: {  	v63 =	vmul.f32 v51, v24;
	v6 =	vadd.f32 v6, v50;
	v50 =	vmul.f32 v54, v14;
	v14 =	vld [tilespmem:$0x1FD90]  }
0x3b4: {  	s31 =	sadd.s32 $0x5100, s19;
	vm12 =	vmand vm10, vm1;
	v18 =	vmul.f32 v51, v58;
	v5 =	vmul.f32 v29, v5  }
0x3b5: {  	s23 =	sor.u32 s18, s31;
	v24 =	vmul.f32 v54, v19;
	v51 =	vmax.f32 v52, $-2.099999900e+00;
	v3 =	vadd.f32 v60, v3  }
0x3b6: {  	[tilespmem:s23+$0xCC80] =	vst v43;
	v52 =	vmax.f32 v48, $-2.099999900e+00;
	v43 =	vmin.f32 v51, $2.099999900e+00;
	v9 =	vmul.f32 v5, v28  }
0x3b7: {  	v4 =	vadd.f32 v4, v37;
	v3 =	vadd.f32 v3, v59;
	v8 =	vmul.f32 v55, v15  }
0x3b8: {  	v37 =	vmul.f32 v55, v17;
	v6 =	vadd.f32 v6, v14;
	v9 =	vsub.f32 $2.000000000e+00, v9  }
0x3b9: {  	v62 =	vsel vm12, $0x3F800000, v22;
	v7 =	vadd.f32 v8, v7;
	v4 =	vmul.f32 v1, v4  }
0x3ba: {  	v6 =	vadd.f32 v47, v6;
	v5 =	vmul.f32 v9, v5;
	v9 =	vadd.f32 v11, v63  }
0x3bb: {  	v22 =	vmul.f32 v55, v0;
	v55 =	vmin.f32 v39, $2.099999900e+00;
	v7 =	vadd.f32 v23, v7  }
0x3bc: {  	v4 =	vmul.f32 $7.102272940e-04, v4;
	v6 =	vadd.f32 v6, v53;
	v9 =	vadd.f32 v13, v9  }
0x3bd: {  	v25 =	vld [tilespmem:$0x1FDA0];
	v53 =	vmin.f32 v52, $2.099999900e+00;
	v7 =	vadd.f32 v7, v32;
	v32 =	vmax.f32 v56, $-2.099999900e+00  }
0x3be: {  	v28 =	vld [tilespmem:$0x1FDB0];
	vm15 =	vlt.f32 v4, $1.000000000e+00;
	vm8 =	vgt.f32 v4, $0.0e+00;
	v16 =	vadd.f32 v9, v61  }
0x3bf: {  	v41 =	vmin.f32 v32, $2.099999900e+00;
	v6 =	vadd.f32 v6, v44;
	v4 =	vmax.f32 v4, $-2.099999900e+00  }
0x3c0: {  	v1 =	vmul.f32 v1, v7;
	v7 =	vadd.f32 v37, v35;
	v17 =	vmax.f32 v16, $9.999999740e-06  }
0x3c1: {  	v35 =	vadd.f32 v34, v33;
	v4 =	vmin.f32 v4, $2.099999900e+00;
	v21 =	vsub.s32 $0x7EF311C3, v17  }
0x3c2: {  	v7 =	vadd.f32 v50, v7;
	v1 =	vmul.f32 $1.953125000e-03, v1;
	v23 =	vmul.f32 v21, v17  }
0x3c3: {  	v29 =	vadd.f32 v28, v25;
	v50 =	vmul.f32 v54, v20;
	v3 =	vmul.f32 v5, v3  }
0x3c4: {  	vm13 =	vgt.f32 v1, $0.0e+00;
	v7 =	vadd.f32 v7, v12;
	v46 =	vsub.f32 $2.000000000e+00, v23  }
0x3c5: {  	[tilespmem:s23+$0x5480] =	vst v41;
	vm14 =	vlt.f32 v1, $1.000000000e+00;
	v37 =	vadd.f32 v49, v29;
	v41 =	vadd.f32 v50, v35  }
0x3c6: {  	v1 =	vmax.f32 v1, $-2.099999900e+00;
	vm0 =	vmand vm11, vm13;
	v30 =	vmul.f32 v21, v46  }
0x3c7: {  	v3 =	vmul.f32 $7.102272940e-04, v3;
	v9 =	vadd.f32 v22, v18;
	v1 =	vmin.f32 v1, $2.099999900e+00  }
0x3c8: {  	s24 =	sadd.s32 $0x5180, s19;
	v7 =	vmul.f32 v5, v7;
	vm0 =	vmand vm14, vm0;
	v2 =	vmul.f32 v30, v17  }
0x3c9: {  	s25 =	sor.u32 s18, s24;
	[tilespmem:s23+$0x14480] =	vst v49;
	v37 =	vadd.f32 v37, v57;
	v54 =	vadd.f32 v41, v31;
	vm0 =	vmand vm15, vm0  }
0x3ca: {  	[tilespmem:s25+$0x5480] =	vst v43;
	vm7 =	vlt.f32 v3, $1.000000000e+00;
	v9 =	vadd.f32 v24, v9;
	v2 =	vsub.f32 $2.000000000e+00, v2  }
0x3cb: {  	[tilespmem:s25+$0xCC80] =	vst v53;
	vm11 =	vgt.f32 v16, $9.999999740e-06;
	v15 =	vmul.f32 $1.953125000e-03, v7;
	vm9 =	vmand vm8, vm0  }
0x3cc: {  	s26 =	sor.u32 s20, s31;
	s19 =	sadd.s32 $0x5200, s19;
	[tilespmem:s25+$0x14480] =	vst v57;
	v37 =	vadd.f32 v37, v62;
	v9 =	vadd.f32 v9, v26;
	v2 =	vmul.f32 v2, v30  }
0x3cd: {  	s18 =	sor.u32 s18, s19;
	[tilespmem:s26+$0x5480] =	vst v4;
	v56 =	vsel vm9, $0x3F800000, v36;
	vm5 =	vgt.f32 v15, $0.0e+00;
	vm6 =	vlt.f32 v15, $1.000000000e+00  }
0x3ce: {  	[tilespmem:s18+$0x5480] =	vst v38;
	v6 =	vadd.f32 v56, v6;
	v9 =	vmul.f32 v2, v9;
	v2 =	vmul.f32 v2, v54  }
0x3cf: {  	[tilespmem:s18+$0xCC80] =	vst v55;
	v5 =	vmax.f32 v15, $-2.099999900e+00;
	vm1 =	vmand vm4, vm5;
	vm4 =	vgt.f32 v3, $0.0e+00  }
0x3d0: {  	[tilespmem:s18+$0x14480] =	vst v62;
	v3 =	vmax.f32 v3, $-2.099999900e+00;
	vm1 =	vmand vm6, vm1;
	v2 =	vmul.f32 $1.953125000e-03, v2  }
0x3d1: {  	[tilespmem:s26+$0xCC80] =	vst v1;
	v60 =	vmin.f32 v5, $2.099999900e+00;
	v3 =	vmin.f32 v3, $2.099999900e+00;
	vm2 =	vmand vm7, vm1  }
0x3d2: {  	[tilespmem:s15+$0x0] =	vst v37;
	vm10 =	vmand vm4, vm2;
	v59 =	vmul.f32 $7.102272940e-04, v9;
	vm12 =	vgt.f32 v2, $0.0e+00  }
0x3d3: {  	s28 =	sor.u32 s20, s24;
	[tilespmem:s26+$0x14480] =	vst v56;
	v57 =	vsel vm10, $0x3F800000, v36;
	vm13 =	vlt.f32 v2, $1.000000000e+00;
	vm0 =	vmand vm11, vm12  }
0x3d4: {  	[tilespmem:s28+$0xCC80] =	vst v60;
	v58 =	vadd.f32 v6, v57;
	vm14 =	vlt.f32 v59, $1.000000000e+00;
	vm0 =	vmand vm13, vm0  }
0x3d5: {  	p0 =	slt.u32 s14, $0x4E0;
	[tilespmem:s28+$0x5480] =	vst v3;
	vm15 =	vgt.f32 v59, $0.0e+00;
	v1 =	vmax.f32 v59, $-2.099999900e+00;
	vm0 =	vmand vm14, vm0  }
.Ltmp1:
0x3d6: {  	s29 =	sor.u32 s20, s19;
	[tilespmem:s28+$0x14480] =	vst v57;
	v2 =	vmax.f32 v2, $-2.099999900e+00;
	v1 =	vmin.f32 v1, $2.099999900e+00;
	vm0 =	vmand vm15, vm0;
	(pc) =	sbr.rel @p0 .LBB2_4-.Ltmp1, $4  }
0x3d7: {  	v62 =	vmin.f32 v2, $2.099999900e+00;
	[tilespmem:s29+$0x5480] =	vst v1;
	v61 =	vsel vm0, $0x3F800000, v36  }
0x3d8: {  	s30 =	sand.u32 $0x780, s14;
	[tilespmem:s29+$0xCC80] =	vst v62;
	v63 =	vadd.f32 v58, v61  }
0x3d9: {  	s31 =	sor.u32 s20, s30;
	[tilespmem:s29+$0x14480] =	vst v61  }
0x3da: {  	s16 =	sadd.s32 $0x1, s16;
	s17 =	sadd.s32 $0x100, s17;
	s15 =	sadd.s32 $0x20, s15;
	[tilespmem:s31+$0x1BC80] =	vst v63  }
0x3db: {  	v1 =	vld [tilespmem:$0x5240]  }
0x3dc: {  	v28 =	vld [tilespmem:$0x5250]  }
0x3dd: {  	v29 =	vld [tilespmem:$0x5260]  }
0x3de: {  	v30 =	vld [tilespmem:$0x5270]  }
0x3df: {  	v31 =	vld [tilespmem:$0x5280]  }
0x3e0: {  	v32 =	vld [tilespmem:$0x5290];
	[tilespmem:$0x1FAB0] =	vst v1  }
0x3e1: {  	v33 =	vld [tilespmem:$0x52A0];
	[tilespmem:$0x1FAC0] =	vst v28  }
0x3e2: {  	v34 =	vld [tilespmem:$0x52B0];
	[tilespmem:$0x1FAD0] =	vst v29  }
0x3e3: {  	v35 =	vld [tilespmem:$0x52C0];
	[tilespmem:$0x1FAE0] =	vst v30  }
0x3e4: {  	v37 =	vld [tilespmem:$0x52D0];
	[tilespmem:$0x1FAF0] =	vst v31  }
0x3e5: {  	v38 =	vld [tilespmem:$0x52E0];
	[tilespmem:$0x1FB00] =	vst v32  }
0x3e6: {  	v39 =	vld [tilespmem:$0x52F0];
	[tilespmem:$0x1FB10] =	vst v33  }
0x3e7: {  	v40 =	vld [tilespmem:$0x5300];
	[tilespmem:$0x1FB20] =	vst v34  }
0x3e8: {  	v41 =	vld [tilespmem:$0x5310];
	[tilespmem:$0x1FB30] =	vst v35  }
0x3e9: {  	v42 =	vld [tilespmem:$0x5320];
	[tilespmem:$0x1FB40] =	vst v37  }
0x3ea: {  	v43 =	vld [tilespmem:$0x5330];
	[tilespmem:$0x1FB50] =	vst v38  }
0x3eb: {  	v44 =	vld [tilespmem:$0x5340];
	[tilespmem:$0x1FB60] =	vst v39  }
0x3ec: {  	v45 =	vld [tilespmem:$0x5350];
	[tilespmem:$0x1FB70] =	vst v40  }
0x3ed: {  	v46 =	vld [tilespmem:$0x5360];
	[tilespmem:$0x1FB80] =	vst v41  }
0x3ee: {  	v47 =	vld [tilespmem:$0x5370];
	[tilespmem:$0x1FB90] =	vst v42  }
0x3ef: {  	v48 =	vld [tilespmem:$0x5380];
	[tilespmem:$0x1FBA0] =	vst v43  }
0x3f0: {  	v49 =	vld [tilespmem:$0x5390];
	[tilespmem:$0x1FBB0] =	vst v44  }
0x3f1: {  	v50 =	vld [tilespmem:$0x53A0];
	[tilespmem:$0x1FBC0] =	vst v45  }
0x3f2: {  	v51 =	vld [tilespmem:$0x53B0];
	[tilespmem:$0x1FBD0] =	vst v46  }
0x3f3: {  	v52 =	vld [tilespmem:$0x53C0];
	[tilespmem:$0x1FBE0] =	vst v47  }
0x3f4: {  	v53 =	vld [tilespmem:$0x53D0];
	[tilespmem:$0x1FBF0] =	vst v48  }
0x3f5: {  	v54 =	vld [tilespmem:$0x53E0];
	[tilespmem:$0x1FC00] =	vst v49  }
0x3f6: {  	v55 =	vld [tilespmem:$0x53F0];
	[tilespmem:$0x1FC10] =	vst v50  }
0x3f7: {  	v56 =	vld [tilespmem:$0x5400];
	[tilespmem:$0x1FC20] =	vst v51  }
0x3f8: {  	v57 =	vld [tilespmem:$0x5410];
	[tilespmem:$0x1FC30] =	vst v52  }
0x3f9: {  	v58 =	vld [tilespmem:$0x5420];
	[tilespmem:$0x1FC40] =	vst v53  }
0x3fa: {  	v59 =	vld [tilespmem:$0x5430];
	[tilespmem:$0x1FC50] =	vst v54  }
0x3fb: {  	v60 =	vld [tilespmem:$0x5440];
	[tilespmem:$0x1FC60] =	vst v55  }
0x3fc: {  	v61 =	vld [tilespmem:$0x5450];
	[tilespmem:$0x1FC70] =	vst v56  }
0x3fd: {  	v62 =	vld [tilespmem:$0x5460];
	[tilespmem:$0x1FC80] =	vst v57  }
0x3fe: {  	v63 =	vld [tilespmem:$0x5470];
	[tilespmem:$0x1FC90] =	vst v58  }
0x3ff: {  	[tilespmem:$0x1FCA0] =	vst v59  }
0x400: {  	[tilespmem:$0x1FCB0] =	vst v60  }
0x401: {  	[tilespmem:$0x1FCC0] =	vst v61  }
0x402: {  	[tilespmem:$0x1FCD0] =	vst v62  }
0x403: {  	s14 =	simm.s32 $0xFFFFFFE0;
	s15 =	simm.s32 $0x1BC80;
	s16 =	simm.s32 $0x0;
	[tilespmem:$0x1FCE0] =	vst v63  }
.LBB2_6:
0x404: {  	v25 =	vld [tilespmem:$0x1FB30]  }
0x405: {  	v23 =	vld [tilespmem:$0x1FB40]  }
0x406: {  	v26 =	vld [tilespmem:$0x1FB50]  }
0x407: {  	v27 =	vld [tilespmem:$0x1FB60]  }
0x408: {  	v33 =	vld [tilespmem:$0x1FAB0]  }
0x409: {  	s14 =	sadd.s32 $0x20, s14;
	v22 =	vld [tilespmem:$0x1FAC0]  }
0x40a: {  	s18 =	sand.u32 $0x3C00, s16;
	v29 =	vld [tilespmem:$0x1FBF0];
	s17 =	sand.u32 $0x60, s14  }
0x40b: {  	v28 =	vld [tilespmem:$0x1FC00];
	s21 =	sor.u32 s17, s18  }
0x40c: {  	v37 =	vld [tilespmem:s21+$0x0]  }
0x40d: {  	s25 =	sadd.s32 $0x2800, s18;
	v38 =	vld [tilespmem:s21+$0x200]  }
0x40e: {  	v16 =	vld [tilespmem:$0x1FAF0];
	s19 =	sor.u32 s17, s25  }
0x40f: {  	v39 =	vld [tilespmem:s19+$0x0]  }
0x410: {  	v24 =	vld [tilespmem:$0x1FB00]  }
0x411: {  	v30 =	vld [tilespmem:$0x1FC10]  }
0x412: {  	v20 =	vld [tilespmem:$0x1FAD0];
	v40 =	vmul.f32 v37, v25;
	v41 =	vmul.f32 v38, v23  }
0x413: {  	v6 =	vld [tilespmem:$0x1FB10]  }
0x414: {  	v31 =	vld [tilespmem:$0x1FC20];
	v11 =	vmul.f32 v39, v26;
	v40 =	vadd.f32 v41, v40  }
0x415: {  	v3 =	vld [tilespmem:$0x1FCB0]  }
0x416: {  	v7 =	vld [tilespmem:$0x1FCC0];
	v40 =	vadd.f32 v11, v40  }
0x417: {  	v8 =	vld [tilespmem:$0x1FCD0];
	v44 =	vmul.f32 v37, v33;
	v45 =	vmul.f32 v38, v22  }
0x418: {  	v2 =	vld [tilespmem:$0x1FC70];
	v46 =	vmul.f32 v37, v29;
	v47 =	vmul.f32 v38, v28;
	v40 =	vadd.f32 v40, v27  }
0x419: {  	v4 =	vld [tilespmem:$0x1FC80];
	v48 =	vmul.f32 v37, v16;
	v13 =	vmul.f32 v38, v24  }
0x41a: {  	v21 =	vld [tilespmem:$0x1FAE0];
	v14 =	vmul.f32 v39, v30;
	v15 =	vmul.f32 v39, v20;
	v12 =	vmax.f32 v40, $9.999999740e-06  }
0x41b: {  	v32 =	vld [tilespmem:$0x1FB70];
	v52 =	vmul.f32 v37, v3;
	v53 =	vmul.f32 v38, v7;
	v42 =	vsub.s32 $0x7EF311C3, v12  }
0x41c: {  	v9 =	vld [tilespmem:$0x1FCE0];
	v54 =	vmul.f32 v39, v8;
	v46 =	vadd.f32 v47, v46;
	v43 =	vmul.f32 v42, v12  }
0x41d: {  	v63 =	vmul.f32 v37, v2;
	v44 =	vadd.f32 v45, v44;
	v47 =	vadd.f32 v53, v52  }
0x41e: {  	v0 =	vmul.f32 v38, v4;
	v46 =	vadd.f32 v14, v46;
	v14 =	vld [tilespmem:$0x1FBC0];
	v43 =	vsub.f32 $2.000000000e+00, v43  }
0x41f: {  	v17 =	vmul.f32 v39, v6;
	v44 =	vadd.f32 v15, v44;
	v47 =	vadd.f32 v54, v47;
	v15 =	vld [tilespmem:$0x1FBD0]  }
0x420: {  	v1 =	vadd.f32 v0, v63;
	v45 =	vadd.f32 v46, v31;
	v42 =	vmul.f32 v42, v43  }
0x421: {  	v5 =	vld [tilespmem:$0x1FC90];
	v56 =	vmul.f32 v37, v32;
	v44 =	vadd.f32 v44, v21;
	v47 =	vadd.f32 v47, v9  }
0x422: {  	v11 =	vld [tilespmem:$0x1FB20];
	v19 =	vmax.f32 v45, $9.999999740e-06;
	vm0 =	vgt.f32 v40, $9.999999740e-06;
	v41 =	vmul.f32 v42, v12  }
0x423: {  	v59 =	vmax.f32 v47, $9.999999740e-06;
	v34 =	vsub.s32 $0x7EF311C3, v19;
	v43 =	vadd.f32 v13, v48;
	v13 =	vld [tilespmem:$0x1FBB0]  }
0x424: {  	v55 =	vmul.f32 v38, v14;
	v57 =	vmul.f32 v39, v15;
	v41 =	vsub.f32 $2.000000000e+00, v41  }
0x425: {  	v60 =	vsub.s32 $0x7EF311C3, v59;
	v35 =	vmul.f32 v34, v19;
	v43 =	vadd.f32 v17, v43;
	v12 =	vld [tilespmem:$0x1FC30]  }
0x426: {  	v10 =	vld [tilespmem:$0x1FC40];
	vm15 =	vgt.f32 v45, $9.999999740e-06;
	v61 =	vmul.f32 v60, v59;
	v41 =	vmul.f32 v41, v42  }
0x427: {  	v17 =	vmul.f32 v39, v5;
	v18 =	vadd.f32 v43, v11;
	v42 =	vsub.f32 $2.000000000e+00, v35;
	v35 =	vld [tilespmem:$0x1FB80]  }
0x428: {  	vm8 =	vgt.f32 v47, $9.999999740e-06;
	v49 =	vmul.f32 v37, v13;
	v44 =	vmul.f32 v41, v44  }
0x429: {  	v54 =	vld [tilespmem:$0x1FC50];
	v62 =	vsub.f32 $2.000000000e+00, v61;
	v41 =	vmul.f32 v41, v18;
	v42 =	vmul.f32 v34, v42  }
0x42a: {  	v40 =	vadd.f32 v55, v49;
	v37 =	vmul.f32 v37, v12;
	v34 =	vld [tilespmem:$0x1FB90];
	v44 =	vmul.f32 $7.102272940e-04, v44  }
0x42b: {  	v51 =	vadd.f32 v17, v1;
	v17 =	vld [tilespmem:$0x1FCA0];
	v41 =	vmul.f32 $1.953125000e-03, v41;
	v43 =	vmul.f32 v42, v19  }
0x42c: {  	v40 =	vadd.f32 v57, v40;
	v19 =	vld [tilespmem:$0x1FBE0];
	v50 =	vmul.f32 v38, v35;
	v38 =	vmul.f32 v38, v10  }
0x42d: {  	vm1 =	vgt.f32 v41, $0.0e+00;
	v43 =	vsub.f32 $2.000000000e+00, v43;
	vm12 =	vlt.f32 v41, $1.000000000e+00  }
0x42e: {  	vm13 =	vlt.f32 v44, $1.000000000e+00;
	vm14 =	vgt.f32 v44, $0.0e+00;
	v44 =	vmax.f32 v44, $-2.099999900e+00  }
0x42f: {  	v18 =	vld [tilespmem:$0x1FBA0];
	v41 =	vmax.f32 v41, $-2.099999900e+00;
	v46 =	vadd.f32 v50, v56;
	v58 =	vmul.f32 v39, v34  }
0x430: {  	v37 =	vadd.f32 v38, v37;
	v50 =	vmul.f32 v39, v54;
	v39 =	vadd.f32 v51, v17  }
0x431: {  	v42 =	vmul.f32 v43, v42;
	v43 =	vmul.f32 v60, v62;
	v40 =	vadd.f32 v40, v19  }
0x432: {  	vm0 =	vmand vm0, vm1;
	v46 =	vadd.f32 v58, v46;
	v38 =	vadd.f32 v50, v37;
	v37 =	vld [tilespmem:$0x1FC60]  }
0x433: {  	vm0 =	vmand vm12, vm0;
	v48 =	vmul.f32 v43, v59;
	v40 =	vmul.f32 v42, v40  }
0x434: {  	v44 =	vmin.f32 v44, $2.099999900e+00;
	vm0 =	vmand vm13, vm0;
	v46 =	vadd.f32 v46, v18  }
0x435: {  	vm0 =	vmand vm14, vm0;
	v52 =	vsub.f32 $2.000000000e+00, v48;
	v40 =	vmul.f32 $1.953125000e-03, v40  }
0x436: {  	v41 =	vmin.f32 v41, $2.099999900e+00;
	v1 =	vsel vm0, $0x3F800000, v36;
	v42 =	vmul.f32 v42, v46  }
0x437: {  	v43 =	vmul.f32 v52, v43;
	v38 =	vadd.f32 v38, v37;
	vm2 =	vgt.f32 v40, $0.0e+00  }
0x438: {  	v42 =	vmul.f32 $7.102272940e-04, v42;
	vm4 =	vlt.f32 v40, $1.000000000e+00;
	v55 =	vmax.f32 v40, $-2.099999900e+00  }
0x439: {  	vm1 =	vmand vm15, vm2;
	v39 =	vmul.f32 v43, v39;
	v38 =	vmul.f32 v43, v38  }
0x43a: {  	v40 =	vmin.f32 v55, $2.099999900e+00;
	vm5 =	vmand vm4, vm1;
	vm6 =	vlt.f32 v42, $1.000000000e+00  }
0x43b: {  	[tilespmem:s21+$0x5600] =	vst v44;
	vm7 =	vgt.f32 v42, $0.0e+00;
	v42 =	vmax.f32 v42, $-2.099999900e+00;
	v39 =	vmul.f32 $1.953125000e-03, v39  }
0x43c: {  	[tilespmem:s21+$0xCE00] =	vst v41;
	vm0 =	vmand vm6, vm5;
	v42 =	vmin.f32 v42, $2.099999900e+00;
	v53 =	vmul.f32 $7.102272940e-04, v38  }
0x43d: {  	[tilespmem:s21+$0x14600] =	vst v1;
	vm0 =	vmand vm7, vm0;
	vm9 =	vgt.f32 v39, $0.0e+00;
	vm10 =	vlt.f32 v39, $1.000000000e+00  }
0x43e: {  	[tilespmem:s21+$0xCE80] =	vst v40;
	vm11 =	vlt.f32 v53, $1.000000000e+00;
	v0 =	vsel vm0, $0x3F800000, v36;
	vm1 =	vmand vm8, vm9  }
0x43f: {  	[tilespmem:s21+$0x5680] =	vst v42;
	v56 =	vmax.f32 v53, $-2.099999900e+00;
	vm13 =	vgt.f32 v53, $0.0e+00;
	vm1 =	vmand vm10, vm1  }
0x440: {  	v39 =	vmax.f32 v39, $-2.099999900e+00;
	[tilespmem:s21+$0x14680] =	vst v0;
	v40 =	vmin.f32 v56, $2.099999900e+00;
	vm12 =	vmand vm11, vm1  }
0x441: {  	v41 =	vld [tilespmem:s21+$0x80];
	v57 =	vmin.f32 v39, $2.099999900e+00;
	[tilespmem:s21+$0x5700] =	vst v40;
	vm0 =	vmand vm13, vm12  }
0x442: {  	s24 =	sadd.s32 $0x2880, s18;
	[tilespmem:s21+$0xCF00] =	vst v57;
	v40 =	vld [tilespmem:s21+$0x280];
	v58 =	vsel vm0, $0x3F800000, v36  }
0x443: {  	s29 =	sor.u32 s17, s24;
	[tilespmem:s21+$0x14700] =	vst v58  }
0x444: {  	v42 =	vld [tilespmem:s29+$0x0];
	_ =	sdelay $0x2  }
0x445: {  	v59 =	vmul.f32 v41, v25;
	v60 =	vmul.f32 v40, v23;
	_ =	sdelay $0x1  }
0x446: {  	[tilespmem:$0x1F9D0] =	vst v1;
	v1 =	vmul.f32 v41, v33;
	v43 =	vadd.f32 v60, v59;
	v61 =	vmul.f32 v42, v26  }
0x447: {  	v51 =	vmul.f32 v41, v16;
	v52 =	vmul.f32 v41, v13  }
0x448: {  	v39 =	vmul.f32 v41, v29;
	v55 =	vmul.f32 v40, v28;
	v43 =	vadd.f32 v61, v43  }
0x449: {  	v38 =	vmul.f32 v40, v22;
	v56 =	vmul.f32 v40, v24  }
0x44a: {  	v53 =	vmul.f32 v40, v35;
	v49 =	vadd.f32 v55, v39;
	v43 =	vadd.f32 v43, v27  }
0x44b: {  	v47 =	vadd.f32 v38, v1;
	v1 =	vmul.f32 v40, v7;
	v39 =	vmul.f32 v40, v14  }
0x44c: {  	[tilespmem:$0x1F9F0] =	vst v58;
	v57 =	vmul.f32 v42, v30;
	v58 =	vmul.f32 v42, v20;
	v62 =	vmax.f32 v43, $9.999999740e-06  }
0x44d: {  	v59 =	vmul.f32 v42, v6;
	v38 =	vmul.f32 v42, v8;
	v63 =	vsub.s32 $0x7EF311C3, v62  }
0x44e: {  	[tilespmem:$0x1F9E0] =	vst v0;
	v49 =	vadd.f32 v57, v49;
	v47 =	vadd.f32 v58, v47;
	v0 =	vmul.f32 v63, v62  }
0x44f: {  	v57 =	vmul.f32 v42, v15;
	vm14 =	vgt.f32 v43, $9.999999740e-06;
	v43 =	vadd.f32 v39, v52  }
0x450: {  	v55 =	vmul.f32 v42, v54;
	v48 =	vadd.f32 v49, v31;
	v46 =	vsub.f32 $2.000000000e+00, v0  }
0x451: {  	v58 =	vmul.f32 v42, v34;
	v47 =	vadd.f32 v47, v21;
	v43 =	vadd.f32 v57, v43  }
0x452: {  	v61 =	vmax.f32 v48, $9.999999740e-06;
	v0 =	vmul.f32 v41, v3;
	v45 =	vmul.f32 v63, v46  }
0x453: {  	vm7 =	vgt.f32 v48, $9.999999740e-06;
	v43 =	vadd.f32 v43, v19;
	v46 =	vadd.f32 v56, v51  }
0x454: {  	v50 =	vadd.f32 v1, v0;
	v56 =	vmul.f32 v41, v32;
	v44 =	vmul.f32 v45, v62  }
0x455: {  	v0 =	vmul.f32 v40, v4;
	v40 =	vmul.f32 v40, v10;
	v46 =	vadd.f32 v59, v46  }
0x456: {  	v62 =	vsub.s32 $0x7EF311C3, v61;
	v50 =	vadd.f32 v38, v50;
	v44 =	vsub.f32 $2.000000000e+00, v44  }
0x457: {  	v4 =	vmul.f32 v42, v5;
	v49 =	vadd.f32 v53, v56;
	v63 =	vmul.f32 v62, v61  }
0x458: {  	v60 =	vadd.f32 v46, v11;
	v50 =	vadd.f32 v50, v9;
	v44 =	vmul.f32 v44, v45  }
0x459: {  	v49 =	vadd.f32 v58, v49;
	v45 =	vsub.f32 $2.000000000e+00, v63;
	v63 =	vmul.f32 v41, v2  }
0x45a: {  	v59 =	vmax.f32 v50, $9.999999740e-06;
	v41 =	vmul.f32 v41, v12;
	v47 =	vmul.f32 v44, v47  }
0x45b: {  	v44 =	vmul.f32 v44, v60;
	v45 =	vmul.f32 v62, v45;
	v60 =	vsub.s32 $0x7EF311C3, v59  }
0x45c: {  	v1 =	vadd.f32 v0, v63;
	v40 =	vadd.f32 v40, v41;
	v47 =	vmul.f32 $7.102272940e-04, v47  }
0x45d: {  	v49 =	vadd.f32 v49, v18;
	v46 =	vmul.f32 v45, v61;
	v61 =	vmul.f32 v60, v59  }
0x45e: {  	v44 =	vmul.f32 $1.953125000e-03, v44;
	v56 =	vadd.f32 v4, v1;
	v40 =	vadd.f32 v55, v40  }
0x45f: {  	vm13 =	vgt.f32 v50, $9.999999740e-06;
	v46 =	vsub.f32 $2.000000000e+00, v46;
	v62 =	vsub.f32 $2.000000000e+00, v61  }
0x460: {  	vm15 =	vgt.f32 v44, $0.0e+00;
	vm4 =	vlt.f32 v44, $1.000000000e+00;
	vm5 =	vlt.f32 v47, $1.000000000e+00  }
0x461: {  	vm6 =	vgt.f32 v47, $0.0e+00;
	v45 =	vmul.f32 v46, v45;
	v46 =	vmul.f32 v60, v62  }
0x462: {  	v47 =	vmax.f32 v47, $-2.099999900e+00;
	v40 =	vadd.f32 v40, v37;
	v44 =	vmax.f32 v44, $-2.099999900e+00  }
0x463: {  	vm0 =	vmand vm14, vm15;
	v1 =	vmin.f32 v44, $2.099999900e+00;
	v51 =	vmul.f32 v46, v59  }
0x464: {  	vm0 =	vmand vm4, vm0;
	v43 =	vmul.f32 v45, v43;
	v45 =	vmul.f32 v45, v49  }
0x465: {  	v62 =	vmin.f32 v47, $2.099999900e+00;
	vm0 =	vmand vm5, vm0;
	v57 =	vsub.f32 $2.000000000e+00, v51  }
0x466: {  	vm0 =	vmand vm6, vm0;
	v43 =	vmul.f32 $1.953125000e-03, v43;
	v58 =	vmul.f32 $7.102272940e-04, v45  }
0x467: {  	v59 =	vadd.f32 v56, v17;
	v61 =	vsel vm0, $0x3F800000, v36;
	v60 =	vmul.f32 v57, v46  }
0x468: {  	vm8 =	vgt.f32 v43, $0.0e+00;
	vm9 =	vlt.f32 v43, $1.000000000e+00;
	vm11 =	vlt.f32 v58, $1.000000000e+00  }
0x469: {  	vm12 =	vgt.f32 v58, $0.0e+00;
	vm1 =	vmand vm7, vm8;
	v41 =	vmul.f32 v60, v59  }
0x46a: {  	v63 =	vmax.f32 v58, $-2.099999900e+00;
	vm10 =	vmand vm9, vm1;
	v40 =	vmul.f32 v60, v40  }
0x46b: {  	[tilespmem:s29+$0xCC80] =	vst v1;
	v46 =	vmax.f32 v43, $-2.099999900e+00;
	vm0 =	vmand vm11, vm10;
	v41 =	vmul.f32 $1.953125000e-03, v41  }
0x46c: {  	s22 =	sadd.s32 $0x2900, s18;
	v4 =	vmovc v17;
	[tilespmem:s29+$0x5480] =	vst v62;
	v17 =	vmin.f32 v63, $2.099999900e+00;
	vm0 =	vmand vm12, vm0;
	v40 =	vmul.f32 $7.102272940e-04, v40  }
0x46d: {  	s30 =	sor.u32 s17, s22;
	[tilespmem:s29+$0x14480] =	vst v61;
	v42 =	vmin.f32 v46, $2.099999900e+00;
	v46 =	vsel vm0, $0x3F800000, v36;
	vm14 =	vgt.f32 v41, $0.0e+00  }
0x46e: {  	[tilespmem:s30+$0x5480] =	vst v17;
	vm15 =	vlt.f32 v41, $1.000000000e+00;
	vm4 =	vlt.f32 v40, $1.000000000e+00;
	vm1 =	vmand vm13, vm14  }
0x46f: {  	s23 =	sadd.s32 $0x2980, s18;
	[tilespmem:s30+$0xCC80] =	vst v42;
	v47 =	vmax.f32 v40, $-2.099999900e+00;
	vm6 =	vgt.f32 v40, $0.0e+00;
	vm1 =	vmand vm15, vm1  }
0x470: {  	s28 =	sor.u32 s17, s23;
	[tilespmem:s30+$0x14480] =	vst v46;
	v41 =	vmax.f32 v41, $-2.099999900e+00;
	v48 =	vmin.f32 v47, $2.099999900e+00;
	vm5 =	vmand vm4, vm1  }
0x471: {  	v49 =	vmin.f32 v41, $2.099999900e+00;
	[tilespmem:s28+$0x5480] =	vst v48;
	vm0 =	vmand vm6, vm5  }
0x472: {  	[tilespmem:s28+$0xCC80] =	vst v49;
	v50 =	vsel vm0, $0x3F800000, v36  }
0x473: {  	[tilespmem:s28+$0x14480] =	vst v50  }
0x474: {  	v53 =	vld [tilespmem:s21+$0x100]  }
0x475: {  	v42 =	vld [tilespmem:s21+$0x300];
	_ =	sdelay $0x1  }
0x476: {  	v40 =	vld [tilespmem:s30+$0x0];
	_ =	sdelay $0x2  }
0x477: {  	v51 =	vmul.f32 v53, v25;
	v52 =	vmul.f32 v42, v23;
	_ =	sdelay $0x1  }
0x478: {  	v38 =	vmov v54;
	v54 =	vmul.f32 v40, v26;
	v41 =	vadd.f32 v52, v51;
	_ =	sdelay $0x1  }
0x479: {  	v41 =	vadd.f32 v54, v41;
	_ =	sdelay $0x1  }
0x47a: {  	v43 =	vadd.f32 v41, v27;
	_ =	sdelay $0x1  }
0x47b: {  	v41 =	vmax.f32 v43, $9.999999740e-06  }
0x47c: {  	v55 =	vsub.s32 $0x7EF311C3, v41  }
0x47d: {  	v56 =	vmul.f32 v55, v41;
	_ =	sdelay $0x1  }
0x47e: {  	v48 =	vsub.f32 $2.000000000e+00, v56  }
0x47f: {  	v57 =	vmul.f32 v53, v16;
	v58 =	vmul.f32 v42, v24  }
0x480: {  	v60 =	vmul.f32 v40, v6;
	v44 =	vmul.f32 v55, v48  }
0x481: {  	[tilespmem:$0x1FA00] =	vst v61;
	v61 =	vmul.f32 v53, v29;
	v62 =	vmul.f32 v42, v28  }
0x482: {  	s19 =	sor.u32 $0x10, s17;
	v63 =	vmul.f32 v53, v33;
	v59 =	vadd.f32 v58, v57;
	v41 =	vmul.f32 v44, v41  }
0x483: {  	s25 =	sor.u32 s19, s25;
	v0 =	vmul.f32 v42, v22;
	v17 =	vmul.f32 v40, v30;
	v1 =	vadd.f32 v62, v61  }
0x484: {  	vm7 =	vgt.f32 v43, $9.999999740e-06;
	v43 =	vld [tilespmem:s25+$0x0];
	v48 =	vadd.f32 v60, v59;
	v41 =	vsub.f32 $2.000000000e+00, v41  }
0x485: {  	v57 =	vadd.f32 v0, v63;
	v58 =	vmul.f32 v40, v20  }
0x486: {  	s20 =	sor.u32 s19, s18;
	v60 =	vadd.f32 v17, v1;
	v48 =	vadd.f32 v48, v11;
	v59 =	vmul.f32 v41, v44  }
0x487: {  	v61 =	vadd.f32 v58, v57;
	v57 =	vmul.f32 v53, v13;
	v41 =	vld [tilespmem:s20+$0x0]  }
0x488: {  	v56 =	vmul.f32 v42, v35;
	v55 =	vadd.f32 v60, v31;
	v44 =	vld [tilespmem:s20+$0x200];
	v48 =	vmul.f32 v59, v48  }
0x489: {  	v62 =	vadd.f32 v61, v21;
	v61 =	vmul.f32 v43, v26;
	v1 =	vmul.f32 v53, v32  }
0x48a: {  	v17 =	vmul.f32 v42, v14;
	v49 =	vmul.f32 $1.953125000e-03, v48;
	v48 =	vmax.f32 v55, $9.999999740e-06  }
0x48b: {  	[tilespmem:$0x1FA10] =	vst v50;
	v60 =	vmul.f32 v40, v34;
	v50 =	vmul.f32 v59, v62;
	v63 =	vsub.s32 $0x7EF311C3, v48  }
0x48c: {  	v54 =	vadd.f32 v56, v1;
	v62 =	vmul.f32 v40, v15;
	v0 =	vmul.f32 v63, v48  }
0x48d: {  	v56 =	vadd.f32 v17, v57;
	v58 =	vmul.f32 v41, v25;
	v59 =	vmul.f32 v44, v23  }
0x48e: {  	vm12 =	vgt.f32 v55, $9.999999740e-06;
	v50 =	vmul.f32 $7.102272940e-04, v50;
	v52 =	vsub.f32 $2.000000000e+00, v0  }
0x48f: {  	v56 =	vadd.f32 v62, v56;
	v62 =	vmul.f32 v43, v20;
	v58 =	vadd.f32 v59, v58  }
0x490: {  	v17 =	vmovc v15;
	v15 =	vmul.f32 v41, v33;
	vm8 =	vgt.f32 v49, $0.0e+00;
	v51 =	vmul.f32 v63, v52  }
0x491: {  	vm9 =	vlt.f32 v49, $1.000000000e+00;
	vm10 =	vlt.f32 v50, $1.000000000e+00;
	v63 =	vadd.f32 v61, v58  }
0x492: {  	vm11 =	vgt.f32 v50, $0.0e+00;
	vm0 =	vmand vm7, vm8;
	v48 =	vmul.f32 v51, v48  }
0x493: {  	vm0 =	vmand vm9, vm0;
	v0 =	vadd.f32 v56, v19;
	v57 =	vadd.f32 v63, v27  }
0x494: {  	vm0 =	vmand vm10, vm0;
	v52 =	vadd.f32 v60, v54;
	v48 =	vsub.f32 $2.000000000e+00, v48  }
0x495: {  	v60 =	vmul.f32 v41, v16;
	v61 =	vmul.f32 v44, v24;
	v56 =	vmax.f32 v57, $9.999999740e-06  }
0x496: {  	v52 =	vadd.f32 v52, v18;
	v58 =	vsub.s32 $0x7EF311C3, v56;
	v48 =	vmul.f32 v48, v51  }
0x497: {  	v39 =	vmovc v16;
	vm0 =	vmand vm11, vm0;
	v16 =	vmul.f32 v44, v28;
	v1 =	vmul.f32 v58, v56  }
0x498: {  	v60 =	vadd.f32 v61, v60;
	vm15 =	vgt.f32 v57, $9.999999740e-06;
	v51 =	vmul.f32 v48, v52  }
0x499: {  	v54 =	vmul.f32 v48, v0;
	v48 =	vsel vm0, $0x3F800000, v36;
	v0 =	vsub.f32 $2.000000000e+00, v1  }
0x49a: {  	v52 =	vmax.f32 v50, $-2.099999900e+00;
	v1 =	vmul.f32 v44, v22;
	v51 =	vmul.f32 $7.102272940e-04, v51  }
0x49b: {  	v52 =	vmin.f32 v52, $2.099999900e+00;
	v50 =	vmul.f32 $1.953125000e-03, v54;
	v55 =	vmul.f32 v58, v0  }
0x49c: {  	v54 =	vadd.f32 v1, v15;
	v15 =	vmul.f32 v41, v29;
	v0 =	vmul.f32 v43, v6  }
0x49d: {  	v45 =	vmovc v6;
	v1 =	vmul.f32 v43, v30;
	v6 =	vmul.f32 v53, v3;
	vm13 =	vgt.f32 v50, $0.0e+00  }
0x49e: {  	v56 =	vmul.f32 v55, v56;
	v58 =	vadd.f32 v16, v15;
	vm14 =	vlt.f32 v50, $1.000000000e+00  }
0x49f: {  	v54 =	vadd.f32 v62, v54;
	v60 =	vadd.f32 v0, v60;
	v0 =	vmul.f32 v42, v7  }
0x4a0: {  	v62 =	vmul.f32 v53, v2;
	v56 =	vsub.f32 $2.000000000e+00, v56;
	v58 =	vadd.f32 v1, v58  }
0x4a1: {  	v16 =	vmul.f32 v44, v7;
	vm0 =	vmand vm12, vm13;
	v54 =	vadd.f32 v54, v21  }
0x4a2: {  	v60 =	vadd.f32 v60, v11;
	v55 =	vmul.f32 v56, v55;
	v58 =	vadd.f32 v58, v31  }
0x4a3: {  	v59 =	vadd.f32 v0, v6;
	v1 =	vmul.f32 v40, v8;
	v6 =	vmovc v2;
	v2 =	vmul.f32 v44, v14  }
0x4a4: {  	v47 =	vmovc v11;
	v54 =	vmul.f32 v55, v54;
	v11 =	vmul.f32 v55, v60;
	v55 =	vmax.f32 v58, $9.999999740e-06  }
0x4a5: {  	v56 =	vmul.f32 v53, v12;
	v59 =	vadd.f32 v1, v59;
	v61 =	vsub.s32 $0x7EF311C3, v55  }
0x4a6: {  	vm0 =	vmand vm14, vm0;
	v53 =	vmul.f32 $1.953125000e-03, v11;
	v63 =	vmul.f32 v61, v55  }
0x4a7: {  	v60 =	vmul.f32 $7.102272940e-04, v54;
	v54 =	vadd.f32 v59, v9;
	v59 =	vmul.f32 v41, v3  }
0x4a8: {  	v15 =	vmovc v7;
	vm8 =	vgt.f32 v58, $9.999999740e-06;
	vm4 =	vgt.f32 v53, $0.0e+00;
	v7 =	vsub.f32 $2.000000000e+00, v63  }
0x4a9: {  	v63 =	vmul.f32 v41, v13;
	v1 =	vadd.f32 v16, v59;
	v59 =	vmul.f32 v43, v8  }
0x4aa: {  	v16 =	vmul.f32 v41, v32;
	vm5 =	vlt.f32 v53, $1.000000000e+00;
	vm6 =	vlt.f32 v60, $1.000000000e+00  }
0x4ab: {  	vm7 =	vgt.f32 v60, $0.0e+00;
	v60 =	vmax.f32 v60, $-2.099999900e+00;
	v53 =	vmax.f32 v53, $-2.099999900e+00  }
0x4ac: {  	vm1 =	vmand vm15, vm4;
	v53 =	vmin.f32 v53, $2.099999900e+00;
	v57 =	vmul.f32 v61, v7  }
0x4ad: {  	v7 =	vmul.f32 v44, v35;
	v1 =	vadd.f32 v59, v1;
	v2 =	vadd.f32 v2, v63  }
0x4ae: {  	v59 =	vmul.f32 v43, v17;
	vm1 =	vmand vm5, vm1;
	v55 =	vmul.f32 v57, v55  }
0x4af: {  	v11 =	vmovc v3;
	v3 =	vadd.f32 v7, v16;
	v16 =	vmul.f32 v43, v34;
	v1 =	vadd.f32 v1, v9  }
0x4b0: {  	v63 =	vmax.f32 v54, $9.999999740e-06;
	v2 =	vadd.f32 v59, v2;
	v55 =	vsub.f32 $2.000000000e+00, v55  }
0x4b1: {  	v0 =	vld [tilespmem:$0x1FC80];
	vm1 =	vmand vm6, vm1;
	v3 =	vadd.f32 v16, v3;
	v59 =	vmax.f32 v1, $9.999999740e-06  }
0x4b2: {  	v2 =	vadd.f32 v2, v19;
	v55 =	vmul.f32 v55, v57;
	v57 =	vsub.s32 $0x7EF311C3, v59  }
0x4b3: {  	v7 =	vmovc v9;
	v9 =	vmul.f32 v41, v12;
	v3 =	vadd.f32 v3, v18;
	v16 =	vmul.f32 v57, v59  }
0x4b4: {  	vm6 =	vlt.f32 v51, $1.000000000e+00;
	v41 =	vmul.f32 v41, v6;
	v2 =	vmul.f32 v55, v2  }
0x4b5: {  	v3 =	vmul.f32 v55, v3;
	v55 =	vsub.f32 $2.000000000e+00, v16;
	v16 =	vmul.f32 v44, v10  }
0x4b6: {  	vm1 =	vmand vm7, vm1;
	v44 =	vmul.f32 v44, v0;
	v2 =	vmul.f32 $1.953125000e-03, v2  }
0x4b7: {  	vm13 =	vgt.f32 v1, $9.999999740e-06;
	v3 =	vmul.f32 $7.102272940e-04, v3;
	v55 =	vmul.f32 v57, v55  }
0x4b8: {  	v57 =	vsub.s32 $0x7EF311C3, v63;
	v58 =	vadd.f32 v16, v9;
	v9 =	vsel vm1, $0x3F800000, v36  }
0x4b9: {  	v41 =	vadd.f32 v44, v41;
	v44 =	vmul.f32 v43, v5;
	v43 =	vmul.f32 v43, v38  }
0x4ba: {  	vm9 =	vgt.f32 v2, $0.0e+00;
	vm10 =	vlt.f32 v2, $1.000000000e+00;
	v59 =	vmul.f32 v55, v59  }
0x4bb: {  	vm11 =	vlt.f32 v3, $1.000000000e+00;
	vm12 =	vgt.f32 v3, $0.0e+00;
	v41 =	vadd.f32 v44, v41  }
0x4bc: {  	v3 =	vmax.f32 v3, $-2.099999900e+00;
	v43 =	vadd.f32 v43, v58;
	v44 =	vsub.f32 $2.000000000e+00, v59  }
0x4bd: {  	[tilespmem:s20+$0xCE00] =	vst v53;
	v53 =	vmax.f32 v2, $-2.099999900e+00;
	vm1 =	vmand vm8, vm9;
	v16 =	vmovc v38;
	v38 =	vmul.f32 v57, v63  }
0x4be: {  	v41 =	vadd.f32 v41, v4;
	v43 =	vadd.f32 v43, v37;
	v44 =	vmul.f32 v44, v55  }
0x4bf: {  	v58 =	vmin.f32 v60, $2.099999900e+00;
	v3 =	vmin.f32 v3, $2.099999900e+00;
	v55 =	vsub.f32 $2.000000000e+00, v38  }
0x4c0: {  	vm1 =	vmand vm10, vm1;
	v41 =	vmul.f32 v44, v41;
	v43 =	vmul.f32 v44, v43  }
0x4c1: {  	vm1 =	vmand vm11, vm1;
	v2 =	vmul.f32 v57, v55;
	v57 =	vmul.f32 v42, v10  }
0x4c2: {  	vm1 =	vmand vm12, vm1;
	v41 =	vmul.f32 $1.953125000e-03, v41;
	v43 =	vmul.f32 $7.102272940e-04, v43  }
0x4c3: {  	v1 =	vmin.f32 v53, $2.099999900e+00;
	[tilespmem:s20+$0x5680] =	vst v3;
	v38 =	vsel vm1, $0x3F800000, v36;
	v3 =	vadd.f32 v57, v56  }
0x4c4: {  	[tilespmem:s20+$0x14600] =	vst v9;
	vm14 =	vgt.f32 v41, $0.0e+00;
	vm15 =	vlt.f32 v41, $1.000000000e+00;
	vm4 =	vlt.f32 v43, $1.000000000e+00  }
0x4c5: {  	[tilespmem:s20+$0x5600] =	vst v58;
	v58 =	vmax.f32 v43, $-2.099999900e+00;
	vm5 =	vgt.f32 v43, $0.0e+00;
	vm1 =	vmand vm13, vm14  }
0x4c6: {  	[tilespmem:s20+$0xCE80] =	vst v1;
	v59 =	vmax.f32 v41, $-2.099999900e+00;
	v41 =	vmul.f32 v42, v0;
	vm1 =	vmand vm15, vm1  }
0x4c7: {  	[tilespmem:s20+$0x14680] =	vst v38;
	v1 =	vmin.f32 v58, $2.099999900e+00;
	v60 =	vmin.f32 v59, $2.099999900e+00;
	vm1 =	vmand vm4, vm1  }
0x4c8: {  	v53 =	vld [tilespmem:s20+$0x80];
	v58 =	vmul.f32 v2, v63;
	[tilespmem:s20+$0xCF00] =	vst v60;
	v60 =	vadd.f32 v41, v62;
	vm1 =	vmand vm5, vm1  }
0x4c9: {  	v55 =	vld [tilespmem:s20+$0x280];
	[tilespmem:s20+$0x5700] =	vst v1;
	v62 =	vmul.f32 v40, v5;
	v40 =	vmul.f32 v40, v16;
	v59 =	vsel vm1, $0x3F800000, v36  }
0x4ca: {  	s29 =	sor.u32 s19, s24;
	vm0 =	vmand vm6, vm0;
	vm7 =	vgt.f32 v51, $0.0e+00;
	v42 =	vsub.f32 $2.000000000e+00, v58;
	[tilespmem:s20+$0x14700] =	vst v59  }
0x4cb: {  	vm0 =	vmand vm7, vm0;
	v1 =	vadd.f32 v62, v60;
	v3 =	vadd.f32 v40, v3;
	v56 =	vld [tilespmem:s29+$0x0]  }
0x4cc: {  	vm8 =	vgt.f32 v54, $9.999999740e-06;
	[tilespmem:$0x1FA30] =	vst v38;
	v38 =	vmovc v0;
	v57 =	vsel vm0, $0x3F800000, v36;
	v0 =	vmovc v10;
	v10 =	vmax.f32 v49, $-2.099999900e+00  }
0x4cd: {  	v2 =	vmul.f32 v42, v2;
	v1 =	vadd.f32 v1, v4;
	v3 =	vadd.f32 v3, v37  }
0x4ce: {  	s24 =	sadd.s32 $0x2B80, s18;
	[tilespmem:$0x1FA20] =	vst v9;
	v63 =	vmul.f32 v53, v25;
	v9 =	vmul.f32 v55, v23;
	v49 =	vmin.f32 v10, $2.099999900e+00  }
0x4cf: {  	s26 =	sor.u32 s17, s24;
	v58 =	vmax.f32 v51, $-2.099999900e+00;
	v1 =	vmul.f32 v2, v1;
	v2 =	vmul.f32 v2, v3  }
0x4d0: {  	[tilespmem:s26+$0x14480] =	vst v48;
	v40 =	vadd.f32 v9, v63;
	v9 =	vmul.f32 v55, v22;
	v44 =	vmul.f32 v56, v26  }
0x4d1: {  	[tilespmem:$0x1FA40] =	vst v59;
	v59 =	vmax.f32 v50, $-2.099999900e+00;
	v1 =	vmul.f32 $1.953125000e-03, v1;
	v2 =	vmul.f32 $7.102272940e-04, v2  }
0x4d2: {  	s25 =	sadd.s32 $0x5000, s18;
	[tilespmem:s26+$0x5480] =	vst v52;
	v60 =	vmin.f32 v59, $2.099999900e+00;
	v3 =	vmin.f32 v58, $2.099999900e+00;
	v40 =	vadd.f32 v44, v40  }
0x4d3: {  	s30 =	sor.u32 s17, s25;
	[tilespmem:s26+$0xCC80] =	vst v49;
	vm9 =	vgt.f32 v1, $0.0e+00;
	vm10 =	vlt.f32 v1, $1.000000000e+00;
	vm11 =	vlt.f32 v2, $1.000000000e+00  }
0x4d4: {  	[tilespmem:s30+$0x14480] =	vst v57;
	vm12 =	vgt.f32 v2, $0.0e+00;
	vm0 =	vmand vm8, vm9;
	v50 =	vadd.f32 v40, v27  }
0x4d5: {  	s26 =	sadd.s32 $0x5080, s18;
	[tilespmem:s30+$0xCC80] =	vst v60;
	v2 =	vmax.f32 v2, $-2.099999900e+00;
	v1 =	vmax.f32 v1, $-2.099999900e+00;
	vm0 =	vmand vm10, vm0  }
0x4d6: {  	s31 =	sor.u32 s17, s26;
	[tilespmem:s30+$0x5480] =	vst v3;
	v2 =	vmin.f32 v2, $2.099999900e+00;
	vm0 =	vmand vm11, vm0;
	v41 =	vmax.f32 v50, $9.999999740e-06  }
0x4d7: {  	v1 =	vmin.f32 v1, $2.099999900e+00;
	[tilespmem:s31+$0x5480] =	vst v2;
	vm0 =	vmand vm12, vm0;
	v62 =	vsub.s32 $0x7EF311C3, v41  }
0x4d8: {  	v2 =	vmul.f32 v53, v33;
	[tilespmem:s31+$0xCC80] =	vst v1;
	v40 =	vsel vm0, $0x3F800000, v36;
	v63 =	vmul.f32 v62, v41  }
0x4d9: {  	v42 =	vmul.f32 v53, v29;
	v44 =	vmul.f32 v55, v28;
	[tilespmem:s31+$0x14480] =	vst v40  }
0x4da: {  	v43 =	vmovc v4;
	v4 =	vmul.f32 v56, v20;
	v2 =	vadd.f32 v9, v2;
	v52 =	vld [tilespmem:s21+$0x180];
	v10 =	vsub.f32 $2.000000000e+00, v63  }
0x4db: {  	v60 =	vmul.f32 v53, v39;
	v1 =	vadd.f32 v44, v42;
	v51 =	vld [tilespmem:s28+$0x0];
	v63 =	vmul.f32 v56, v30  }
0x4dc: {  	v9 =	vmul.f32 v56, v45;
	v2 =	vadd.f32 v4, v2;
	v54 =	vld [tilespmem:s21+$0x380];
	v3 =	vmul.f32 v62, v10  }
0x4dd: {  	v42 =	vmul.f32 v55, v15;
	v62 =	vmul.f32 v55, v24;
	v1 =	vadd.f32 v63, v1  }
0x4de: {  	[tilespmem:$0x1FAA0] =	vst v40;
	v40 =	vmul.f32 v53, v11;
	v2 =	vadd.f32 v2, v21;
	v41 =	vmul.f32 v3, v41  }
0x4df: {  	[tilespmem:$0x1FA70] =	vst v57;
	v4 =	vmul.f32 v56, v17;
	v57 =	vadd.f32 v62, v60;
	v1 =	vadd.f32 v1, v31  }
0x4e0: {  	v44 =	vmul.f32 v52, v25;
	v59 =	vmul.f32 v51, v26;
	v41 =	vsub.f32 $2.000000000e+00, v41  }
0x4e1: {  	v10 =	vadd.f32 v9, v57;
	v9 =	vmul.f32 v54, v23;
	v58 =	vmax.f32 v1, $9.999999740e-06  }
0x4e2: {  	v57 =	vadd.f32 v42, v40;
	v40 =	vmul.f32 v53, v32;
	v42 =	vmul.f32 v55, v35  }
0x4e3: {  	v60 =	vsub.s32 $0x7EF311C3, v58;
	v3 =	vmul.f32 v41, v3;
	v49 =	vadd.f32 v10, v47  }
0x4e4: {  	v10 =	vmul.f32 v60, v58;
	v41 =	vadd.f32 v9, v44;
	v9 =	vmul.f32 v53, v13  }
0x4e5: {  	vm13 =	vgt.f32 v50, $9.999999740e-06;
	v44 =	vmovc v11;
	v11 =	vmul.f32 v55, v14;
	v2 =	vmul.f32 v3, v2  }
0x4e6: {  	v3 =	vmul.f32 v3, v49;
	v49 =	vsub.f32 $2.000000000e+00, v10;
	v10 =	vmul.f32 v56, v8  }
0x4e7: {  	vm6 =	vgt.f32 v1, $9.999999740e-06;
	v50 =	vadd.f32 v11, v9;
	v2 =	vmul.f32 $7.102272940e-04, v2  }
0x4e8: {  	v3 =	vmul.f32 $1.953125000e-03, v3;
	v49 =	vmul.f32 v60, v49;
	v57 =	vadd.f32 v10, v57  }
0x4e9: {  	v60 =	vadd.f32 v42, v40;
	v40 =	vmul.f32 v56, v34;
	v50 =	vadd.f32 v4, v50  }
0x4ea: {  	v58 =	vmul.f32 v49, v58;
	v57 =	vadd.f32 v57, v7;
	vm14 =	vgt.f32 v3, $0.0e+00  }
0x4eb: {  	v60 =	vadd.f32 v40, v60;
	v50 =	vadd.f32 v50, v19;
	vm15 =	vlt.f32 v3, $1.000000000e+00  }
0x4ec: {  	vm4 =	vlt.f32 v2, $1.000000000e+00;
	vm5 =	vgt.f32 v2, $0.0e+00;
	v62 =	vmax.f32 v57, $9.999999740e-06  }
0x4ed: {  	v40 =	vmul.f32 v53, v6;
	v58 =	vsub.f32 $2.000000000e+00, v58;
	v42 =	vsub.s32 $0x7EF311C3, v62  }
0x4ee: {  	v2 =	vmax.f32 v2, $-2.099999900e+00;
	v53 =	vmul.f32 v53, v12;
	v4 =	vmul.f32 v42, v62  }
0x4ef: {  	v3 =	vmax.f32 v3, $-2.099999900e+00;
	vm0 =	vmand vm13, vm14;
	v49 =	vmul.f32 v58, v49  }
0x4f0: {  	v9 =	vmovc v7;
	v2 =	vmin.f32 v2, $2.099999900e+00;
	v60 =	vadd.f32 v60, v18;
	v7 =	vsub.f32 $2.000000000e+00, v4  }
0x4f1: {  	vm0 =	vmand vm15, vm0;
	vm12 =	vgt.f32 v57, $9.999999740e-06;
	v50 =	vmul.f32 v49, v50  }
0x4f2: {  	vm0 =	vmand vm4, vm0;
	v58 =	vmul.f32 v42, v7;
	v42 =	vmul.f32 v55, v38  }
0x4f3: {  	vm0 =	vmand vm5, vm0;
	v49 =	vmul.f32 v49, v60;
	v55 =	vmul.f32 v55, v0  }
0x4f4: {  	v7 =	vmul.f32 v56, v5;
	v60 =	vadd.f32 v42, v40;
	v62 =	vmul.f32 v58, v62  }
0x4f5: {  	v10 =	vmovc v6;
	v6 =	vmovc v38;
	v50 =	vmul.f32 $1.953125000e-03, v50;
	v38 =	vmul.f32 v56, v16;
	v11 =	vadd.f32 v55, v53  }
0x4f6: {  	v49 =	vmul.f32 $7.102272940e-04, v49;
	v40 =	vadd.f32 v7, v60;
	v42 =	vsub.f32 $2.000000000e+00, v62  }
0x4f7: {  	vm7 =	vgt.f32 v50, $0.0e+00;
	vm8 =	vlt.f32 v50, $1.000000000e+00;
	v1 =	vadd.f32 v38, v11  }
0x4f8: {  	vm10 =	vlt.f32 v49, $1.000000000e+00;
	v62 =	vadd.f32 v40, v43;
	v63 =	vmul.f32 v42, v58  }
0x4f9: {  	vm11 =	vgt.f32 v49, $0.0e+00;
	vm1 =	vmand vm6, vm7;
	v1 =	vadd.f32 v1, v37  }
0x4fa: {  	v7 =	vsel vm0, $0x3F800000, v36;
	vm9 =	vmand vm8, vm1;
	v53 =	vmul.f32 v63, v62  }
0x4fb: {  	[tilespmem:s29+$0x5480] =	vst v2;
	v38 =	vmin.f32 v3, $2.099999900e+00;
	vm0 =	vmand vm10, vm9;
	v1 =	vmul.f32 v63, v1  }
0x4fc: {  	[tilespmem:s29+$0xCC80] =	vst v38;
	v11 =	vmovc v37;
	v37 =	vmax.f32 v49, $-2.099999900e+00;
	vm0 =	vmand vm11, vm0;
	v53 =	vmul.f32 $1.953125000e-03, v53  }
0x4fd: {  	v42 =	vmax.f32 v50, $-2.099999900e+00;
	v40 =	vmin.f32 v37, $2.099999900e+00;
	v1 =	vmul.f32 $7.102272940e-04, v1  }
0x4fe: {  	s22 =	sor.u32 s19, s22;
	[tilespmem:s29+$0x14480] =	vst v7;
	v2 =	vmin.f32 v42, $2.099999900e+00;
	v49 =	vsel vm0, $0x3F800000, v36;
	vm13 =	vgt.f32 v53, $0.0e+00  }
0x4ff: {  	[tilespmem:s22+$0x5480] =	vst v40;
	vm14 =	vlt.f32 v53, $1.000000000e+00;
	vm15 =	vlt.f32 v1, $1.000000000e+00;
	vm1 =	vmand vm12, vm13  }
0x500: {  	[tilespmem:s22+$0xCC80] =	vst v2;
	v50 =	vmax.f32 v1, $-2.099999900e+00;
	vm5 =	vgt.f32 v1, $0.0e+00;
	vm1 =	vmand vm14, vm1  }
0x501: {  	s28 =	sor.u32 s19, s23;
	[tilespmem:s22+$0x14480] =	vst v49;
	v56 =	vmax.f32 v53, $-2.099999900e+00;
	v55 =	vmin.f32 v50, $2.099999900e+00;
	vm4 =	vmand vm15, vm1  }
0x502: {  	v58 =	vadd.f32 v59, v41;
	v57 =	vmin.f32 v56, $2.099999900e+00;
	[tilespmem:s28+$0x5480] =	vst v55;
	vm0 =	vmand vm5, vm4  }
0x503: {  	v62 =	vld [tilespmem:$0x1F9D0];
	[tilespmem:s28+$0xCC80] =	vst v57;
	v59 =	vsel vm0, $0x3F800000, v36  }
0x504: {  	v63 =	vld [tilespmem:$0x1F9E0];
	v1 =	vadd.f32 v58, v27;
	[tilespmem:s28+$0x14480] =	vst v59  }
0x505: {  	v2 =	vld [tilespmem:s20+$0x100]  }
0x506: {  	v41 =	vmax.f32 v1, $9.999999740e-06;
	v3 =	vld [tilespmem:s20+$0x300]  }
0x507: {  	v61 =	vmov v5;
	v5 =	vld [tilespmem:$0x1F9F0];
	v55 =	vsub.s32 $0x7EF311C3, v41  }
0x508: {  	v60 =	vmul.f32 v55, v41;
	v56 =	vld [tilespmem:s22+$0x0]  }
0x509: {  	[tilespmem:$0x1FA50] =	vst v7;
	v42 =	vmul.f32 v54, v22;
	v58 =	vmul.f32 v52, v33;
	v7 =	vadd.f32 v63, v62  }
0x50a: {  	v62 =	vmul.f32 v51, v20;
	v50 =	vmul.f32 v54, v24;
	v63 =	vld [tilespmem:$0x1FA00];
	v57 =	vsub.f32 $2.000000000e+00, v60  }
0x50b: {  	v38 =	vadd.f32 v42, v58;
	[tilespmem:$0x1FA90] =	vst v59;
	v59 =	vmul.f32 v2, v25;
	v60 =	vmul.f32 v3, v23  }
0x50c: {  	v58 =	vmul.f32 v52, v39;
	v37 =	vadd.f32 v7, v5;
	v55 =	vmul.f32 v55, v57  }
0x50d: {  	v38 =	vadd.f32 v62, v38;
	v57 =	vadd.f32 v60, v59;
	v59 =	vmul.f32 v56, v26  }
0x50e: {  	v62 =	vmul.f32 v51, v45;
	v7 =	vmul.f32 v55, v41;
	v60 =	vadd.f32 v50, v58  }
0x50f: {  	v53 =	vmov v20;
	v37 =	vadd.f32 v63, v37;
	v20 =	vadd.f32 v59, v57  }
0x510: {  	[tilespmem:$0x1FA60] =	vst v49;
	v49 =	vmovc v22;
	v22 =	vmovc v39;
	v39 =	vsub.f32 $2.000000000e+00, v7;
	v50 =	vmov v45;
	v45 =	vadd.f32 v62, v60;
	v62 =	vld [tilespmem:$0x1FA10]  }
0x511: {  	vm6 =	vgt.f32 v1, $9.999999740e-06;
	v41 =	vadd.f32 v20, v27  }
0x512: {  	v38 =	vadd.f32 v38, v21;
	v37 =	vadd.f32 v37, v46;
	v39 =	vmul.f32 v39, v55  }
0x513: {  	v7 =	vmul.f32 v2, v29;
	v45 =	vadd.f32 v45, v47;
	v55 =	vmax.f32 v41, $9.999999740e-06  }
0x514: {  	v38 =	vmul.f32 v39, v38;
	v60 =	vmul.f32 v3, v28;
	v46 =	vsub.s32 $0x7EF311C3, v55  }
0x515: {  	v45 =	vmul.f32 v39, v45;
	v37 =	vadd.f32 v37, v62;
	v5 =	vmul.f32 v46, v55  }
0x516: {  	v38 =	vmul.f32 $7.102272940e-04, v38;
	v39 =	vmul.f32 v52, v29;
	vm8 =	vgt.f32 v41, $9.999999740e-06  }
0x517: {  	v4 =	vmovc v0;
	v0 =	vadd.f32 v48, v37;
	v37 =	vmul.f32 $1.953125000e-03, v45;
	v63 =	vsub.f32 $2.000000000e+00, v5  }
0x518: {  	v5 =	vadd.f32 v60, v7;
	v7 =	vmul.f32 v56, v30;
	v60 =	vmul.f32 v54, v28  }
0x519: {  	v40 =	vmovc v33;
	[tilespmem:$0x1FA80] =	vst v0;
	v0 =	vmul.f32 v3, v49;
	vm7 =	vgt.f32 v37, $0.0e+00;
	v46 =	vmul.f32 v46, v63  }
0x51a: {  	v42 =	vmovc v24;
	v62 =	vadd.f32 v7, v5;
	v63 =	vmul.f32 v2, v33;
	v7 =	vmul.f32 v2, v22  }
0x51b: {  	v45 =	vadd.f32 v60, v39;
	v39 =	vmovc v22;
	v22 =	vmul.f32 v3, v24;
	v24 =	vmul.f32 v56, v53  }
0x51c: {  	v20 =	vmovc v47;
	v33 =	vmul.f32 v56, v50;
	v5 =	vmul.f32 v46, v55;
	v47 =	vadd.f32 v62, v31  }
0x51d: {  	vm0 =	vmand vm6, vm7;
	v1 =	vadd.f32 v0, v63;
	v55 =	vadd.f32 v22, v7  }
0x51e: {  	v0 =	vmul.f32 v2, v44;
	v63 =	vmul.f32 v52, v32;
	v48 =	vsub.f32 $2.000000000e+00, v5  }
0x51f: {  	v59 =	vmax.f32 v47, $9.999999740e-06;
	v1 =	vadd.f32 v24, v1;
	v24 =	vmul.f32 v3, v15  }
0x520: {  	v55 =	vadd.f32 v33, v55;
	v22 =	vmovc v44;
	v33 =	vmul.f32 v2, v32;
	v44 =	vmul.f32 v3, v35  }
0x521: {  	v7 =	vmovc v15;
	v5 =	vmul.f32 v56, v34;
	v15 =	vmul.f32 v2, v13;
	v60 =	vsub.s32 $0x7EF311C3, v59  }
0x522: {  	vm13 =	vgt.f32 v47, $9.999999740e-06;
	v46 =	vmul.f32 v48, v46;
	v48 =	vmul.f32 v60, v59  }
0x523: {  	v57 =	vadd.f32 v24, v0;
	v0 =	vmul.f32 v56, v8;
	v62 =	vadd.f32 v44, v33  }
0x524: {  	v24 =	vmul.f32 v3, v14;
	v1 =	vadd.f32 v1, v21;
	v55 =	vadd.f32 v55, v20  }
0x525: {  	v44 =	vmul.f32 v56, v17;
	v48 =	vsub.f32 $2.000000000e+00, v48;
	v57 =	vadd.f32 v0, v57  }
0x526: {  	v58 =	vadd.f32 v24, v15;
	v15 =	vmul.f32 v51, v30;
	v1 =	vmul.f32 v46, v1  }
0x527: {  	v62 =	vadd.f32 v5, v62;
	v46 =	vmul.f32 v46, v55;
	v48 =	vmul.f32 v60, v48  }
0x528: {  	v55 =	vmul.f32 v2, v12;
	v2 =	vmul.f32 v2, v10;
	v57 =	vadd.f32 v57, v9  }
0x529: {  	v58 =	vadd.f32 v44, v58;
	v62 =	vadd.f32 v62, v18;
	v59 =	vmul.f32 v48, v59  }
0x52a: {  	v5 =	vmovc v9;
	v45 =	vadd.f32 v15, v45;
	v9 =	vmul.f32 v3, v4;
	v3 =	vmul.f32 v3, v6  }
0x52b: {  	v0 =	vmovc v12;
	v1 =	vmul.f32 $7.102272940e-04, v1;
	v12 =	vmul.f32 v52, v12;
	v59 =	vsub.f32 $2.000000000e+00, v59  }
0x52c: {  	v24 =	vmovc v20;
	v44 =	vmovc v6;
	v6 =	vmul.f32 v54, v6;
	v60 =	vmax.f32 v57, $9.999999740e-06;
	v20 =	vadd.f32 v58, v19  }
0x52d: {  	v41 =	vadd.f32 v9, v55;
	v2 =	vadd.f32 v3, v2;
	v48 =	vmul.f32 v59, v48  }
0x52e: {  	vm11 =	vlt.f32 v1, $1.000000000e+00;
	vm12 =	vgt.f32 v1, $0.0e+00;
	v59 =	vsub.s32 $0x7EF311C3, v60  }
0x52f: {  	v33 =	vmovc v21;
	v1 =	vmax.f32 v1, $-2.099999900e+00;
	v21 =	vmul.f32 v59, v60;
	v62 =	vmul.f32 v48, v62  }
0x530: {  	vm6 =	vgt.f32 v57, $9.999999740e-06;
	v48 =	vmul.f32 v48, v20;
	v20 =	vmovc v4;
	v4 =	vmul.f32 v54, v35  }
0x531: {  	v15 =	vmovc v10;
	v10 =	vmovc v61;
	v58 =	vsub.f32 $2.000000000e+00, v21;
	v21 =	vmul.f32 v56, v61;
	v61 =	vmul.f32 v54, v7  }
0x532: {  	v1 =	vmin.f32 v1, $2.099999900e+00;
	v48 =	vmul.f32 $1.953125000e-03, v48;
	v62 =	vmul.f32 $7.102272940e-04, v62  }
0x533: {  	v4 =	vadd.f32 v4, v63;
	v63 =	vmul.f32 v51, v17;
	v59 =	vmul.f32 v59, v58  }
0x534: {  	v58 =	vadd.f32 v45, v31;
	v45 =	vmul.f32 $1.953125000e-03, v46;
	v46 =	vmul.f32 v56, v16  }
0x535: {  	v2 =	vadd.f32 v21, v2;
	v56 =	vmul.f32 v52, v22;
	vm14 =	vgt.f32 v48, $0.0e+00  }
0x536: {  	vm15 =	vlt.f32 v48, $1.000000000e+00;
	vm4 =	vlt.f32 v62, $1.000000000e+00;
	vm5 =	vgt.f32 v62, $0.0e+00  }
0x537: {  	v48 =	vmax.f32 v48, $-2.099999900e+00;
	v3 =	vmax.f32 v58, $9.999999740e-06;
	v9 =	vmul.f32 v59, v60  }
0x538: {  	v41 =	vadd.f32 v46, v41;
	vm9 =	vgt.f32 v45, $0.0e+00;
	vm10 =	vlt.f32 v45, $1.000000000e+00  }
0x539: {  	v2 =	vadd.f32 v2, v43;
	v45 =	vmax.f32 v45, $-2.099999900e+00;
	vm1 =	vmand vm8, vm9  }
0x53a: {  	v60 =	vsub.s32 $0x7EF311C3, v3;
	v21 =	vsub.f32 $2.000000000e+00, v9;
	vm1 =	vmand vm10, vm1  }
0x53b: {  	v55 =	vmul.f32 v60, v3;
	v41 =	vadd.f32 v41, v11;
	vm1 =	vmand vm11, vm1  }
0x53c: {  	vm11 =	vlt.f32 v37, $1.000000000e+00;
	v37 =	vmax.f32 v37, $-2.099999900e+00;
	v46 =	vmul.f32 v21, v59  }
0x53d: {  	vm1 =	vmand vm12, vm1;
	v55 =	vsub.f32 $2.000000000e+00, v55;
	v59 =	vmax.f32 v62, $-2.099999900e+00  }
0x53e: {  	v62 =	vmul.f32 v51, v34;
	vm0 =	vmand vm11, vm0;
	v41 =	vmul.f32 v46, v41  }
0x53f: {  	s29 =	sor.u32 s19, s24;
	v2 =	vmul.f32 v46, v2;
	v46 =	vsel vm1, $0x3F800000, v36;
	vm1 =	vmand vm13, vm14  }
0x540: {  	[tilespmem:s29+$0x5480] =	vst v1;
	v59 =	vmin.f32 v59, $2.099999900e+00;
	v21 =	vmovc v7;
	v7 =	vmin.f32 v45, $2.099999900e+00;
	vm1 =	vmand vm15, vm1  }
0x541: {  	v60 =	vmul.f32 v60, v55;
	[tilespmem:s29+$0xCC80] =	vst v7;
	vm1 =	vmand vm4, vm1;
	v2 =	vmul.f32 $1.953125000e-03, v2  }
0x542: {  	s30 =	sor.u32 s19, s25;
	v9 =	vmovc v11;
	[tilespmem:s29+$0x14480] =	vst v46;
	v11 =	vmul.f32 $7.102272940e-04, v41;
	v41 =	vmin.f32 v48, $2.099999900e+00;
	v48 =	vadd.f32 v61, v56  }
0x543: {  	v61 =	vmovc v8;
	vm1 =	vmand vm5, vm1;
	[tilespmem:s30+$0xCC80] =	vst v41;
	v41 =	vmul.f32 v51, v8;
	v8 =	vmul.f32 v52, v13  }
0x544: {  	v45 =	vsel vm1, $0x3F800000, v36;
	vm7 =	vgt.f32 v2, $0.0e+00;
	vm8 =	vlt.f32 v2, $1.000000000e+00  }
0x545: {  	vm9 =	vlt.f32 v11, $1.000000000e+00;
	v57 =	vmax.f32 v11, $-2.099999900e+00;
	vm1 =	vmand vm6, vm7  }
0x546: {  	[tilespmem:s30+$0x5480] =	vst v59;
	vm10 =	vgt.f32 v11, $0.0e+00;
	v2 =	vmax.f32 v2, $-2.099999900e+00;
	vm1 =	vmand vm8, vm1  }
0x547: {  	s31 =	sor.u32 s19, s26;
	[tilespmem:s30+$0x14480] =	vst v45;
	v59 =	vmin.f32 v57, $2.099999900e+00;
	v41 =	vadd.f32 v41, v48;
	vm1 =	vmand vm9, vm1  }
0x548: {  	v11 =	vmul.f32 v54, v14;
	v7 =	vmin.f32 v2, $2.099999900e+00;
	[tilespmem:s31+$0x5480] =	vst v59;
	vm1 =	vmand vm10, vm1  }
0x549: {  	vm12 =	vlt.f32 v38, $1.000000000e+00;
	[tilespmem:s31+$0xCC80] =	vst v7;
	v41 =	vadd.f32 v41, v5;
	v47 =	vsel vm1, $0x3F800000, v36  }
0x54a: {  	v37 =	vmin.f32 v37, $2.099999900e+00;
	v3 =	vmul.f32 v60, v3;
	v2 =	vadd.f32 v11, v8;
	[tilespmem:s31+$0x14480] =	vst v47  }
0x54b: {  	vm0 =	vmand vm12, vm0;
	v4 =	vadd.f32 v62, v4;
	v59 =	vmax.f32 v41, $9.999999740e-06;
	v55 =	vld [tilespmem:s20+$0x180]  }
0x54c: {  	v3 =	vsub.f32 $2.000000000e+00, v3;
	v2 =	vadd.f32 v63, v2;
	v48 =	vsub.s32 $0x7EF311C3, v59;
	v57 =	vld [tilespmem:s20+$0x380]  }
0x54d: {  	vm13 =	vgt.f32 v38, $0.0e+00;
	v62 =	vmul.f32 v51, v16;
	v56 =	vld [tilespmem:s28+$0x0];
	v11 =	vmul.f32 v48, v59  }
0x54e: {  	v4 =	vadd.f32 v4, v18;
	v1 =	vmul.f32 v3, v60;
	v2 =	vadd.f32 v2, v19  }
0x54f: {  	vm14 =	vgt.f32 v58, $9.999999740e-06;
	v38 =	vmax.f32 v38, $-2.099999900e+00;
	v11 =	vsub.f32 $2.000000000e+00, v11  }
0x550: {  	vm0 =	vmand vm13, vm0;
	v4 =	vmul.f32 v1, v4;
	v1 =	vmul.f32 v1, v2  }
0x551: {  	v38 =	vmin.f32 v38, $2.099999900e+00;
	v2 =	vmul.f32 v48, v11;
	v60 =	vmul.f32 v55, v25  }
0x552: {  	vm5 =	vgt.f32 v41, $9.999999740e-06;
	v25 =	vmul.f32 v57, v23;
	v23 =	vmul.f32 v56, v26  }
0x553: {  	v48 =	vsel vm0, $0x3F800000, v36;
	v26 =	vmul.f32 v52, v15;
	v52 =	vmul.f32 $1.953125000e-03, v1  }
0x554: {  	v60 =	vadd.f32 v25, v60;
	v25 =	vmul.f32 v54, v20;
	v54 =	vmul.f32 $7.102272940e-04, v4  }
0x555: {  	v63 =	vadd.f32 v6, v26;
	vm15 =	vgt.f32 v52, $0.0e+00;
	vm4 =	vlt.f32 v52, $1.000000000e+00  }
0x556: {  	v7 =	vmovc v44;
	vm0 =	vmand vm14, vm15;
	v60 =	vadd.f32 v23, v60;
	v44 =	vadd.f32 v25, v12  }
0x557: {  	v12 =	vmovc v16;
	v16 =	vmul.f32 v51, v10;
	v23 =	vmul.f32 v2, v59;
	vm1 =	vmand vm4, vm0  }
0x558: {  	vm6 =	vlt.f32 v54, $1.000000000e+00;
	vm7 =	vgt.f32 v54, $0.0e+00;
	v51 =	vadd.f32 v60, v27  }
0x559: {  	v1 =	vadd.f32 v62, v44;
	v25 =	vadd.f32 v16, v63;
	v44 =	vmul.f32 v55, v29  }
0x55a: {  	v26 =	vsub.f32 $2.000000000e+00, v23;
	v60 =	vmul.f32 v57, v28;
	v23 =	vmul.f32 v55, v40  }
0x55b: {  	vm1 =	vmand vm6, vm1;
	v28 =	vmul.f32 v57, v42;
	v29 =	vmul.f32 v56, v53  }
0x55c: {  	v8 =	vmovc v5;
	v5 =	vmax.f32 v51, $9.999999740e-06;
	v1 =	vadd.f32 v1, v9;
	v3 =	vadd.f32 v25, v43  }
0x55d: {  	v11 =	vmovc v10;
	v10 =	vmovc v9;
	v2 =	vmul.f32 v26, v2;
	v9 =	vmul.f32 v56, v30;
	v27 =	vsub.s32 $0x7EF311C3, v5  }
0x55e: {  	v16 =	vmovc v43;
	v63 =	vadd.f32 v60, v44;
	v25 =	vmul.f32 v57, v49;
	v43 =	vmul.f32 v27, v5  }
0x55f: {  	vm1 =	vmand vm7, vm1;
	v1 =	vmul.f32 v2, v1;
	v2 =	vmul.f32 v2, v3  }
0x560: {  	v30 =	vmul.f32 v56, v50;
	v4 =	vadd.f32 v9, v63;
	v26 =	vadd.f32 v25, v23  }
0x561: {  	v25 =	vmul.f32 v57, v35;
	v62 =	vsub.f32 $2.000000000e+00, v43;
	v2 =	vmul.f32 $1.953125000e-03, v2  }
0x562: {  	v6 =	vadd.f32 v29, v26;
	v1 =	vmul.f32 $7.102272940e-04, v1;
	v26 =	vmul.f32 v56, v34  }
0x563: {  	v4 =	vadd.f32 v4, v31;
	v29 =	vmul.f32 v57, v14;
	v34 =	vmul.f32 v56, v61  }
0x564: {  	vm11 =	vgt.f32 v51, $9.999999740e-06;
	v3 =	vmul.f32 v27, v62;
	v27 =	vmul.f32 v55, v39  }
0x565: {  	v31 =	vmax.f32 v4, $9.999999740e-06;
	v6 =	vadd.f32 v6, v33;
	vm8 =	vgt.f32 v2, $0.0e+00  }
0x566: {  	vm9 =	vlt.f32 v2, $1.000000000e+00;
	vm10 =	vlt.f32 v1, $1.000000000e+00;
	vm12 =	vgt.f32 v1, $0.0e+00  }
0x567: {  	v33 =	vmul.f32 v57, v21;
	vm6 =	vgt.f32 v4, $9.999999740e-06;
	v1 =	vmax.f32 v1, $-2.099999900e+00  }
0x568: {  	v2 =	vmax.f32 v2, $-2.099999900e+00;
	v49 =	vsub.s32 $0x7EF311C3, v31;
	vm0 =	vmand vm5, vm8  }
0x569: {  	v63 =	vld [tilespmem:$0x1FA30];
	v1 =	vmin.f32 v1, $2.099999900e+00;
	v2 =	vmin.f32 v2, $2.099999900e+00;
	v5 =	vmul.f32 v3, v5  }
0x56a: {  	v62 =	vld [tilespmem:$0x1FA20];
	v41 =	vadd.f32 v28, v27;
	vm0 =	vmand vm9, vm0;
	v28 =	vmul.f32 v55, v13  }
0x56b: {  	v50 =	vmul.f32 v49, v31;
	vm0 =	vmand vm10, vm0;
	v5 =	vsub.f32 $2.000000000e+00, v5  }
0x56c: {  	v35 =	vld [tilespmem:$0x1FA40];
	v41 =	vadd.f32 v30, v41;
	v59 =	vadd.f32 v29, v28;
	v30 =	vmul.f32 v56, v17  }
0x56d: {  	vm0 =	vmand vm12, vm0;
	v28 =	vmul.f32 v56, v12;
	v3 =	vmul.f32 v5, v3  }
0x56e: {  	v53 =	vadd.f32 v41, v24;
	v5 =	vsub.f32 $2.000000000e+00, v50;
	v24 =	vmul.f32 v55, v32  }
0x56f: {  	v23 =	vadd.f32 v63, v62;
	v62 =	vld [tilespmem:$0x1FA50];
	v41 =	vsel vm1, $0x3F800000, v36;
	v32 =	vmul.f32 v55, v22  }
0x570: {  	v6 =	vmul.f32 v3, v6;
	v5 =	vmul.f32 v49, v5;
	v58 =	vadd.f32 v25, v24  }
0x571: {  	v39 =	vadd.f32 v23, v35;
	v3 =	vmul.f32 v3, v53;
	v24 =	vmul.f32 v55, v0  }
0x572: {  	v25 =	vmul.f32 v57, v20;
	v27 =	vmul.f32 v5, v31;
	v58 =	vadd.f32 v26, v58  }
0x573: {  	v3 =	vmul.f32 $1.953125000e-03, v3;
	v31 =	vadd.f32 v30, v59;
	v59 =	vadd.f32 v33, v32  }
0x574: {  	v17 =	vld [tilespmem:$0x1FA60];
	v6 =	vmul.f32 $7.102272940e-04, v6;
	v43 =	vadd.f32 v62, v39;
	v26 =	vmul.f32 v55, v15  }
0x575: {  	v49 =	vadd.f32 v25, v24;
	v30 =	vmul.f32 v56, v11;
	v53 =	vadd.f32 v34, v59  }
0x576: {  	v32 =	vmax.f32 v54, $-2.099999900e+00;
	v33 =	vmax.f32 v52, $-2.099999900e+00;
	v51 =	vsub.f32 $2.000000000e+00, v27  }
0x577: {  	vm13 =	vgt.f32 v3, $0.0e+00;
	vm14 =	vlt.f32 v3, $1.000000000e+00;
	v61 =	vadd.f32 v53, v8  }
0x578: {  	v23 =	vld [tilespmem:$0x1FA90];
	v40 =	vadd.f32 v58, v18;
	vm15 =	vlt.f32 v6, $1.000000000e+00;
	v59 =	vsel vm0, $0x3F800000, v36  }
0x579: {  	vm5 =	vgt.f32 v6, $0.0e+00;
	v43 =	vadd.f32 v43, v17;
	v63 =	vmax.f32 v61, $9.999999740e-06  }
0x57a: {  	v27 =	vmul.f32 v57, v7;
	v34 =	vmin.f32 v33, $2.099999900e+00;
	v13 =	vsub.s32 $0x7EF311C3, v63  }
0x57b: {  	v3 =	vmax.f32 v3, $-2.099999900e+00;
	vm1 =	vmand vm11, vm13;
	v14 =	vmul.f32 v13, v63  }
0x57c: {  	v3 =	vmin.f32 v3, $2.099999900e+00;
	v5 =	vmul.f32 v51, v5;
	v51 =	vadd.f32 v31, v19  }
0x57d: {  	vm1 =	vmand vm14, vm1;
	v43 =	vadd.f32 v43, v23;
	v22 =	vsub.f32 $2.000000000e+00, v14  }
0x57e: {  	s23 =	sadd.s32 $0x5280, s18;
	v18 =	vld [tilespmem:$0x1FA70];
	v29 =	vadd.f32 v27, v26;
	v31 =	vadd.f32 v28, v49;
	v49 =	vmin.f32 v32, $2.099999900e+00  }
0x57f: {  	s24 =	sor.u32 s17, s23;
	v19 =	vld [tilespmem:$0x1FA80];
	vm4 =	vmand vm15, vm1;
	v51 =	vmul.f32 v5, v51;
	v42 =	vmul.f32 v13, v22  }
0x580: {  	[tilespmem:s24+$0x5480] =	vst v38;
	v5 =	vmul.f32 v5, v40;
	vm0 =	vmand vm5, vm4;
	v38 =	vadd.f32 v30, v29  }
0x581: {  	s25 =	sadd.s32 $0x5300, s18;
	[tilespmem:s24+$0xCC80] =	vst v37;
	v37 =	vadd.f32 v31, v10;
	v35 =	vadd.f32 v46, v43;
	v4 =	vmul.f32 v42, v63  }
0x582: {  	s26 =	sor.u32 s17, s25;
	[tilespmem:s24+$0x14480] =	vst v48;
	v43 =	vmax.f32 v6, $-2.099999900e+00;
	vm11 =	vgt.f32 v61, $9.999999740e-06;
	v46 =	vsel vm0, $0x3F800000, v36  }
0x583: {  	[tilespmem:s26+$0x14480] =	vst v41;
	v60 =	vmul.f32 $1.953125000e-03, v51;
	v38 =	vadd.f32 v38, v16;
	v4 =	vsub.f32 $2.000000000e+00, v4  }
0x584: {  	s20 =	sor.u32 s19, s23;
	v54 =	vld [tilespmem:$0x1FAA0];
	[tilespmem:s26+$0xCC80] =	vst v34;
	v5 =	vmul.f32 $7.102272940e-04, v5;
	v56 =	vadd.f32 v35, v45;
	v21 =	vadd.f32 v19, v18  }
0x585: {  	s18 =	sadd.s32 $0x5380, s18;
	[tilespmem:s20+$0xCC80] =	vst v3;
	vm7 =	vgt.f32 v60, $0.0e+00;
	vm8 =	vlt.f32 v60, $1.000000000e+00;
	v4 =	vmul.f32 v4, v42  }
0x586: {  	s17 =	sor.u32 s17, s18;
	[tilespmem:s26+$0x5480] =	vst v49;
	vm9 =	vlt.f32 v5, $1.000000000e+00;
	vm10 =	vgt.f32 v5, $0.0e+00;
	v49 =	vmax.f32 v5, $-2.099999900e+00  }
0x587: {  	[tilespmem:s17+$0x5480] =	vst v1;
	v51 =	vmax.f32 v60, $-2.099999900e+00;
	vm1 =	vmand vm6, vm7;
	v40 =	vmul.f32 v4, v38  }
0x588: {  	[tilespmem:s17+$0xCC80] =	vst v2;
	v53 =	vmin.f32 v51, $2.099999900e+00;
	vm1 =	vmand vm8, vm1;
	v37 =	vmul.f32 v4, v37  }
0x589: {  	[tilespmem:s17+$0x14480] =	vst v59;
	v55 =	vadd.f32 v21, v54;
	vm1 =	vmand vm9, vm1;
	v1 =	vmul.f32 $1.953125000e-03, v40  }
0x58a: {  	[tilespmem:s20+$0x14480] =	vst v46;
	vm1 =	vmand vm10, vm1;
	v4 =	vmin.f32 v43, $2.099999900e+00;
	v52 =	vmul.f32 $7.102272940e-04, v37  }
0x58b: {  	s28 =	sor.u32 s19, s25;
	v50 =	vsel vm1, $0x3F800000, v36;
	[tilespmem:s20+$0x5480] =	vst v4;
	v4 =	vmin.f32 v49, $2.099999900e+00;
	vm12 =	vgt.f32 v1, $0.0e+00  }
0x58c: {  	[tilespmem:s28+$0x5480] =	vst v4;
	vm13 =	vlt.f32 v1, $1.000000000e+00;
	vm14 =	vlt.f32 v52, $1.000000000e+00;
	vm0 =	vmand vm11, vm12  }
0x58d: {  	[tilespmem:s28+$0xCC80] =	vst v53;
	v37 =	vmax.f32 v52, $-2.099999900e+00;
	vm15 =	vgt.f32 v52, $0.0e+00;
	vm0 =	vmand vm13, vm0  }
0x58e: {  	s29 =	sor.u32 s19, s18;
	[tilespmem:s28+$0x14480] =	vst v50;
	v1 =	vmax.f32 v1, $-2.099999900e+00;
	v57 =	vmin.f32 v37, $2.099999900e+00;
	vm0 =	vmand vm14, vm0  }
0x58f: {  	v4 =	vadd.f32 v56, v47;
	v1 =	vmin.f32 v1, $2.099999900e+00;
	[tilespmem:s29+$0x5480] =	vst v57;
	vm0 =	vmand vm15, vm0  }
0x590: {  	s30 =	sand.u32 $0x780, s14;
	v5 =	vadd.f32 v48, v55;
	[tilespmem:s29+$0xCC80] =	vst v1;
	v58 =	vsel vm0, $0x3F800000, v36  }
0x591: {  	s31 =	sor.u32 s19, s30;
	v60 =	vld [tilespmem:s15+$0x0];
	v2 =	vadd.f32 v46, v4;
	[tilespmem:s29+$0x14480] =	vst v58  }
0x592: {  	v61 =	vadd.f32 v5, v41;
	v62 =	vld [tilespmem:s31+$0x1BC80]  }
0x593: {  	v2 =	vadd.f32 v2, v50  }
0x594: {  	p0 =	slt.u32 s14, $0x4E0;
	v63 =	vadd.f32 v61, v59  }
.Ltmp2:
0x595: {  	v2 =	vadd.f32 v2, v58;
	(pc) =	sbr.rel @p0 .LBB2_6-.Ltmp2, $4  }
0x596: {  	v1 =	vadd.f32 v63, v60  }
0x597: {  	v2 =	vadd.f32 v2, v62  }
0x598: {  	[tilespmem:s15+$0x0] =	vst v1  }
0x599: {  	s16 =	sadd.s32 $0x100, s16;
	s15 =	sadd.s32 $0x20, s15;
	[tilespmem:s31+$0x1BC80] =	vst v2  }
0x59a: {  	s14 =	rddreg [dreg:$0x11];
	s15 =	simm.s32 $0x5480  }
0x59b: {  	[hbm4b:s14+s9] =	stream.strided.scatter [tilespmem:s15], [sflag:$0x2], $0x7800, s11, s9, $0x38;
	[tilespmem:$0x1C180] =	vst v63  }
0x59c: {  	_ =	swait.ge [sflag:s12], $0x7800  }
0x59d: {  	[sflag:s12] =	ssyncset.done $0x0  }
0x59e: {  	s25 =	simm.s32 $0xCC80;
	s24 =	rddreg [dreg:$0x12];
	[sflag:s12] =	ssyncadd.s32 $0xFFFF8800  }
0x59f: {  	[hbm4b:s24+s9] =	stream.strided.scatter [tilespmem:s25], [sflag:$0x2], $0x7800, s11, s9, $0x38;
	[tilespmem:$0x1C180] =	vst v63  }
0x5a0: {  	_ =	swait.ge [sflag:s12], $0x7800  }
0x5a1: {  	[sflag:s12] =	ssyncset.done $0x0  }
0x5a2: {  	s28 =	simm.s32 $0x14480;
	s26 =	rddreg [dreg:$0x13];
	[sflag:s12] =	ssyncadd.s32 $0xFFFF8800  }
0x5a3: {  	[hbm4b:s26+s9] =	stream.strided.scatter [tilespmem:s28], [sflag:$0x2], $0x7800, s11, s9, $0x38;
	[tilespmem:$0x1C180] =	vst v63  }
0x5a4: {  	_ =	swait.ge [sflag:s12], $0x7800  }
0x5a5: {  	[sflag:s12] =	ssyncset.done $0x0  }
0x5a6: {  	s30 =	simm.s32 $0x1BC80;
	s29 =	rddreg [dreg:$0x14];
	[sflag:s12] =	ssyncadd.s32 $0xFFFF8800  }
0x5a7: {  	[hbm4b:s29+s3] =	stream.linear.scatter [tilespmem:s30], [sflag:$0x2], $0x500, $0x38;
	[tilespmem:$0x1C180] =	vst v63  }
0x5a8: {  	_ =	swait.ge [sflag:s12], $0x500  }
0x5a9: {  	s13 =	sadd.s32 $0x1, s13;
	s31 =	rddreg [dreg:$0x15]  }
0x5aa: {  	p0 =	sne.s32 s13, s31  }
.Ltmp3:
0x5ab: {  	_ = 	snop;
	(pc) =	sbr.rel @p0 .LBB2_1-.Ltmp3, $3  }
0x5ac: {  	_ =	sdelay $0x1  }
0x5ad: {  	[sflag:s12] =	ssyncset.done $0x0  }
0x5ae: {  	[sflag:s12] =	ssyncadd.s32 $0xFFFFFB00  }
0x5af: {  	_ =	sfence.sel $0x180000  }
0x5b0: {  	[bflag:$0x0] =	sbarrier.arrive $0xFFFF  }
0x5b1: {  	_ =	strace $0x90000047  }
0x5b2: {  	s0 =	stileid.u32;
	[bflag:$0x2] =	sbarrier.arrive $0xFFFF  }
0x5b3: {  	p0 =	sne.s32 s0, $0x0;
	s0 =	rddreg [dreg:$0x4]  }
0x5b4: {  	s0 =	sadd.s32 @!p0 $0x100000, s0  }
0x5b5: {  	[sflag:s0] =	ssyncadd.tile.s32 @!p0 $0x1;
	_ =	shalt  }
.Lfunc_end2:
_tile_overlayer_lowered:
.L_overlay_start_2:
0x5b6: {  	(tag) =	ssettag $0x2  }
0x5b7: {  	s0 =	rddreg [dreg:$0x0];
	s2 =	stileid.u32  }
0x5b8: {  	s1 =	rddreg [dreg:$0x1];
	p0 =	sne.s32 s2, $0x0  }
0x5b9: {  	s3 =	rddreg [dreg:$0x2];
	[bflag:$0x3] =	sbarrier.arrive $0xFFFF;
	s2 =	simm.s32 @!p0 $0x1C02  }
0x5ba: {  	[timem:s3], [sflag:s2] =	dma.local @!p0 [hbm:s0], s1  }
0x5bb: {  	s0 =	simm.s32 @!p0 $0x2  }
0x5bc: {  	_ =	swait.ge @!p0 [sflag:s0], s1  }
0x5bd: {  	s1 =	ssub.s32 @!p0 $0x0, s1;
	[sflag:s0] =	ssyncset.done @!p0 $0x0  }
0x5be: {  	[sflag:s0] =	ssyncadd.s32 @!p0 s1  }
0x5bf: {  	[bflag:$0x3] =	sbarrier.arrive $0xFFFF  }
0x5c0: {  	_ =	shalt  }

</sc_bundles>
